<compile_context>
chip_gen: v7x
topology: tpu7x:2x2x1
jax: 0.10.2.dev20260603
libtpu: 0.0.44.dev20260713+nightly
codegen_flags: <defaults>
</compile_context>

<pallas_src>
import functools

import jax
import jax.numpy as jnp
from jax import lax
from jax.experimental import pallas as pl
from jax.experimental.pallas import tpu as pltpu
from jax.experimental.pallas import tpu_sc as plsc

K = 64
B = 32
N = 2048
E = 128

_NC = 2
_NS = 16
_NW = _NC * _NS


def _sc_topk_gather(emis_flat, table, T):
    R = emis_flat.shape[0] // N
    per_w = R // _NW
    NV = N // 16
    mesh = plsc.VectorSubcoreMesh(core_axis_name="c", subcore_axis_name="s")

    @functools.partial(
        pl.kernel, mesh=mesh,
        compiler_params=pltpu.CompilerParams(needs_layout_passes=False),
        out_type=[
            jax.ShapeDtypeStruct((R * K,), jnp.float32),
            jax.ShapeDtypeStruct((R * K, E), jnp.float32),
        ],
        scratch_types=[
            pltpu.VMEM((2, N), jnp.float32),
            pltpu.VMEM((N,), jnp.int32),
            pltpu.VMEM((256,), jnp.int32),
            pltpu.VMEM((2, N + 128), jnp.float32),
            pltpu.VMEM((2, N + 128), jnp.int32),
            pltpu.VMEM((2, K, E), jnp.float32),
            pltpu.SemaphoreType.DMA,
            pltpu.SemaphoreType.DMA,
            pltpu.SemaphoreType.DMA,
        ],
    )
    def k(emis_hbm, table_hbm, vals_hbm, states_hbm,
          rowf, keys, hist, selv, seli, rows_v, sem_in, sem_g, sem_out):
        wid = lax.axis_index("s") * _NC + lax.axis_index("c")
        iota = lax.iota(jnp.int32, 16)

        def spl(x, dt=jnp.int32):
            return lax.broadcast_in_dim(jnp.asarray(x, dt), (16,), ())

        zero16 = jnp.zeros((16,), jnp.int32)
        one16 = jnp.ones((16,), jnp.int32)
        row0 = wid * per_w
        last_row = row0 + per_w - 1

        pltpu.async_copy(emis_hbm.at[pl.ds(row0 * N, N)], rowf.at[0], sem_in)

        def do_row(r, ph):
            row = row0 + r
            b_idx = row // T
            t_idx = row - b_idx * T
            orow = t_idx * B + b_idx

            @pl.when(r >= 2)
            def _drain_out():
                pltpu.make_async_copy(
                    rows_v.at[ph], states_hbm.at[pl.ds(0, K)], sem_out).wait()
                pltpu.make_async_copy(
                    selv.at[ph, pl.ds(0, K)], vals_hbm.at[pl.ds(0, K)],
                    sem_out).wait()

            pltpu.make_async_copy(
                emis_hbm.at[pl.ds(0, N)], rowf.at[ph], sem_in).wait()

            @pl.when(row < last_row)
            def _prefetch():
                pltpu.async_copy(
                    emis_hbm.at[pl.ds((row + 1) * N, N)], rowf.at[1 - ph],
                    sem_in)

            def mk(v, c):
                x = rowf[ph, pl.ds(v * 16, 16)]
                xi = lax.bitcast_convert_type(x, jnp.int32)
                keys[pl.ds(v * 16, 16)] = xi ^ ((xi >> 31) & jnp.int32(0x7FFFFFFF))
                return c

            lax.fori_loop(0, NV, mk, 0, unroll=8)

            def byte_of(key, p):
                bb = (key >> (24 - 8 * p)) & 0xFF
                if p == 0:
                    bb = bb ^ 0x80
                return bb

            sel = []
            kth = jnp.int32(K)
            for p in range(4):
                def zh(v, c):
                    hist[pl.ds(v * 16, 16)] = zero16
                    return c

                lax.fori_loop(0, 16, zh, 0, unroll=4)

                def hst(v, c, p=p):
                    key = keys[pl.ds(v * 16, 16)]
                    if p == 0:
                        plsc.addupdate_scatter(hist, [byte_of(key, 0)], one16)
                    else:
                        m = byte_of(key, 0) == sel[0]
                        for q in range(1, p):
                            m = jnp.logical_and(m, byte_of(key, q) == sel[q])
                        plsc.addupdate_scatter(hist, [byte_of(key, p)], one16,
                                               mask=m)
                    return c

                lax.fori_loop(0, NV, hst, 0, unroll=8)

                ksp = spl(kth)

                def cross(vv, carry):
                    cnt, bstar, cabove, found = carry
                    v = 15 - vv
                    rv = jnp.flip(hist[pl.ds(v * 16, 16)])
                    c = plsc.cumsum(rv) + spl(cnt)
                    m = c >= ksp
                    lane = jnp.min(jnp.where(m, iota, spl(99)))
                    has = lane < 99
                    c_at = jnp.min(jnp.where(m, c, spl(1 << 30)))
                    rv_at = jnp.sum(jnp.where(spl(lane) == iota, rv, spl(0)))
                    take = jnp.logical_and(has, jnp.logical_not(found))
                    bin_cand = v * 16 + 15 - lane
                    bstar = jnp.where(take, bin_cand, bstar)
                    cabove = jnp.where(take, c_at - rv_at, cabove)
                    found = jnp.logical_or(found, has)
                    cnt = cnt + jnp.sum(rv)
                    return cnt, bstar, cabove, found

                _cnt_f, bstar, cabove, _fnd = lax.fori_loop(
                    0, 16, cross,
                    (jnp.int32(0), jnp.int32(0), jnp.int32(0),
                     jnp.zeros((), jnp.bool_)))
                sel.append(spl(bstar))
                kth = kth - cabove

            th = (((sel[0] ^ 0x80) << 24) | (sel[1] << 16)
                  | (sel[2] << 8) | sel[3])
            th_f = lax.bitcast_convert_type(th ^ ((th >> 31) & jnp.int32(0x7FFFFFFF)),
                                            jnp.float32)

            def gtp(v, off):
                key = keys[pl.ds(v * 16, 16)]
                m = key > th
                plsc.store_compressed(seli.at[ph, pl.ds(off, 16)],
                                      iota + spl(v * 16), mask=m)
                plsc.store_compressed(selv.at[ph, pl.ds(off, 16)],
                                      rowf[ph, pl.ds(v * 16, 16)], mask=m)
                return off + jnp.sum(m.astype(jnp.int32))

            r_cnt = lax.fori_loop(0, NV, gtp, jnp.int32(0), unroll=8)

            def eqp(v, off):
                key = keys[pl.ds(v * 16, 16)]
                m = key == th
                plsc.store_compressed(seli.at[ph, pl.ds(off, 16)],
                                      iota + spl(v * 16), mask=m)
                plsc.store_compressed(selv.at[ph, pl.ds(off, 16)], th_f, mask=m)
                return off + jnp.sum(m.astype(jnp.int32))

            lax.fori_loop(0, NV, eqp, r_cnt, unroll=8)

            pltpu.async_copy(table_hbm.at[seli.at[ph, pl.ds(0, K)]],
                             rows_v.at[ph], sem_g).wait()
            pltpu.async_copy(rows_v.at[ph],
                             states_hbm.at[pl.ds(orow * K, K)], sem_out)
            pltpu.async_copy(selv.at[ph, pl.ds(0, K)],
                             vals_hbm.at[pl.ds(orow * K, K)], sem_out)
            return 1 - ph

        lax.fori_loop(0, per_w, do_row, 0)
        for ph in range(2):
            pltpu.make_async_copy(
                rows_v.at[ph], states_hbm.at[pl.ds(0, K)], sem_out).wait()
            pltpu.make_async_copy(
                selv.at[ph, pl.ds(0, K)], vals_hbm.at[pl.ds(0, K)],
                sem_out).wait()

    return k(emis_flat, table)


def _scan_body(u_ref, v_ref, vals_ref, seq_ref, pblk_ref,
               out_ref, alpha_ref, last_ref, mm_ref):
    t = pl.program_id(0)
    T = pl.num_programs(0)

    @pl.when(t == 0)
    def _init():
        a0 = vals_ref[0]
        alpha_ref[:, :] = a0
        last_ref[:, :] = a0

    @pl.when(t > 0)
    def _step():
        for b in range(B):
            mm_ref[pl.ds(b * K, K), :] = jax.lax.dot_general(
                u_ref[0, b], v_ref[0, b], (((1,), (1,)), ((), ())),
                preferred_element_type=jnp.float32)
        pblk = pblk_ref[:, :]
        alpha = alpha_ref[:, :]
        amax = jnp.max(alpha, axis=1, keepdims=True)
        arel = alpha - amax
        arel_t = arel.T
        tiled = jnp.broadcast_to(
            arel_t.reshape(1, K, B), (B, K, B)).reshape(B * K, B)
        acol = jnp.sum(tiled * pblk, axis=1, keepdims=True)
        mm = mm_ref[:, :] + acol
        m3 = jnp.max(mm.reshape(B, K, K), axis=1)
        mcol = jax.lax.dot_general(
            pblk, m3, (((1,), (0,)), ((), ())),
            precision=jax.lax.Precision.HIGHEST,
            preferred_element_type=jnp.float32)
        p = jnp.exp(mm - mcol)
        s = jax.lax.dot_general(
            pblk, p, (((0,), (0,)), ((), ())),
            precision=jax.lax.Precision.HIGHEST,
            preferred_element_type=jnp.float32)
        alpha_new = vals_ref[0] + amax + m3 + jnp.log(s)
        alpha_ref[:, :] = alpha_new
        mask = seq_ref[:, :] - 1 == t
        last_ref[:, :] = jnp.where(mask, alpha_new, last_ref[:, :])

    @pl.when(t == T - 1)
    def _fin():
        la = last_ref[:, :]
        m = jnp.max(la, axis=1, keepdims=True)
        lse = m + jnp.log(jnp.sum(jnp.exp(la - m), axis=1, keepdims=True))
        for b in range(B):
            out_ref[b, 0] = lse[b, 0]


def _run_scan(states_tb, vals_tb, seq_lens, interpret=False):
    T, Bs, Ks, Es = states_tb.shape
    pblk = (jax.lax.broadcasted_iota(jnp.int32, (Bs * Ks, Bs), 0) // Ks
            == jax.lax.broadcasted_iota(jnp.int32, (Bs * Ks, Bs), 1)
            ).astype(jnp.float32)

    def im_u(t):
        return (jnp.maximum(t - 1, 0), 0, 0, 0)

    return pl.pallas_call(
        _scan_body,
        grid=(T,),
        in_specs=[
            pl.BlockSpec((1, Bs, Ks, Es), im_u),
            pl.BlockSpec((1, Bs, Ks, Es), lambda t: (t, 0, 0, 0)),
            pl.BlockSpec((1, Bs, Ks), lambda t: (t, 0, 0)),
            pl.BlockSpec((Bs, 1), lambda t: (0, 0)),
            pl.BlockSpec((Bs * Ks, Bs), lambda t: (0, 0)),
        ],
        out_specs=pl.BlockSpec(memory_space=pltpu.SMEM),
        out_shape=jax.ShapeDtypeStruct((Bs, 1), jnp.float32),
        scratch_shapes=[
            pltpu.VMEM((Bs, Ks), jnp.float32),
            pltpu.VMEM((Bs, Ks), jnp.float32),
            pltpu.VMEM((Bs * Ks, Ks), jnp.float32),
        ],
        interpret=interpret,
    )(states_tb, states_tb, vals_tb, seq_lens.reshape(Bs, 1), pblk)


@jax.jit
def kernel(state_matrix, emission_potentials, seq_lens, sum_size):
    Bs, T, Nn = emission_potentials.shape
    vals_flat, states_flat = _sc_topk_gather(
        emission_potentials.reshape(-1), state_matrix, T)
    vals_tb = vals_flat.reshape(T, Bs, K)
    states_tb = states_flat.reshape(T, Bs, K, E)
    out = _run_scan(states_tb, vals_tb, seq_lens)
    return out.reshape(Bs)

# --- scband reference (transcript-rebuilt; emitter-appended) ---
"""Pipeline reference for scband-linear-chain-crf-20091857011537 (READ-ONLY COPY).

The authoritative reference and input builder live on the scoring server;
editing this copy changes nothing except your own understanding.
"""

import jax, jax.numpy as jnp
import numpy as np


def setup_inputs(seed: int = 0) -> dict:
    key = jax.random.key(seed)
    k1, k2, k3 = jax.random.split(key, 3)
    batch, max_len, num_state, emb = 32, 128, 2048, 128
    state_matrix = jax.random.normal(k1, (num_state, emb), dtype=jnp.float32)
    emission_potentials = jax.random.normal(k2, (batch, max_len, num_state), dtype=jnp.float32)
    # seq_lens must be in [1, max_len] for last-alpha gather
    seq_lens = jax.random.randint(k3, (batch,), 0, max_len, dtype=jnp.int32) + 1
    return {
        'state_matrix': state_matrix,
        'emission_potentials': emission_potentials,
        'seq_lens': seq_lens,
        'sum_size': 64,
    }


def reference(state_matrix, emission_potentials, seq_lens, sum_size):
    # LinearChainCRF.forward_topk: top-k truncated forward algorithm
    B, T, N = emission_potentials.shape
    k_static = 64
    proposal_p = jax.nn.softmax(emission_potentials, axis=-1)
    _, sum_index = jax.lax.top_k(proposal_p, k_static)  # [B, T, k]
    # tmu.batch_index_select on flattened [B*T, N]
    sum_emission = jnp.take_along_axis(emission_potentials, sum_index, axis=-1)  # [B, T, k]
    combined_emission = sum_emission
    # gather state embeddings for selected states
    sampled_states = jnp.take(state_matrix, sum_index.reshape(-1), axis=0).reshape(B, T, k_static, -1)
    # pairwise transition scores between consecutive timesteps' selected states
    sampled_transition = jnp.matmul(sampled_states[:, :-1], jnp.swapaxes(sampled_states[:, 1:], 2, 3))  # [B, T-1, k, k]
    log_potentials = jnp.zeros((B, T, k_static, k_static), dtype=emission_potentials.dtype)
    log_potentials = log_potentials.at[:, 1:].set(sampled_transition + combined_emission[:, 1:, None, :])
    # forward_sum
    alpha0 = combined_emission[:, 0, :]  # [B, k]
    lp_scan = jnp.swapaxes(log_potentials[:, 1:], 0, 1)  # [T-1, B, k, k]
    def step(alpha_prev, lp_t):
        a = jax.scipy.special.logsumexp(alpha_prev[:, :, None] + lp_t, axis=1)
        return a, a
    _, alphas = jax.lax.scan(step, alpha0, lp_scan)
    alpha = jnp.concatenate([alpha0[None, :, :], alphas], axis=0)  # [T, B, k]
    alpha = jnp.swapaxes(alpha, 0, 1)  # [B, T, k]
    # tmu.batch_gather_last: alpha at position seq_lens - 1
    last_alpha = alpha[jnp.arange(B), jnp.clip(seq_lens - 1, 0, T - 1)]  # [B, k]
    log_Z_est = jax.scipy.special.logsumexp(last_alpha, axis=-1)  # [B]
    log_Z_est = log_Z_est + (jnp.asarray(sum_size) * 0).astype(log_Z_est.dtype)
    return log_Z_est

if __name__ == "__main__":
    import jax
    _d = setup_inputs()
    print(jax.jit(kernel)(*tuple(_d.values())))

</pallas_src>

<mosaic_0001>
#map = affine_map<(d0, d1) -> (0)>
#map1 = affine_map<(d0, d1) -> (0, 0)>
module attributes {stable_mosaic.version = 14 : i64} {
  func.func @k(%arg0: i32, %arg1: i32, %arg2: memref<8388608xf32, #tpu.memory_space<hbm>>, %arg3: memref<2048x128xf32, #tpu.memory_space<hbm>>, %arg4: memref<262144xf32, #tpu.memory_space<hbm>>, %arg5: memref<262144x128xf32, #tpu.memory_space<hbm>>, %arg6: memref<2x2048xf32, #tpu.memory_space<vmem>>, %arg7: memref<2048xi32, #tpu.memory_space<vmem>>, %arg8: memref<256xi32, #tpu.memory_space<vmem>>, %arg9: memref<2x2176xf32, #tpu.memory_space<vmem>>, %arg10: memref<2x2176xi32, #tpu.memory_space<vmem>>, %arg11: memref<2x64x128xf32, #tpu.memory_space<vmem>>, %arg12: memref<!tpu.dma_semaphore, #tpu.memory_space<semaphore_mem>>, %arg13: memref<!tpu.dma_semaphore, #tpu.memory_space<semaphore_mem>>, %arg14: memref<!tpu.dma_semaphore, #tpu.memory_space<semaphore_mem>>) attributes {dimension_semantics = [#tpu.dimension_semantics<core_parallel>, #tpu.dimension_semantics<subcore_parallel>], iteration_bounds = array<i64: 2, 16>, scalar_prefetch = 0 : i64, scratch_operands = 9 : i64, tpu.core_type = #tpu.core_type<sc_vector_subcore>, window_params = [{transform_indices = #map}, {transform_indices = #map1}, {transform_indices = #map}, {transform_indices = #map1}]} {
    %mul3A = arith.constant 2 : i32
    %mul3A_0 = arith.muli %arg1, %mul3A : i32
    %add3A = arith.addi %mul3A_0, %arg0 : i32
    %iota3A = tpu.iota {dimensions = array<i32: 0>} : vector<16xi32>
    %broadcast_in_dim3A = arith.constant 0 : i32
    %broadcast_in_dim3A_1 = vector.broadcast %broadcast_in_dim3A : i32 to vector<16xi32>
    %broadcast_in_dim3A_2 = arith.constant 1 : i32
    %broadcast_in_dim3A_3 = vector.broadcast %broadcast_in_dim3A_2 : i32 to vector<16xi32>
    %mul3A_4 = arith.constant 128 : i32
    %mul3A_5 = arith.muli %add3A, %mul3A_4 : i32
    %add3A_6 = arith.constant 128 : i32
    %add3A_7 = arith.addi %mul3A_5, %add3A_6 : i32
    %sub3A = arith.constant 1 : i32
    %sub3A_8 = arith.subi %add3A_7, %sub3A : i32
    %mul3A_9 = arith.constant 2048 : i32
    %mul3A_10 = arith.muli %mul3A_5, %mul3A_9 : i32
    %dma_start3A = arith.constant 0 : i32
    %dma_start3A_11 = arith.constant 0 : i32
    %dma_start3A_12 = tpu.memref_slice %arg6[%dma_start3A, %dma_start3A_11] : memref<2x2048xf32, #tpu.memory_space<vmem>> -> memref<1x2048xf32, #tpu.memory_space<vmem>>
    %dma_start3A_13 = tpu.memref_squeeze %dma_start3A_12 : memref<1x2048xf32, #tpu.memory_space<vmem>> -> memref<2048xf32, #tpu.memory_space<vmem>>
    %dma_start3A_14 = tpu.memref_slice %arg2[%mul3A_10] : memref<8388608xf32, #tpu.memory_space<hbm>> -> memref<2048xf32, #tpu.memory_space<hbm>>
    %dma_start3A_15 = arith.constant 0 : i32
    %dma_start3A_16 = tpu.memref_slice %arg6[%dma_start3A, %dma_start3A_15] : memref<2x2048xf32, #tpu.memory_space<vmem>> -> memref<1x2048xf32, #tpu.memory_space<vmem>>
    %dma_start3A_17 = tpu.memref_squeeze %dma_start3A_16 : memref<1x2048xf32, #tpu.memory_space<vmem>> -> memref<2048xf32, #tpu.memory_space<vmem>>
    %dma_start3A_18 = tpu.memref_slice %arg2[%mul3A_10] : memref<8388608xf32, #tpu.memory_space<hbm>> -> memref<2048xf32, #tpu.memory_space<hbm>>
    tpu.enqueue_dma source(%dma_start3A_18 : memref<2048xf32, #tpu.memory_space<hbm>>) target(%dma_start3A_17 : memref<2048xf32, #tpu.memory_space<vmem>>) target_semaphore(%arg12 : memref<!tpu.dma_semaphore, #tpu.memory_space<semaphore_mem>>)
    %scan3A = arith.constant 0 : i32
    %scan3A_19 = arith.constant 0 : i32
    %scan3A_20 = arith.constant 128 : i32
    %scan3A_21 = arith.addi %scan3A_19, %scan3A_20 : i32
    %scan3A_22 = arith.constant 1 : i32
    %scan3A_23 = scf.for %scan3A_76 = %scan3A_19 to %scan3A_21 step %scan3A_22 iter_args(%scan3A_77 = %scan3A) -> (i32)  : i32 {
      %add3A_78 = arith.addi %mul3A_5, %scan3A_76 : i32
      %jit3A = arith.constant 128 : i32
      %div3A = arith.divsi %add3A_78, %jit3A : i32
      %sign3A = arith.constant 0 : i32
      %sign3A_79 = arith.cmpi sgt, %add3A_78, %sign3A : i32
      %sign3A_80 = arith.extui %sign3A_79 : i1 to i32
      %sign3A_81 = arith.constant 0 : i32
      %sign3A_82 = arith.cmpi slt, %add3A_78, %sign3A_81 : i32
      %sign3A_83 = arith.extui %sign3A_82 : i1 to i32
      %sign3A_84 = arith.subi %sign3A_80, %sign3A_83 : i32
      %sign3A_85 = arith.constant 0 : i32
      %sign3A_86 = arith.cmpi sgt, %jit3A, %sign3A_85 : i32
      %sign3A_87 = arith.extui %sign3A_86 : i1 to i32
      %sign3A_88 = arith.constant 0 : i32
      %sign3A_89 = arith.cmpi slt, %jit3A, %sign3A_88 : i32
      %sign3A_90 = arith.extui %sign3A_89 : i1 to i32
      %sign3A_91 = arith.subi %sign3A_87, %sign3A_90 : i32
      %ne3A = arith.cmpi ne, %sign3A_84, %sign3A_91 : i32
      %rem3A = arith.remsi %add3A_78, %jit3A : i32
      %ne3A_92 = arith.constant 0 : i32
      %ne3A_93 = arith.cmpi ne, %rem3A, %ne3A_92 : i32
      %and3A = arith.andi %ne3A, %ne3A_93 : i1
      %sub3A_94 = arith.constant 1 : i32
      %sub3A_95 = arith.subi %div3A, %sub3A_94 : i32
      %select_n3A = arith.select %and3A, %sub3A_95, %div3A : i32
      %mul3A_96 = arith.constant 128 : i32
      %mul3A_97 = arith.muli %select_n3A, %mul3A_96 : i32
      %sub3A_98 = arith.subi %add3A_78, %mul3A_97 : i32
      %mul3A_99 = arith.constant 32 : i32
      %mul3A_100 = arith.muli %sub3A_98, %mul3A_99 : i32
      %add3A_101 = arith.addi %mul3A_100, %select_n3A : i32
      %ge3A = arith.constant 2 : i32
      %ge3A_102 = arith.cmpi sge, %scan3A_76, %ge3A : i32
      %convert_element_type3A = arith.extui %ge3A_102 : i1 to i32
      %cond3A = arith.constant 0 : i32
      %cond3A_103 = arith.cmpi ne, %convert_element_type3A, %cond3A : i32
      scf.if %cond3A_103 {
        %dma_wait3A_302 = arith.constant 0 : i32
        %dma_wait3A_303 = arith.constant 0 : i32
        %dma_wait3A_304 = tpu.memref_slice %arg11[%scan3A_77, %dma_wait3A_302, %dma_wait3A_303] : memref<2x64x128xf32, #tpu.memory_space<vmem>> -> memref<1x64x128xf32, #tpu.memory_space<vmem>>
        %dma_wait3A_305 = tpu.memref_squeeze %dma_wait3A_304 : memref<1x64x128xf32, #tpu.memory_space<vmem>> -> memref<64x128xf32, #tpu.memory_space<vmem>>
        %dma_wait3A_306 = arith.constant 0 : i32
        %dma_wait3A_307 = arith.constant 0 : i32
        %dma_wait3A_308 = tpu.memref_slice %arg5[%dma_wait3A_306, %dma_wait3A_307] : memref<262144x128xf32, #tpu.memory_space<hbm>> -> memref<64x128xf32, #tpu.memory_space<hbm>>
        %dma_wait3A_309 = arith.constant 0 : i32
        %dma_wait3A_310 = arith.constant 0 : i32
        %dma_wait3A_311 = tpu.memref_slice %arg5[%dma_wait3A_309, %dma_wait3A_310] : memref<262144x128xf32, #tpu.memory_space<hbm>> -> memref<64x128xf32, #tpu.memory_space<hbm>>
        %dma_wait3A_312 = arith.constant 0 : i32
        %dma_wait3A_313 = arith.constant 0 : i32
        %dma_wait3A_314 = tpu.memref_slice %arg11[%scan3A_77, %dma_wait3A_312, %dma_wait3A_313] : memref<2x64x128xf32, #tpu.memory_space<vmem>> -> memref<1x64x128xf32, #tpu.memory_space<vmem>>
        %dma_wait3A_315 = tpu.memref_squeeze %dma_wait3A_314 : memref<1x64x128xf32, #tpu.memory_space<vmem>> -> memref<64x128xf32, #tpu.memory_space<vmem>>
        tpu.wait_dma2 semaphore(%arg14 : memref<!tpu.dma_semaphore, #tpu.memory_space<semaphore_mem>>) src(%dma_wait3A_315 : memref<64x128xf32, #tpu.memory_space<vmem>>) dst(%dma_wait3A_311 : memref<64x128xf32, #tpu.memory_space<hbm>>)
        %dma_wait3A_316 = arith.constant 0 : i32
        %dma_wait3A_317 = tpu.memref_slice %arg9[%scan3A_77, %dma_wait3A_316] : memref<2x2176xf32, #tpu.memory_space<vmem>> -> memref<1x64xf32, #tpu.memory_space<vmem>>
        %dma_wait3A_318 = tpu.memref_squeeze %dma_wait3A_317 : memref<1x64xf32, #tpu.memory_space<vmem>> -> memref<64xf32, #tpu.memory_space<vmem>>
        %dma_wait3A_319 = arith.constant 0 : i32
        %dma_wait3A_320 = tpu.memref_slice %arg4[%dma_wait3A_319] : memref<262144xf32, #tpu.memory_space<hbm>> -> memref<64xf32, #tpu.memory_space<hbm>>
        %dma_wait3A_321 = arith.constant 0 : i32
        %dma_wait3A_322 = tpu.memref_slice %arg4[%dma_wait3A_321] : memref<262144xf32, #tpu.memory_space<hbm>> -> memref<64xf32, #tpu.memory_space<hbm>>
        %dma_wait3A_323 = arith.constant 0 : i32
        %dma_wait3A_324 = tpu.memref_slice %arg9[%scan3A_77, %dma_wait3A_323] : memref<2x2176xf32, #tpu.memory_space<vmem>> -> memref<1x64xf32, #tpu.memory_space<vmem>>
        %dma_wait3A_325 = tpu.memref_squeeze %dma_wait3A_324 : memref<1x64xf32, #tpu.memory_space<vmem>> -> memref<64xf32, #tpu.memory_space<vmem>>
        tpu.wait_dma2 semaphore(%arg14 : memref<!tpu.dma_semaphore, #tpu.memory_space<semaphore_mem>>) src(%dma_wait3A_325 : memref<64xf32, #tpu.memory_space<vmem>>) dst(%dma_wait3A_322 : memref<64xf32, #tpu.memory_space<hbm>>)
      } else {
      }
      %dma_wait3A_104 = arith.constant 0 : i32
      %dma_wait3A_105 = tpu.memref_slice %arg6[%scan3A_77, %dma_wait3A_104] : memref<2x2048xf32, #tpu.memory_space<vmem>> -> memref<1x2048xf32, #tpu.memory_space<vmem>>
      %dma_wait3A_106 = tpu.memref_squeeze %dma_wait3A_105 : memref<1x2048xf32, #tpu.memory_space<vmem>> -> memref<2048xf32, #tpu.memory_space<vmem>>
      %dma_wait3A_107 = arith.constant 0 : i32
      %dma_wait3A_108 = tpu.memref_slice %arg2[%dma_wait3A_107] : memref<8388608xf32, #tpu.memory_space<hbm>> -> memref<2048xf32, #tpu.memory_space<hbm>>
      %dma_wait3A_109 = arith.constant 0 : i32
      %dma_wait3A_110 = tpu.memref_slice %arg6[%scan3A_77, %dma_wait3A_109] : memref<2x2048xf32, #tpu.memory_space<vmem>> -> memref<1x2048xf32, #tpu.memory_space<vmem>>
      %dma_wait3A_111 = tpu.memref_squeeze %dma_wait3A_110 : memref<1x2048xf32, #tpu.memory_space<vmem>> -> memref<2048xf32, #tpu.memory_space<vmem>>
      %dma_wait3A_112 = arith.constant 0 : i32
      %dma_wait3A_113 = tpu.memref_slice %arg2[%dma_wait3A_112] : memref<8388608xf32, #tpu.memory_space<hbm>> -> memref<2048xf32, #tpu.memory_space<hbm>>
      tpu.wait_dma2 semaphore(%arg12 : memref<!tpu.dma_semaphore, #tpu.memory_space<semaphore_mem>>) src(%dma_wait3A_113 : memref<2048xf32, #tpu.memory_space<hbm>>) dst(%dma_wait3A_111 : memref<2048xf32, #tpu.memory_space<vmem>>)
      %lt3A = arith.cmpi slt, %add3A_78, %sub3A_8 : i32
      %convert_element_type3A_114 = arith.extui %lt3A : i1 to i32
      %cond3A_115 = arith.constant 0 : i32
      %cond3A_116 = arith.cmpi ne, %convert_element_type3A_114, %cond3A_115 : i32
      scf.if %cond3A_116 {
        %add3A_302 = arith.constant 1 : i32
        %add3A_303 = arith.addi %add3A_78, %add3A_302 : i32
        %mul3A_304 = arith.constant 2048 : i32
        %mul3A_305 = arith.muli %add3A_303, %mul3A_304 : i32
        %sub3A_306 = arith.constant 1 : i32
        %sub3A_307 = arith.subi %sub3A_306, %scan3A_77 : i32
        %dma_start3A_308 = arith.constant 0 : i32
        %dma_start3A_309 = tpu.memref_slice %arg6[%sub3A_307, %dma_start3A_308] : memref<2x2048xf32, #tpu.memory_space<vmem>> -> memref<1x2048xf32, #tpu.memory_space<vmem>>
        %dma_start3A_310 = tpu.memref_squeeze %dma_start3A_309 : memref<1x2048xf32, #tpu.memory_space<vmem>> -> memref<2048xf32, #tpu.memory_space<vmem>>
        %dma_start3A_311 = tpu.memref_slice %arg2[%mul3A_305] : memref<8388608xf32, #tpu.memory_space<hbm>> -> memref<2048xf32, #tpu.memory_space<hbm>>
        %dma_start3A_312 = arith.constant 0 : i32
        %dma_start3A_313 = tpu.memref_slice %arg6[%sub3A_307, %dma_start3A_312] : memref<2x2048xf32, #tpu.memory_space<vmem>> -> memref<1x2048xf32, #tpu.memory_space<vmem>>
        %dma_start3A_314 = tpu.memref_squeeze %dma_start3A_313 : memref<1x2048xf32, #tpu.memory_space<vmem>> -> memref<2048xf32, #tpu.memory_space<vmem>>
        %dma_start3A_315 = tpu.memref_slice %arg2[%mul3A_305] : memref<8388608xf32, #tpu.memory_space<hbm>> -> memref<2048xf32, #tpu.memory_space<hbm>>
        tpu.enqueue_dma source(%dma_start3A_315 : memref<2048xf32, #tpu.memory_space<hbm>>) target(%dma_start3A_314 : memref<2048xf32, #tpu.memory_space<vmem>>) target_semaphore(%arg12 : memref<!tpu.dma_semaphore, #tpu.memory_space<semaphore_mem>>)
      } else {
      }
      %scan3A_117 = arith.constant 0 : i32
      %scan3A_118 = arith.constant 0 : i32
      %scan3A_119 = arith.constant 128 : i32
      %scan3A_120 = arith.addi %scan3A_118, %scan3A_119 : i32
      %scan3A_121 = arith.constant 8 : i32
      scf.for %scan3A_302 = %scan3A_118 to %scan3A_120 step %scan3A_121  : i32 {
        %mul3A_303 = arith.constant 16 : i32
        %mul3A_304 = arith.muli %scan3A_302, %mul3A_303 : i32
        %get3A = arith.index_cast %scan3A_77 : i32 to index
        %get3A_305 = arith.index_cast %mul3A_304 : i32 to index
        %get3A_306 = tpu.vector_load %arg6[%get3A, %get3A_305] {strides = array<i32>} : memref<2x2048xf32, #tpu.memory_space<vmem>>, vector<16xf32>,
        %bitcast_convert_type3A_307 = tpu.bitcast %get3A_306 : vector<16xf32> -> vector<16xi32>
        %shift_right_arithmetic3A_308 = arith.constant 31 : i32
        %shift_right_arithmetic3A_309 = vector.broadcast %shift_right_arithmetic3A_308 : i32 to vector<16xi32>
        %shift_right_arithmetic3A_310 = arith.shrsi %bitcast_convert_type3A_307, %shift_right_arithmetic3A_309 : vector<16xi32>
        %and3A_311 = arith.constant 2147483647 : i32
        %and3A_312 = vector.broadcast %and3A_311 : i32 to vector<16xi32>
        %and3A_313 = arith.andi %shift_right_arithmetic3A_310, %and3A_312 : vector<16xi32>
        %xor3A_314 = arith.xori %bitcast_convert_type3A_307, %and3A_313 : vector<16xi32>
        %mul3A_315 = arith.constant 16 : i32
        %mul3A_316 = arith.muli %scan3A_302, %mul3A_315 : i32
        %swap3A = arith.index_cast %mul3A_316 : i32 to index
        %swap3A_317 = tpu.vector_load %arg7[%swap3A] {strides = array<i32>} : memref<2048xi32, #tpu.memory_space<vmem>>, vector<16xi32>,
        tpu.vector_store %arg7[%swap3A], %xor3A_314 {strides = array<i32>} : memref<2048xi32, #tpu.memory_space<vmem>>, vector<16xi32>,
        %scan3A_318 = arith.constant 1 : i32
        %scan3A_319 = arith.addi %scan3A_302, %scan3A_318 : i32
        %mul3A_320 = arith.constant 16 : i32
        %mul3A_321 = arith.muli %scan3A_319, %mul3A_320 : i32
        %get3A_322 = arith.index_cast %scan3A_77 : i32 to index
        %get3A_323 = arith.index_cast %mul3A_321 : i32 to index
        %get3A_324 = tpu.vector_load %arg6[%get3A_322, %get3A_323] {strides = array<i32>} : memref<2x2048xf32, #tpu.memory_space<vmem>>, vector<16xf32>,
        %bitcast_convert_type3A_325 = tpu.bitcast %get3A_324 : vector<16xf32> -> vector<16xi32>
        %shift_right_arithmetic3A_326 = arith.constant 31 : i32
        %shift_right_arithmetic3A_327 = vector.broadcast %shift_right_arithmetic3A_326 : i32 to vector<16xi32>
        %shift_right_arithmetic3A_328 = arith.shrsi %bitcast_convert_type3A_325, %shift_right_arithmetic3A_327 : vector<16xi32>
        %and3A_329 = arith.constant 2147483647 : i32
        %and3A_330 = vector.broadcast %and3A_329 : i32 to vector<16xi32>
        %and3A_331 = arith.andi %shift_right_arithmetic3A_328, %and3A_330 : vector<16xi32>
        %xor3A_332 = arith.xori %bitcast_convert_type3A_325, %and3A_331 : vector<16xi32>
        %mul3A_333 = arith.constant 16 : i32
        %mul3A_334 = arith.muli %scan3A_319, %mul3A_333 : i32
        %swap3A_335 = arith.index_cast %mul3A_334 : i32 to index
        %swap3A_336 = tpu.vector_load %arg7[%swap3A_335] {strides = array<i32>} : memref<2048xi32, #tpu.memory_space<vmem>>, vector<16xi32>,
        tpu.vector_store %arg7[%swap3A_335], %xor3A_332 {strides = array<i32>} : memref<2048xi32, #tpu.memory_space<vmem>>, vector<16xi32>,
        %scan3A_337 = arith.constant 2 : i32
        %scan3A_338 = arith.addi %scan3A_302, %scan3A_337 : i32
        %mul3A_339 = arith.constant 16 : i32
        %mul3A_340 = arith.muli %scan3A_338, %mul3A_339 : i32
        %get3A_341 = arith.index_cast %scan3A_77 : i32 to index
        %get3A_342 = arith.index_cast %mul3A_340 : i32 to index
        %get3A_343 = tpu.vector_load %arg6[%get3A_341, %get3A_342] {strides = array<i32>} : memref<2x2048xf32, #tpu.memory_space<vmem>>, vector<16xf32>,
        %bitcast_convert_type3A_344 = tpu.bitcast %get3A_343 : vector<16xf32> -> vector<16xi32>
        %shift_right_arithmetic3A_345 = arith.constant 31 : i32
        %shift_right_arithmetic3A_346 = vector.broadcast %shift_right_arithmetic3A_345 : i32 to vector<16xi32>
        %shift_right_arithmetic3A_347 = arith.shrsi %bitcast_convert_type3A_344, %shift_right_arithmetic3A_346 : vector<16xi32>
        %and3A_348 = arith.constant 2147483647 : i32
        %and3A_349 = vector.broadcast %and3A_348 : i32 to vector<16xi32>
        %and3A_350 = arith.andi %shift_right_arithmetic3A_347, %and3A_349 : vector<16xi32>
        %xor3A_351 = arith.xori %bitcast_convert_type3A_344, %and3A_350 : vector<16xi32>
        %mul3A_352 = arith.constant 16 : i32
        %mul3A_353 = arith.muli %scan3A_338, %mul3A_352 : i32
        %swap3A_354 = arith.index_cast %mul3A_353 : i32 to index
        %swap3A_355 = tpu.vector_load %arg7[%swap3A_354] {strides = array<i32>} : memref<2048xi32, #tpu.memory_space<vmem>>, vector<16xi32>,
        tpu.vector_store %arg7[%swap3A_354], %xor3A_351 {strides = array<i32>} : memref<2048xi32, #tpu.memory_space<vmem>>, vector<16xi32>,
        %scan3A_356 = arith.constant 3 : i32
        %scan3A_357 = arith.addi %scan3A_302, %scan3A_356 : i32
        %mul3A_358 = arith.constant 16 : i32
        %mul3A_359 = arith.muli %scan3A_357, %mul3A_358 : i32
        %get3A_360 = arith.index_cast %scan3A_77 : i32 to index
        %get3A_361 = arith.index_cast %mul3A_359 : i32 to index
        %get3A_362 = tpu.vector_load %arg6[%get3A_360, %get3A_361] {strides = array<i32>} : memref<2x2048xf32, #tpu.memory_space<vmem>>, vector<16xf32>,
        %bitcast_convert_type3A_363 = tpu.bitcast %get3A_362 : vector<16xf32> -> vector<16xi32>
        %shift_right_arithmetic3A_364 = arith.constant 31 : i32
        %shift_right_arithmetic3A_365 = vector.broadcast %shift_right_arithmetic3A_364 : i32 to vector<16xi32>
        %shift_right_arithmetic3A_366 = arith.shrsi %bitcast_convert_type3A_363, %shift_right_arithmetic3A_365 : vector<16xi32>
        %and3A_367 = arith.constant 2147483647 : i32
        %and3A_368 = vector.broadcast %and3A_367 : i32 to vector<16xi32>
        %and3A_369 = arith.andi %shift_right_arithmetic3A_366, %and3A_368 : vector<16xi32>
        %xor3A_370 = arith.xori %bitcast_convert_type3A_363, %and3A_369 : vector<16xi32>
        %mul3A_371 = arith.constant 16 : i32
        %mul3A_372 = arith.muli %scan3A_357, %mul3A_371 : i32
        %swap3A_373 = arith.index_cast %mul3A_372 : i32 to index
        %swap3A_374 = tpu.vector_load %arg7[%swap3A_373] {strides = array<i32>} : memref<2048xi32, #tpu.memory_space<vmem>>, vector<16xi32>,
        tpu.vector_store %arg7[%swap3A_373], %xor3A_370 {strides = array<i32>} : memref<2048xi32, #tpu.memory_space<vmem>>, vector<16xi32>,
        %scan3A_375 = arith.constant 4 : i32
        %scan3A_376 = arith.addi %scan3A_302, %scan3A_375 : i32
        %mul3A_377 = arith.constant 16 : i32
        %mul3A_378 = arith.muli %scan3A_376, %mul3A_377 : i32
        %get3A_379 = arith.index_cast %scan3A_77 : i32 to index
        %get3A_380 = arith.index_cast %mul3A_378 : i32 to index
        %get3A_381 = tpu.vector_load %arg6[%get3A_379, %get3A_380] {strides = array<i32>} : memref<2x2048xf32, #tpu.memory_space<vmem>>, vector<16xf32>,
        %bitcast_convert_type3A_382 = tpu.bitcast %get3A_381 : vector<16xf32> -> vector<16xi32>
        %shift_right_arithmetic3A_383 = arith.constant 31 : i32
        %shift_right_arithmetic3A_384 = vector.broadcast %shift_right_arithmetic3A_383 : i32 to vector<16xi32>
        %shift_right_arithmetic3A_385 = arith.shrsi %bitcast_convert_type3A_382, %shift_right_arithmetic3A_384 : vector<16xi32>
        %and3A_386 = arith.constant 2147483647 : i32
        %and3A_387 = vector.broadcast %and3A_386 : i32 to vector<16xi32>
        %and3A_388 = arith.andi %shift_right_arithmetic3A_385, %and3A_387 : vector<16xi32>
        %xor3A_389 = arith.xori %bitcast_convert_type3A_382, %and3A_388 : vector<16xi32>
        %mul3A_390 = arith.constant 16 : i32
        %mul3A_391 = arith.muli %scan3A_376, %mul3A_390 : i32
        %swap3A_392 = arith.index_cast %mul3A_391 : i32 to index
        %swap3A_393 = tpu.vector_load %arg7[%swap3A_392] {strides = array<i32>} : memref<2048xi32, #tpu.memory_space<vmem>>, vector<16xi32>,
        tpu.vector_store %arg7[%swap3A_392], %xor3A_389 {strides = array<i32>} : memref<2048xi32, #tpu.memory_space<vmem>>, vector<16xi32>,
        %scan3A_394 = arith.constant 5 : i32
        %scan3A_395 = arith.addi %scan3A_302, %scan3A_394 : i32
        %mul3A_396 = arith.constant 16 : i32
        %mul3A_397 = arith.muli %scan3A_395, %mul3A_396 : i32
        %get3A_398 = arith.index_cast %scan3A_77 : i32 to index
        %get3A_399 = arith.index_cast %mul3A_397 : i32 to index
        %get3A_400 = tpu.vector_load %arg6[%get3A_398, %get3A_399] {strides = array<i32>} : memref<2x2048xf32, #tpu.memory_space<vmem>>, vector<16xf32>,
        %bitcast_convert_type3A_401 = tpu.bitcast %get3A_400 : vector<16xf32> -> vector<16xi32>
        %shift_right_arithmetic3A_402 = arith.constant 31 : i32
        %shift_right_arithmetic3A_403 = vector.broadcast %shift_right_arithmetic3A_402 : i32 to vector<16xi32>
        %shift_right_arithmetic3A_404 = arith.shrsi %bitcast_convert_type3A_401, %shift_right_arithmetic3A_403 : vector<16xi32>
        %and3A_405 = arith.constant 2147483647 : i32
        %and3A_406 = vector.broadcast %and3A_405 : i32 to vector<16xi32>
        %and3A_407 = arith.andi %shift_right_arithmetic3A_404, %and3A_406 : vector<16xi32>
        %xor3A_408 = arith.xori %bitcast_convert_type3A_401, %and3A_407 : vector<16xi32>
        %mul3A_409 = arith.constant 16 : i32
        %mul3A_410 = arith.muli %scan3A_395, %mul3A_409 : i32
        %swap3A_411 = arith.index_cast %mul3A_410 : i32 to index
        %swap3A_412 = tpu.vector_load %arg7[%swap3A_411] {strides = array<i32>} : memref<2048xi32, #tpu.memory_space<vmem>>, vector<16xi32>,
        tpu.vector_store %arg7[%swap3A_411], %xor3A_408 {strides = array<i32>} : memref<2048xi32, #tpu.memory_space<vmem>>, vector<16xi32>,
        %scan3A_413 = arith.constant 6 : i32
        %scan3A_414 = arith.addi %scan3A_302, %scan3A_413 : i32
        %mul3A_415 = arith.constant 16 : i32
        %mul3A_416 = arith.muli %scan3A_414, %mul3A_415 : i32
        %get3A_417 = arith.index_cast %scan3A_77 : i32 to index
        %get3A_418 = arith.index_cast %mul3A_416 : i32 to index
        %get3A_419 = tpu.vector_load %arg6[%get3A_417, %get3A_418] {strides = array<i32>} : memref<2x2048xf32, #tpu.memory_space<vmem>>, vector<16xf32>,
        %bitcast_convert_type3A_420 = tpu.bitcast %get3A_419 : vector<16xf32> -> vector<16xi32>
        %shift_right_arithmetic3A_421 = arith.constant 31 : i32
        %shift_right_arithmetic3A_422 = vector.broadcast %shift_right_arithmetic3A_421 : i32 to vector<16xi32>
        %shift_right_arithmetic3A_423 = arith.shrsi %bitcast_convert_type3A_420, %shift_right_arithmetic3A_422 : vector<16xi32>
        %and3A_424 = arith.constant 2147483647 : i32
        %and3A_425 = vector.broadcast %and3A_424 : i32 to vector<16xi32>
        %and3A_426 = arith.andi %shift_right_arithmetic3A_423, %and3A_425 : vector<16xi32>
        %xor3A_427 = arith.xori %bitcast_convert_type3A_420, %and3A_426 : vector<16xi32>
        %mul3A_428 = arith.constant 16 : i32
        %mul3A_429 = arith.muli %scan3A_414, %mul3A_428 : i32
        %swap3A_430 = arith.index_cast %mul3A_429 : i32 to index
        %swap3A_431 = tpu.vector_load %arg7[%swap3A_430] {strides = array<i32>} : memref<2048xi32, #tpu.memory_space<vmem>>, vector<16xi32>,
        tpu.vector_store %arg7[%swap3A_430], %xor3A_427 {strides = array<i32>} : memref<2048xi32, #tpu.memory_space<vmem>>, vector<16xi32>,
        %scan3A_432 = arith.constant 7 : i32
        %scan3A_433 = arith.addi %scan3A_302, %scan3A_432 : i32
        %mul3A_434 = arith.constant 16 : i32
        %mul3A_435 = arith.muli %scan3A_433, %mul3A_434 : i32
        %get3A_436 = arith.index_cast %scan3A_77 : i32 to index
        %get3A_437 = arith.index_cast %mul3A_435 : i32 to index
        %get3A_438 = tpu.vector_load %arg6[%get3A_436, %get3A_437] {strides = array<i32>} : memref<2x2048xf32, #tpu.memory_space<vmem>>, vector<16xf32>,
        %bitcast_convert_type3A_439 = tpu.bitcast %get3A_438 : vector<16xf32> -> vector<16xi32>
        %shift_right_arithmetic3A_440 = arith.constant 31 : i32
        %shift_right_arithmetic3A_441 = vector.broadcast %shift_right_arithmetic3A_440 : i32 to vector<16xi32>
        %shift_right_arithmetic3A_442 = arith.shrsi %bitcast_convert_type3A_439, %shift_right_arithmetic3A_441 : vector<16xi32>
        %and3A_443 = arith.constant 2147483647 : i32
        %and3A_444 = vector.broadcast %and3A_443 : i32 to vector<16xi32>
        %and3A_445 = arith.andi %shift_right_arithmetic3A_442, %and3A_444 : vector<16xi32>
        %xor3A_446 = arith.xori %bitcast_convert_type3A_439, %and3A_445 : vector<16xi32>
        %mul3A_447 = arith.constant 16 : i32
        %mul3A_448 = arith.muli %scan3A_433, %mul3A_447 : i32
        %swap3A_449 = arith.index_cast %mul3A_448 : i32 to index
        %swap3A_450 = tpu.vector_load %arg7[%swap3A_449] {strides = array<i32>} : memref<2048xi32, #tpu.memory_space<vmem>>, vector<16xi32>,
        tpu.vector_store %arg7[%swap3A_449], %xor3A_446 {strides = array<i32>} : memref<2048xi32, #tpu.memory_space<vmem>>, vector<16xi32>,
      }
      %scan3A_122 = arith.constant 128 : i32
      %scan3A_123 = arith.constant 0 : i32
      %scan3A_124 = arith.constant 0 : i32
      %scan3A_125 = arith.constant 16 : i32
      %scan3A_126 = arith.addi %scan3A_124, %scan3A_125 : i32
      %scan3A_127 = arith.constant 4 : i32
      scf.for %scan3A_302 = %scan3A_124 to %scan3A_126 step %scan3A_127  : i32 {
        %mul3A_303 = arith.constant 16 : i32
        %mul3A_304 = arith.muli %scan3A_302, %mul3A_303 : i32
        %swap3A = arith.index_cast %mul3A_304 : i32 to index
        %swap3A_305 = tpu.vector_load %arg8[%swap3A] {strides = array<i32>} : memref<256xi32, #tpu.memory_space<vmem>>, vector<16xi32>,
        tpu.vector_store %arg8[%swap3A], %broadcast_in_dim3A_1 {strides = array<i32>} : memref<256xi32, #tpu.memory_space<vmem>>, vector<16xi32>,
        %scan3A_306 = arith.constant 1 : i32
        %scan3A_307 = arith.addi %scan3A_302, %scan3A_306 : i32
        %mul3A_308 = arith.constant 16 : i32
        %mul3A_309 = arith.muli %scan3A_307, %mul3A_308 : i32
        %swap3A_310 = arith.index_cast %mul3A_309 : i32 to index
        %swap3A_311 = tpu.vector_load %arg8[%swap3A_310] {strides = array<i32>} : memref<256xi32, #tpu.memory_space<vmem>>, vector<16xi32>,
        tpu.vector_store %arg8[%swap3A_310], %broadcast_in_dim3A_1 {strides = array<i32>} : memref<256xi32, #tpu.memory_space<vmem>>, vector<16xi32>,
        %scan3A_312 = arith.constant 2 : i32
        %scan3A_313 = arith.addi %scan3A_302, %scan3A_312 : i32
        %mul3A_314 = arith.constant 16 : i32
        %mul3A_315 = arith.muli %scan3A_313, %mul3A_314 : i32
        %swap3A_316 = arith.index_cast %mul3A_315 : i32 to index
        %swap3A_317 = tpu.vector_load %arg8[%swap3A_316] {strides = array<i32>} : memref<256xi32, #tpu.memory_space<vmem>>, vector<16xi32>,
        tpu.vector_store %arg8[%swap3A_316], %broadcast_in_dim3A_1 {strides = array<i32>} : memref<256xi32, #tpu.memory_space<vmem>>, vector<16xi32>,
        %scan3A_318 = arith.constant 3 : i32
        %scan3A_319 = arith.addi %scan3A_302, %scan3A_318 : i32
        %mul3A_320 = arith.constant 16 : i32
        %mul3A_321 = arith.muli %scan3A_319, %mul3A_320 : i32
        %swap3A_322 = arith.index_cast %mul3A_321 : i32 to index
        %swap3A_323 = tpu.vector_load %arg8[%swap3A_322] {strides = array<i32>} : memref<256xi32, #tpu.memory_space<vmem>>, vector<16xi32>,
        tpu.vector_store %arg8[%swap3A_322], %broadcast_in_dim3A_1 {strides = array<i32>} : memref<256xi32, #tpu.memory_space<vmem>>, vector<16xi32>,
      }
      %scan3A_128 = arith.constant 16 : i32
      %scan3A_129 = arith.constant 0 : i32
      %scan3A_130 = arith.constant 0 : i32
      %scan3A_131 = arith.constant 128 : i32
      %scan3A_132 = arith.addi %scan3A_130, %scan3A_131 : i32
      %scan3A_133 = arith.constant 8 : i32
      scf.for %scan3A_302 = %scan3A_130 to %scan3A_132 step %scan3A_133  : i32 {
        %mul3A_303 = arith.constant 16 : i32
        %mul3A_304 = arith.muli %scan3A_302, %mul3A_303 : i32
        %get3A = arith.index_cast %mul3A_304 : i32 to index
        %get3A_305 = tpu.vector_load %arg7[%get3A] {strides = array<i32>} : memref<2048xi32, #tpu.memory_space<vmem>>, vector<16xi32>,
        %shift_right_arithmetic3A_306 = arith.constant 24 : i32
        %shift_right_arithmetic3A_307 = vector.broadcast %shift_right_arithmetic3A_306 : i32 to vector<16xi32>
        %shift_right_arithmetic3A_308 = arith.shrsi %get3A_305, %shift_right_arithmetic3A_307 : vector<16xi32>
        %and3A_309 = arith.constant 255 : i32
        %and3A_310 = vector.broadcast %and3A_309 : i32 to vector<16xi32>
        %and3A_311 = arith.andi %shift_right_arithmetic3A_308, %and3A_310 : vector<16xi32>
        %xor3A_312 = arith.constant 128 : i32
        %xor3A_313 = vector.broadcast %xor3A_312 : i32 to vector<16xi32>
        %xor3A_314 = arith.xori %and3A_311, %xor3A_313 : vector<16xi32>
        tpu.vector_store_idx %arg8[%xor3A_314], %broadcast_in_dim3A_3 {add = true} : memref<256xi32, #tpu.memory_space<vmem>>[vector<16xi32>], vector<16xi32>,
        %scan3A_315 = arith.constant 1 : i32
        %scan3A_316 = arith.addi %scan3A_302, %scan3A_315 : i32
        %mul3A_317 = arith.constant 16 : i32
        %mul3A_318 = arith.muli %scan3A_316, %mul3A_317 : i32
        %get3A_319 = arith.index_cast %mul3A_318 : i32 to index
        %get3A_320 = tpu.vector_load %arg7[%get3A_319] {strides = array<i32>} : memref<2048xi32, #tpu.memory_space<vmem>>, vector<16xi32>,
        %shift_right_arithmetic3A_321 = arith.constant 24 : i32
        %shift_right_arithmetic3A_322 = vector.broadcast %shift_right_arithmetic3A_321 : i32 to vector<16xi32>
        %shift_right_arithmetic3A_323 = arith.shrsi %get3A_320, %shift_right_arithmetic3A_322 : vector<16xi32>
        %and3A_324 = arith.constant 255 : i32
        %and3A_325 = vector.broadcast %and3A_324 : i32 to vector<16xi32>
        %and3A_326 = arith.andi %shift_right_arithmetic3A_323, %and3A_325 : vector<16xi32>
        %xor3A_327 = arith.constant 128 : i32
        %xor3A_328 = vector.broadcast %xor3A_327 : i32 to vector<16xi32>
        %xor3A_329 = arith.xori %and3A_326, %xor3A_328 : vector<16xi32>
        tpu.vector_store_idx %arg8[%xor3A_329], %broadcast_in_dim3A_3 {add = true} : memref<256xi32, #tpu.memory_space<vmem>>[vector<16xi32>], vector<16xi32>,
        %scan3A_330 = arith.constant 2 : i32
        %scan3A_331 = arith.addi %scan3A_302, %scan3A_330 : i32
        %mul3A_332 = arith.constant 16 : i32
        %mul3A_333 = arith.muli %scan3A_331, %mul3A_332 : i32
        %get3A_334 = arith.index_cast %mul3A_333 : i32 to index
        %get3A_335 = tpu.vector_load %arg7[%get3A_334] {strides = array<i32>} : memref<2048xi32, #tpu.memory_space<vmem>>, vector<16xi32>,
        %shift_right_arithmetic3A_336 = arith.constant 24 : i32
        %shift_right_arithmetic3A_337 = vector.broadcast %shift_right_arithmetic3A_336 : i32 to vector<16xi32>
        %shift_right_arithmetic3A_338 = arith.shrsi %get3A_335, %shift_right_arithmetic3A_337 : vector<16xi32>
        %and3A_339 = arith.constant 255 : i32
        %and3A_340 = vector.broadcast %and3A_339 : i32 to vector<16xi32>
        %and3A_341 = arith.andi %shift_right_arithmetic3A_338, %and3A_340 : vector<16xi32>
        %xor3A_342 = arith.constant 128 : i32
        %xor3A_343 = vector.broadcast %xor3A_342 : i32 to vector<16xi32>
        %xor3A_344 = arith.xori %and3A_341, %xor3A_343 : vector<16xi32>
        tpu.vector_store_idx %arg8[%xor3A_344], %broadcast_in_dim3A_3 {add = true} : memref<256xi32, #tpu.memory_space<vmem>>[vector<16xi32>], vector<16xi32>,
        %scan3A_345 = arith.constant 3 : i32
        %scan3A_346 = arith.addi %scan3A_302, %scan3A_345 : i32
        %mul3A_347 = arith.constant 16 : i32
        %mul3A_348 = arith.muli %scan3A_346, %mul3A_347 : i32
        %get3A_349 = arith.index_cast %mul3A_348 : i32 to index
        %get3A_350 = tpu.vector_load %arg7[%get3A_349] {strides = array<i32>} : memref<2048xi32, #tpu.memory_space<vmem>>, vector<16xi32>,
        %shift_right_arithmetic3A_351 = arith.constant 24 : i32
        %shift_right_arithmetic3A_352 = vector.broadcast %shift_right_arithmetic3A_351 : i32 to vector<16xi32>
        %shift_right_arithmetic3A_353 = arith.shrsi %get3A_350, %shift_right_arithmetic3A_352 : vector<16xi32>
        %and3A_354 = arith.constant 255 : i32
        %and3A_355 = vector.broadcast %and3A_354 : i32 to vector<16xi32>
        %and3A_356 = arith.andi %shift_right_arithmetic3A_353, %and3A_355 : vector<16xi32>
        %xor3A_357 = arith.constant 128 : i32
        %xor3A_358 = vector.broadcast %xor3A_357 : i32 to vector<16xi32>
        %xor3A_359 = arith.xori %and3A_356, %xor3A_358 : vector<16xi32>
        tpu.vector_store_idx %arg8[%xor3A_359], %broadcast_in_dim3A_3 {add = true} : memref<256xi32, #tpu.memory_space<vmem>>[vector<16xi32>], vector<16xi32>,
        %scan3A_360 = arith.constant 4 : i32
        %scan3A_361 = arith.addi %scan3A_302, %scan3A_360 : i32
        %mul3A_362 = arith.constant 16 : i32
        %mul3A_363 = arith.muli %scan3A_361, %mul3A_362 : i32
        %get3A_364 = arith.index_cast %mul3A_363 : i32 to index
        %get3A_365 = tpu.vector_load %arg7[%get3A_364] {strides = array<i32>} : memref<2048xi32, #tpu.memory_space<vmem>>, vector<16xi32>,
        %shift_right_arithmetic3A_366 = arith.constant 24 : i32
        %shift_right_arithmetic3A_367 = vector.broadcast %shift_right_arithmetic3A_366 : i32 to vector<16xi32>
        %shift_right_arithmetic3A_368 = arith.shrsi %get3A_365, %shift_right_arithmetic3A_367 : vector<16xi32>
        %and3A_369 = arith.constant 255 : i32
        %and3A_370 = vector.broadcast %and3A_369 : i32 to vector<16xi32>
        %and3A_371 = arith.andi %shift_right_arithmetic3A_368, %and3A_370 : vector<16xi32>
        %xor3A_372 = arith.constant 128 : i32
        %xor3A_373 = vector.broadcast %xor3A_372 : i32 to vector<16xi32>
        %xor3A_374 = arith.xori %and3A_371, %xor3A_373 : vector<16xi32>
        tpu.vector_store_idx %arg8[%xor3A_374], %broadcast_in_dim3A_3 {add = true} : memref<256xi32, #tpu.memory_space<vmem>>[vector<16xi32>], vector<16xi32>,
        %scan3A_375 = arith.constant 5 : i32
        %scan3A_376 = arith.addi %scan3A_302, %scan3A_375 : i32
        %mul3A_377 = arith.constant 16 : i32
        %mul3A_378 = arith.muli %scan3A_376, %mul3A_377 : i32
        %get3A_379 = arith.index_cast %mul3A_378 : i32 to index
        %get3A_380 = tpu.vector_load %arg7[%get3A_379] {strides = array<i32>} : memref<2048xi32, #tpu.memory_space<vmem>>, vector<16xi32>,
        %shift_right_arithmetic3A_381 = arith.constant 24 : i32
        %shift_right_arithmetic3A_382 = vector.broadcast %shift_right_arithmetic3A_381 : i32 to vector<16xi32>
        %shift_right_arithmetic3A_383 = arith.shrsi %get3A_380, %shift_right_arithmetic3A_382 : vector<16xi32>
        %and3A_384 = arith.constant 255 : i32
        %and3A_385 = vector.broadcast %and3A_384 : i32 to vector<16xi32>
        %and3A_386 = arith.andi %shift_right_arithmetic3A_383, %and3A_385 : vector<16xi32>
        %xor3A_387 = arith.constant 128 : i32
        %xor3A_388 = vector.broadcast %xor3A_387 : i32 to vector<16xi32>
        %xor3A_389 = arith.xori %and3A_386, %xor3A_388 : vector<16xi32>
        tpu.vector_store_idx %arg8[%xor3A_389], %broadcast_in_dim3A_3 {add = true} : memref<256xi32, #tpu.memory_space<vmem>>[vector<16xi32>], vector<16xi32>,
        %scan3A_390 = arith.constant 6 : i32
        %scan3A_391 = arith.addi %scan3A_302, %scan3A_390 : i32
        %mul3A_392 = arith.constant 16 : i32
        %mul3A_393 = arith.muli %scan3A_391, %mul3A_392 : i32
        %get3A_394 = arith.index_cast %mul3A_393 : i32 to index
        %get3A_395 = tpu.vector_load %arg7[%get3A_394] {strides = array<i32>} : memref<2048xi32, #tpu.memory_space<vmem>>, vector<16xi32>,
        %shift_right_arithmetic3A_396 = arith.constant 24 : i32
        %shift_right_arithmetic3A_397 = vector.broadcast %shift_right_arithmetic3A_396 : i32 to vector<16xi32>
        %shift_right_arithmetic3A_398 = arith.shrsi %get3A_395, %shift_right_arithmetic3A_397 : vector<16xi32>
        %and3A_399 = arith.constant 255 : i32
        %and3A_400 = vector.broadcast %and3A_399 : i32 to vector<16xi32>
        %and3A_401 = arith.andi %shift_right_arithmetic3A_398, %and3A_400 : vector<16xi32>
        %xor3A_402 = arith.constant 128 : i32
        %xor3A_403 = vector.broadcast %xor3A_402 : i32 to vector<16xi32>
        %xor3A_404 = arith.xori %and3A_401, %xor3A_403 : vector<16xi32>
        tpu.vector_store_idx %arg8[%xor3A_404], %broadcast_in_dim3A_3 {add = true} : memref<256xi32, #tpu.memory_space<vmem>>[vector<16xi32>], vector<16xi32>,
        %scan3A_405 = arith.constant 7 : i32
        %scan3A_406 = arith.addi %scan3A_302, %scan3A_405 : i32
        %mul3A_407 = arith.constant 16 : i32
        %mul3A_408 = arith.muli %scan3A_406, %mul3A_407 : i32
        %get3A_409 = arith.index_cast %mul3A_408 : i32 to index
        %get3A_410 = tpu.vector_load %arg7[%get3A_409] {strides = array<i32>} : memref<2048xi32, #tpu.memory_space<vmem>>, vector<16xi32>,
        %shift_right_arithmetic3A_411 = arith.constant 24 : i32
        %shift_right_arithmetic3A_412 = vector.broadcast %shift_right_arithmetic3A_411 : i32 to vector<16xi32>
        %shift_right_arithmetic3A_413 = arith.shrsi %get3A_410, %shift_right_arithmetic3A_412 : vector<16xi32>
        %and3A_414 = arith.constant 255 : i32
        %and3A_415 = vector.broadcast %and3A_414 : i32 to vector<16xi32>
        %and3A_416 = arith.andi %shift_right_arithmetic3A_413, %and3A_415 : vector<16xi32>
        %xor3A_417 = arith.constant 128 : i32
        %xor3A_418 = vector.broadcast %xor3A_417 : i32 to vector<16xi32>
        %xor3A_419 = arith.xori %and3A_416, %xor3A_418 : vector<16xi32>
        tpu.vector_store_idx %arg8[%xor3A_419], %broadcast_in_dim3A_3 {add = true} : memref<256xi32, #tpu.memory_space<vmem>>[vector<16xi32>], vector<16xi32>,
      }
      %scan3A_134 = arith.constant 128 : i32
      %broadcast_in_dim3A_135 = arith.constant 64 : i32
      %broadcast_in_dim3A_136 = vector.broadcast %broadcast_in_dim3A_135 : i32 to vector<16xi32>
      %scan3A_137 = arith.constant 0 : i32
      %scan3A_138 = arith.constant 0 : i32
      %scan3A_139 = arith.constant 0 : i32
      %scan3A_140 = arith.constant false
      %scan3A_141 = arith.constant 0 : i32
      %scan3A_142 = arith.constant 16 : i32
      %scan3A_143 = arith.addi %scan3A_141, %scan3A_142 : i32
      %scan3A_144 = arith.constant 1 : i32
      %scan3A_145:4 = scf.for %scan3A_302 = %scan3A_141 to %scan3A_143 step %scan3A_144 iter_args(%scan3A_303 = %scan3A_137, %scan3A_304 = %scan3A_138, %scan3A_305 = %scan3A_139, %scan3A_306 = %scan3A_140) -> (i32, i32, i32, i1)  : i32 {
        %sub3A_307 = arith.constant 15 : i32
        %sub3A_308 = arith.subi %sub3A_307, %scan3A_302 : i32
        %mul3A_309 = arith.constant 16 : i32
        %mul3A_310 = arith.muli %sub3A_308, %mul3A_309 : i32
        %get3A = arith.index_cast %mul3A_310 : i32 to index
        %get3A_311 = tpu.vector_load %arg8[%get3A] {strides = array<i32>} : memref<256xi32, #tpu.memory_space<vmem>>, vector<16xi32>,
        %rev3A = arith.constant 15 : i32
        %rev3A_312 = vector.broadcast %rev3A : i32 to vector<16xi32>
        %rev3A_313 = tpu.iota {dimensions = array<i32: 0>} : vector<16xi32>
        %rev3A_314 = arith.subi %rev3A_312, %rev3A_313 : vector<16xi32>
        %rev3A_315 = tpu.dynamic_gather %get3A_311[%rev3A_314] in [0] : vector<16xi32>, vector<16xi32> -> vector<16xi32>
        %broadcast_in_dim3A_316 = arith.constant true
        %broadcast_in_dim3A_317 = vector.broadcast %broadcast_in_dim3A_316 : i1 to vector<16xi1>
        %masked_cumsum3A = tpu.scan <sum>, %rev3A_315 masked %broadcast_in_dim3A_317 : vector<16xi32>, vector<16xi1> -> vector<16xi32>
        %broadcast_in_dim3A_318 = vector.broadcast %scan3A_303 : i32 to vector<16xi32>
        %add3A_319 = arith.addi %masked_cumsum3A, %broadcast_in_dim3A_318 : vector<16xi32>
        %ge3A_320 = arith.cmpi sge, %add3A_319, %broadcast_in_dim3A_136 : vector<16xi32>
        %broadcast_in_dim3A_321 = arith.constant 99 : i32
        %broadcast_in_dim3A_322 = vector.broadcast %broadcast_in_dim3A_321 : i32 to vector<16xi32>
        %select_n3A_323 = arith.select %ge3A_320, %iota3A, %broadcast_in_dim3A_322 : vector<16xi1>, vector<16xi32>
        %reduce_min3A = arith.constant true
        %reduce_min3A_324 = vector.broadcast %reduce_min3A : i1 to vector<16xi1>
        %reduce_min3A_325 = arith.constant -2147483648 : i32
        %reduce_min3A_326 = vector.broadcast %reduce_min3A_325 : i32 to vector<16xi32>
        %reduce_min3A_327 = arith.xori %select_n3A_323, %reduce_min3A_326 : vector<16xi32>
        %reduce_min3A_328 = tpu.scan <min>, %reduce_min3A_327 masked %reduce_min3A_324 : vector<16xi32>, vector<16xi1> -> vector<16xi32>
        %reduce_min3A_329 = arith.xori %reduce_min3A_328, %reduce_min3A_326 : vector<16xi32>
        %reduce_min3A_330 = vector.extract %reduce_min3A_329[15] : i32 from vector<16xi32>
        %lt3A_331 = arith.constant 99 : i32
        %lt3A_332 = arith.cmpi slt, %reduce_min3A_330, %lt3A_331 : i32
        %broadcast_in_dim3A_333 = arith.constant 1073741824 : i32
        %broadcast_in_dim3A_334 = vector.broadcast %broadcast_in_dim3A_333 : i32 to vector<16xi32>
        %select_n3A_335 = arith.select %ge3A_320, %add3A_319, %broadcast_in_dim3A_334 : vector<16xi1>, vector<16xi32>
        %reduce_min3A_336 = arith.constant true
        %reduce_min3A_337 = vector.broadcast %reduce_min3A_336 : i1 to vector<16xi1>
        %reduce_min3A_338 = arith.constant -2147483648 : i32
        %reduce_min3A_339 = vector.broadcast %reduce_min3A_338 : i32 to vector<16xi32>
        %reduce_min3A_340 = arith.xori %select_n3A_335, %reduce_min3A_339 : vector<16xi32>
        %reduce_min3A_341 = tpu.scan <min>, %reduce_min3A_340 masked %reduce_min3A_337 : vector<16xi32>, vector<16xi1> -> vector<16xi32>
        %reduce_min3A_342 = arith.xori %reduce_min3A_341, %reduce_min3A_339 : vector<16xi32>
        %reduce_min3A_343 = vector.extract %reduce_min3A_342[15] : i32 from vector<16xi32>
        %broadcast_in_dim3A_344 = vector.broadcast %reduce_min3A_330 : i32 to vector<16xi32>
        %eq3A = arith.cmpi eq, %broadcast_in_dim3A_344, %iota3A : vector<16xi32>
        %broadcast_in_dim3A_345 = arith.constant 0 : i32
        %broadcast_in_dim3A_346 = vector.broadcast %broadcast_in_dim3A_345 : i32 to vector<16xi32>
        %select_n3A_347 = arith.select %eq3A, %rev3A_315, %broadcast_in_dim3A_346 : vector<16xi1>, vector<16xi32>
        %reduce_sum3A = arith.constant true
        %reduce_sum3A_348 = vector.broadcast %reduce_sum3A : i1 to vector<16xi1>
        %reduce_sum3A_349 = tpu.scan <sum>, %select_n3A_347 masked %reduce_sum3A_348 : vector<16xi32>, vector<16xi1> -> vector<16xi32>
        %reduce_sum3A_350 = vector.extract %reduce_sum3A_349[15] : i32 from vector<16xi32>
        %not3A = arith.constant true
        %not3A_351 = arith.xori %scan3A_306, %not3A : i1
        %and3A_352 = arith.andi %lt3A_332, %not3A_351 : i1
        %mul3A_353 = arith.constant 16 : i32
        %mul3A_354 = arith.muli %sub3A_308, %mul3A_353 : i32
        %add3A_355 = arith.constant 15 : i32
        %add3A_356 = arith.addi %mul3A_354, %add3A_355 : i32
        %sub3A_357 = arith.subi %add3A_356, %reduce_min3A_330 : i32
        %select_n3A_358 = arith.select %and3A_352, %sub3A_357, %scan3A_304 : i32
        %sub3A_359 = arith.subi %reduce_min3A_343, %reduce_sum3A_350 : i32
        %select_n3A_360 = arith.select %and3A_352, %sub3A_359, %scan3A_305 : i32
        %or3A_361 = arith.ori %scan3A_306, %lt3A_332 : i1
        %reduce_sum3A_362 = arith.constant true
        %reduce_sum3A_363 = vector.broadcast %reduce_sum3A_362 : i1 to vector<16xi1>
        %reduce_sum3A_364 = tpu.scan <sum>, %rev3A_315 masked %reduce_sum3A_363 : vector<16xi32>, vector<16xi1> -> vector<16xi32>
        %reduce_sum3A_365 = vector.extract %reduce_sum3A_364[15] : i32 from vector<16xi32>
        %add3A_366 = arith.addi %scan3A_303, %reduce_sum3A_365 : i32
        scf.yield %add3A_366, %select_n3A_358, %select_n3A_360, %or3A_361 : i32, i32, i32, i1
      }
      %scan3A_146 = arith.constant 16 : i32
      %broadcast_in_dim3A_147 = vector.broadcast %scan3A_145#1 : i32 to vector<16xi32>
      %sub3A_148 = arith.constant 64 : i32
      %sub3A_149 = arith.subi %sub3A_148, %scan3A_145#2 : i32
      %scan3A_150 = arith.constant 0 : i32
      %scan3A_151 = arith.constant 0 : i32
      %scan3A_152 = arith.constant 16 : i32
      %scan3A_153 = arith.addi %scan3A_151, %scan3A_152 : i32
      %scan3A_154 = arith.constant 4 : i32
      scf.for %scan3A_302 = %scan3A_151 to %scan3A_153 step %scan3A_154  : i32 {
        %mul3A_303 = arith.constant 16 : i32
        %mul3A_304 = arith.muli %scan3A_302, %mul3A_303 : i32
        %swap3A = arith.index_cast %mul3A_304 : i32 to index
        %swap3A_305 = tpu.vector_load %arg8[%swap3A] {strides = array<i32>} : memref<256xi32, #tpu.memory_space<vmem>>, vector<16xi32>,
        tpu.vector_store %arg8[%swap3A], %broadcast_in_dim3A_1 {strides = array<i32>} : memref<256xi32, #tpu.memory_space<vmem>>, vector<16xi32>,
        %scan3A_306 = arith.constant 1 : i32
        %scan3A_307 = arith.addi %scan3A_302, %scan3A_306 : i32
        %mul3A_308 = arith.constant 16 : i32
        %mul3A_309 = arith.muli %scan3A_307, %mul3A_308 : i32
        %swap3A_310 = arith.index_cast %mul3A_309 : i32 to index
        %swap3A_311 = tpu.vector_load %arg8[%swap3A_310] {strides = array<i32>} : memref<256xi32, #tpu.memory_space<vmem>>, vector<16xi32>,
        tpu.vector_store %arg8[%swap3A_310], %broadcast_in_dim3A_1 {strides = array<i32>} : memref<256xi32, #tpu.memory_space<vmem>>, vector<16xi32>,
        %scan3A_312 = arith.constant 2 : i32
        %scan3A_313 = arith.addi %scan3A_302, %scan3A_312 : i32
        %mul3A_314 = arith.constant 16 : i32
        %mul3A_315 = arith.muli %scan3A_313, %mul3A_314 : i32
        %swap3A_316 = arith.index_cast %mul3A_315 : i32 to index
        %swap3A_317 = tpu.vector_load %arg8[%swap3A_316] {strides = array<i32>} : memref<256xi32, #tpu.memory_space<vmem>>, vector<16xi32>,
        tpu.vector_store %arg8[%swap3A_316], %broadcast_in_dim3A_1 {strides = array<i32>} : memref<256xi32, #tpu.memory_space<vmem>>, vector<16xi32>,
        %scan3A_318 = arith.constant 3 : i32
        %scan3A_319 = arith.addi %scan3A_302, %scan3A_318 : i32
        %mul3A_320 = arith.constant 16 : i32
        %mul3A_321 = arith.muli %scan3A_319, %mul3A_320 : i32
        %swap3A_322 = arith.index_cast %mul3A_321 : i32 to index
        %swap3A_323 = tpu.vector_load %arg8[%swap3A_322] {strides = array<i32>} : memref<256xi32, #tpu.memory_space<vmem>>, vector<16xi32>,
        tpu.vector_store %arg8[%swap3A_322], %broadcast_in_dim3A_1 {strides = array<i32>} : memref<256xi32, #tpu.memory_space<vmem>>, vector<16xi32>,
      }
      %scan3A_155 = arith.constant 16 : i32
      %scan3A_156 = arith.constant 0 : i32
      %scan3A_157 = arith.constant 0 : i32
      %scan3A_158 = arith.constant 128 : i32
      %scan3A_159 = arith.addi %scan3A_157, %scan3A_158 : i32
      %scan3A_160 = arith.constant 8 : i32
      scf.for %scan3A_302 = %scan3A_157 to %scan3A_159 step %scan3A_160  : i32 {
        %mul3A_303 = arith.constant 16 : i32
        %mul3A_304 = arith.muli %scan3A_302, %mul3A_303 : i32
        %get3A = arith.index_cast %mul3A_304 : i32 to index
        %get3A_305 = tpu.vector_load %arg7[%get3A] {strides = array<i32>} : memref<2048xi32, #tpu.memory_space<vmem>>, vector<16xi32>,
        %shift_right_arithmetic3A_306 = arith.constant 24 : i32
        %shift_right_arithmetic3A_307 = vector.broadcast %shift_right_arithmetic3A_306 : i32 to vector<16xi32>
        %shift_right_arithmetic3A_308 = arith.shrsi %get3A_305, %shift_right_arithmetic3A_307 : vector<16xi32>
        %and3A_309 = arith.constant 255 : i32
        %and3A_310 = vector.broadcast %and3A_309 : i32 to vector<16xi32>
        %and3A_311 = arith.andi %shift_right_arithmetic3A_308, %and3A_310 : vector<16xi32>
        %xor3A_312 = arith.constant 128 : i32
        %xor3A_313 = vector.broadcast %xor3A_312 : i32 to vector<16xi32>
        %xor3A_314 = arith.xori %and3A_311, %xor3A_313 : vector<16xi32>
        %eq3A = arith.cmpi eq, %xor3A_314, %broadcast_in_dim3A_147 : vector<16xi32>
        %shift_right_arithmetic3A_315 = arith.constant 16 : i32
        %shift_right_arithmetic3A_316 = vector.broadcast %shift_right_arithmetic3A_315 : i32 to vector<16xi32>
        %shift_right_arithmetic3A_317 = arith.shrsi %get3A_305, %shift_right_arithmetic3A_316 : vector<16xi32>
        %and3A_318 = arith.constant 255 : i32
        %and3A_319 = vector.broadcast %and3A_318 : i32 to vector<16xi32>
        %and3A_320 = arith.andi %shift_right_arithmetic3A_317, %and3A_319 : vector<16xi32>
        tpu.vector_store_idx %arg8[%and3A_320], %broadcast_in_dim3A_3 masked %eq3A {add = true} : memref<256xi32, #tpu.memory_space<vmem>>[vector<16xi32>], vector<16xi32>, vector<16xi1>
        %scan3A_321 = arith.constant 1 : i32
        %scan3A_322 = arith.addi %scan3A_302, %scan3A_321 : i32
        %mul3A_323 = arith.constant 16 : i32
        %mul3A_324 = arith.muli %scan3A_322, %mul3A_323 : i32
        %get3A_325 = arith.index_cast %mul3A_324 : i32 to index
        %get3A_326 = tpu.vector_load %arg7[%get3A_325] {strides = array<i32>} : memref<2048xi32, #tpu.memory_space<vmem>>, vector<16xi32>,
        %shift_right_arithmetic3A_327 = arith.constant 24 : i32
        %shift_right_arithmetic3A_328 = vector.broadcast %shift_right_arithmetic3A_327 : i32 to vector<16xi32>
        %shift_right_arithmetic3A_329 = arith.shrsi %get3A_326, %shift_right_arithmetic3A_328 : vector<16xi32>
        %and3A_330 = arith.constant 255 : i32
        %and3A_331 = vector.broadcast %and3A_330 : i32 to vector<16xi32>
        %and3A_332 = arith.andi %shift_right_arithmetic3A_329, %and3A_331 : vector<16xi32>
        %xor3A_333 = arith.constant 128 : i32
        %xor3A_334 = vector.broadcast %xor3A_333 : i32 to vector<16xi32>
        %xor3A_335 = arith.xori %and3A_332, %xor3A_334 : vector<16xi32>
        %eq3A_336 = arith.cmpi eq, %xor3A_335, %broadcast_in_dim3A_147 : vector<16xi32>
        %shift_right_arithmetic3A_337 = arith.constant 16 : i32
        %shift_right_arithmetic3A_338 = vector.broadcast %shift_right_arithmetic3A_337 : i32 to vector<16xi32>
        %shift_right_arithmetic3A_339 = arith.shrsi %get3A_326, %shift_right_arithmetic3A_338 : vector<16xi32>
        %and3A_340 = arith.constant 255 : i32
        %and3A_341 = vector.broadcast %and3A_340 : i32 to vector<16xi32>
        %and3A_342 = arith.andi %shift_right_arithmetic3A_339, %and3A_341 : vector<16xi32>
        tpu.vector_store_idx %arg8[%and3A_342], %broadcast_in_dim3A_3 masked %eq3A_336 {add = true} : memref<256xi32, #tpu.memory_space<vmem>>[vector<16xi32>], vector<16xi32>, vector<16xi1>
        %scan3A_343 = arith.constant 2 : i32
        %scan3A_344 = arith.addi %scan3A_302, %scan3A_343 : i32
        %mul3A_345 = arith.constant 16 : i32
        %mul3A_346 = arith.muli %scan3A_344, %mul3A_345 : i32
        %get3A_347 = arith.index_cast %mul3A_346 : i32 to index
        %get3A_348 = tpu.vector_load %arg7[%get3A_347] {strides = array<i32>} : memref<2048xi32, #tpu.memory_space<vmem>>, vector<16xi32>,
        %shift_right_arithmetic3A_349 = arith.constant 24 : i32
        %shift_right_arithmetic3A_350 = vector.broadcast %shift_right_arithmetic3A_349 : i32 to vector<16xi32>
        %shift_right_arithmetic3A_351 = arith.shrsi %get3A_348, %shift_right_arithmetic3A_350 : vector<16xi32>
        %and3A_352 = arith.constant 255 : i32
        %and3A_353 = vector.broadcast %and3A_352 : i32 to vector<16xi32>
        %and3A_354 = arith.andi %shift_right_arithmetic3A_351, %and3A_353 : vector<16xi32>
        %xor3A_355 = arith.constant 128 : i32
        %xor3A_356 = vector.broadcast %xor3A_355 : i32 to vector<16xi32>
        %xor3A_357 = arith.xori %and3A_354, %xor3A_356 : vector<16xi32>
        %eq3A_358 = arith.cmpi eq, %xor3A_357, %broadcast_in_dim3A_147 : vector<16xi32>
        %shift_right_arithmetic3A_359 = arith.constant 16 : i32
        %shift_right_arithmetic3A_360 = vector.broadcast %shift_right_arithmetic3A_359 : i32 to vector<16xi32>
        %shift_right_arithmetic3A_361 = arith.shrsi %get3A_348, %shift_right_arithmetic3A_360 : vector<16xi32>
        %and3A_362 = arith.constant 255 : i32
        %and3A_363 = vector.broadcast %and3A_362 : i32 to vector<16xi32>
        %and3A_364 = arith.andi %shift_right_arithmetic3A_361, %and3A_363 : vector<16xi32>
        tpu.vector_store_idx %arg8[%and3A_364], %broadcast_in_dim3A_3 masked %eq3A_358 {add = true} : memref<256xi32, #tpu.memory_space<vmem>>[vector<16xi32>], vector<16xi32>, vector<16xi1>
        %scan3A_365 = arith.constant 3 : i32
        %scan3A_366 = arith.addi %scan3A_302, %scan3A_365 : i32
        %mul3A_367 = arith.constant 16 : i32
        %mul3A_368 = arith.muli %scan3A_366, %mul3A_367 : i32
        %get3A_369 = arith.index_cast %mul3A_368 : i32 to index
        %get3A_370 = tpu.vector_load %arg7[%get3A_369] {strides = array<i32>} : memref<2048xi32, #tpu.memory_space<vmem>>, vector<16xi32>,
        %shift_right_arithmetic3A_371 = arith.constant 24 : i32
        %shift_right_arithmetic3A_372 = vector.broadcast %shift_right_arithmetic3A_371 : i32 to vector<16xi32>
        %shift_right_arithmetic3A_373 = arith.shrsi %get3A_370, %shift_right_arithmetic3A_372 : vector<16xi32>
        %and3A_374 = arith.constant 255 : i32
        %and3A_375 = vector.broadcast %and3A_374 : i32 to vector<16xi32>
        %and3A_376 = arith.andi %shift_right_arithmetic3A_373, %and3A_375 : vector<16xi32>
        %xor3A_377 = arith.constant 128 : i32
        %xor3A_378 = vector.broadcast %xor3A_377 : i32 to vector<16xi32>
        %xor3A_379 = arith.xori %and3A_376, %xor3A_378 : vector<16xi32>
        %eq3A_380 = arith.cmpi eq, %xor3A_379, %broadcast_in_dim3A_147 : vector<16xi32>
        %shift_right_arithmetic3A_381 = arith.constant 16 : i32
        %shift_right_arithmetic3A_382 = vector.broadcast %shift_right_arithmetic3A_381 : i32 to vector<16xi32>
        %shift_right_arithmetic3A_383 = arith.shrsi %get3A_370, %shift_right_arithmetic3A_382 : vector<16xi32>
        %and3A_384 = arith.constant 255 : i32
        %and3A_385 = vector.broadcast %and3A_384 : i32 to vector<16xi32>
        %and3A_386 = arith.andi %shift_right_arithmetic3A_383, %and3A_385 : vector<16xi32>
        tpu.vector_store_idx %arg8[%and3A_386], %broadcast_in_dim3A_3 masked %eq3A_380 {add = true} : memref<256xi32, #tpu.memory_space<vmem>>[vector<16xi32>], vector<16xi32>, vector<16xi1>
        %scan3A_387 = arith.constant 4 : i32
        %scan3A_388 = arith.addi %scan3A_302, %scan3A_387 : i32
        %mul3A_389 = arith.constant 16 : i32
        %mul3A_390 = arith.muli %scan3A_388, %mul3A_389 : i32
        %get3A_391 = arith.index_cast %mul3A_390 : i32 to index
        %get3A_392 = tpu.vector_load %arg7[%get3A_391] {strides = array<i32>} : memref<2048xi32, #tpu.memory_space<vmem>>, vector<16xi32>,
        %shift_right_arithmetic3A_393 = arith.constant 24 : i32
        %shift_right_arithmetic3A_394 = vector.broadcast %shift_right_arithmetic3A_393 : i32 to vector<16xi32>
        %shift_right_arithmetic3A_395 = arith.shrsi %get3A_392, %shift_right_arithmetic3A_394 : vector<16xi32>
        %and3A_396 = arith.constant 255 : i32
        %and3A_397 = vector.broadcast %and3A_396 : i32 to vector<16xi32>
        %and3A_398 = arith.andi %shift_right_arithmetic3A_395, %and3A_397 : vector<16xi32>
        %xor3A_399 = arith.constant 128 : i32
        %xor3A_400 = vector.broadcast %xor3A_399 : i32 to vector<16xi32>
        %xor3A_401 = arith.xori %and3A_398, %xor3A_400 : vector<16xi32>
        %eq3A_402 = arith.cmpi eq, %xor3A_401, %broadcast_in_dim3A_147 : vector<16xi32>
        %shift_right_arithmetic3A_403 = arith.constant 16 : i32
        %shift_right_arithmetic3A_404 = vector.broadcast %shift_right_arithmetic3A_403 : i32 to vector<16xi32>
        %shift_right_arithmetic3A_405 = arith.shrsi %get3A_392, %shift_right_arithmetic3A_404 : vector<16xi32>
        %and3A_406 = arith.constant 255 : i32
        %and3A_407 = vector.broadcast %and3A_406 : i32 to vector<16xi32>
        %and3A_408 = arith.andi %shift_right_arithmetic3A_405, %and3A_407 : vector<16xi32>
        tpu.vector_store_idx %arg8[%and3A_408], %broadcast_in_dim3A_3 masked %eq3A_402 {add = true} : memref<256xi32, #tpu.memory_space<vmem>>[vector<16xi32>], vector<16xi32>, vector<16xi1>
        %scan3A_409 = arith.constant 5 : i32
        %scan3A_410 = arith.addi %scan3A_302, %scan3A_409 : i32
        %mul3A_411 = arith.constant 16 : i32
        %mul3A_412 = arith.muli %scan3A_410, %mul3A_411 : i32
        %get3A_413 = arith.index_cast %mul3A_412 : i32 to index
        %get3A_414 = tpu.vector_load %arg7[%get3A_413] {strides = array<i32>} : memref<2048xi32, #tpu.memory_space<vmem>>, vector<16xi32>,
        %shift_right_arithmetic3A_415 = arith.constant 24 : i32
        %shift_right_arithmetic3A_416 = vector.broadcast %shift_right_arithmetic3A_415 : i32 to vector<16xi32>
        %shift_right_arithmetic3A_417 = arith.shrsi %get3A_414, %shift_right_arithmetic3A_416 : vector<16xi32>
        %and3A_418 = arith.constant 255 : i32
        %and3A_419 = vector.broadcast %and3A_418 : i32 to vector<16xi32>
        %and3A_420 = arith.andi %shift_right_arithmetic3A_417, %and3A_419 : vector<16xi32>
        %xor3A_421 = arith.constant 128 : i32
        %xor3A_422 = vector.broadcast %xor3A_421 : i32 to vector<16xi32>
        %xor3A_423 = arith.xori %and3A_420, %xor3A_422 : vector<16xi32>
        %eq3A_424 = arith.cmpi eq, %xor3A_423, %broadcast_in_dim3A_147 : vector<16xi32>
        %shift_right_arithmetic3A_425 = arith.constant 16 : i32
        %shift_right_arithmetic3A_426 = vector.broadcast %shift_right_arithmetic3A_425 : i32 to vector<16xi32>
        %shift_right_arithmetic3A_427 = arith.shrsi %get3A_414, %shift_right_arithmetic3A_426 : vector<16xi32>
        %and3A_428 = arith.constant 255 : i32
        %and3A_429 = vector.broadcast %and3A_428 : i32 to vector<16xi32>
        %and3A_430 = arith.andi %shift_right_arithmetic3A_427, %and3A_429 : vector<16xi32>
        tpu.vector_store_idx %arg8[%and3A_430], %broadcast_in_dim3A_3 masked %eq3A_424 {add = true} : memref<256xi32, #tpu.memory_space<vmem>>[vector<16xi32>], vector<16xi32>, vector<16xi1>
        %scan3A_431 = arith.constant 6 : i32
        %scan3A_432 = arith.addi %scan3A_302, %scan3A_431 : i32
        %mul3A_433 = arith.constant 16 : i32
        %mul3A_434 = arith.muli %scan3A_432, %mul3A_433 : i32
        %get3A_435 = arith.index_cast %mul3A_434 : i32 to index
        %get3A_436 = tpu.vector_load %arg7[%get3A_435] {strides = array<i32>} : memref<2048xi32, #tpu.memory_space<vmem>>, vector<16xi32>,
        %shift_right_arithmetic3A_437 = arith.constant 24 : i32
        %shift_right_arithmetic3A_438 = vector.broadcast %shift_right_arithmetic3A_437 : i32 to vector<16xi32>
        %shift_right_arithmetic3A_439 = arith.shrsi %get3A_436, %shift_right_arithmetic3A_438 : vector<16xi32>
        %and3A_440 = arith.constant 255 : i32
        %and3A_441 = vector.broadcast %and3A_440 : i32 to vector<16xi32>
        %and3A_442 = arith.andi %shift_right_arithmetic3A_439, %and3A_441 : vector<16xi32>
        %xor3A_443 = arith.constant 128 : i32
        %xor3A_444 = vector.broadcast %xor3A_443 : i32 to vector<16xi32>
        %xor3A_445 = arith.xori %and3A_442, %xor3A_444 : vector<16xi32>
        %eq3A_446 = arith.cmpi eq, %xor3A_445, %broadcast_in_dim3A_147 : vector<16xi32>
        %shift_right_arithmetic3A_447 = arith.constant 16 : i32
        %shift_right_arithmetic3A_448 = vector.broadcast %shift_right_arithmetic3A_447 : i32 to vector<16xi32>
        %shift_right_arithmetic3A_449 = arith.shrsi %get3A_436, %shift_right_arithmetic3A_448 : vector<16xi32>
        %and3A_450 = arith.constant 255 : i32
        %and3A_451 = vector.broadcast %and3A_450 : i32 to vector<16xi32>
        %and3A_452 = arith.andi %shift_right_arithmetic3A_449, %and3A_451 : vector<16xi32>
        tpu.vector_store_idx %arg8[%and3A_452], %broadcast_in_dim3A_3 masked %eq3A_446 {add = true} : memref<256xi32, #tpu.memory_space<vmem>>[vector<16xi32>], vector<16xi32>, vector<16xi1>
        %scan3A_453 = arith.constant 7 : i32
        %scan3A_454 = arith.addi %scan3A_302, %scan3A_453 : i32
        %mul3A_455 = arith.constant 16 : i32
        %mul3A_456 = arith.muli %scan3A_454, %mul3A_455 : i32
        %get3A_457 = arith.index_cast %mul3A_456 : i32 to index
        %get3A_458 = tpu.vector_load %arg7[%get3A_457] {strides = array<i32>} : memref<2048xi32, #tpu.memory_space<vmem>>, vector<16xi32>,
        %shift_right_arithmetic3A_459 = arith.constant 24 : i32
        %shift_right_arithmetic3A_460 = vector.broadcast %shift_right_arithmetic3A_459 : i32 to vector<16xi32>
        %shift_right_arithmetic3A_461 = arith.shrsi %get3A_458, %shift_right_arithmetic3A_460 : vector<16xi32>
        %and3A_462 = arith.constant 255 : i32
        %and3A_463 = vector.broadcast %and3A_462 : i32 to vector<16xi32>
        %and3A_464 = arith.andi %shift_right_arithmetic3A_461, %and3A_463 : vector<16xi32>
        %xor3A_465 = arith.constant 128 : i32
        %xor3A_466 = vector.broadcast %xor3A_465 : i32 to vector<16xi32>
        %xor3A_467 = arith.xori %and3A_464, %xor3A_466 : vector<16xi32>
        %eq3A_468 = arith.cmpi eq, %xor3A_467, %broadcast_in_dim3A_147 : vector<16xi32>
        %shift_right_arithmetic3A_469 = arith.constant 16 : i32
        %shift_right_arithmetic3A_470 = vector.broadcast %shift_right_arithmetic3A_469 : i32 to vector<16xi32>
        %shift_right_arithmetic3A_471 = arith.shrsi %get3A_458, %shift_right_arithmetic3A_470 : vector<16xi32>
        %and3A_472 = arith.constant 255 : i32
        %and3A_473 = vector.broadcast %and3A_472 : i32 to vector<16xi32>
        %and3A_474 = arith.andi %shift_right_arithmetic3A_471, %and3A_473 : vector<16xi32>
        tpu.vector_store_idx %arg8[%and3A_474], %broadcast_in_dim3A_3 masked %eq3A_468 {add = true} : memref<256xi32, #tpu.memory_space<vmem>>[vector<16xi32>], vector<16xi32>, vector<16xi1>
      }
      %scan3A_161 = arith.constant 128 : i32
      %broadcast_in_dim3A_162 = vector.broadcast %sub3A_149 : i32 to vector<16xi32>
      %scan3A_163 = arith.constant 0 : i32
      %scan3A_164 = arith.constant 0 : i32
      %scan3A_165 = arith.constant 0 : i32
      %scan3A_166 = arith.constant false
      %scan3A_167 = arith.constant 0 : i32
      %scan3A_168 = arith.constant 16 : i32
      %scan3A_169 = arith.addi %scan3A_167, %scan3A_168 : i32
      %scan3A_170 = arith.constant 1 : i32
      %scan3A_171:4 = scf.for %scan3A_302 = %scan3A_167 to %scan3A_169 step %scan3A_170 iter_args(%scan3A_303 = %scan3A_163, %scan3A_304 = %scan3A_164, %scan3A_305 = %scan3A_165, %scan3A_306 = %scan3A_166) -> (i32, i32, i32, i1)  : i32 {
        %sub3A_307 = arith.constant 15 : i32
        %sub3A_308 = arith.subi %sub3A_307, %scan3A_302 : i32
        %mul3A_309 = arith.constant 16 : i32
        %mul3A_310 = arith.muli %sub3A_308, %mul3A_309 : i32
        %get3A = arith.index_cast %mul3A_310 : i32 to index
        %get3A_311 = tpu.vector_load %arg8[%get3A] {strides = array<i32>} : memref<256xi32, #tpu.memory_space<vmem>>, vector<16xi32>,
        %rev3A = arith.constant 15 : i32
        %rev3A_312 = vector.broadcast %rev3A : i32 to vector<16xi32>
        %rev3A_313 = tpu.iota {dimensions = array<i32: 0>} : vector<16xi32>
        %rev3A_314 = arith.subi %rev3A_312, %rev3A_313 : vector<16xi32>
        %rev3A_315 = tpu.dynamic_gather %get3A_311[%rev3A_314] in [0] : vector<16xi32>, vector<16xi32> -> vector<16xi32>
        %broadcast_in_dim3A_316 = arith.constant true
        %broadcast_in_dim3A_317 = vector.broadcast %broadcast_in_dim3A_316 : i1 to vector<16xi1>
        %masked_cumsum3A = tpu.scan <sum>, %rev3A_315 masked %broadcast_in_dim3A_317 : vector<16xi32>, vector<16xi1> -> vector<16xi32>
        %broadcast_in_dim3A_318 = vector.broadcast %scan3A_303 : i32 to vector<16xi32>
        %add3A_319 = arith.addi %masked_cumsum3A, %broadcast_in_dim3A_318 : vector<16xi32>
        %ge3A_320 = arith.cmpi sge, %add3A_319, %broadcast_in_dim3A_162 : vector<16xi32>
        %broadcast_in_dim3A_321 = arith.constant 99 : i32
        %broadcast_in_dim3A_322 = vector.broadcast %broadcast_in_dim3A_321 : i32 to vector<16xi32>
        %select_n3A_323 = arith.select %ge3A_320, %iota3A, %broadcast_in_dim3A_322 : vector<16xi1>, vector<16xi32>
        %reduce_min3A = arith.constant true
        %reduce_min3A_324 = vector.broadcast %reduce_min3A : i1 to vector<16xi1>
        %reduce_min3A_325 = arith.constant -2147483648 : i32
        %reduce_min3A_326 = vector.broadcast %reduce_min3A_325 : i32 to vector<16xi32>
        %reduce_min3A_327 = arith.xori %select_n3A_323, %reduce_min3A_326 : vector<16xi32>
        %reduce_min3A_328 = tpu.scan <min>, %reduce_min3A_327 masked %reduce_min3A_324 : vector<16xi32>, vector<16xi1> -> vector<16xi32>
        %reduce_min3A_329 = arith.xori %reduce_min3A_328, %reduce_min3A_326 : vector<16xi32>
        %reduce_min3A_330 = vector.extract %reduce_min3A_329[15] : i32 from vector<16xi32>
        %lt3A_331 = arith.constant 99 : i32
        %lt3A_332 = arith.cmpi slt, %reduce_min3A_330, %lt3A_331 : i32
        %broadcast_in_dim3A_333 = arith.constant 1073741824 : i32
        %broadcast_in_dim3A_334 = vector.broadcast %broadcast_in_dim3A_333 : i32 to vector<16xi32>
        %select_n3A_335 = arith.select %ge3A_320, %add3A_319, %broadcast_in_dim3A_334 : vector<16xi1>, vector<16xi32>
        %reduce_min3A_336 = arith.constant true
        %reduce_min3A_337 = vector.broadcast %reduce_min3A_336 : i1 to vector<16xi1>
        %reduce_min3A_338 = arith.constant -2147483648 : i32
        %reduce_min3A_339 = vector.broadcast %reduce_min3A_338 : i32 to vector<16xi32>
        %reduce_min3A_340 = arith.xori %select_n3A_335, %reduce_min3A_339 : vector<16xi32>
        %reduce_min3A_341 = tpu.scan <min>, %reduce_min3A_340 masked %reduce_min3A_337 : vector<16xi32>, vector<16xi1> -> vector<16xi32>
        %reduce_min3A_342 = arith.xori %reduce_min3A_341, %reduce_min3A_339 : vector<16xi32>
        %reduce_min3A_343 = vector.extract %reduce_min3A_342[15] : i32 from vector<16xi32>
        %broadcast_in_dim3A_344 = vector.broadcast %reduce_min3A_330 : i32 to vector<16xi32>
        %eq3A = arith.cmpi eq, %broadcast_in_dim3A_344, %iota3A : vector<16xi32>
        %broadcast_in_dim3A_345 = arith.constant 0 : i32
        %broadcast_in_dim3A_346 = vector.broadcast %broadcast_in_dim3A_345 : i32 to vector<16xi32>
        %select_n3A_347 = arith.select %eq3A, %rev3A_315, %broadcast_in_dim3A_346 : vector<16xi1>, vector<16xi32>
        %reduce_sum3A = arith.constant true
        %reduce_sum3A_348 = vector.broadcast %reduce_sum3A : i1 to vector<16xi1>
        %reduce_sum3A_349 = tpu.scan <sum>, %select_n3A_347 masked %reduce_sum3A_348 : vector<16xi32>, vector<16xi1> -> vector<16xi32>
        %reduce_sum3A_350 = vector.extract %reduce_sum3A_349[15] : i32 from vector<16xi32>
        %not3A = arith.constant true
        %not3A_351 = arith.xori %scan3A_306, %not3A : i1
        %and3A_352 = arith.andi %lt3A_332, %not3A_351 : i1
        %mul3A_353 = arith.constant 16 : i32
        %mul3A_354 = arith.muli %sub3A_308, %mul3A_353 : i32
        %add3A_355 = arith.constant 15 : i32
        %add3A_356 = arith.addi %mul3A_354, %add3A_355 : i32
        %sub3A_357 = arith.subi %add3A_356, %reduce_min3A_330 : i32
        %select_n3A_358 = arith.select %and3A_352, %sub3A_357, %scan3A_304 : i32
        %sub3A_359 = arith.subi %reduce_min3A_343, %reduce_sum3A_350 : i32
        %select_n3A_360 = arith.select %and3A_352, %sub3A_359, %scan3A_305 : i32
        %or3A_361 = arith.ori %scan3A_306, %lt3A_332 : i1
        %reduce_sum3A_362 = arith.constant true
        %reduce_sum3A_363 = vector.broadcast %reduce_sum3A_362 : i1 to vector<16xi1>
        %reduce_sum3A_364 = tpu.scan <sum>, %rev3A_315 masked %reduce_sum3A_363 : vector<16xi32>, vector<16xi1> -> vector<16xi32>
        %reduce_sum3A_365 = vector.extract %reduce_sum3A_364[15] : i32 from vector<16xi32>
        %add3A_366 = arith.addi %scan3A_303, %reduce_sum3A_365 : i32
        scf.yield %add3A_366, %select_n3A_358, %select_n3A_360, %or3A_361 : i32, i32, i32, i1
      }
      %scan3A_172 = arith.constant 16 : i32
      %broadcast_in_dim3A_173 = vector.broadcast %scan3A_171#1 : i32 to vector<16xi32>
      %sub3A_174 = arith.subi %sub3A_149, %scan3A_171#2 : i32
      %scan3A_175 = arith.constant 0 : i32
      %scan3A_176 = arith.constant 0 : i32
      %scan3A_177 = arith.constant 16 : i32
      %scan3A_178 = arith.addi %scan3A_176, %scan3A_177 : i32
      %scan3A_179 = arith.constant 4 : i32
      scf.for %scan3A_302 = %scan3A_176 to %scan3A_178 step %scan3A_179  : i32 {
        %mul3A_303 = arith.constant 16 : i32
        %mul3A_304 = arith.muli %scan3A_302, %mul3A_303 : i32
        %swap3A = arith.index_cast %mul3A_304 : i32 to index
        %swap3A_305 = tpu.vector_load %arg8[%swap3A] {strides = array<i32>} : memref<256xi32, #tpu.memory_space<vmem>>, vector<16xi32>,
        tpu.vector_store %arg8[%swap3A], %broadcast_in_dim3A_1 {strides = array<i32>} : memref<256xi32, #tpu.memory_space<vmem>>, vector<16xi32>,
        %scan3A_306 = arith.constant 1 : i32
        %scan3A_307 = arith.addi %scan3A_302, %scan3A_306 : i32
        %mul3A_308 = arith.constant 16 : i32
        %mul3A_309 = arith.muli %scan3A_307, %mul3A_308 : i32
        %swap3A_310 = arith.index_cast %mul3A_309 : i32 to index
        %swap3A_311 = tpu.vector_load %arg8[%swap3A_310] {strides = array<i32>} : memref<256xi32, #tpu.memory_space<vmem>>, vector<16xi32>,
        tpu.vector_store %arg8[%swap3A_310], %broadcast_in_dim3A_1 {strides = array<i32>} : memref<256xi32, #tpu.memory_space<vmem>>, vector<16xi32>,
        %scan3A_312 = arith.constant 2 : i32
        %scan3A_313 = arith.addi %scan3A_302, %scan3A_312 : i32
        %mul3A_314 = arith.constant 16 : i32
        %mul3A_315 = arith.muli %scan3A_313, %mul3A_314 : i32
        %swap3A_316 = arith.index_cast %mul3A_315 : i32 to index
        %swap3A_317 = tpu.vector_load %arg8[%swap3A_316] {strides = array<i32>} : memref<256xi32, #tpu.memory_space<vmem>>, vector<16xi32>,
        tpu.vector_store %arg8[%swap3A_316], %broadcast_in_dim3A_1 {strides = array<i32>} : memref<256xi32, #tpu.memory_space<vmem>>, vector<16xi32>,
        %scan3A_318 = arith.constant 3 : i32
        %scan3A_319 = arith.addi %scan3A_302, %scan3A_318 : i32
        %mul3A_320 = arith.constant 16 : i32
        %mul3A_321 = arith.muli %scan3A_319, %mul3A_320 : i32
        %swap3A_322 = arith.index_cast %mul3A_321 : i32 to index
        %swap3A_323 = tpu.vector_load %arg8[%swap3A_322] {strides = array<i32>} : memref<256xi32, #tpu.memory_space<vmem>>, vector<16xi32>,
        tpu.vector_store %arg8[%swap3A_322], %broadcast_in_dim3A_1 {strides = array<i32>} : memref<256xi32, #tpu.memory_space<vmem>>, vector<16xi32>,
      }
      %scan3A_180 = arith.constant 16 : i32
      %scan3A_181 = arith.constant 0 : i32
      %scan3A_182 = arith.constant 0 : i32
      %scan3A_183 = arith.constant 128 : i32
      %scan3A_184 = arith.addi %scan3A_182, %scan3A_183 : i32
      %scan3A_185 = arith.constant 8 : i32
      scf.for %scan3A_302 = %scan3A_182 to %scan3A_184 step %scan3A_185  : i32 {
        %mul3A_303 = arith.constant 16 : i32
        %mul3A_304 = arith.muli %scan3A_302, %mul3A_303 : i32
        %get3A = arith.index_cast %mul3A_304 : i32 to index
        %get3A_305 = tpu.vector_load %arg7[%get3A] {strides = array<i32>} : memref<2048xi32, #tpu.memory_space<vmem>>, vector<16xi32>,
        %shift_right_arithmetic3A_306 = arith.constant 24 : i32
        %shift_right_arithmetic3A_307 = vector.broadcast %shift_right_arithmetic3A_306 : i32 to vector<16xi32>
        %shift_right_arithmetic3A_308 = arith.shrsi %get3A_305, %shift_right_arithmetic3A_307 : vector<16xi32>
        %and3A_309 = arith.constant 255 : i32
        %and3A_310 = vector.broadcast %and3A_309 : i32 to vector<16xi32>
        %and3A_311 = arith.andi %shift_right_arithmetic3A_308, %and3A_310 : vector<16xi32>
        %xor3A_312 = arith.constant 128 : i32
        %xor3A_313 = vector.broadcast %xor3A_312 : i32 to vector<16xi32>
        %xor3A_314 = arith.xori %and3A_311, %xor3A_313 : vector<16xi32>
        %eq3A = arith.cmpi eq, %xor3A_314, %broadcast_in_dim3A_147 : vector<16xi32>
        %shift_right_arithmetic3A_315 = arith.constant 16 : i32
        %shift_right_arithmetic3A_316 = vector.broadcast %shift_right_arithmetic3A_315 : i32 to vector<16xi32>
        %shift_right_arithmetic3A_317 = arith.shrsi %get3A_305, %shift_right_arithmetic3A_316 : vector<16xi32>
        %and3A_318 = arith.constant 255 : i32
        %and3A_319 = vector.broadcast %and3A_318 : i32 to vector<16xi32>
        %and3A_320 = arith.andi %shift_right_arithmetic3A_317, %and3A_319 : vector<16xi32>
        %eq3A_321 = arith.cmpi eq, %and3A_320, %broadcast_in_dim3A_173 : vector<16xi32>
        %and3A_322 = arith.andi %eq3A, %eq3A_321 : vector<16xi1>
        %shift_right_arithmetic3A_323 = arith.constant 8 : i32
        %shift_right_arithmetic3A_324 = vector.broadcast %shift_right_arithmetic3A_323 : i32 to vector<16xi32>
        %shift_right_arithmetic3A_325 = arith.shrsi %get3A_305, %shift_right_arithmetic3A_324 : vector<16xi32>
        %and3A_326 = arith.constant 255 : i32
        %and3A_327 = vector.broadcast %and3A_326 : i32 to vector<16xi32>
        %and3A_328 = arith.andi %shift_right_arithmetic3A_325, %and3A_327 : vector<16xi32>
        tpu.vector_store_idx %arg8[%and3A_328], %broadcast_in_dim3A_3 masked %and3A_322 {add = true} : memref<256xi32, #tpu.memory_space<vmem>>[vector<16xi32>], vector<16xi32>, vector<16xi1>
        %scan3A_329 = arith.constant 1 : i32
        %scan3A_330 = arith.addi %scan3A_302, %scan3A_329 : i32
        %mul3A_331 = arith.constant 16 : i32
        %mul3A_332 = arith.muli %scan3A_330, %mul3A_331 : i32
        %get3A_333 = arith.index_cast %mul3A_332 : i32 to index
        %get3A_334 = tpu.vector_load %arg7[%get3A_333] {strides = array<i32>} : memref<2048xi32, #tpu.memory_space<vmem>>, vector<16xi32>,
        %shift_right_arithmetic3A_335 = arith.constant 24 : i32
        %shift_right_arithmetic3A_336 = vector.broadcast %shift_right_arithmetic3A_335 : i32 to vector<16xi32>
        %shift_right_arithmetic3A_337 = arith.shrsi %get3A_334, %shift_right_arithmetic3A_336 : vector<16xi32>
        %and3A_338 = arith.constant 255 : i32
        %and3A_339 = vector.broadcast %and3A_338 : i32 to vector<16xi32>
        %and3A_340 = arith.andi %shift_right_arithmetic3A_337, %and3A_339 : vector<16xi32>
        %xor3A_341 = arith.constant 128 : i32
        %xor3A_342 = vector.broadcast %xor3A_341 : i32 to vector<16xi32>
        %xor3A_343 = arith.xori %and3A_340, %xor3A_342 : vector<16xi32>
        %eq3A_344 = arith.cmpi eq, %xor3A_343, %broadcast_in_dim3A_147 : vector<16xi32>
        %shift_right_arithmetic3A_345 = arith.constant 16 : i32
        %shift_right_arithmetic3A_346 = vector.broadcast %shift_right_arithmetic3A_345 : i32 to vector<16xi32>
        %shift_right_arithmetic3A_347 = arith.shrsi %get3A_334, %shift_right_arithmetic3A_346 : vector<16xi32>
        %and3A_348 = arith.constant 255 : i32
        %and3A_349 = vector.broadcast %and3A_348 : i32 to vector<16xi32>
        %and3A_350 = arith.andi %shift_right_arithmetic3A_347, %and3A_349 : vector<16xi32>
        %eq3A_351 = arith.cmpi eq, %and3A_350, %broadcast_in_dim3A_173 : vector<16xi32>
        %and3A_352 = arith.andi %eq3A_344, %eq3A_351 : vector<16xi1>
        %shift_right_arithmetic3A_353 = arith.constant 8 : i32
        %shift_right_arithmetic3A_354 = vector.broadcast %shift_right_arithmetic3A_353 : i32 to vector<16xi32>
        %shift_right_arithmetic3A_355 = arith.shrsi %get3A_334, %shift_right_arithmetic3A_354 : vector<16xi32>
        %and3A_356 = arith.constant 255 : i32
        %and3A_357 = vector.broadcast %and3A_356 : i32 to vector<16xi32>
        %and3A_358 = arith.andi %shift_right_arithmetic3A_355, %and3A_357 : vector<16xi32>
        tpu.vector_store_idx %arg8[%and3A_358], %broadcast_in_dim3A_3 masked %and3A_352 {add = true} : memref<256xi32, #tpu.memory_space<vmem>>[vector<16xi32>], vector<16xi32>, vector<16xi1>
        %scan3A_359 = arith.constant 2 : i32
        %scan3A_360 = arith.addi %scan3A_302, %scan3A_359 : i32
        %mul3A_361 = arith.constant 16 : i32
        %mul3A_362 = arith.muli %scan3A_360, %mul3A_361 : i32
        %get3A_363 = arith.index_cast %mul3A_362 : i32 to index
        %get3A_364 = tpu.vector_load %arg7[%get3A_363] {strides = array<i32>} : memref<2048xi32, #tpu.memory_space<vmem>>, vector<16xi32>,
        %shift_right_arithmetic3A_365 = arith.constant 24 : i32
        %shift_right_arithmetic3A_366 = vector.broadcast %shift_right_arithmetic3A_365 : i32 to vector<16xi32>
        %shift_right_arithmetic3A_367 = arith.shrsi %get3A_364, %shift_right_arithmetic3A_366 : vector<16xi32>
        %and3A_368 = arith.constant 255 : i32
        %and3A_369 = vector.broadcast %and3A_368 : i32 to vector<16xi32>
        %and3A_370 = arith.andi %shift_right_arithmetic3A_367, %and3A_369 : vector<16xi32>
        %xor3A_371 = arith.constant 128 : i32
        %xor3A_372 = vector.broadcast %xor3A_371 : i32 to vector<16xi32>
        %xor3A_373 = arith.xori %and3A_370, %xor3A_372 : vector<16xi32>
        %eq3A_374 = arith.cmpi eq, %xor3A_373, %broadcast_in_dim3A_147 : vector<16xi32>
        %shift_right_arithmetic3A_375 = arith.constant 16 : i32
        %shift_right_arithmetic3A_376 = vector.broadcast %shift_right_arithmetic3A_375 : i32 to vector<16xi32>
        %shift_right_arithmetic3A_377 = arith.shrsi %get3A_364, %shift_right_arithmetic3A_376 : vector<16xi32>
        %and3A_378 = arith.constant 255 : i32
        %and3A_379 = vector.broadcast %and3A_378 : i32 to vector<16xi32>
        %and3A_380 = arith.andi %shift_right_arithmetic3A_377, %and3A_379 : vector<16xi32>
        %eq3A_381 = arith.cmpi eq, %and3A_380, %broadcast_in_dim3A_173 : vector<16xi32>
        %and3A_382 = arith.andi %eq3A_374, %eq3A_381 : vector<16xi1>
        %shift_right_arithmetic3A_383 = arith.constant 8 : i32
        %shift_right_arithmetic3A_384 = vector.broadcast %shift_right_arithmetic3A_383 : i32 to vector<16xi32>
        %shift_right_arithmetic3A_385 = arith.shrsi %get3A_364, %shift_right_arithmetic3A_384 : vector<16xi32>
        %and3A_386 = arith.constant 255 : i32
        %and3A_387 = vector.broadcast %and3A_386 : i32 to vector<16xi32>
        %and3A_388 = arith.andi %shift_right_arithmetic3A_385, %and3A_387 : vector<16xi32>
        tpu.vector_store_idx %arg8[%and3A_388], %broadcast_in_dim3A_3 masked %and3A_382 {add = true} : memref<256xi32, #tpu.memory_space<vmem>>[vector<16xi32>], vector<16xi32>, vector<16xi1>
        %scan3A_389 = arith.constant 3 : i32
        %scan3A_390 = arith.addi %scan3A_302, %scan3A_389 : i32
        %mul3A_391 = arith.constant 16 : i32
        %mul3A_392 = arith.muli %scan3A_390, %mul3A_391 : i32
        %get3A_393 = arith.index_cast %mul3A_392 : i32 to index
        %get3A_394 = tpu.vector_load %arg7[%get3A_393] {strides = array<i32>} : memref<2048xi32, #tpu.memory_space<vmem>>, vector<16xi32>,
        %shift_right_arithmetic3A_395 = arith.constant 24 : i32
        %shift_right_arithmetic3A_396 = vector.broadcast %shift_right_arithmetic3A_395 : i32 to vector<16xi32>
        %shift_right_arithmetic3A_397 = arith.shrsi %get3A_394, %shift_right_arithmetic3A_396 : vector<16xi32>
        %and3A_398 = arith.constant 255 : i32
        %and3A_399 = vector.broadcast %and3A_398 : i32 to vector<16xi32>
        %and3A_400 = arith.andi %shift_right_arithmetic3A_397, %and3A_399 : vector<16xi32>
        %xor3A_401 = arith.constant 128 : i32
        %xor3A_402 = vector.broadcast %xor3A_401 : i32 to vector<16xi32>
        %xor3A_403 = arith.xori %and3A_400, %xor3A_402 : vector<16xi32>
        %eq3A_404 = arith.cmpi eq, %xor3A_403, %broadcast_in_dim3A_147 : vector<16xi32>
        %shift_right_arithmetic3A_405 = arith.constant 16 : i32
        %shift_right_arithmetic3A_406 = vector.broadcast %shift_right_arithmetic3A_405 : i32 to vector<16xi32>
        %shift_right_arithmetic3A_407 = arith.shrsi %get3A_394, %shift_right_arithmetic3A_406 : vector<16xi32>
        %and3A_408 = arith.constant 255 : i32
        %and3A_409 = vector.broadcast %and3A_408 : i32 to vector<16xi32>
        %and3A_410 = arith.andi %shift_right_arithmetic3A_407, %and3A_409 : vector<16xi32>
        %eq3A_411 = arith.cmpi eq, %and3A_410, %broadcast_in_dim3A_173 : vector<16xi32>
        %and3A_412 = arith.andi %eq3A_404, %eq3A_411 : vector<16xi1>
        %shift_right_arithmetic3A_413 = arith.constant 8 : i32
        %shift_right_arithmetic3A_414 = vector.broadcast %shift_right_arithmetic3A_413 : i32 to vector<16xi32>
        %shift_right_arithmetic3A_415 = arith.shrsi %get3A_394, %shift_right_arithmetic3A_414 : vector<16xi32>
        %and3A_416 = arith.constant 255 : i32
        %and3A_417 = vector.broadcast %and3A_416 : i32 to vector<16xi32>
        %and3A_418 = arith.andi %shift_right_arithmetic3A_415, %and3A_417 : vector<16xi32>
        tpu.vector_store_idx %arg8[%and3A_418], %broadcast_in_dim3A_3 masked %and3A_412 {add = true} : memref<256xi32, #tpu.memory_space<vmem>>[vector<16xi32>], vector<16xi32>, vector<16xi1>
        %scan3A_419 = arith.constant 4 : i32
        %scan3A_420 = arith.addi %scan3A_302, %scan3A_419 : i32
        %mul3A_421 = arith.constant 16 : i32
        %mul3A_422 = arith.muli %scan3A_420, %mul3A_421 : i32
        %get3A_423 = arith.index_cast %mul3A_422 : i32 to index
        %get3A_424 = tpu.vector_load %arg7[%get3A_423] {strides = array<i32>} : memref<2048xi32, #tpu.memory_space<vmem>>, vector<16xi32>,
        %shift_right_arithmetic3A_425 = arith.constant 24 : i32
        %shift_right_arithmetic3A_426 = vector.broadcast %shift_right_arithmetic3A_425 : i32 to vector<16xi32>
        %shift_right_arithmetic3A_427 = arith.shrsi %get3A_424, %shift_right_arithmetic3A_426 : vector<16xi32>
        %and3A_428 = arith.constant 255 : i32
        %and3A_429 = vector.broadcast %and3A_428 : i32 to vector<16xi32>
        %and3A_430 = arith.andi %shift_right_arithmetic3A_427, %and3A_429 : vector<16xi32>
        %xor3A_431 = arith.constant 128 : i32
        %xor3A_432 = vector.broadcast %xor3A_431 : i32 to vector<16xi32>
        %xor3A_433 = arith.xori %and3A_430, %xor3A_432 : vector<16xi32>
        %eq3A_434 = arith.cmpi eq, %xor3A_433, %broadcast_in_dim3A_147 : vector<16xi32>
        %shift_right_arithmetic3A_435 = arith.constant 16 : i32
        %shift_right_arithmetic3A_436 = vector.broadcast %shift_right_arithmetic3A_435 : i32 to vector<16xi32>
        %shift_right_arithmetic3A_437 = arith.shrsi %get3A_424, %shift_right_arithmetic3A_436 : vector<16xi32>
        %and3A_438 = arith.constant 255 : i32
        %and3A_439 = vector.broadcast %and3A_438 : i32 to vector<16xi32>
        %and3A_440 = arith.andi %shift_right_arithmetic3A_437, %and3A_439 : vector<16xi32>
        %eq3A_441 = arith.cmpi eq, %and3A_440, %broadcast_in_dim3A_173 : vector<16xi32>
        %and3A_442 = arith.andi %eq3A_434, %eq3A_441 : vector<16xi1>
        %shift_right_arithmetic3A_443 = arith.constant 8 : i32
        %shift_right_arithmetic3A_444 = vector.broadcast %shift_right_arithmetic3A_443 : i32 to vector<16xi32>
        %shift_right_arithmetic3A_445 = arith.shrsi %get3A_424, %shift_right_arithmetic3A_444 : vector<16xi32>
        %and3A_446 = arith.constant 255 : i32
        %and3A_447 = vector.broadcast %and3A_446 : i32 to vector<16xi32>
        %and3A_448 = arith.andi %shift_right_arithmetic3A_445, %and3A_447 : vector<16xi32>
        tpu.vector_store_idx %arg8[%and3A_448], %broadcast_in_dim3A_3 masked %and3A_442 {add = true} : memref<256xi32, #tpu.memory_space<vmem>>[vector<16xi32>], vector<16xi32>, vector<16xi1>
        %scan3A_449 = arith.constant 5 : i32
        %scan3A_450 = arith.addi %scan3A_302, %scan3A_449 : i32
        %mul3A_451 = arith.constant 16 : i32
        %mul3A_452 = arith.muli %scan3A_450, %mul3A_451 : i32
        %get3A_453 = arith.index_cast %mul3A_452 : i32 to index
        %get3A_454 = tpu.vector_load %arg7[%get3A_453] {strides = array<i32>} : memref<2048xi32, #tpu.memory_space<vmem>>, vector<16xi32>,
        %shift_right_arithmetic3A_455 = arith.constant 24 : i32
        %shift_right_arithmetic3A_456 = vector.broadcast %shift_right_arithmetic3A_455 : i32 to vector<16xi32>
        %shift_right_arithmetic3A_457 = arith.shrsi %get3A_454, %shift_right_arithmetic3A_456 : vector<16xi32>
        %and3A_458 = arith.constant 255 : i32
        %and3A_459 = vector.broadcast %and3A_458 : i32 to vector<16xi32>
        %and3A_460 = arith.andi %shift_right_arithmetic3A_457, %and3A_459 : vector<16xi32>
        %xor3A_461 = arith.constant 128 : i32
        %xor3A_462 = vector.broadcast %xor3A_461 : i32 to vector<16xi32>
        %xor3A_463 = arith.xori %and3A_460, %xor3A_462 : vector<16xi32>
        %eq3A_464 = arith.cmpi eq, %xor3A_463, %broadcast_in_dim3A_147 : vector<16xi32>
        %shift_right_arithmetic3A_465 = arith.constant 16 : i32
        %shift_right_arithmetic3A_466 = vector.broadcast %shift_right_arithmetic3A_465 : i32 to vector<16xi32>
        %shift_right_arithmetic3A_467 = arith.shrsi %get3A_454, %shift_right_arithmetic3A_466 : vector<16xi32>
        %and3A_468 = arith.constant 255 : i32
        %and3A_469 = vector.broadcast %and3A_468 : i32 to vector<16xi32>
        %and3A_470 = arith.andi %shift_right_arithmetic3A_467, %and3A_469 : vector<16xi32>
        %eq3A_471 = arith.cmpi eq, %and3A_470, %broadcast_in_dim3A_173 : vector<16xi32>
        %and3A_472 = arith.andi %eq3A_464, %eq3A_471 : vector<16xi1>
        %shift_right_arithmetic3A_473 = arith.constant 8 : i32
        %shift_right_arithmetic3A_474 = vector.broadcast %shift_right_arithmetic3A_473 : i32 to vector<16xi32>
        %shift_right_arithmetic3A_475 = arith.shrsi %get3A_454, %shift_right_arithmetic3A_474 : vector<16xi32>
        %and3A_476 = arith.constant 255 : i32
        %and3A_477 = vector.broadcast %and3A_476 : i32 to vector<16xi32>
        %and3A_478 = arith.andi %shift_right_arithmetic3A_475, %and3A_477 : vector<16xi32>
        tpu.vector_store_idx %arg8[%and3A_478], %broadcast_in_dim3A_3 masked %and3A_472 {add = true} : memref<256xi32, #tpu.memory_space<vmem>>[vector<16xi32>], vector<16xi32>, vector<16xi1>
        %scan3A_479 = arith.constant 6 : i32
        %scan3A_480 = arith.addi %scan3A_302, %scan3A_479 : i32
        %mul3A_481 = arith.constant 16 : i32
        %mul3A_482 = arith.muli %scan3A_480, %mul3A_481 : i32
        %get3A_483 = arith.index_cast %mul3A_482 : i32 to index
        %get3A_484 = tpu.vector_load %arg7[%get3A_483] {strides = array<i32>} : memref<2048xi32, #tpu.memory_space<vmem>>, vector<16xi32>,
        %shift_right_arithmetic3A_485 = arith.constant 24 : i32
        %shift_right_arithmetic3A_486 = vector.broadcast %shift_right_arithmetic3A_485 : i32 to vector<16xi32>
        %shift_right_arithmetic3A_487 = arith.shrsi %get3A_484, %shift_right_arithmetic3A_486 : vector<16xi32>
        %and3A_488 = arith.constant 255 : i32
        %and3A_489 = vector.broadcast %and3A_488 : i32 to vector<16xi32>
        %and3A_490 = arith.andi %shift_right_arithmetic3A_487, %and3A_489 : vector<16xi32>
        %xor3A_491 = arith.constant 128 : i32
        %xor3A_492 = vector.broadcast %xor3A_491 : i32 to vector<16xi32>
        %xor3A_493 = arith.xori %and3A_490, %xor3A_492 : vector<16xi32>
        %eq3A_494 = arith.cmpi eq, %xor3A_493, %broadcast_in_dim3A_147 : vector<16xi32>
        %shift_right_arithmetic3A_495 = arith.constant 16 : i32
        %shift_right_arithmetic3A_496 = vector.broadcast %shift_right_arithmetic3A_495 : i32 to vector<16xi32>
        %shift_right_arithmetic3A_497 = arith.shrsi %get3A_484, %shift_right_arithmetic3A_496 : vector<16xi32>
        %and3A_498 = arith.constant 255 : i32
        %and3A_499 = vector.broadcast %and3A_498 : i32 to vector<16xi32>
        %and3A_500 = arith.andi %shift_right_arithmetic3A_497, %and3A_499 : vector<16xi32>
        %eq3A_501 = arith.cmpi eq, %and3A_500, %broadcast_in_dim3A_173 : vector<16xi32>
        %and3A_502 = arith.andi %eq3A_494, %eq3A_501 : vector<16xi1>
        %shift_right_arithmetic3A_503 = arith.constant 8 : i32
        %shift_right_arithmetic3A_504 = vector.broadcast %shift_right_arithmetic3A_503 : i32 to vector<16xi32>
        %shift_right_arithmetic3A_505 = arith.shrsi %get3A_484, %shift_right_arithmetic3A_504 : vector<16xi32>
        %and3A_506 = arith.constant 255 : i32
        %and3A_507 = vector.broadcast %and3A_506 : i32 to vector<16xi32>
        %and3A_508 = arith.andi %shift_right_arithmetic3A_505, %and3A_507 : vector<16xi32>
        tpu.vector_store_idx %arg8[%and3A_508], %broadcast_in_dim3A_3 masked %and3A_502 {add = true} : memref<256xi32, #tpu.memory_space<vmem>>[vector<16xi32>], vector<16xi32>, vector<16xi1>
        %scan3A_509 = arith.constant 7 : i32
        %scan3A_510 = arith.addi %scan3A_302, %scan3A_509 : i32
        %mul3A_511 = arith.constant 16 : i32
        %mul3A_512 = arith.muli %scan3A_510, %mul3A_511 : i32
        %get3A_513 = arith.index_cast %mul3A_512 : i32 to index
        %get3A_514 = tpu.vector_load %arg7[%get3A_513] {strides = array<i32>} : memref<2048xi32, #tpu.memory_space<vmem>>, vector<16xi32>,
        %shift_right_arithmetic3A_515 = arith.constant 24 : i32
        %shift_right_arithmetic3A_516 = vector.broadcast %shift_right_arithmetic3A_515 : i32 to vector<16xi32>
        %shift_right_arithmetic3A_517 = arith.shrsi %get3A_514, %shift_right_arithmetic3A_516 : vector<16xi32>
        %and3A_518 = arith.constant 255 : i32
        %and3A_519 = vector.broadcast %and3A_518 : i32 to vector<16xi32>
        %and3A_520 = arith.andi %shift_right_arithmetic3A_517, %and3A_519 : vector<16xi32>
        %xor3A_521 = arith.constant 128 : i32
        %xor3A_522 = vector.broadcast %xor3A_521 : i32 to vector<16xi32>
        %xor3A_523 = arith.xori %and3A_520, %xor3A_522 : vector<16xi32>
        %eq3A_524 = arith.cmpi eq, %xor3A_523, %broadcast_in_dim3A_147 : vector<16xi32>
        %shift_right_arithmetic3A_525 = arith.constant 16 : i32
        %shift_right_arithmetic3A_526 = vector.broadcast %shift_right_arithmetic3A_525 : i32 to vector<16xi32>
        %shift_right_arithmetic3A_527 = arith.shrsi %get3A_514, %shift_right_arithmetic3A_526 : vector<16xi32>
        %and3A_528 = arith.constant 255 : i32
        %and3A_529 = vector.broadcast %and3A_528 : i32 to vector<16xi32>
        %and3A_530 = arith.andi %shift_right_arithmetic3A_527, %and3A_529 : vector<16xi32>
        %eq3A_531 = arith.cmpi eq, %and3A_530, %broadcast_in_dim3A_173 : vector<16xi32>
        %and3A_532 = arith.andi %eq3A_524, %eq3A_531 : vector<16xi1>
        %shift_right_arithmetic3A_533 = arith.constant 8 : i32
        %shift_right_arithmetic3A_534 = vector.broadcast %shift_right_arithmetic3A_533 : i32 to vector<16xi32>
        %shift_right_arithmetic3A_535 = arith.shrsi %get3A_514, %shift_right_arithmetic3A_534 : vector<16xi32>
        %and3A_536 = arith.constant 255 : i32
        %and3A_537 = vector.broadcast %and3A_536 : i32 to vector<16xi32>
        %and3A_538 = arith.andi %shift_right_arithmetic3A_535, %and3A_537 : vector<16xi32>
        tpu.vector_store_idx %arg8[%and3A_538], %broadcast_in_dim3A_3 masked %and3A_532 {add = true} : memref<256xi32, #tpu.memory_space<vmem>>[vector<16xi32>], vector<16xi32>, vector<16xi1>
      }
      %scan3A_186 = arith.constant 128 : i32
      %broadcast_in_dim3A_187 = vector.broadcast %sub3A_174 : i32 to vector<16xi32>
      %scan3A_188 = arith.constant 0 : i32
      %scan3A_189 = arith.constant 0 : i32
      %scan3A_190 = arith.constant 0 : i32
      %scan3A_191 = arith.constant false
      %scan3A_192 = arith.constant 0 : i32
      %scan3A_193 = arith.constant 16 : i32
      %scan3A_194 = arith.addi %scan3A_192, %scan3A_193 : i32
      %scan3A_195 = arith.constant 1 : i32
      %scan3A_196:4 = scf.for %scan3A_302 = %scan3A_192 to %scan3A_194 step %scan3A_195 iter_args(%scan3A_303 = %scan3A_188, %scan3A_304 = %scan3A_189, %scan3A_305 = %scan3A_190, %scan3A_306 = %scan3A_191) -> (i32, i32, i32, i1)  : i32 {
        %sub3A_307 = arith.constant 15 : i32
        %sub3A_308 = arith.subi %sub3A_307, %scan3A_302 : i32
        %mul3A_309 = arith.constant 16 : i32
        %mul3A_310 = arith.muli %sub3A_308, %mul3A_309 : i32
        %get3A = arith.index_cast %mul3A_310 : i32 to index
        %get3A_311 = tpu.vector_load %arg8[%get3A] {strides = array<i32>} : memref<256xi32, #tpu.memory_space<vmem>>, vector<16xi32>,
        %rev3A = arith.constant 15 : i32
        %rev3A_312 = vector.broadcast %rev3A : i32 to vector<16xi32>
        %rev3A_313 = tpu.iota {dimensions = array<i32: 0>} : vector<16xi32>
        %rev3A_314 = arith.subi %rev3A_312, %rev3A_313 : vector<16xi32>
        %rev3A_315 = tpu.dynamic_gather %get3A_311[%rev3A_314] in [0] : vector<16xi32>, vector<16xi32> -> vector<16xi32>
        %broadcast_in_dim3A_316 = arith.constant true
        %broadcast_in_dim3A_317 = vector.broadcast %broadcast_in_dim3A_316 : i1 to vector<16xi1>
        %masked_cumsum3A = tpu.scan <sum>, %rev3A_315 masked %broadcast_in_dim3A_317 : vector<16xi32>, vector<16xi1> -> vector<16xi32>
        %broadcast_in_dim3A_318 = vector.broadcast %scan3A_303 : i32 to vector<16xi32>
        %add3A_319 = arith.addi %masked_cumsum3A, %broadcast_in_dim3A_318 : vector<16xi32>
        %ge3A_320 = arith.cmpi sge, %add3A_319, %broadcast_in_dim3A_187 : vector<16xi32>
        %broadcast_in_dim3A_321 = arith.constant 99 : i32
        %broadcast_in_dim3A_322 = vector.broadcast %broadcast_in_dim3A_321 : i32 to vector<16xi32>
        %select_n3A_323 = arith.select %ge3A_320, %iota3A, %broadcast_in_dim3A_322 : vector<16xi1>, vector<16xi32>
        %reduce_min3A = arith.constant true
        %reduce_min3A_324 = vector.broadcast %reduce_min3A : i1 to vector<16xi1>
        %reduce_min3A_325 = arith.constant -2147483648 : i32
        %reduce_min3A_326 = vector.broadcast %reduce_min3A_325 : i32 to vector<16xi32>
        %reduce_min3A_327 = arith.xori %select_n3A_323, %reduce_min3A_326 : vector<16xi32>
        %reduce_min3A_328 = tpu.scan <min>, %reduce_min3A_327 masked %reduce_min3A_324 : vector<16xi32>, vector<16xi1> -> vector<16xi32>
        %reduce_min3A_329 = arith.xori %reduce_min3A_328, %reduce_min3A_326 : vector<16xi32>
        %reduce_min3A_330 = vector.extract %reduce_min3A_329[15] : i32 from vector<16xi32>
        %lt3A_331 = arith.constant 99 : i32
        %lt3A_332 = arith.cmpi slt, %reduce_min3A_330, %lt3A_331 : i32
        %broadcast_in_dim3A_333 = arith.constant 1073741824 : i32
        %broadcast_in_dim3A_334 = vector.broadcast %broadcast_in_dim3A_333 : i32 to vector<16xi32>
        %select_n3A_335 = arith.select %ge3A_320, %add3A_319, %broadcast_in_dim3A_334 : vector<16xi1>, vector<16xi32>
        %reduce_min3A_336 = arith.constant true
        %reduce_min3A_337 = vector.broadcast %reduce_min3A_336 : i1 to vector<16xi1>
        %reduce_min3A_338 = arith.constant -2147483648 : i32
        %reduce_min3A_339 = vector.broadcast %reduce_min3A_338 : i32 to vector<16xi32>
        %reduce_min3A_340 = arith.xori %select_n3A_335, %reduce_min3A_339 : vector<16xi32>
        %reduce_min3A_341 = tpu.scan <min>, %reduce_min3A_340 masked %reduce_min3A_337 : vector<16xi32>, vector<16xi1> -> vector<16xi32>
        %reduce_min3A_342 = arith.xori %reduce_min3A_341, %reduce_min3A_339 : vector<16xi32>
        %reduce_min3A_343 = vector.extract %reduce_min3A_342[15] : i32 from vector<16xi32>
        %broadcast_in_dim3A_344 = vector.broadcast %reduce_min3A_330 : i32 to vector<16xi32>
        %eq3A = arith.cmpi eq, %broadcast_in_dim3A_344, %iota3A : vector<16xi32>
        %broadcast_in_dim3A_345 = arith.constant 0 : i32
        %broadcast_in_dim3A_346 = vector.broadcast %broadcast_in_dim3A_345 : i32 to vector<16xi32>
        %select_n3A_347 = arith.select %eq3A, %rev3A_315, %broadcast_in_dim3A_346 : vector<16xi1>, vector<16xi32>
        %reduce_sum3A = arith.constant true
        %reduce_sum3A_348 = vector.broadcast %reduce_sum3A : i1 to vector<16xi1>
        %reduce_sum3A_349 = tpu.scan <sum>, %select_n3A_347 masked %reduce_sum3A_348 : vector<16xi32>, vector<16xi1> -> vector<16xi32>
        %reduce_sum3A_350 = vector.extract %reduce_sum3A_349[15] : i32 from vector<16xi32>
        %not3A = arith.constant true
        %not3A_351 = arith.xori %scan3A_306, %not3A : i1
        %and3A_352 = arith.andi %lt3A_332, %not3A_351 : i1
        %mul3A_353 = arith.constant 16 : i32
        %mul3A_354 = arith.muli %sub3A_308, %mul3A_353 : i32
        %add3A_355 = arith.constant 15 : i32
        %add3A_356 = arith.addi %mul3A_354, %add3A_355 : i32
        %sub3A_357 = arith.subi %add3A_356, %reduce_min3A_330 : i32
        %select_n3A_358 = arith.select %and3A_352, %sub3A_357, %scan3A_304 : i32
        %sub3A_359 = arith.subi %reduce_min3A_343, %reduce_sum3A_350 : i32
        %select_n3A_360 = arith.select %and3A_352, %sub3A_359, %scan3A_305 : i32
        %or3A_361 = arith.ori %scan3A_306, %lt3A_332 : i1
        %reduce_sum3A_362 = arith.constant true
        %reduce_sum3A_363 = vector.broadcast %reduce_sum3A_362 : i1 to vector<16xi1>
        %reduce_sum3A_364 = tpu.scan <sum>, %rev3A_315 masked %reduce_sum3A_363 : vector<16xi32>, vector<16xi1> -> vector<16xi32>
        %reduce_sum3A_365 = vector.extract %reduce_sum3A_364[15] : i32 from vector<16xi32>
        %add3A_366 = arith.addi %scan3A_303, %reduce_sum3A_365 : i32
        scf.yield %add3A_366, %select_n3A_358, %select_n3A_360, %or3A_361 : i32, i32, i32, i1
      }
      %scan3A_197 = arith.constant 16 : i32
      %broadcast_in_dim3A_198 = vector.broadcast %scan3A_196#1 : i32 to vector<16xi32>
      %sub3A_199 = arith.subi %sub3A_174, %scan3A_196#2 : i32
      %scan3A_200 = arith.constant 0 : i32
      %scan3A_201 = arith.constant 0 : i32
      %scan3A_202 = arith.constant 16 : i32
      %scan3A_203 = arith.addi %scan3A_201, %scan3A_202 : i32
      %scan3A_204 = arith.constant 4 : i32
      scf.for %scan3A_302 = %scan3A_201 to %scan3A_203 step %scan3A_204  : i32 {
        %mul3A_303 = arith.constant 16 : i32
        %mul3A_304 = arith.muli %scan3A_302, %mul3A_303 : i32
        %swap3A = arith.index_cast %mul3A_304 : i32 to index
        %swap3A_305 = tpu.vector_load %arg8[%swap3A] {strides = array<i32>} : memref<256xi32, #tpu.memory_space<vmem>>, vector<16xi32>,
        tpu.vector_store %arg8[%swap3A], %broadcast_in_dim3A_1 {strides = array<i32>} : memref<256xi32, #tpu.memory_space<vmem>>, vector<16xi32>,
        %scan3A_306 = arith.constant 1 : i32
        %scan3A_307 = arith.addi %scan3A_302, %scan3A_306 : i32
        %mul3A_308 = arith.constant 16 : i32
        %mul3A_309 = arith.muli %scan3A_307, %mul3A_308 : i32
        %swap3A_310 = arith.index_cast %mul3A_309 : i32 to index
        %swap3A_311 = tpu.vector_load %arg8[%swap3A_310] {strides = array<i32>} : memref<256xi32, #tpu.memory_space<vmem>>, vector<16xi32>,
        tpu.vector_store %arg8[%swap3A_310], %broadcast_in_dim3A_1 {strides = array<i32>} : memref<256xi32, #tpu.memory_space<vmem>>, vector<16xi32>,
        %scan3A_312 = arith.constant 2 : i32
        %scan3A_313 = arith.addi %scan3A_302, %scan3A_312 : i32
        %mul3A_314 = arith.constant 16 : i32
        %mul3A_315 = arith.muli %scan3A_313, %mul3A_314 : i32
        %swap3A_316 = arith.index_cast %mul3A_315 : i32 to index
        %swap3A_317 = tpu.vector_load %arg8[%swap3A_316] {strides = array<i32>} : memref<256xi32, #tpu.memory_space<vmem>>, vector<16xi32>,
        tpu.vector_store %arg8[%swap3A_316], %broadcast_in_dim3A_1 {strides = array<i32>} : memref<256xi32, #tpu.memory_space<vmem>>, vector<16xi32>,
        %scan3A_318 = arith.constant 3 : i32
        %scan3A_319 = arith.addi %scan3A_302, %scan3A_318 : i32
        %mul3A_320 = arith.constant 16 : i32
        %mul3A_321 = arith.muli %scan3A_319, %mul3A_320 : i32
        %swap3A_322 = arith.index_cast %mul3A_321 : i32 to index
        %swap3A_323 = tpu.vector_load %arg8[%swap3A_322] {strides = array<i32>} : memref<256xi32, #tpu.memory_space<vmem>>, vector<16xi32>,
        tpu.vector_store %arg8[%swap3A_322], %broadcast_in_dim3A_1 {strides = array<i32>} : memref<256xi32, #tpu.memory_space<vmem>>, vector<16xi32>,
      }
      %scan3A_205 = arith.constant 16 : i32
      %scan3A_206 = arith.constant 0 : i32
      %scan3A_207 = arith.constant 0 : i32
      %scan3A_208 = arith.constant 128 : i32
      %scan3A_209 = arith.addi %scan3A_207, %scan3A_208 : i32
      %scan3A_210 = arith.constant 8 : i32
      scf.for %scan3A_302 = %scan3A_207 to %scan3A_209 step %scan3A_210  : i32 {
        %mul3A_303 = arith.constant 16 : i32
        %mul3A_304 = arith.muli %scan3A_302, %mul3A_303 : i32
        %get3A = arith.index_cast %mul3A_304 : i32 to index
        %get3A_305 = tpu.vector_load %arg7[%get3A] {strides = array<i32>} : memref<2048xi32, #tpu.memory_space<vmem>>, vector<16xi32>,
        %shift_right_arithmetic3A_306 = arith.constant 24 : i32
        %shift_right_arithmetic3A_307 = vector.broadcast %shift_right_arithmetic3A_306 : i32 to vector<16xi32>
        %shift_right_arithmetic3A_308 = arith.shrsi %get3A_305, %shift_right_arithmetic3A_307 : vector<16xi32>
        %and3A_309 = arith.constant 255 : i32
        %and3A_310 = vector.broadcast %and3A_309 : i32 to vector<16xi32>
        %and3A_311 = arith.andi %shift_right_arithmetic3A_308, %and3A_310 : vector<16xi32>
        %xor3A_312 = arith.constant 128 : i32
        %xor3A_313 = vector.broadcast %xor3A_312 : i32 to vector<16xi32>
        %xor3A_314 = arith.xori %and3A_311, %xor3A_313 : vector<16xi32>
        %eq3A = arith.cmpi eq, %xor3A_314, %broadcast_in_dim3A_147 : vector<16xi32>
        %shift_right_arithmetic3A_315 = arith.constant 16 : i32
        %shift_right_arithmetic3A_316 = vector.broadcast %shift_right_arithmetic3A_315 : i32 to vector<16xi32>
        %shift_right_arithmetic3A_317 = arith.shrsi %get3A_305, %shift_right_arithmetic3A_316 : vector<16xi32>
        %and3A_318 = arith.constant 255 : i32
        %and3A_319 = vector.broadcast %and3A_318 : i32 to vector<16xi32>
        %and3A_320 = arith.andi %shift_right_arithmetic3A_317, %and3A_319 : vector<16xi32>
        %eq3A_321 = arith.cmpi eq, %and3A_320, %broadcast_in_dim3A_173 : vector<16xi32>
        %and3A_322 = arith.andi %eq3A, %eq3A_321 : vector<16xi1>
        %shift_right_arithmetic3A_323 = arith.constant 8 : i32
        %shift_right_arithmetic3A_324 = vector.broadcast %shift_right_arithmetic3A_323 : i32 to vector<16xi32>
        %shift_right_arithmetic3A_325 = arith.shrsi %get3A_305, %shift_right_arithmetic3A_324 : vector<16xi32>
        %and3A_326 = arith.constant 255 : i32
        %and3A_327 = vector.broadcast %and3A_326 : i32 to vector<16xi32>
        %and3A_328 = arith.andi %shift_right_arithmetic3A_325, %and3A_327 : vector<16xi32>
        %eq3A_329 = arith.cmpi eq, %and3A_328, %broadcast_in_dim3A_198 : vector<16xi32>
        %and3A_330 = arith.andi %and3A_322, %eq3A_329 : vector<16xi1>
        %shift_right_arithmetic3A_331 = arith.constant 0 : i32
        %shift_right_arithmetic3A_332 = vector.broadcast %shift_right_arithmetic3A_331 : i32 to vector<16xi32>
        %shift_right_arithmetic3A_333 = arith.shrsi %get3A_305, %shift_right_arithmetic3A_332 : vector<16xi32>
        %and3A_334 = arith.constant 255 : i32
        %and3A_335 = vector.broadcast %and3A_334 : i32 to vector<16xi32>
        %and3A_336 = arith.andi %shift_right_arithmetic3A_333, %and3A_335 : vector<16xi32>
        tpu.vector_store_idx %arg8[%and3A_336], %broadcast_in_dim3A_3 masked %and3A_330 {add = true} : memref<256xi32, #tpu.memory_space<vmem>>[vector<16xi32>], vector<16xi32>, vector<16xi1>
        %scan3A_337 = arith.constant 1 : i32
        %scan3A_338 = arith.addi %scan3A_302, %scan3A_337 : i32
        %mul3A_339 = arith.constant 16 : i32
        %mul3A_340 = arith.muli %scan3A_338, %mul3A_339 : i32
        %get3A_341 = arith.index_cast %mul3A_340 : i32 to index
        %get3A_342 = tpu.vector_load %arg7[%get3A_341] {strides = array<i32>} : memref<2048xi32, #tpu.memory_space<vmem>>, vector<16xi32>,
        %shift_right_arithmetic3A_343 = arith.constant 24 : i32
        %shift_right_arithmetic3A_344 = vector.broadcast %shift_right_arithmetic3A_343 : i32 to vector<16xi32>
        %shift_right_arithmetic3A_345 = arith.shrsi %get3A_342, %shift_right_arithmetic3A_344 : vector<16xi32>
        %and3A_346 = arith.constant 255 : i32
        %and3A_347 = vector.broadcast %and3A_346 : i32 to vector<16xi32>
        %and3A_348 = arith.andi %shift_right_arithmetic3A_345, %and3A_347 : vector<16xi32>
        %xor3A_349 = arith.constant 128 : i32
        %xor3A_350 = vector.broadcast %xor3A_349 : i32 to vector<16xi32>
        %xor3A_351 = arith.xori %and3A_348, %xor3A_350 : vector<16xi32>
        %eq3A_352 = arith.cmpi eq, %xor3A_351, %broadcast_in_dim3A_147 : vector<16xi32>
        %shift_right_arithmetic3A_353 = arith.constant 16 : i32
        %shift_right_arithmetic3A_354 = vector.broadcast %shift_right_arithmetic3A_353 : i32 to vector<16xi32>
        %shift_right_arithmetic3A_355 = arith.shrsi %get3A_342, %shift_right_arithmetic3A_354 : vector<16xi32>
        %and3A_356 = arith.constant 255 : i32
        %and3A_357 = vector.broadcast %and3A_356 : i32 to vector<16xi32>
        %and3A_358 = arith.andi %shift_right_arithmetic3A_355, %and3A_357 : vector<16xi32>
        %eq3A_359 = arith.cmpi eq, %and3A_358, %broadcast_in_dim3A_173 : vector<16xi32>
        %and3A_360 = arith.andi %eq3A_352, %eq3A_359 : vector<16xi1>
        %shift_right_arithmetic3A_361 = arith.constant 8 : i32
        %shift_right_arithmetic3A_362 = vector.broadcast %shift_right_arithmetic3A_361 : i32 to vector<16xi32>
        %shift_right_arithmetic3A_363 = arith.shrsi %get3A_342, %shift_right_arithmetic3A_362 : vector<16xi32>
        %and3A_364 = arith.constant 255 : i32
        %and3A_365 = vector.broadcast %and3A_364 : i32 to vector<16xi32>
        %and3A_366 = arith.andi %shift_right_arithmetic3A_363, %and3A_365 : vector<16xi32>
        %eq3A_367 = arith.cmpi eq, %and3A_366, %broadcast_in_dim3A_198 : vector<16xi32>
        %and3A_368 = arith.andi %and3A_360, %eq3A_367 : vector<16xi1>
        %shift_right_arithmetic3A_369 = arith.constant 0 : i32
        %shift_right_arithmetic3A_370 = vector.broadcast %shift_right_arithmetic3A_369 : i32 to vector<16xi32>
        %shift_right_arithmetic3A_371 = arith.shrsi %get3A_342, %shift_right_arithmetic3A_370 : vector<16xi32>
        %and3A_372 = arith.constant 255 : i32
        %and3A_373 = vector.broadcast %and3A_372 : i32 to vector<16xi32>
        %and3A_374 = arith.andi %shift_right_arithmetic3A_371, %and3A_373 : vector<16xi32>
        tpu.vector_store_idx %arg8[%and3A_374], %broadcast_in_dim3A_3 masked %and3A_368 {add = true} : memref<256xi32, #tpu.memory_space<vmem>>[vector<16xi32>], vector<16xi32>, vector<16xi1>
        %scan3A_375 = arith.constant 2 : i32
        %scan3A_376 = arith.addi %scan3A_302, %scan3A_375 : i32
        %mul3A_377 = arith.constant 16 : i32
        %mul3A_378 = arith.muli %scan3A_376, %mul3A_377 : i32
        %get3A_379 = arith.index_cast %mul3A_378 : i32 to index
        %get3A_380 = tpu.vector_load %arg7[%get3A_379] {strides = array<i32>} : memref<2048xi32, #tpu.memory_space<vmem>>, vector<16xi32>,
        %shift_right_arithmetic3A_381 = arith.constant 24 : i32
        %shift_right_arithmetic3A_382 = vector.broadcast %shift_right_arithmetic3A_381 : i32 to vector<16xi32>
        %shift_right_arithmetic3A_383 = arith.shrsi %get3A_380, %shift_right_arithmetic3A_382 : vector<16xi32>
        %and3A_384 = arith.constant 255 : i32
        %and3A_385 = vector.broadcast %and3A_384 : i32 to vector<16xi32>
        %and3A_386 = arith.andi %shift_right_arithmetic3A_383, %and3A_385 : vector<16xi32>
        %xor3A_387 = arith.constant 128 : i32
        %xor3A_388 = vector.broadcast %xor3A_387 : i32 to vector<16xi32>
        %xor3A_389 = arith.xori %and3A_386, %xor3A_388 : vector<16xi32>
        %eq3A_390 = arith.cmpi eq, %xor3A_389, %broadcast_in_dim3A_147 : vector<16xi32>
        %shift_right_arithmetic3A_391 = arith.constant 16 : i32
        %shift_right_arithmetic3A_392 = vector.broadcast %shift_right_arithmetic3A_391 : i32 to vector<16xi32>
        %shift_right_arithmetic3A_393 = arith.shrsi %get3A_380, %shift_right_arithmetic3A_392 : vector<16xi32>
        %and3A_394 = arith.constant 255 : i32
        %and3A_395 = vector.broadcast %and3A_394 : i32 to vector<16xi32>
        %and3A_396 = arith.andi %shift_right_arithmetic3A_393, %and3A_395 : vector<16xi32>
        %eq3A_397 = arith.cmpi eq, %and3A_396, %broadcast_in_dim3A_173 : vector<16xi32>
        %and3A_398 = arith.andi %eq3A_390, %eq3A_397 : vector<16xi1>
        %shift_right_arithmetic3A_399 = arith.constant 8 : i32
        %shift_right_arithmetic3A_400 = vector.broadcast %shift_right_arithmetic3A_399 : i32 to vector<16xi32>
        %shift_right_arithmetic3A_401 = arith.shrsi %get3A_380, %shift_right_arithmetic3A_400 : vector<16xi32>
        %and3A_402 = arith.constant 255 : i32
        %and3A_403 = vector.broadcast %and3A_402 : i32 to vector<16xi32>
        %and3A_404 = arith.andi %shift_right_arithmetic3A_401, %and3A_403 : vector<16xi32>
        %eq3A_405 = arith.cmpi eq, %and3A_404, %broadcast_in_dim3A_198 : vector<16xi32>
        %and3A_406 = arith.andi %and3A_398, %eq3A_405 : vector<16xi1>
        %shift_right_arithmetic3A_407 = arith.constant 0 : i32
        %shift_right_arithmetic3A_408 = vector.broadcast %shift_right_arithmetic3A_407 : i32 to vector<16xi32>
        %shift_right_arithmetic3A_409 = arith.shrsi %get3A_380, %shift_right_arithmetic3A_408 : vector<16xi32>
        %and3A_410 = arith.constant 255 : i32
        %and3A_411 = vector.broadcast %and3A_410 : i32 to vector<16xi32>
        %and3A_412 = arith.andi %shift_right_arithmetic3A_409, %and3A_411 : vector<16xi32>
        tpu.vector_store_idx %arg8[%and3A_412], %broadcast_in_dim3A_3 masked %and3A_406 {add = true} : memref<256xi32, #tpu.memory_space<vmem>>[vector<16xi32>], vector<16xi32>, vector<16xi1>
        %scan3A_413 = arith.constant 3 : i32
        %scan3A_414 = arith.addi %scan3A_302, %scan3A_413 : i32
        %mul3A_415 = arith.constant 16 : i32
        %mul3A_416 = arith.muli %scan3A_414, %mul3A_415 : i32
        %get3A_417 = arith.index_cast %mul3A_416 : i32 to index
        %get3A_418 = tpu.vector_load %arg7[%get3A_417] {strides = array<i32>} : memref<2048xi32, #tpu.memory_space<vmem>>, vector<16xi32>,
        %shift_right_arithmetic3A_419 = arith.constant 24 : i32
        %shift_right_arithmetic3A_420 = vector.broadcast %shift_right_arithmetic3A_419 : i32 to vector<16xi32>
        %shift_right_arithmetic3A_421 = arith.shrsi %get3A_418, %shift_right_arithmetic3A_420 : vector<16xi32>
        %and3A_422 = arith.constant 255 : i32
        %and3A_423 = vector.broadcast %and3A_422 : i32 to vector<16xi32>
        %and3A_424 = arith.andi %shift_right_arithmetic3A_421, %and3A_423 : vector<16xi32>
        %xor3A_425 = arith.constant 128 : i32
        %xor3A_426 = vector.broadcast %xor3A_425 : i32 to vector<16xi32>
        %xor3A_427 = arith.xori %and3A_424, %xor3A_426 : vector<16xi32>
        %eq3A_428 = arith.cmpi eq, %xor3A_427, %broadcast_in_dim3A_147 : vector<16xi32>
        %shift_right_arithmetic3A_429 = arith.constant 16 : i32
        %shift_right_arithmetic3A_430 = vector.broadcast %shift_right_arithmetic3A_429 : i32 to vector<16xi32>
        %shift_right_arithmetic3A_431 = arith.shrsi %get3A_418, %shift_right_arithmetic3A_430 : vector<16xi32>
        %and3A_432 = arith.constant 255 : i32
        %and3A_433 = vector.broadcast %and3A_432 : i32 to vector<16xi32>
        %and3A_434 = arith.andi %shift_right_arithmetic3A_431, %and3A_433 : vector<16xi32>
        %eq3A_435 = arith.cmpi eq, %and3A_434, %broadcast_in_dim3A_173 : vector<16xi32>
        %and3A_436 = arith.andi %eq3A_428, %eq3A_435 : vector<16xi1>
        %shift_right_arithmetic3A_437 = arith.constant 8 : i32
        %shift_right_arithmetic3A_438 = vector.broadcast %shift_right_arithmetic3A_437 : i32 to vector<16xi32>
        %shift_right_arithmetic3A_439 = arith.shrsi %get3A_418, %shift_right_arithmetic3A_438 : vector<16xi32>
        %and3A_440 = arith.constant 255 : i32
        %and3A_441 = vector.broadcast %and3A_440 : i32 to vector<16xi32>
        %and3A_442 = arith.andi %shift_right_arithmetic3A_439, %and3A_441 : vector<16xi32>
        %eq3A_443 = arith.cmpi eq, %and3A_442, %broadcast_in_dim3A_198 : vector<16xi32>
        %and3A_444 = arith.andi %and3A_436, %eq3A_443 : vector<16xi1>
        %shift_right_arithmetic3A_445 = arith.constant 0 : i32
        %shift_right_arithmetic3A_446 = vector.broadcast %shift_right_arithmetic3A_445 : i32 to vector<16xi32>
        %shift_right_arithmetic3A_447 = arith.shrsi %get3A_418, %shift_right_arithmetic3A_446 : vector<16xi32>
        %and3A_448 = arith.constant 255 : i32
        %and3A_449 = vector.broadcast %and3A_448 : i32 to vector<16xi32>
        %and3A_450 = arith.andi %shift_right_arithmetic3A_447, %and3A_449 : vector<16xi32>
        tpu.vector_store_idx %arg8[%and3A_450], %broadcast_in_dim3A_3 masked %and3A_444 {add = true} : memref<256xi32, #tpu.memory_space<vmem>>[vector<16xi32>], vector<16xi32>, vector<16xi1>
        %scan3A_451 = arith.constant 4 : i32
        %scan3A_452 = arith.addi %scan3A_302, %scan3A_451 : i32
        %mul3A_453 = arith.constant 16 : i32
        %mul3A_454 = arith.muli %scan3A_452, %mul3A_453 : i32
        %get3A_455 = arith.index_cast %mul3A_454 : i32 to index
        %get3A_456 = tpu.vector_load %arg7[%get3A_455] {strides = array<i32>} : memref<2048xi32, #tpu.memory_space<vmem>>, vector<16xi32>,
        %shift_right_arithmetic3A_457 = arith.constant 24 : i32
        %shift_right_arithmetic3A_458 = vector.broadcast %shift_right_arithmetic3A_457 : i32 to vector<16xi32>
        %shift_right_arithmetic3A_459 = arith.shrsi %get3A_456, %shift_right_arithmetic3A_458 : vector<16xi32>
        %and3A_460 = arith.constant 255 : i32
        %and3A_461 = vector.broadcast %and3A_460 : i32 to vector<16xi32>
        %and3A_462 = arith.andi %shift_right_arithmetic3A_459, %and3A_461 : vector<16xi32>
        %xor3A_463 = arith.constant 128 : i32
        %xor3A_464 = vector.broadcast %xor3A_463 : i32 to vector<16xi32>
        %xor3A_465 = arith.xori %and3A_462, %xor3A_464 : vector<16xi32>
        %eq3A_466 = arith.cmpi eq, %xor3A_465, %broadcast_in_dim3A_147 : vector<16xi32>
        %shift_right_arithmetic3A_467 = arith.constant 16 : i32
        %shift_right_arithmetic3A_468 = vector.broadcast %shift_right_arithmetic3A_467 : i32 to vector<16xi32>
        %shift_right_arithmetic3A_469 = arith.shrsi %get3A_456, %shift_right_arithmetic3A_468 : vector<16xi32>
        %and3A_470 = arith.constant 255 : i32
        %and3A_471 = vector.broadcast %and3A_470 : i32 to vector<16xi32>
        %and3A_472 = arith.andi %shift_right_arithmetic3A_469, %and3A_471 : vector<16xi32>
        %eq3A_473 = arith.cmpi eq, %and3A_472, %broadcast_in_dim3A_173 : vector<16xi32>
        %and3A_474 = arith.andi %eq3A_466, %eq3A_473 : vector<16xi1>
        %shift_right_arithmetic3A_475 = arith.constant 8 : i32
        %shift_right_arithmetic3A_476 = vector.broadcast %shift_right_arithmetic3A_475 : i32 to vector<16xi32>
        %shift_right_arithmetic3A_477 = arith.shrsi %get3A_456, %shift_right_arithmetic3A_476 : vector<16xi32>
        %and3A_478 = arith.constant 255 : i32
        %and3A_479 = vector.broadcast %and3A_478 : i32 to vector<16xi32>
        %and3A_480 = arith.andi %shift_right_arithmetic3A_477, %and3A_479 : vector<16xi32>
        %eq3A_481 = arith.cmpi eq, %and3A_480, %broadcast_in_dim3A_198 : vector<16xi32>
        %and3A_482 = arith.andi %and3A_474, %eq3A_481 : vector<16xi1>
        %shift_right_arithmetic3A_483 = arith.constant 0 : i32
        %shift_right_arithmetic3A_484 = vector.broadcast %shift_right_arithmetic3A_483 : i32 to vector<16xi32>
        %shift_right_arithmetic3A_485 = arith.shrsi %get3A_456, %shift_right_arithmetic3A_484 : vector<16xi32>
        %and3A_486 = arith.constant 255 : i32
        %and3A_487 = vector.broadcast %and3A_486 : i32 to vector<16xi32>
        %and3A_488 = arith.andi %shift_right_arithmetic3A_485, %and3A_487 : vector<16xi32>
        tpu.vector_store_idx %arg8[%and3A_488], %broadcast_in_dim3A_3 masked %and3A_482 {add = true} : memref<256xi32, #tpu.memory_space<vmem>>[vector<16xi32>], vector<16xi32>, vector<16xi1>
        %scan3A_489 = arith.constant 5 : i32
        %scan3A_490 = arith.addi %scan3A_302, %scan3A_489 : i32
        %mul3A_491 = arith.constant 16 : i32
        %mul3A_492 = arith.muli %scan3A_490, %mul3A_491 : i32
        %get3A_493 = arith.index_cast %mul3A_492 : i32 to index
        %get3A_494 = tpu.vector_load %arg7[%get3A_493] {strides = array<i32>} : memref<2048xi32, #tpu.memory_space<vmem>>, vector<16xi32>,
        %shift_right_arithmetic3A_495 = arith.constant 24 : i32
        %shift_right_arithmetic3A_496 = vector.broadcast %shift_right_arithmetic3A_495 : i32 to vector<16xi32>
        %shift_right_arithmetic3A_497 = arith.shrsi %get3A_494, %shift_right_arithmetic3A_496 : vector<16xi32>
        %and3A_498 = arith.constant 255 : i32
        %and3A_499 = vector.broadcast %and3A_498 : i32 to vector<16xi32>
        %and3A_500 = arith.andi %shift_right_arithmetic3A_497, %and3A_499 : vector<16xi32>
        %xor3A_501 = arith.constant 128 : i32
        %xor3A_502 = vector.broadcast %xor3A_501 : i32 to vector<16xi32>
        %xor3A_503 = arith.xori %and3A_500, %xor3A_502 : vector<16xi32>
        %eq3A_504 = arith.cmpi eq, %xor3A_503, %broadcast_in_dim3A_147 : vector<16xi32>
        %shift_right_arithmetic3A_505 = arith.constant 16 : i32
        %shift_right_arithmetic3A_506 = vector.broadcast %shift_right_arithmetic3A_505 : i32 to vector<16xi32>
        %shift_right_arithmetic3A_507 = arith.shrsi %get3A_494, %shift_right_arithmetic3A_506 : vector<16xi32>
        %and3A_508 = arith.constant 255 : i32
        %and3A_509 = vector.broadcast %and3A_508 : i32 to vector<16xi32>
        %and3A_510 = arith.andi %shift_right_arithmetic3A_507, %and3A_509 : vector<16xi32>
        %eq3A_511 = arith.cmpi eq, %and3A_510, %broadcast_in_dim3A_173 : vector<16xi32>
        %and3A_512 = arith.andi %eq3A_504, %eq3A_511 : vector<16xi1>
        %shift_right_arithmetic3A_513 = arith.constant 8 : i32
        %shift_right_arithmetic3A_514 = vector.broadcast %shift_right_arithmetic3A_513 : i32 to vector<16xi32>
        %shift_right_arithmetic3A_515 = arith.shrsi %get3A_494, %shift_right_arithmetic3A_514 : vector<16xi32>
        %and3A_516 = arith.constant 255 : i32
        %and3A_517 = vector.broadcast %and3A_516 : i32 to vector<16xi32>
        %and3A_518 = arith.andi %shift_right_arithmetic3A_515, %and3A_517 : vector<16xi32>
        %eq3A_519 = arith.cmpi eq, %and3A_518, %broadcast_in_dim3A_198 : vector<16xi32>
        %and3A_520 = arith.andi %and3A_512, %eq3A_519 : vector<16xi1>
        %shift_right_arithmetic3A_521 = arith.constant 0 : i32
        %shift_right_arithmetic3A_522 = vector.broadcast %shift_right_arithmetic3A_521 : i32 to vector<16xi32>
        %shift_right_arithmetic3A_523 = arith.shrsi %get3A_494, %shift_right_arithmetic3A_522 : vector<16xi32>
        %and3A_524 = arith.constant 255 : i32
        %and3A_525 = vector.broadcast %and3A_524 : i32 to vector<16xi32>
        %and3A_526 = arith.andi %shift_right_arithmetic3A_523, %and3A_525 : vector<16xi32>
        tpu.vector_store_idx %arg8[%and3A_526], %broadcast_in_dim3A_3 masked %and3A_520 {add = true} : memref<256xi32, #tpu.memory_space<vmem>>[vector<16xi32>], vector<16xi32>, vector<16xi1>
        %scan3A_527 = arith.constant 6 : i32
        %scan3A_528 = arith.addi %scan3A_302, %scan3A_527 : i32
        %mul3A_529 = arith.constant 16 : i32
        %mul3A_530 = arith.muli %scan3A_528, %mul3A_529 : i32
        %get3A_531 = arith.index_cast %mul3A_530 : i32 to index
        %get3A_532 = tpu.vector_load %arg7[%get3A_531] {strides = array<i32>} : memref<2048xi32, #tpu.memory_space<vmem>>, vector<16xi32>,
        %shift_right_arithmetic3A_533 = arith.constant 24 : i32
        %shift_right_arithmetic3A_534 = vector.broadcast %shift_right_arithmetic3A_533 : i32 to vector<16xi32>
        %shift_right_arithmetic3A_535 = arith.shrsi %get3A_532, %shift_right_arithmetic3A_534 : vector<16xi32>
        %and3A_536 = arith.constant 255 : i32
        %and3A_537 = vector.broadcast %and3A_536 : i32 to vector<16xi32>
        %and3A_538 = arith.andi %shift_right_arithmetic3A_535, %and3A_537 : vector<16xi32>
        %xor3A_539 = arith.constant 128 : i32
        %xor3A_540 = vector.broadcast %xor3A_539 : i32 to vector<16xi32>
        %xor3A_541 = arith.xori %and3A_538, %xor3A_540 : vector<16xi32>
        %eq3A_542 = arith.cmpi eq, %xor3A_541, %broadcast_in_dim3A_147 : vector<16xi32>
        %shift_right_arithmetic3A_543 = arith.constant 16 : i32
        %shift_right_arithmetic3A_544 = vector.broadcast %shift_right_arithmetic3A_543 : i32 to vector<16xi32>
        %shift_right_arithmetic3A_545 = arith.shrsi %get3A_532, %shift_right_arithmetic3A_544 : vector<16xi32>
        %and3A_546 = arith.constant 255 : i32
        %and3A_547 = vector.broadcast %and3A_546 : i32 to vector<16xi32>
        %and3A_548 = arith.andi %shift_right_arithmetic3A_545, %and3A_547 : vector<16xi32>
        %eq3A_549 = arith.cmpi eq, %and3A_548, %broadcast_in_dim3A_173 : vector<16xi32>
        %and3A_550 = arith.andi %eq3A_542, %eq3A_549 : vector<16xi1>
        %shift_right_arithmetic3A_551 = arith.constant 8 : i32
        %shift_right_arithmetic3A_552 = vector.broadcast %shift_right_arithmetic3A_551 : i32 to vector<16xi32>
        %shift_right_arithmetic3A_553 = arith.shrsi %get3A_532, %shift_right_arithmetic3A_552 : vector<16xi32>
        %and3A_554 = arith.constant 255 : i32
        %and3A_555 = vector.broadcast %and3A_554 : i32 to vector<16xi32>
        %and3A_556 = arith.andi %shift_right_arithmetic3A_553, %and3A_555 : vector<16xi32>
        %eq3A_557 = arith.cmpi eq, %and3A_556, %broadcast_in_dim3A_198 : vector<16xi32>
        %and3A_558 = arith.andi %and3A_550, %eq3A_557 : vector<16xi1>
        %shift_right_arithmetic3A_559 = arith.constant 0 : i32
        %shift_right_arithmetic3A_560 = vector.broadcast %shift_right_arithmetic3A_559 : i32 to vector<16xi32>
        %shift_right_arithmetic3A_561 = arith.shrsi %get3A_532, %shift_right_arithmetic3A_560 : vector<16xi32>
        %and3A_562 = arith.constant 255 : i32
        %and3A_563 = vector.broadcast %and3A_562 : i32 to vector<16xi32>
        %and3A_564 = arith.andi %shift_right_arithmetic3A_561, %and3A_563 : vector<16xi32>
        tpu.vector_store_idx %arg8[%and3A_564], %broadcast_in_dim3A_3 masked %and3A_558 {add = true} : memref<256xi32, #tpu.memory_space<vmem>>[vector<16xi32>], vector<16xi32>, vector<16xi1>
        %scan3A_565 = arith.constant 7 : i32
        %scan3A_566 = arith.addi %scan3A_302, %scan3A_565 : i32
        %mul3A_567 = arith.constant 16 : i32
        %mul3A_568 = arith.muli %scan3A_566, %mul3A_567 : i32
        %get3A_569 = arith.index_cast %mul3A_568 : i32 to index
        %get3A_570 = tpu.vector_load %arg7[%get3A_569] {strides = array<i32>} : memref<2048xi32, #tpu.memory_space<vmem>>, vector<16xi32>,
        %shift_right_arithmetic3A_571 = arith.constant 24 : i32
        %shift_right_arithmetic3A_572 = vector.broadcast %shift_right_arithmetic3A_571 : i32 to vector<16xi32>
        %shift_right_arithmetic3A_573 = arith.shrsi %get3A_570, %shift_right_arithmetic3A_572 : vector<16xi32>
        %and3A_574 = arith.constant 255 : i32
        %and3A_575 = vector.broadcast %and3A_574 : i32 to vector<16xi32>
        %and3A_576 = arith.andi %shift_right_arithmetic3A_573, %and3A_575 : vector<16xi32>
        %xor3A_577 = arith.constant 128 : i32
        %xor3A_578 = vector.broadcast %xor3A_577 : i32 to vector<16xi32>
        %xor3A_579 = arith.xori %and3A_576, %xor3A_578 : vector<16xi32>
        %eq3A_580 = arith.cmpi eq, %xor3A_579, %broadcast_in_dim3A_147 : vector<16xi32>
        %shift_right_arithmetic3A_581 = arith.constant 16 : i32
        %shift_right_arithmetic3A_582 = vector.broadcast %shift_right_arithmetic3A_581 : i32 to vector<16xi32>
        %shift_right_arithmetic3A_583 = arith.shrsi %get3A_570, %shift_right_arithmetic3A_582 : vector<16xi32>
        %and3A_584 = arith.constant 255 : i32
        %and3A_585 = vector.broadcast %and3A_584 : i32 to vector<16xi32>
        %and3A_586 = arith.andi %shift_right_arithmetic3A_583, %and3A_585 : vector<16xi32>
        %eq3A_587 = arith.cmpi eq, %and3A_586, %broadcast_in_dim3A_173 : vector<16xi32>
        %and3A_588 = arith.andi %eq3A_580, %eq3A_587 : vector<16xi1>
        %shift_right_arithmetic3A_589 = arith.constant 8 : i32
        %shift_right_arithmetic3A_590 = vector.broadcast %shift_right_arithmetic3A_589 : i32 to vector<16xi32>
        %shift_right_arithmetic3A_591 = arith.shrsi %get3A_570, %shift_right_arithmetic3A_590 : vector<16xi32>
        %and3A_592 = arith.constant 255 : i32
        %and3A_593 = vector.broadcast %and3A_592 : i32 to vector<16xi32>
        %and3A_594 = arith.andi %shift_right_arithmetic3A_591, %and3A_593 : vector<16xi32>
        %eq3A_595 = arith.cmpi eq, %and3A_594, %broadcast_in_dim3A_198 : vector<16xi32>
        %and3A_596 = arith.andi %and3A_588, %eq3A_595 : vector<16xi1>
        %shift_right_arithmetic3A_597 = arith.constant 0 : i32
        %shift_right_arithmetic3A_598 = vector.broadcast %shift_right_arithmetic3A_597 : i32 to vector<16xi32>
        %shift_right_arithmetic3A_599 = arith.shrsi %get3A_570, %shift_right_arithmetic3A_598 : vector<16xi32>
        %and3A_600 = arith.constant 255 : i32
        %and3A_601 = vector.broadcast %and3A_600 : i32 to vector<16xi32>
        %and3A_602 = arith.andi %shift_right_arithmetic3A_599, %and3A_601 : vector<16xi32>
        tpu.vector_store_idx %arg8[%and3A_602], %broadcast_in_dim3A_3 masked %and3A_596 {add = true} : memref<256xi32, #tpu.memory_space<vmem>>[vector<16xi32>], vector<16xi32>, vector<16xi1>
      }
      %scan3A_211 = arith.constant 128 : i32
      %broadcast_in_dim3A_212 = vector.broadcast %sub3A_199 : i32 to vector<16xi32>
      %scan3A_213 = arith.constant 0 : i32
      %scan3A_214 = arith.constant 0 : i32
      %scan3A_215 = arith.constant 0 : i32
      %scan3A_216 = arith.constant false
      %scan3A_217 = arith.constant 0 : i32
      %scan3A_218 = arith.constant 16 : i32
      %scan3A_219 = arith.addi %scan3A_217, %scan3A_218 : i32
      %scan3A_220 = arith.constant 1 : i32
      %scan3A_221:4 = scf.for %scan3A_302 = %scan3A_217 to %scan3A_219 step %scan3A_220 iter_args(%scan3A_303 = %scan3A_213, %scan3A_304 = %scan3A_214, %scan3A_305 = %scan3A_215, %scan3A_306 = %scan3A_216) -> (i32, i32, i32, i1)  : i32 {
        %sub3A_307 = arith.constant 15 : i32
        %sub3A_308 = arith.subi %sub3A_307, %scan3A_302 : i32
        %mul3A_309 = arith.constant 16 : i32
        %mul3A_310 = arith.muli %sub3A_308, %mul3A_309 : i32
        %get3A = arith.index_cast %mul3A_310 : i32 to index
        %get3A_311 = tpu.vector_load %arg8[%get3A] {strides = array<i32>} : memref<256xi32, #tpu.memory_space<vmem>>, vector<16xi32>,
        %rev3A = arith.constant 15 : i32
        %rev3A_312 = vector.broadcast %rev3A : i32 to vector<16xi32>
        %rev3A_313 = tpu.iota {dimensions = array<i32: 0>} : vector<16xi32>
        %rev3A_314 = arith.subi %rev3A_312, %rev3A_313 : vector<16xi32>
        %rev3A_315 = tpu.dynamic_gather %get3A_311[%rev3A_314] in [0] : vector<16xi32>, vector<16xi32> -> vector<16xi32>
        %broadcast_in_dim3A_316 = arith.constant true
        %broadcast_in_dim3A_317 = vector.broadcast %broadcast_in_dim3A_316 : i1 to vector<16xi1>
        %masked_cumsum3A = tpu.scan <sum>, %rev3A_315 masked %broadcast_in_dim3A_317 : vector<16xi32>, vector<16xi1> -> vector<16xi32>
        %broadcast_in_dim3A_318 = vector.broadcast %scan3A_303 : i32 to vector<16xi32>
        %add3A_319 = arith.addi %masked_cumsum3A, %broadcast_in_dim3A_318 : vector<16xi32>
        %ge3A_320 = arith.cmpi sge, %add3A_319, %broadcast_in_dim3A_212 : vector<16xi32>
        %broadcast_in_dim3A_321 = arith.constant 99 : i32
        %broadcast_in_dim3A_322 = vector.broadcast %broadcast_in_dim3A_321 : i32 to vector<16xi32>
        %select_n3A_323 = arith.select %ge3A_320, %iota3A, %broadcast_in_dim3A_322 : vector<16xi1>, vector<16xi32>
        %reduce_min3A = arith.constant true
        %reduce_min3A_324 = vector.broadcast %reduce_min3A : i1 to vector<16xi1>
        %reduce_min3A_325 = arith.constant -2147483648 : i32
        %reduce_min3A_326 = vector.broadcast %reduce_min3A_325 : i32 to vector<16xi32>
        %reduce_min3A_327 = arith.xori %select_n3A_323, %reduce_min3A_326 : vector<16xi32>
        %reduce_min3A_328 = tpu.scan <min>, %reduce_min3A_327 masked %reduce_min3A_324 : vector<16xi32>, vector<16xi1> -> vector<16xi32>
        %reduce_min3A_329 = arith.xori %reduce_min3A_328, %reduce_min3A_326 : vector<16xi32>
        %reduce_min3A_330 = vector.extract %reduce_min3A_329[15] : i32 from vector<16xi32>
        %lt3A_331 = arith.constant 99 : i32
        %lt3A_332 = arith.cmpi slt, %reduce_min3A_330, %lt3A_331 : i32
        %broadcast_in_dim3A_333 = arith.constant 1073741824 : i32
        %broadcast_in_dim3A_334 = vector.broadcast %broadcast_in_dim3A_333 : i32 to vector<16xi32>
        %select_n3A_335 = arith.select %ge3A_320, %add3A_319, %broadcast_in_dim3A_334 : vector<16xi1>, vector<16xi32>
        %reduce_min3A_336 = arith.constant true
        %reduce_min3A_337 = vector.broadcast %reduce_min3A_336 : i1 to vector<16xi1>
        %reduce_min3A_338 = arith.constant -2147483648 : i32
        %reduce_min3A_339 = vector.broadcast %reduce_min3A_338 : i32 to vector<16xi32>
        %reduce_min3A_340 = arith.xori %select_n3A_335, %reduce_min3A_339 : vector<16xi32>
        %reduce_min3A_341 = tpu.scan <min>, %reduce_min3A_340 masked %reduce_min3A_337 : vector<16xi32>, vector<16xi1> -> vector<16xi32>
        %reduce_min3A_342 = arith.xori %reduce_min3A_341, %reduce_min3A_339 : vector<16xi32>
        %reduce_min3A_343 = vector.extract %reduce_min3A_342[15] : i32 from vector<16xi32>
        %broadcast_in_dim3A_344 = vector.broadcast %reduce_min3A_330 : i32 to vector<16xi32>
        %eq3A = arith.cmpi eq, %broadcast_in_dim3A_344, %iota3A : vector<16xi32>
        %broadcast_in_dim3A_345 = arith.constant 0 : i32
        %broadcast_in_dim3A_346 = vector.broadcast %broadcast_in_dim3A_345 : i32 to vector<16xi32>
        %select_n3A_347 = arith.select %eq3A, %rev3A_315, %broadcast_in_dim3A_346 : vector<16xi1>, vector<16xi32>
        %reduce_sum3A = arith.constant true
        %reduce_sum3A_348 = vector.broadcast %reduce_sum3A : i1 to vector<16xi1>
        %reduce_sum3A_349 = tpu.scan <sum>, %select_n3A_347 masked %reduce_sum3A_348 : vector<16xi32>, vector<16xi1> -> vector<16xi32>
        %reduce_sum3A_350 = vector.extract %reduce_sum3A_349[15] : i32 from vector<16xi32>
        %not3A = arith.constant true
        %not3A_351 = arith.xori %scan3A_306, %not3A : i1
        %and3A_352 = arith.andi %lt3A_332, %not3A_351 : i1
        %mul3A_353 = arith.constant 16 : i32
        %mul3A_354 = arith.muli %sub3A_308, %mul3A_353 : i32
        %add3A_355 = arith.constant 15 : i32
        %add3A_356 = arith.addi %mul3A_354, %add3A_355 : i32
        %sub3A_357 = arith.subi %add3A_356, %reduce_min3A_330 : i32
        %select_n3A_358 = arith.select %and3A_352, %sub3A_357, %scan3A_304 : i32
        %sub3A_359 = arith.subi %reduce_min3A_343, %reduce_sum3A_350 : i32
        %select_n3A_360 = arith.select %and3A_352, %sub3A_359, %scan3A_305 : i32
        %or3A_361 = arith.ori %scan3A_306, %lt3A_332 : i1
        %reduce_sum3A_362 = arith.constant true
        %reduce_sum3A_363 = vector.broadcast %reduce_sum3A_362 : i1 to vector<16xi1>
        %reduce_sum3A_364 = tpu.scan <sum>, %rev3A_315 masked %reduce_sum3A_363 : vector<16xi32>, vector<16xi1> -> vector<16xi32>
        %reduce_sum3A_365 = vector.extract %reduce_sum3A_364[15] : i32 from vector<16xi32>
        %add3A_366 = arith.addi %scan3A_303, %reduce_sum3A_365 : i32
        scf.yield %add3A_366, %select_n3A_358, %select_n3A_360, %or3A_361 : i32, i32, i32, i1
      }
      %scan3A_222 = arith.constant 16 : i32
      %broadcast_in_dim3A_223 = vector.broadcast %scan3A_221#1 : i32 to vector<16xi32>
      %sub3A_224 = arith.subi %sub3A_199, %scan3A_221#2 : i32
      %xor3A = arith.constant 128 : i32
      %xor3A_225 = vector.broadcast %xor3A : i32 to vector<16xi32>
      %xor3A_226 = arith.xori %broadcast_in_dim3A_147, %xor3A_225 : vector<16xi32>
      %shift_left3A = arith.constant 24 : i32
      %shift_left3A_227 = vector.broadcast %shift_left3A : i32 to vector<16xi32>
      %shift_left3A_228 = arith.shli %xor3A_226, %shift_left3A_227 : vector<16xi32>
      %shift_left3A_229 = arith.constant 16 : i32
      %shift_left3A_230 = vector.broadcast %shift_left3A_229 : i32 to vector<16xi32>
      %shift_left3A_231 = arith.shli %broadcast_in_dim3A_173, %shift_left3A_230 : vector<16xi32>
      %or3A = arith.ori %shift_left3A_228, %shift_left3A_231 : vector<16xi32>
      %shift_left3A_232 = arith.constant 8 : i32
      %shift_left3A_233 = vector.broadcast %shift_left3A_232 : i32 to vector<16xi32>
      %shift_left3A_234 = arith.shli %broadcast_in_dim3A_198, %shift_left3A_233 : vector<16xi32>
      %or3A_235 = arith.ori %or3A, %shift_left3A_234 : vector<16xi32>
      %or3A_236 = arith.ori %or3A_235, %broadcast_in_dim3A_223 : vector<16xi32>
      %shift_right_arithmetic3A = arith.constant 31 : i32
      %shift_right_arithmetic3A_237 = vector.broadcast %shift_right_arithmetic3A : i32 to vector<16xi32>
      %shift_right_arithmetic3A_238 = arith.shrsi %or3A_236, %shift_right_arithmetic3A_237 : vector<16xi32>
      %and3A_239 = arith.constant 2147483647 : i32
      %and3A_240 = vector.broadcast %and3A_239 : i32 to vector<16xi32>
      %and3A_241 = arith.andi %shift_right_arithmetic3A_238, %and3A_240 : vector<16xi32>
      %xor3A_242 = arith.xori %or3A_236, %and3A_241 : vector<16xi32>
      %bitcast_convert_type3A = tpu.bitcast %xor3A_242 : vector<16xi32> -> vector<16xf32>
      %scan3A_243 = arith.constant 0 : i32
      %scan3A_244 = arith.constant 0 : i32
      %scan3A_245 = arith.constant 128 : i32
      %scan3A_246 = arith.addi %scan3A_244, %scan3A_245 : i32
      %scan3A_247 = arith.constant 8 : i32
      %scan3A_248 = scf.for %scan3A_302 = %scan3A_244 to %scan3A_246 step %scan3A_247 iter_args(%scan3A_303 = %scan3A_243) -> (i32)  : i32 {
        %mul3A_304 = arith.constant 16 : i32
        %mul3A_305 = arith.muli %scan3A_302, %mul3A_304 : i32
        %get3A = arith.index_cast %mul3A_305 : i32 to index
        %get3A_306 = tpu.vector_load %arg7[%get3A] {strides = array<i32>} : memref<2048xi32, #tpu.memory_space<vmem>>, vector<16xi32>,
        %gt3A = arith.cmpi sgt, %get3A_306, %or3A_236 : vector<16xi32>
        %mul3A_307 = arith.constant 16 : i32
        %mul3A_308 = arith.muli %scan3A_302, %mul3A_307 : i32
        %broadcast_in_dim3A_309 = vector.broadcast %mul3A_308 : i32 to vector<16xi32>
        %add3A_310 = arith.addi %iota3A, %broadcast_in_dim3A_309 : vector<16xi32>
        %swap3A = arith.index_cast %scan3A_77 : i32 to index
        %swap3A_311 = arith.index_cast %scan3A_303 : i32 to index
        %swap3A_312 = tpu.vector_load %arg10[%swap3A, %swap3A_311] masked %gt3A {strides = array<i32>} : memref<2x2176xi32, #tpu.memory_space<vmem>>, vector<16xi32>, vector<16xi1>
        tpu.vector_store %arg10[%swap3A, %swap3A_311], %add3A_310 masked %gt3A {strides = array<i32>} : memref<2x2176xi32, #tpu.memory_space<vmem>>, vector<16xi32>, vector<16xi1>
        %mul3A_313 = arith.constant 16 : i32
        %mul3A_314 = arith.muli %scan3A_302, %mul3A_313 : i32
        %get3A_315 = arith.index_cast %scan3A_77 : i32 to index
        %get3A_316 = arith.index_cast %mul3A_314 : i32 to index
        %get3A_317 = tpu.vector_load %arg6[%get3A_315, %get3A_316] {strides = array<i32>} : memref<2x2048xf32, #tpu.memory_space<vmem>>, vector<16xf32>,
        %swap3A_318 = arith.index_cast %scan3A_77 : i32 to index
        %swap3A_319 = arith.index_cast %scan3A_303 : i32 to index
        %swap3A_320 = tpu.vector_load %arg9[%swap3A_318, %swap3A_319] masked %gt3A {strides = array<i32>} : memref<2x2176xf32, #tpu.memory_space<vmem>>, vector<16xf32>, vector<16xi1>
        tpu.vector_store %arg9[%swap3A_318, %swap3A_319], %get3A_317 masked %gt3A {strides = array<i32>} : memref<2x2176xf32, #tpu.memory_space<vmem>>, vector<16xf32>, vector<16xi1>
        %convert_element_type3A_321 = arith.extui %gt3A : vector<16xi1> to vector<16xi32>
        %reduce_sum3A = arith.constant true
        %reduce_sum3A_322 = vector.broadcast %reduce_sum3A : i1 to vector<16xi1>
        %reduce_sum3A_323 = tpu.scan <sum>, %convert_element_type3A_321 masked %reduce_sum3A_322 : vector<16xi32>, vector<16xi1> -> vector<16xi32>
        %reduce_sum3A_324 = vector.extract %reduce_sum3A_323[15] : i32 from vector<16xi32>
        %add3A_325 = arith.addi %scan3A_303, %reduce_sum3A_324 : i32
        %scan3A_326 = arith.constant 1 : i32
        %scan3A_327 = arith.addi %scan3A_302, %scan3A_326 : i32
        %mul3A_328 = arith.constant 16 : i32
        %mul3A_329 = arith.muli %scan3A_327, %mul3A_328 : i32
        %get3A_330 = arith.index_cast %mul3A_329 : i32 to index
        %get3A_331 = tpu.vector_load %arg7[%get3A_330] {strides = array<i32>} : memref<2048xi32, #tpu.memory_space<vmem>>, vector<16xi32>,
        %gt3A_332 = arith.cmpi sgt, %get3A_331, %or3A_236 : vector<16xi32>
        %mul3A_333 = arith.constant 16 : i32
        %mul3A_334 = arith.muli %scan3A_327, %mul3A_333 : i32
        %broadcast_in_dim3A_335 = vector.broadcast %mul3A_334 : i32 to vector<16xi32>
        %add3A_336 = arith.addi %iota3A, %broadcast_in_dim3A_335 : vector<16xi32>
        %swap3A_337 = arith.index_cast %scan3A_77 : i32 to index
        %swap3A_338 = arith.index_cast %add3A_325 : i32 to index
        %swap3A_339 = tpu.vector_load %arg10[%swap3A_337, %swap3A_338] masked %gt3A_332 {strides = array<i32>} : memref<2x2176xi32, #tpu.memory_space<vmem>>, vector<16xi32>, vector<16xi1>
        tpu.vector_store %arg10[%swap3A_337, %swap3A_338], %add3A_336 masked %gt3A_332 {strides = array<i32>} : memref<2x2176xi32, #tpu.memory_space<vmem>>, vector<16xi32>, vector<16xi1>
        %mul3A_340 = arith.constant 16 : i32
        %mul3A_341 = arith.muli %scan3A_327, %mul3A_340 : i32
        %get3A_342 = arith.index_cast %scan3A_77 : i32 to index
        %get3A_343 = arith.index_cast %mul3A_341 : i32 to index
        %get3A_344 = tpu.vector_load %arg6[%get3A_342, %get3A_343] {strides = array<i32>} : memref<2x2048xf32, #tpu.memory_space<vmem>>, vector<16xf32>,
        %swap3A_345 = arith.index_cast %scan3A_77 : i32 to index
        %swap3A_346 = arith.index_cast %add3A_325 : i32 to index
        %swap3A_347 = tpu.vector_load %arg9[%swap3A_345, %swap3A_346] masked %gt3A_332 {strides = array<i32>} : memref<2x2176xf32, #tpu.memory_space<vmem>>, vector<16xf32>, vector<16xi1>
        tpu.vector_store %arg9[%swap3A_345, %swap3A_346], %get3A_344 masked %gt3A_332 {strides = array<i32>} : memref<2x2176xf32, #tpu.memory_space<vmem>>, vector<16xf32>, vector<16xi1>
        %convert_element_type3A_348 = arith.extui %gt3A_332 : vector<16xi1> to vector<16xi32>
        %reduce_sum3A_349 = arith.constant true
        %reduce_sum3A_350 = vector.broadcast %reduce_sum3A_349 : i1 to vector<16xi1>
        %reduce_sum3A_351 = tpu.scan <sum>, %convert_element_type3A_348 masked %reduce_sum3A_350 : vector<16xi32>, vector<16xi1> -> vector<16xi32>
        %reduce_sum3A_352 = vector.extract %reduce_sum3A_351[15] : i32 from vector<16xi32>
        %add3A_353 = arith.addi %add3A_325, %reduce_sum3A_352 : i32
        %scan3A_354 = arith.constant 2 : i32
        %scan3A_355 = arith.addi %scan3A_302, %scan3A_354 : i32
        %mul3A_356 = arith.constant 16 : i32
        %mul3A_357 = arith.muli %scan3A_355, %mul3A_356 : i32
        %get3A_358 = arith.index_cast %mul3A_357 : i32 to index
        %get3A_359 = tpu.vector_load %arg7[%get3A_358] {strides = array<i32>} : memref<2048xi32, #tpu.memory_space<vmem>>, vector<16xi32>,
        %gt3A_360 = arith.cmpi sgt, %get3A_359, %or3A_236 : vector<16xi32>
        %mul3A_361 = arith.constant 16 : i32
        %mul3A_362 = arith.muli %scan3A_355, %mul3A_361 : i32
        %broadcast_in_dim3A_363 = vector.broadcast %mul3A_362 : i32 to vector<16xi32>
        %add3A_364 = arith.addi %iota3A, %broadcast_in_dim3A_363 : vector<16xi32>
        %swap3A_365 = arith.index_cast %scan3A_77 : i32 to index
        %swap3A_366 = arith.index_cast %add3A_353 : i32 to index
        %swap3A_367 = tpu.vector_load %arg10[%swap3A_365, %swap3A_366] masked %gt3A_360 {strides = array<i32>} : memref<2x2176xi32, #tpu.memory_space<vmem>>, vector<16xi32>, vector<16xi1>
        tpu.vector_store %arg10[%swap3A_365, %swap3A_366], %add3A_364 masked %gt3A_360 {strides = array<i32>} : memref<2x2176xi32, #tpu.memory_space<vmem>>, vector<16xi32>, vector<16xi1>
        %mul3A_368 = arith.constant 16 : i32
        %mul3A_369 = arith.muli %scan3A_355, %mul3A_368 : i32
        %get3A_370 = arith.index_cast %scan3A_77 : i32 to index
        %get3A_371 = arith.index_cast %mul3A_369 : i32 to index
        %get3A_372 = tpu.vector_load %arg6[%get3A_370, %get3A_371] {strides = array<i32>} : memref<2x2048xf32, #tpu.memory_space<vmem>>, vector<16xf32>,
        %swap3A_373 = arith.index_cast %scan3A_77 : i32 to index
        %swap3A_374 = arith.index_cast %add3A_353 : i32 to index
        %swap3A_375 = tpu.vector_load %arg9[%swap3A_373, %swap3A_374] masked %gt3A_360 {strides = array<i32>} : memref<2x2176xf32, #tpu.memory_space<vmem>>, vector<16xf32>, vector<16xi1>
        tpu.vector_store %arg9[%swap3A_373, %swap3A_374], %get3A_372 masked %gt3A_360 {strides = array<i32>} : memref<2x2176xf32, #tpu.memory_space<vmem>>, vector<16xf32>, vector<16xi1>
        %convert_element_type3A_376 = arith.extui %gt3A_360 : vector<16xi1> to vector<16xi32>
        %reduce_sum3A_377 = arith.constant true
        %reduce_sum3A_378 = vector.broadcast %reduce_sum3A_377 : i1 to vector<16xi1>
        %reduce_sum3A_379 = tpu.scan <sum>, %convert_element_type3A_376 masked %reduce_sum3A_378 : vector<16xi32>, vector<16xi1> -> vector<16xi32>
        %reduce_sum3A_380 = vector.extract %reduce_sum3A_379[15] : i32 from vector<16xi32>
        %add3A_381 = arith.addi %add3A_353, %reduce_sum3A_380 : i32
        %scan3A_382 = arith.constant 3 : i32
        %scan3A_383 = arith.addi %scan3A_302, %scan3A_382 : i32
        %mul3A_384 = arith.constant 16 : i32
        %mul3A_385 = arith.muli %scan3A_383, %mul3A_384 : i32
        %get3A_386 = arith.index_cast %mul3A_385 : i32 to index
        %get3A_387 = tpu.vector_load %arg7[%get3A_386] {strides = array<i32>} : memref<2048xi32, #tpu.memory_space<vmem>>, vector<16xi32>,
        %gt3A_388 = arith.cmpi sgt, %get3A_387, %or3A_236 : vector<16xi32>
        %mul3A_389 = arith.constant 16 : i32
        %mul3A_390 = arith.muli %scan3A_383, %mul3A_389 : i32
        %broadcast_in_dim3A_391 = vector.broadcast %mul3A_390 : i32 to vector<16xi32>
        %add3A_392 = arith.addi %iota3A, %broadcast_in_dim3A_391 : vector<16xi32>
        %swap3A_393 = arith.index_cast %scan3A_77 : i32 to index
        %swap3A_394 = arith.index_cast %add3A_381 : i32 to index
        %swap3A_395 = tpu.vector_load %arg10[%swap3A_393, %swap3A_394] masked %gt3A_388 {strides = array<i32>} : memref<2x2176xi32, #tpu.memory_space<vmem>>, vector<16xi32>, vector<16xi1>
        tpu.vector_store %arg10[%swap3A_393, %swap3A_394], %add3A_392 masked %gt3A_388 {strides = array<i32>} : memref<2x2176xi32, #tpu.memory_space<vmem>>, vector<16xi32>, vector<16xi1>
        %mul3A_396 = arith.constant 16 : i32
        %mul3A_397 = arith.muli %scan3A_383, %mul3A_396 : i32
        %get3A_398 = arith.index_cast %scan3A_77 : i32 to index
        %get3A_399 = arith.index_cast %mul3A_397 : i32 to index
        %get3A_400 = tpu.vector_load %arg6[%get3A_398, %get3A_399] {strides = array<i32>} : memref<2x2048xf32, #tpu.memory_space<vmem>>, vector<16xf32>,
        %swap3A_401 = arith.index_cast %scan3A_77 : i32 to index
        %swap3A_402 = arith.index_cast %add3A_381 : i32 to index
        %swap3A_403 = tpu.vector_load %arg9[%swap3A_401, %swap3A_402] masked %gt3A_388 {strides = array<i32>} : memref<2x2176xf32, #tpu.memory_space<vmem>>, vector<16xf32>, vector<16xi1>
        tpu.vector_store %arg9[%swap3A_401, %swap3A_402], %get3A_400 masked %gt3A_388 {strides = array<i32>} : memref<2x2176xf32, #tpu.memory_space<vmem>>, vector<16xf32>, vector<16xi1>
        %convert_element_type3A_404 = arith.extui %gt3A_388 : vector<16xi1> to vector<16xi32>
        %reduce_sum3A_405 = arith.constant true
        %reduce_sum3A_406 = vector.broadcast %reduce_sum3A_405 : i1 to vector<16xi1>
        %reduce_sum3A_407 = tpu.scan <sum>, %convert_element_type3A_404 masked %reduce_sum3A_406 : vector<16xi32>, vector<16xi1> -> vector<16xi32>
        %reduce_sum3A_408 = vector.extract %reduce_sum3A_407[15] : i32 from vector<16xi32>
        %add3A_409 = arith.addi %add3A_381, %reduce_sum3A_408 : i32
        %scan3A_410 = arith.constant 4 : i32
        %scan3A_411 = arith.addi %scan3A_302, %scan3A_410 : i32
        %mul3A_412 = arith.constant 16 : i32
        %mul3A_413 = arith.muli %scan3A_411, %mul3A_412 : i32
        %get3A_414 = arith.index_cast %mul3A_413 : i32 to index
        %get3A_415 = tpu.vector_load %arg7[%get3A_414] {strides = array<i32>} : memref<2048xi32, #tpu.memory_space<vmem>>, vector<16xi32>,
        %gt3A_416 = arith.cmpi sgt, %get3A_415, %or3A_236 : vector<16xi32>
        %mul3A_417 = arith.constant 16 : i32
        %mul3A_418 = arith.muli %scan3A_411, %mul3A_417 : i32
        %broadcast_in_dim3A_419 = vector.broadcast %mul3A_418 : i32 to vector<16xi32>
        %add3A_420 = arith.addi %iota3A, %broadcast_in_dim3A_419 : vector<16xi32>
        %swap3A_421 = arith.index_cast %scan3A_77 : i32 to index
        %swap3A_422 = arith.index_cast %add3A_409 : i32 to index
        %swap3A_423 = tpu.vector_load %arg10[%swap3A_421, %swap3A_422] masked %gt3A_416 {strides = array<i32>} : memref<2x2176xi32, #tpu.memory_space<vmem>>, vector<16xi32>, vector<16xi1>
        tpu.vector_store %arg10[%swap3A_421, %swap3A_422], %add3A_420 masked %gt3A_416 {strides = array<i32>} : memref<2x2176xi32, #tpu.memory_space<vmem>>, vector<16xi32>, vector<16xi1>
        %mul3A_424 = arith.constant 16 : i32
        %mul3A_425 = arith.muli %scan3A_411, %mul3A_424 : i32
        %get3A_426 = arith.index_cast %scan3A_77 : i32 to index
        %get3A_427 = arith.index_cast %mul3A_425 : i32 to index
        %get3A_428 = tpu.vector_load %arg6[%get3A_426, %get3A_427] {strides = array<i32>} : memref<2x2048xf32, #tpu.memory_space<vmem>>, vector<16xf32>,
        %swap3A_429 = arith.index_cast %scan3A_77 : i32 to index
        %swap3A_430 = arith.index_cast %add3A_409 : i32 to index
        %swap3A_431 = tpu.vector_load %arg9[%swap3A_429, %swap3A_430] masked %gt3A_416 {strides = array<i32>} : memref<2x2176xf32, #tpu.memory_space<vmem>>, vector<16xf32>, vector<16xi1>
        tpu.vector_store %arg9[%swap3A_429, %swap3A_430], %get3A_428 masked %gt3A_416 {strides = array<i32>} : memref<2x2176xf32, #tpu.memory_space<vmem>>, vector<16xf32>, vector<16xi1>
        %convert_element_type3A_432 = arith.extui %gt3A_416 : vector<16xi1> to vector<16xi32>
        %reduce_sum3A_433 = arith.constant true
        %reduce_sum3A_434 = vector.broadcast %reduce_sum3A_433 : i1 to vector<16xi1>
        %reduce_sum3A_435 = tpu.scan <sum>, %convert_element_type3A_432 masked %reduce_sum3A_434 : vector<16xi32>, vector<16xi1> -> vector<16xi32>
        %reduce_sum3A_436 = vector.extract %reduce_sum3A_435[15] : i32 from vector<16xi32>
        %add3A_437 = arith.addi %add3A_409, %reduce_sum3A_436 : i32
        %scan3A_438 = arith.constant 5 : i32
        %scan3A_439 = arith.addi %scan3A_302, %scan3A_438 : i32
        %mul3A_440 = arith.constant 16 : i32
        %mul3A_441 = arith.muli %scan3A_439, %mul3A_440 : i32
        %get3A_442 = arith.index_cast %mul3A_441 : i32 to index
        %get3A_443 = tpu.vector_load %arg7[%get3A_442] {strides = array<i32>} : memref<2048xi32, #tpu.memory_space<vmem>>, vector<16xi32>,
        %gt3A_444 = arith.cmpi sgt, %get3A_443, %or3A_236 : vector<16xi32>
        %mul3A_445 = arith.constant 16 : i32
        %mul3A_446 = arith.muli %scan3A_439, %mul3A_445 : i32
        %broadcast_in_dim3A_447 = vector.broadcast %mul3A_446 : i32 to vector<16xi32>
        %add3A_448 = arith.addi %iota3A, %broadcast_in_dim3A_447 : vector<16xi32>
        %swap3A_449 = arith.index_cast %scan3A_77 : i32 to index
        %swap3A_450 = arith.index_cast %add3A_437 : i32 to index
        %swap3A_451 = tpu.vector_load %arg10[%swap3A_449, %swap3A_450] masked %gt3A_444 {strides = array<i32>} : memref<2x2176xi32, #tpu.memory_space<vmem>>, vector<16xi32>, vector<16xi1>
        tpu.vector_store %arg10[%swap3A_449, %swap3A_450], %add3A_448 masked %gt3A_444 {strides = array<i32>} : memref<2x2176xi32, #tpu.memory_space<vmem>>, vector<16xi32>, vector<16xi1>
        %mul3A_452 = arith.constant 16 : i32
        %mul3A_453 = arith.muli %scan3A_439, %mul3A_452 : i32
        %get3A_454 = arith.index_cast %scan3A_77 : i32 to index
        %get3A_455 = arith.index_cast %mul3A_453 : i32 to index
        %get3A_456 = tpu.vector_load %arg6[%get3A_454, %get3A_455] {strides = array<i32>} : memref<2x2048xf32, #tpu.memory_space<vmem>>, vector<16xf32>,
        %swap3A_457 = arith.index_cast %scan3A_77 : i32 to index
        %swap3A_458 = arith.index_cast %add3A_437 : i32 to index
        %swap3A_459 = tpu.vector_load %arg9[%swap3A_457, %swap3A_458] masked %gt3A_444 {strides = array<i32>} : memref<2x2176xf32, #tpu.memory_space<vmem>>, vector<16xf32>, vector<16xi1>
        tpu.vector_store %arg9[%swap3A_457, %swap3A_458], %get3A_456 masked %gt3A_444 {strides = array<i32>} : memref<2x2176xf32, #tpu.memory_space<vmem>>, vector<16xf32>, vector<16xi1>
        %convert_element_type3A_460 = arith.extui %gt3A_444 : vector<16xi1> to vector<16xi32>
        %reduce_sum3A_461 = arith.constant true
        %reduce_sum3A_462 = vector.broadcast %reduce_sum3A_461 : i1 to vector<16xi1>
        %reduce_sum3A_463 = tpu.scan <sum>, %convert_element_type3A_460 masked %reduce_sum3A_462 : vector<16xi32>, vector<16xi1> -> vector<16xi32>
        %reduce_sum3A_464 = vector.extract %reduce_sum3A_463[15] : i32 from vector<16xi32>
        %add3A_465 = arith.addi %add3A_437, %reduce_sum3A_464 : i32
        %scan3A_466 = arith.constant 6 : i32
        %scan3A_467 = arith.addi %scan3A_302, %scan3A_466 : i32
        %mul3A_468 = arith.constant 16 : i32
        %mul3A_469 = arith.muli %scan3A_467, %mul3A_468 : i32
        %get3A_470 = arith.index_cast %mul3A_469 : i32 to index
        %get3A_471 = tpu.vector_load %arg7[%get3A_470] {strides = array<i32>} : memref<2048xi32, #tpu.memory_space<vmem>>, vector<16xi32>,
        %gt3A_472 = arith.cmpi sgt, %get3A_471, %or3A_236 : vector<16xi32>
        %mul3A_473 = arith.constant 16 : i32
        %mul3A_474 = arith.muli %scan3A_467, %mul3A_473 : i32
        %broadcast_in_dim3A_475 = vector.broadcast %mul3A_474 : i32 to vector<16xi32>
        %add3A_476 = arith.addi %iota3A, %broadcast_in_dim3A_475 : vector<16xi32>
        %swap3A_477 = arith.index_cast %scan3A_77 : i32 to index
        %swap3A_478 = arith.index_cast %add3A_465 : i32 to index
        %swap3A_479 = tpu.vector_load %arg10[%swap3A_477, %swap3A_478] masked %gt3A_472 {strides = array<i32>} : memref<2x2176xi32, #tpu.memory_space<vmem>>, vector<16xi32>, vector<16xi1>
        tpu.vector_store %arg10[%swap3A_477, %swap3A_478], %add3A_476 masked %gt3A_472 {strides = array<i32>} : memref<2x2176xi32, #tpu.memory_space<vmem>>, vector<16xi32>, vector<16xi1>
        %mul3A_480 = arith.constant 16 : i32
        %mul3A_481 = arith.muli %scan3A_467, %mul3A_480 : i32
        %get3A_482 = arith.index_cast %scan3A_77 : i32 to index
        %get3A_483 = arith.index_cast %mul3A_481 : i32 to index
        %get3A_484 = tpu.vector_load %arg6[%get3A_482, %get3A_483] {strides = array<i32>} : memref<2x2048xf32, #tpu.memory_space<vmem>>, vector<16xf32>,
        %swap3A_485 = arith.index_cast %scan3A_77 : i32 to index
        %swap3A_486 = arith.index_cast %add3A_465 : i32 to index
        %swap3A_487 = tpu.vector_load %arg9[%swap3A_485, %swap3A_486] masked %gt3A_472 {strides = array<i32>} : memref<2x2176xf32, #tpu.memory_space<vmem>>, vector<16xf32>, vector<16xi1>
        tpu.vector_store %arg9[%swap3A_485, %swap3A_486], %get3A_484 masked %gt3A_472 {strides = array<i32>} : memref<2x2176xf32, #tpu.memory_space<vmem>>, vector<16xf32>, vector<16xi1>
        %convert_element_type3A_488 = arith.extui %gt3A_472 : vector<16xi1> to vector<16xi32>
        %reduce_sum3A_489 = arith.constant true
        %reduce_sum3A_490 = vector.broadcast %reduce_sum3A_489 : i1 to vector<16xi1>
        %reduce_sum3A_491 = tpu.scan <sum>, %convert_element_type3A_488 masked %reduce_sum3A_490 : vector<16xi32>, vector<16xi1> -> vector<16xi32>
        %reduce_sum3A_492 = vector.extract %reduce_sum3A_491[15] : i32 from vector<16xi32>
        %add3A_493 = arith.addi %add3A_465, %reduce_sum3A_492 : i32
        %scan3A_494 = arith.constant 7 : i32
        %scan3A_495 = arith.addi %scan3A_302, %scan3A_494 : i32
        %mul3A_496 = arith.constant 16 : i32
        %mul3A_497 = arith.muli %scan3A_495, %mul3A_496 : i32
        %get3A_498 = arith.index_cast %mul3A_497 : i32 to index
        %get3A_499 = tpu.vector_load %arg7[%get3A_498] {strides = array<i32>} : memref<2048xi32, #tpu.memory_space<vmem>>, vector<16xi32>,
        %gt3A_500 = arith.cmpi sgt, %get3A_499, %or3A_236 : vector<16xi32>
        %mul3A_501 = arith.constant 16 : i32
        %mul3A_502 = arith.muli %scan3A_495, %mul3A_501 : i32
        %broadcast_in_dim3A_503 = vector.broadcast %mul3A_502 : i32 to vector<16xi32>
        %add3A_504 = arith.addi %iota3A, %broadcast_in_dim3A_503 : vector<16xi32>
        %swap3A_505 = arith.index_cast %scan3A_77 : i32 to index
        %swap3A_506 = arith.index_cast %add3A_493 : i32 to index
        %swap3A_507 = tpu.vector_load %arg10[%swap3A_505, %swap3A_506] masked %gt3A_500 {strides = array<i32>} : memref<2x2176xi32, #tpu.memory_space<vmem>>, vector<16xi32>, vector<16xi1>
        tpu.vector_store %arg10[%swap3A_505, %swap3A_506], %add3A_504 masked %gt3A_500 {strides = array<i32>} : memref<2x2176xi32, #tpu.memory_space<vmem>>, vector<16xi32>, vector<16xi1>
        %mul3A_508 = arith.constant 16 : i32
        %mul3A_509 = arith.muli %scan3A_495, %mul3A_508 : i32
        %get3A_510 = arith.index_cast %scan3A_77 : i32 to index
        %get3A_511 = arith.index_cast %mul3A_509 : i32 to index
        %get3A_512 = tpu.vector_load %arg6[%get3A_510, %get3A_511] {strides = array<i32>} : memref<2x2048xf32, #tpu.memory_space<vmem>>, vector<16xf32>,
        %swap3A_513 = arith.index_cast %scan3A_77 : i32 to index
        %swap3A_514 = arith.index_cast %add3A_493 : i32 to index
        %swap3A_515 = tpu.vector_load %arg9[%swap3A_513, %swap3A_514] masked %gt3A_500 {strides = array<i32>} : memref<2x2176xf32, #tpu.memory_space<vmem>>, vector<16xf32>, vector<16xi1>
        tpu.vector_store %arg9[%swap3A_513, %swap3A_514], %get3A_512 masked %gt3A_500 {strides = array<i32>} : memref<2x2176xf32, #tpu.memory_space<vmem>>, vector<16xf32>, vector<16xi1>
        %convert_element_type3A_516 = arith.extui %gt3A_500 : vector<16xi1> to vector<16xi32>
        %reduce_sum3A_517 = arith.constant true
        %reduce_sum3A_518 = vector.broadcast %reduce_sum3A_517 : i1 to vector<16xi1>
        %reduce_sum3A_519 = tpu.scan <sum>, %convert_element_type3A_516 masked %reduce_sum3A_518 : vector<16xi32>, vector<16xi1> -> vector<16xi32>
        %reduce_sum3A_520 = vector.extract %reduce_sum3A_519[15] : i32 from vector<16xi32>
        %add3A_521 = arith.addi %add3A_493, %reduce_sum3A_520 : i32
        scf.yield %add3A_521 : i32
      }
      %scan3A_249 = arith.constant 128 : i32
      %scan3A_250 = arith.constant 0 : i32
      %scan3A_251 = arith.constant 128 : i32
      %scan3A_252 = arith.addi %scan3A_250, %scan3A_251 : i32
      %scan3A_253 = arith.constant 8 : i32
      %scan3A_254 = scf.for %scan3A_302 = %scan3A_250 to %scan3A_252 step %scan3A_253 iter_args(%scan3A_303 = %scan3A_248) -> (i32)  : i32 {
        %mul3A_304 = arith.constant 16 : i32
        %mul3A_305 = arith.muli %scan3A_302, %mul3A_304 : i32
        %get3A = arith.index_cast %mul3A_305 : i32 to index
        %get3A_306 = tpu.vector_load %arg7[%get3A] {strides = array<i32>} : memref<2048xi32, #tpu.memory_space<vmem>>, vector<16xi32>,
        %eq3A = arith.cmpi eq, %get3A_306, %or3A_236 : vector<16xi32>
        %mul3A_307 = arith.constant 16 : i32
        %mul3A_308 = arith.muli %scan3A_302, %mul3A_307 : i32
        %broadcast_in_dim3A_309 = vector.broadcast %mul3A_308 : i32 to vector<16xi32>
        %add3A_310 = arith.addi %iota3A, %broadcast_in_dim3A_309 : vector<16xi32>
        %swap3A = arith.index_cast %scan3A_77 : i32 to index
        %swap3A_311 = arith.index_cast %scan3A_303 : i32 to index
        %swap3A_312 = tpu.vector_load %arg10[%swap3A, %swap3A_311] masked %eq3A {strides = array<i32>} : memref<2x2176xi32, #tpu.memory_space<vmem>>, vector<16xi32>, vector<16xi1>
        tpu.vector_store %arg10[%swap3A, %swap3A_311], %add3A_310 masked %eq3A {strides = array<i32>} : memref<2x2176xi32, #tpu.memory_space<vmem>>, vector<16xi32>, vector<16xi1>
        %swap3A_313 = arith.index_cast %scan3A_77 : i32 to index
        %swap3A_314 = arith.index_cast %scan3A_303 : i32 to index
        %swap3A_315 = tpu.vector_load %arg9[%swap3A_313, %swap3A_314] masked %eq3A {strides = array<i32>} : memref<2x2176xf32, #tpu.memory_space<vmem>>, vector<16xf32>, vector<16xi1>
        tpu.vector_store %arg9[%swap3A_313, %swap3A_314], %bitcast_convert_type3A masked %eq3A {strides = array<i32>} : memref<2x2176xf32, #tpu.memory_space<vmem>>, vector<16xf32>, vector<16xi1>
        %convert_element_type3A_316 = arith.extui %eq3A : vector<16xi1> to vector<16xi32>
        %reduce_sum3A = arith.constant true
        %reduce_sum3A_317 = vector.broadcast %reduce_sum3A : i1 to vector<16xi1>
        %reduce_sum3A_318 = tpu.scan <sum>, %convert_element_type3A_316 masked %reduce_sum3A_317 : vector<16xi32>, vector<16xi1> -> vector<16xi32>
        %reduce_sum3A_319 = vector.extract %reduce_sum3A_318[15] : i32 from vector<16xi32>
        %add3A_320 = arith.addi %scan3A_303, %reduce_sum3A_319 : i32
        %scan3A_321 = arith.constant 1 : i32
        %scan3A_322 = arith.addi %scan3A_302, %scan3A_321 : i32
        %mul3A_323 = arith.constant 16 : i32
        %mul3A_324 = arith.muli %scan3A_322, %mul3A_323 : i32
        %get3A_325 = arith.index_cast %mul3A_324 : i32 to index
        %get3A_326 = tpu.vector_load %arg7[%get3A_325] {strides = array<i32>} : memref<2048xi32, #tpu.memory_space<vmem>>, vector<16xi32>,
        %eq3A_327 = arith.cmpi eq, %get3A_326, %or3A_236 : vector<16xi32>
        %mul3A_328 = arith.constant 16 : i32
        %mul3A_329 = arith.muli %scan3A_322, %mul3A_328 : i32
        %broadcast_in_dim3A_330 = vector.broadcast %mul3A_329 : i32 to vector<16xi32>
        %add3A_331 = arith.addi %iota3A, %broadcast_in_dim3A_330 : vector<16xi32>
        %swap3A_332 = arith.index_cast %scan3A_77 : i32 to index
        %swap3A_333 = arith.index_cast %add3A_320 : i32 to index
        %swap3A_334 = tpu.vector_load %arg10[%swap3A_332, %swap3A_333] masked %eq3A_327 {strides = array<i32>} : memref<2x2176xi32, #tpu.memory_space<vmem>>, vector<16xi32>, vector<16xi1>
        tpu.vector_store %arg10[%swap3A_332, %swap3A_333], %add3A_331 masked %eq3A_327 {strides = array<i32>} : memref<2x2176xi32, #tpu.memory_space<vmem>>, vector<16xi32>, vector<16xi1>
        %swap3A_335 = arith.index_cast %scan3A_77 : i32 to index
        %swap3A_336 = arith.index_cast %add3A_320 : i32 to index
        %swap3A_337 = tpu.vector_load %arg9[%swap3A_335, %swap3A_336] masked %eq3A_327 {strides = array<i32>} : memref<2x2176xf32, #tpu.memory_space<vmem>>, vector<16xf32>, vector<16xi1>
        tpu.vector_store %arg9[%swap3A_335, %swap3A_336], %bitcast_convert_type3A masked %eq3A_327 {strides = array<i32>} : memref<2x2176xf32, #tpu.memory_space<vmem>>, vector<16xf32>, vector<16xi1>
        %convert_element_type3A_338 = arith.extui %eq3A_327 : vector<16xi1> to vector<16xi32>
        %reduce_sum3A_339 = arith.constant true
        %reduce_sum3A_340 = vector.broadcast %reduce_sum3A_339 : i1 to vector<16xi1>
        %reduce_sum3A_341 = tpu.scan <sum>, %convert_element_type3A_338 masked %reduce_sum3A_340 : vector<16xi32>, vector<16xi1> -> vector<16xi32>
        %reduce_sum3A_342 = vector.extract %reduce_sum3A_341[15] : i32 from vector<16xi32>
        %add3A_343 = arith.addi %add3A_320, %reduce_sum3A_342 : i32
        %scan3A_344 = arith.constant 2 : i32
        %scan3A_345 = arith.addi %scan3A_302, %scan3A_344 : i32
        %mul3A_346 = arith.constant 16 : i32
        %mul3A_347 = arith.muli %scan3A_345, %mul3A_346 : i32
        %get3A_348 = arith.index_cast %mul3A_347 : i32 to index
        %get3A_349 = tpu.vector_load %arg7[%get3A_348] {strides = array<i32>} : memref<2048xi32, #tpu.memory_space<vmem>>, vector<16xi32>,
        %eq3A_350 = arith.cmpi eq, %get3A_349, %or3A_236 : vector<16xi32>
        %mul3A_351 = arith.constant 16 : i32
        %mul3A_352 = arith.muli %scan3A_345, %mul3A_351 : i32
        %broadcast_in_dim3A_353 = vector.broadcast %mul3A_352 : i32 to vector<16xi32>
        %add3A_354 = arith.addi %iota3A, %broadcast_in_dim3A_353 : vector<16xi32>
        %swap3A_355 = arith.index_cast %scan3A_77 : i32 to index
        %swap3A_356 = arith.index_cast %add3A_343 : i32 to index
        %swap3A_357 = tpu.vector_load %arg10[%swap3A_355, %swap3A_356] masked %eq3A_350 {strides = array<i32>} : memref<2x2176xi32, #tpu.memory_space<vmem>>, vector<16xi32>, vector<16xi1>
        tpu.vector_store %arg10[%swap3A_355, %swap3A_356], %add3A_354 masked %eq3A_350 {strides = array<i32>} : memref<2x2176xi32, #tpu.memory_space<vmem>>, vector<16xi32>, vector<16xi1>
        %swap3A_358 = arith.index_cast %scan3A_77 : i32 to index
        %swap3A_359 = arith.index_cast %add3A_343 : i32 to index
        %swap3A_360 = tpu.vector_load %arg9[%swap3A_358, %swap3A_359] masked %eq3A_350 {strides = array<i32>} : memref<2x2176xf32, #tpu.memory_space<vmem>>, vector<16xf32>, vector<16xi1>
        tpu.vector_store %arg9[%swap3A_358, %swap3A_359], %bitcast_convert_type3A masked %eq3A_350 {strides = array<i32>} : memref<2x2176xf32, #tpu.memory_space<vmem>>, vector<16xf32>, vector<16xi1>
        %convert_element_type3A_361 = arith.extui %eq3A_350 : vector<16xi1> to vector<16xi32>
        %reduce_sum3A_362 = arith.constant true
        %reduce_sum3A_363 = vector.broadcast %reduce_sum3A_362 : i1 to vector<16xi1>
        %reduce_sum3A_364 = tpu.scan <sum>, %convert_element_type3A_361 masked %reduce_sum3A_363 : vector<16xi32>, vector<16xi1> -> vector<16xi32>
        %reduce_sum3A_365 = vector.extract %reduce_sum3A_364[15] : i32 from vector<16xi32>
        %add3A_366 = arith.addi %add3A_343, %reduce_sum3A_365 : i32
        %scan3A_367 = arith.constant 3 : i32
        %scan3A_368 = arith.addi %scan3A_302, %scan3A_367 : i32
        %mul3A_369 = arith.constant 16 : i32
        %mul3A_370 = arith.muli %scan3A_368, %mul3A_369 : i32
        %get3A_371 = arith.index_cast %mul3A_370 : i32 to index
        %get3A_372 = tpu.vector_load %arg7[%get3A_371] {strides = array<i32>} : memref<2048xi32, #tpu.memory_space<vmem>>, vector<16xi32>,
        %eq3A_373 = arith.cmpi eq, %get3A_372, %or3A_236 : vector<16xi32>
        %mul3A_374 = arith.constant 16 : i32
        %mul3A_375 = arith.muli %scan3A_368, %mul3A_374 : i32
        %broadcast_in_dim3A_376 = vector.broadcast %mul3A_375 : i32 to vector<16xi32>
        %add3A_377 = arith.addi %iota3A, %broadcast_in_dim3A_376 : vector<16xi32>
        %swap3A_378 = arith.index_cast %scan3A_77 : i32 to index
        %swap3A_379 = arith.index_cast %add3A_366 : i32 to index
        %swap3A_380 = tpu.vector_load %arg10[%swap3A_378, %swap3A_379] masked %eq3A_373 {strides = array<i32>} : memref<2x2176xi32, #tpu.memory_space<vmem>>, vector<16xi32>, vector<16xi1>
        tpu.vector_store %arg10[%swap3A_378, %swap3A_379], %add3A_377 masked %eq3A_373 {strides = array<i32>} : memref<2x2176xi32, #tpu.memory_space<vmem>>, vector<16xi32>, vector<16xi1>
        %swap3A_381 = arith.index_cast %scan3A_77 : i32 to index
        %swap3A_382 = arith.index_cast %add3A_366 : i32 to index
        %swap3A_383 = tpu.vector_load %arg9[%swap3A_381, %swap3A_382] masked %eq3A_373 {strides = array<i32>} : memref<2x2176xf32, #tpu.memory_space<vmem>>, vector<16xf32>, vector<16xi1>
        tpu.vector_store %arg9[%swap3A_381, %swap3A_382], %bitcast_convert_type3A masked %eq3A_373 {strides = array<i32>} : memref<2x2176xf32, #tpu.memory_space<vmem>>, vector<16xf32>, vector<16xi1>
        %convert_element_type3A_384 = arith.extui %eq3A_373 : vector<16xi1> to vector<16xi32>
        %reduce_sum3A_385 = arith.constant true
        %reduce_sum3A_386 = vector.broadcast %reduce_sum3A_385 : i1 to vector<16xi1>
        %reduce_sum3A_387 = tpu.scan <sum>, %convert_element_type3A_384 masked %reduce_sum3A_386 : vector<16xi32>, vector<16xi1> -> vector<16xi32>
        %reduce_sum3A_388 = vector.extract %reduce_sum3A_387[15] : i32 from vector<16xi32>
        %add3A_389 = arith.addi %add3A_366, %reduce_sum3A_388 : i32
        %scan3A_390 = arith.constant 4 : i32
        %scan3A_391 = arith.addi %scan3A_302, %scan3A_390 : i32
        %mul3A_392 = arith.constant 16 : i32
        %mul3A_393 = arith.muli %scan3A_391, %mul3A_392 : i32
        %get3A_394 = arith.index_cast %mul3A_393 : i32 to index
        %get3A_395 = tpu.vector_load %arg7[%get3A_394] {strides = array<i32>} : memref<2048xi32, #tpu.memory_space<vmem>>, vector<16xi32>,
        %eq3A_396 = arith.cmpi eq, %get3A_395, %or3A_236 : vector<16xi32>
        %mul3A_397 = arith.constant 16 : i32
        %mul3A_398 = arith.muli %scan3A_391, %mul3A_397 : i32
        %broadcast_in_dim3A_399 = vector.broadcast %mul3A_398 : i32 to vector<16xi32>
        %add3A_400 = arith.addi %iota3A, %broadcast_in_dim3A_399 : vector<16xi32>
        %swap3A_401 = arith.index_cast %scan3A_77 : i32 to index
        %swap3A_402 = arith.index_cast %add3A_389 : i32 to index
        %swap3A_403 = tpu.vector_load %arg10[%swap3A_401, %swap3A_402] masked %eq3A_396 {strides = array<i32>} : memref<2x2176xi32, #tpu.memory_space<vmem>>, vector<16xi32>, vector<16xi1>
        tpu.vector_store %arg10[%swap3A_401, %swap3A_402], %add3A_400 masked %eq3A_396 {strides = array<i32>} : memref<2x2176xi32, #tpu.memory_space<vmem>>, vector<16xi32>, vector<16xi1>
        %swap3A_404 = arith.index_cast %scan3A_77 : i32 to index
        %swap3A_405 = arith.index_cast %add3A_389 : i32 to index
        %swap3A_406 = tpu.vector_load %arg9[%swap3A_404, %swap3A_405] masked %eq3A_396 {strides = array<i32>} : memref<2x2176xf32, #tpu.memory_space<vmem>>, vector<16xf32>, vector<16xi1>
        tpu.vector_store %arg9[%swap3A_404, %swap3A_405], %bitcast_convert_type3A masked %eq3A_396 {strides = array<i32>} : memref<2x2176xf32, #tpu.memory_space<vmem>>, vector<16xf32>, vector<16xi1>
        %convert_element_type3A_407 = arith.extui %eq3A_396 : vector<16xi1> to vector<16xi32>
        %reduce_sum3A_408 = arith.constant true
        %reduce_sum3A_409 = vector.broadcast %reduce_sum3A_408 : i1 to vector<16xi1>
        %reduce_sum3A_410 = tpu.scan <sum>, %convert_element_type3A_407 masked %reduce_sum3A_409 : vector<16xi32>, vector<16xi1> -> vector<16xi32>
        %reduce_sum3A_411 = vector.extract %reduce_sum3A_410[15] : i32 from vector<16xi32>
        %add3A_412 = arith.addi %add3A_389, %reduce_sum3A_411 : i32
        %scan3A_413 = arith.constant 5 : i32
        %scan3A_414 = arith.addi %scan3A_302, %scan3A_413 : i32
        %mul3A_415 = arith.constant 16 : i32
        %mul3A_416 = arith.muli %scan3A_414, %mul3A_415 : i32
        %get3A_417 = arith.index_cast %mul3A_416 : i32 to index
        %get3A_418 = tpu.vector_load %arg7[%get3A_417] {strides = array<i32>} : memref<2048xi32, #tpu.memory_space<vmem>>, vector<16xi32>,
        %eq3A_419 = arith.cmpi eq, %get3A_418, %or3A_236 : vector<16xi32>
        %mul3A_420 = arith.constant 16 : i32
        %mul3A_421 = arith.muli %scan3A_414, %mul3A_420 : i32
        %broadcast_in_dim3A_422 = vector.broadcast %mul3A_421 : i32 to vector<16xi32>
        %add3A_423 = arith.addi %iota3A, %broadcast_in_dim3A_422 : vector<16xi32>
        %swap3A_424 = arith.index_cast %scan3A_77 : i32 to index
        %swap3A_425 = arith.index_cast %add3A_412 : i32 to index
        %swap3A_426 = tpu.vector_load %arg10[%swap3A_424, %swap3A_425] masked %eq3A_419 {strides = array<i32>} : memref<2x2176xi32, #tpu.memory_space<vmem>>, vector<16xi32>, vector<16xi1>
        tpu.vector_store %arg10[%swap3A_424, %swap3A_425], %add3A_423 masked %eq3A_419 {strides = array<i32>} : memref<2x2176xi32, #tpu.memory_space<vmem>>, vector<16xi32>, vector<16xi1>
        %swap3A_427 = arith.index_cast %scan3A_77 : i32 to index
        %swap3A_428 = arith.index_cast %add3A_412 : i32 to index
        %swap3A_429 = tpu.vector_load %arg9[%swap3A_427, %swap3A_428] masked %eq3A_419 {strides = array<i32>} : memref<2x2176xf32, #tpu.memory_space<vmem>>, vector<16xf32>, vector<16xi1>
        tpu.vector_store %arg9[%swap3A_427, %swap3A_428], %bitcast_convert_type3A masked %eq3A_419 {strides = array<i32>} : memref<2x2176xf32, #tpu.memory_space<vmem>>, vector<16xf32>, vector<16xi1>
        %convert_element_type3A_430 = arith.extui %eq3A_419 : vector<16xi1> to vector<16xi32>
        %reduce_sum3A_431 = arith.constant true
        %reduce_sum3A_432 = vector.broadcast %reduce_sum3A_431 : i1 to vector<16xi1>
        %reduce_sum3A_433 = tpu.scan <sum>, %convert_element_type3A_430 masked %reduce_sum3A_432 : vector<16xi32>, vector<16xi1> -> vector<16xi32>
        %reduce_sum3A_434 = vector.extract %reduce_sum3A_433[15] : i32 from vector<16xi32>
        %add3A_435 = arith.addi %add3A_412, %reduce_sum3A_434 : i32
        %scan3A_436 = arith.constant 6 : i32
        %scan3A_437 = arith.addi %scan3A_302, %scan3A_436 : i32
        %mul3A_438 = arith.constant 16 : i32
        %mul3A_439 = arith.muli %scan3A_437, %mul3A_438 : i32
        %get3A_440 = arith.index_cast %mul3A_439 : i32 to index
        %get3A_441 = tpu.vector_load %arg7[%get3A_440] {strides = array<i32>} : memref<2048xi32, #tpu.memory_space<vmem>>, vector<16xi32>,
        %eq3A_442 = arith.cmpi eq, %get3A_441, %or3A_236 : vector<16xi32>
        %mul3A_443 = arith.constant 16 : i32
        %mul3A_444 = arith.muli %scan3A_437, %mul3A_443 : i32
        %broadcast_in_dim3A_445 = vector.broadcast %mul3A_444 : i32 to vector<16xi32>
        %add3A_446 = arith.addi %iota3A, %broadcast_in_dim3A_445 : vector<16xi32>
        %swap3A_447 = arith.index_cast %scan3A_77 : i32 to index
        %swap3A_448 = arith.index_cast %add3A_435 : i32 to index
        %swap3A_449 = tpu.vector_load %arg10[%swap3A_447, %swap3A_448] masked %eq3A_442 {strides = array<i32>} : memref<2x2176xi32, #tpu.memory_space<vmem>>, vector<16xi32>, vector<16xi1>
        tpu.vector_store %arg10[%swap3A_447, %swap3A_448], %add3A_446 masked %eq3A_442 {strides = array<i32>} : memref<2x2176xi32, #tpu.memory_space<vmem>>, vector<16xi32>, vector<16xi1>
        %swap3A_450 = arith.index_cast %scan3A_77 : i32 to index
        %swap3A_451 = arith.index_cast %add3A_435 : i32 to index
        %swap3A_452 = tpu.vector_load %arg9[%swap3A_450, %swap3A_451] masked %eq3A_442 {strides = array<i32>} : memref<2x2176xf32, #tpu.memory_space<vmem>>, vector<16xf32>, vector<16xi1>
        tpu.vector_store %arg9[%swap3A_450, %swap3A_451], %bitcast_convert_type3A masked %eq3A_442 {strides = array<i32>} : memref<2x2176xf32, #tpu.memory_space<vmem>>, vector<16xf32>, vector<16xi1>
        %convert_element_type3A_453 = arith.extui %eq3A_442 : vector<16xi1> to vector<16xi32>
        %reduce_sum3A_454 = arith.constant true
        %reduce_sum3A_455 = vector.broadcast %reduce_sum3A_454 : i1 to vector<16xi1>
        %reduce_sum3A_456 = tpu.scan <sum>, %convert_element_type3A_453 masked %reduce_sum3A_455 : vector<16xi32>, vector<16xi1> -> vector<16xi32>
        %reduce_sum3A_457 = vector.extract %reduce_sum3A_456[15] : i32 from vector<16xi32>
        %add3A_458 = arith.addi %add3A_435, %reduce_sum3A_457 : i32
        %scan3A_459 = arith.constant 7 : i32
        %scan3A_460 = arith.addi %scan3A_302, %scan3A_459 : i32
        %mul3A_461 = arith.constant 16 : i32
        %mul3A_462 = arith.muli %scan3A_460, %mul3A_461 : i32
        %get3A_463 = arith.index_cast %mul3A_462 : i32 to index
        %get3A_464 = tpu.vector_load %arg7[%get3A_463] {strides = array<i32>} : memref<2048xi32, #tpu.memory_space<vmem>>, vector<16xi32>,
        %eq3A_465 = arith.cmpi eq, %get3A_464, %or3A_236 : vector<16xi32>
        %mul3A_466 = arith.constant 16 : i32
        %mul3A_467 = arith.muli %scan3A_460, %mul3A_466 : i32
        %broadcast_in_dim3A_468 = vector.broadcast %mul3A_467 : i32 to vector<16xi32>
        %add3A_469 = arith.addi %iota3A, %broadcast_in_dim3A_468 : vector<16xi32>
        %swap3A_470 = arith.index_cast %scan3A_77 : i32 to index
        %swap3A_471 = arith.index_cast %add3A_458 : i32 to index
        %swap3A_472 = tpu.vector_load %arg10[%swap3A_470, %swap3A_471] masked %eq3A_465 {strides = array<i32>} : memref<2x2176xi32, #tpu.memory_space<vmem>>, vector<16xi32>, vector<16xi1>
        tpu.vector_store %arg10[%swap3A_470, %swap3A_471], %add3A_469 masked %eq3A_465 {strides = array<i32>} : memref<2x2176xi32, #tpu.memory_space<vmem>>, vector<16xi32>, vector<16xi1>
        %swap3A_473 = arith.index_cast %scan3A_77 : i32 to index
        %swap3A_474 = arith.index_cast %add3A_458 : i32 to index
        %swap3A_475 = tpu.vector_load %arg9[%swap3A_473, %swap3A_474] masked %eq3A_465 {strides = array<i32>} : memref<2x2176xf32, #tpu.memory_space<vmem>>, vector<16xf32>, vector<16xi1>
        tpu.vector_store %arg9[%swap3A_473, %swap3A_474], %bitcast_convert_type3A masked %eq3A_465 {strides = array<i32>} : memref<2x2176xf32, #tpu.memory_space<vmem>>, vector<16xf32>, vector<16xi1>
        %convert_element_type3A_476 = arith.extui %eq3A_465 : vector<16xi1> to vector<16xi32>
        %reduce_sum3A_477 = arith.constant true
        %reduce_sum3A_478 = vector.broadcast %reduce_sum3A_477 : i1 to vector<16xi1>
        %reduce_sum3A_479 = tpu.scan <sum>, %convert_element_type3A_476 masked %reduce_sum3A_478 : vector<16xi32>, vector<16xi1> -> vector<16xi32>
        %reduce_sum3A_480 = vector.extract %reduce_sum3A_479[15] : i32 from vector<16xi32>
        %add3A_481 = arith.addi %add3A_458, %reduce_sum3A_480 : i32
        scf.yield %add3A_481 : i32
      }
      %scan3A_255 = arith.constant 128 : i32
      %dma_start3A_256 = arith.constant 0 : i32
      %dma_start3A_257 = arith.constant 0 : i32
      %dma_start3A_258 = tpu.memref_slice %arg11[%scan3A_77, %dma_start3A_256, %dma_start3A_257] : memref<2x64x128xf32, #tpu.memory_space<vmem>> -> memref<1x64x128xf32, #tpu.memory_space<vmem>>
      %dma_start3A_259 = tpu.memref_squeeze %dma_start3A_258 : memref<1x64x128xf32, #tpu.memory_space<vmem>> -> memref<64x128xf32, #tpu.memory_space<vmem>>
      %dma_start3A_260 = arith.constant 0 : i32
      %dma_start3A_261 = tpu.memref_slice %arg10[%scan3A_77, %dma_start3A_260] : memref<2x2176xi32, #tpu.memory_space<vmem>> -> memref<1x64xi32, #tpu.memory_space<vmem>>
      %dma_start3A_262 = tpu.memref_squeeze %dma_start3A_261 : memref<1x64xi32, #tpu.memory_space<vmem>> -> memref<64xi32, #tpu.memory_space<vmem>>
      %dma_start3A_263 = arith.constant 0 : i32
      %dma_start3A_264 = arith.constant 0 : i32
      %dma_start3A_265 = tpu.memref_slice %arg3[%dma_start3A_263, %dma_start3A_264] : memref<2048x128xf32, #tpu.memory_space<hbm>> -> memref<2048x128xf32, #tpu.memory_space<hbm>>
      tpu.enqueue_indirect_dma source(%dma_start3A_265 : memref<2048x128xf32, #tpu.memory_space<hbm>>) target(%dma_start3A_259 : memref<64x128xf32, #tpu.memory_space<vmem>>) offsets(%dma_start3A_262 : memref<64xi32, #tpu.memory_space<vmem>>) semaphore(%arg13 : memref<!tpu.dma_semaphore, #tpu.memory_space<semaphore_mem>>)
      %dma_wait3A_266 = arith.constant 0 : i32
      %dma_wait3A_267 = arith.constant 0 : i32
      %dma_wait3A_268 = tpu.memref_slice %arg11[%scan3A_77, %dma_wait3A_266, %dma_wait3A_267] : memref<2x64x128xf32, #tpu.memory_space<vmem>> -> memref<1x64x128xf32, #tpu.memory_space<vmem>>
      %dma_wait3A_269 = tpu.memref_squeeze %dma_wait3A_268 : memref<1x64x128xf32, #tpu.memory_space<vmem>> -> memref<64x128xf32, #tpu.memory_space<vmem>>
      %dma_wait3A_270 = arith.constant 0 : i32
      %dma_wait3A_271 = tpu.memref_slice %arg10[%scan3A_77, %dma_wait3A_270] : memref<2x2176xi32, #tpu.memory_space<vmem>> -> memref<1x64xi32, #tpu.memory_space<vmem>>
      %dma_wait3A_272 = tpu.memref_squeeze %dma_wait3A_271 : memref<1x64xi32, #tpu.memory_space<vmem>> -> memref<64xi32, #tpu.memory_space<vmem>>
      %dma_wait3A_273 = arith.constant 0 : i32
      %dma_wait3A_274 = arith.constant 0 : i32
      %dma_wait3A_275 = tpu.memref_slice %arg3[%dma_wait3A_273, %dma_wait3A_274] : memref<2048x128xf32, #tpu.memory_space<hbm>> -> memref<2048x128xf32, #tpu.memory_space<hbm>>
      tpu.wait_indirect_dma semaphore(%arg13 : memref<!tpu.dma_semaphore, #tpu.memory_space<semaphore_mem>>) src(%dma_wait3A_275 : memref<2048x128xf32, #tpu.memory_space<hbm>>) dst(%dma_wait3A_269 : memref<64x128xf32, #tpu.memory_space<vmem>>)
      %mul3A_276 = arith.constant 64 : i32
      %mul3A_277 = arith.muli %add3A_101, %mul3A_276 : i32
      %dma_start3A_278 = arith.constant 0 : i32
      %dma_start3A_279 = arith.constant 0 : i32
      %dma_start3A_280 = tpu.memref_slice %arg11[%scan3A_77, %dma_start3A_278, %dma_start3A_279] : memref<2x64x128xf32, #tpu.memory_space<vmem>> -> memref<1x64x128xf32, #tpu.memory_space<vmem>>
      %dma_start3A_281 = tpu.memref_squeeze %dma_start3A_280 : memref<1x64x128xf32, #tpu.memory_space<vmem>> -> memref<64x128xf32, #tpu.memory_space<vmem>>
      %dma_start3A_282 = arith.constant 0 : i32
      %dma_start3A_283 = tpu.memref_slice %arg5[%mul3A_277, %dma_start3A_282] : memref<262144x128xf32, #tpu.memory_space<hbm>> -> memref<64x128xf32, #tpu.memory_space<hbm>>
      %dma_start3A_284 = arith.constant 0 : i32
      %dma_start3A_285 = tpu.memref_slice %arg5[%mul3A_277, %dma_start3A_284] : memref<262144x128xf32, #tpu.memory_space<hbm>> -> memref<64x128xf32, #tpu.memory_space<hbm>>
      %dma_start3A_286 = arith.constant 0 : i32
      %dma_start3A_287 = arith.constant 0 : i32
      %dma_start3A_288 = tpu.memref_slice %arg11[%scan3A_77, %dma_start3A_286, %dma_start3A_287] : memref<2x64x128xf32, #tpu.memory_space<vmem>> -> memref<1x64x128xf32, #tpu.memory_space<vmem>>
      %dma_start3A_289 = tpu.memref_squeeze %dma_start3A_288 : memref<1x64x128xf32, #tpu.memory_space<vmem>> -> memref<64x128xf32, #tpu.memory_space<vmem>>
      tpu.enqueue_dma source(%dma_start3A_289 : memref<64x128xf32, #tpu.memory_space<vmem>>) target(%dma_start3A_285 : memref<64x128xf32, #tpu.memory_space<hbm>>) target_semaphore(%arg14 : memref<!tpu.dma_semaphore, #tpu.memory_space<semaphore_mem>>)
      %mul3A_290 = arith.constant 64 : i32
      %mul3A_291 = arith.muli %add3A_101, %mul3A_290 : i32
      %dma_start3A_292 = arith.constant 0 : i32
      %dma_start3A_293 = tpu.memref_slice %arg9[%scan3A_77, %dma_start3A_292] : memref<2x2176xf32, #tpu.memory_space<vmem>> -> memref<1x64xf32, #tpu.memory_space<vmem>>
      %dma_start3A_294 = tpu.memref_squeeze %dma_start3A_293 : memref<1x64xf32, #tpu.memory_space<vmem>> -> memref<64xf32, #tpu.memory_space<vmem>>
      %dma_start3A_295 = tpu.memref_slice %arg4[%mul3A_291] : memref<262144xf32, #tpu.memory_space<hbm>> -> memref<64xf32, #tpu.memory_space<hbm>>
      %dma_start3A_296 = tpu.memref_slice %arg4[%mul3A_291] : memref<262144xf32, #tpu.memory_space<hbm>> -> memref<64xf32, #tpu.memory_space<hbm>>
      %dma_start3A_297 = arith.constant 0 : i32
      %dma_start3A_298 = tpu.memref_slice %arg9[%scan3A_77, %dma_start3A_297] : memref<2x2176xf32, #tpu.memory_space<vmem>> -> memref<1x64xf32, #tpu.memory_space<vmem>>
      %dma_start3A_299 = tpu.memref_squeeze %dma_start3A_298 : memref<1x64xf32, #tpu.memory_space<vmem>> -> memref<64xf32, #tpu.memory_space<vmem>>
      tpu.enqueue_dma source(%dma_start3A_299 : memref<64xf32, #tpu.memory_space<vmem>>) target(%dma_start3A_296 : memref<64xf32, #tpu.memory_space<hbm>>) target_semaphore(%arg14 : memref<!tpu.dma_semaphore, #tpu.memory_space<semaphore_mem>>)
      %sub3A_300 = arith.constant 1 : i32
      %sub3A_301 = arith.subi %sub3A_300, %scan3A_77 : i32
      scf.yield %sub3A_301 : i32
    }
    %scan3A_24 = arith.constant 128 : i32
    %dma_wait3A = arith.constant 0 : i32
    %dma_wait3A_25 = arith.constant 0 : i32
    %dma_wait3A_26 = arith.constant 0 : i32
    %dma_wait3A_27 = tpu.memref_slice %arg11[%dma_wait3A, %dma_wait3A_25, %dma_wait3A_26] : memref<2x64x128xf32, #tpu.memory_space<vmem>> -> memref<1x64x128xf32, #tpu.memory_space<vmem>>
    %dma_wait3A_28 = tpu.memref_squeeze %dma_wait3A_27 : memref<1x64x128xf32, #tpu.memory_space<vmem>> -> memref<64x128xf32, #tpu.memory_space<vmem>>
    %dma_wait3A_29 = arith.constant 0 : i32
    %dma_wait3A_30 = arith.constant 0 : i32
    %dma_wait3A_31 = tpu.memref_slice %arg5[%dma_wait3A_29, %dma_wait3A_30] : memref<262144x128xf32, #tpu.memory_space<hbm>> -> memref<64x128xf32, #tpu.memory_space<hbm>>
    %dma_wait3A_32 = arith.constant 0 : i32
    %dma_wait3A_33 = arith.constant 0 : i32
    %dma_wait3A_34 = tpu.memref_slice %arg5[%dma_wait3A_32, %dma_wait3A_33] : memref<262144x128xf32, #tpu.memory_space<hbm>> -> memref<64x128xf32, #tpu.memory_space<hbm>>
    %dma_wait3A_35 = arith.constant 0 : i32
    %dma_wait3A_36 = arith.constant 0 : i32
    %dma_wait3A_37 = tpu.memref_slice %arg11[%dma_wait3A, %dma_wait3A_35, %dma_wait3A_36] : memref<2x64x128xf32, #tpu.memory_space<vmem>> -> memref<1x64x128xf32, #tpu.memory_space<vmem>>
    %dma_wait3A_38 = tpu.memref_squeeze %dma_wait3A_37 : memref<1x64x128xf32, #tpu.memory_space<vmem>> -> memref<64x128xf32, #tpu.memory_space<vmem>>
    tpu.wait_dma2 semaphore(%arg14 : memref<!tpu.dma_semaphore, #tpu.memory_space<semaphore_mem>>) src(%dma_wait3A_38 : memref<64x128xf32, #tpu.memory_space<vmem>>) dst(%dma_wait3A_34 : memref<64x128xf32, #tpu.memory_space<hbm>>)
    %dma_wait3A_39 = arith.constant 0 : i32
    %dma_wait3A_40 = arith.constant 0 : i32
    %dma_wait3A_41 = tpu.memref_slice %arg9[%dma_wait3A_39, %dma_wait3A_40] : memref<2x2176xf32, #tpu.memory_space<vmem>> -> memref<1x64xf32, #tpu.memory_space<vmem>>
    %dma_wait3A_42 = tpu.memref_squeeze %dma_wait3A_41 : memref<1x64xf32, #tpu.memory_space<vmem>> -> memref<64xf32, #tpu.memory_space<vmem>>
    %dma_wait3A_43 = arith.constant 0 : i32
    %dma_wait3A_44 = tpu.memref_slice %arg4[%dma_wait3A_43] : memref<262144xf32, #tpu.memory_space<hbm>> -> memref<64xf32, #tpu.memory_space<hbm>>
    %dma_wait3A_45 = arith.constant 0 : i32
    %dma_wait3A_46 = tpu.memref_slice %arg4[%dma_wait3A_45] : memref<262144xf32, #tpu.memory_space<hbm>> -> memref<64xf32, #tpu.memory_space<hbm>>
    %dma_wait3A_47 = arith.constant 0 : i32
    %dma_wait3A_48 = tpu.memref_slice %arg9[%dma_wait3A_39, %dma_wait3A_47] : memref<2x2176xf32, #tpu.memory_space<vmem>> -> memref<1x64xf32, #tpu.memory_space<vmem>>
    %dma_wait3A_49 = tpu.memref_squeeze %dma_wait3A_48 : memref<1x64xf32, #tpu.memory_space<vmem>> -> memref<64xf32, #tpu.memory_space<vmem>>
    tpu.wait_dma2 semaphore(%arg14 : memref<!tpu.dma_semaphore, #tpu.memory_space<semaphore_mem>>) src(%dma_wait3A_49 : memref<64xf32, #tpu.memory_space<vmem>>) dst(%dma_wait3A_46 : memref<64xf32, #tpu.memory_space<hbm>>)
    %dma_wait3A_50 = arith.constant 1 : i32
    %dma_wait3A_51 = arith.constant 0 : i32
    %dma_wait3A_52 = arith.constant 0 : i32
    %dma_wait3A_53 = tpu.memref_slice %arg11[%dma_wait3A_50, %dma_wait3A_51, %dma_wait3A_52] : memref<2x64x128xf32, #tpu.memory_space<vmem>> -> memref<1x64x128xf32, #tpu.memory_space<vmem>>
    %dma_wait3A_54 = tpu.memref_squeeze %dma_wait3A_53 : memref<1x64x128xf32, #tpu.memory_space<vmem>> -> memref<64x128xf32, #tpu.memory_space<vmem>>
    %dma_wait3A_55 = arith.constant 0 : i32
    %dma_wait3A_56 = arith.constant 0 : i32
    %dma_wait3A_57 = tpu.memref_slice %arg5[%dma_wait3A_55, %dma_wait3A_56] : memref<262144x128xf32, #tpu.memory_space<hbm>> -> memref<64x128xf32, #tpu.memory_space<hbm>>
    %dma_wait3A_58 = arith.constant 0 : i32
    %dma_wait3A_59 = arith.constant 0 : i32
    %dma_wait3A_60 = tpu.memref_slice %arg5[%dma_wait3A_58, %dma_wait3A_59] : memref<262144x128xf32, #tpu.memory_space<hbm>> -> memref<64x128xf32, #tpu.memory_space<hbm>>
    %dma_wait3A_61 = arith.constant 0 : i32
    %dma_wait3A_62 = arith.constant 0 : i32
    %dma_wait3A_63 = tpu.memref_slice %arg11[%dma_wait3A_50, %dma_wait3A_61, %dma_wait3A_62] : memref<2x64x128xf32, #tpu.memory_space<vmem>> -> memref<1x64x128xf32, #tpu.memory_space<vmem>>
    %dma_wait3A_64 = tpu.memref_squeeze %dma_wait3A_63 : memref<1x64x128xf32, #tpu.memory_space<vmem>> -> memref<64x128xf32, #tpu.memory_space<vmem>>
    tpu.wait_dma2 semaphore(%arg14 : memref<!tpu.dma_semaphore, #tpu.memory_space<semaphore_mem>>) src(%dma_wait3A_64 : memref<64x128xf32, #tpu.memory_space<vmem>>) dst(%dma_wait3A_60 : memref<64x128xf32, #tpu.memory_space<hbm>>)
    %dma_wait3A_65 = arith.constant 1 : i32
    %dma_wait3A_66 = arith.constant 0 : i32
    %dma_wait3A_67 = tpu.memref_slice %arg9[%dma_wait3A_65, %dma_wait3A_66] : memref<2x2176xf32, #tpu.memory_space<vmem>> -> memref<1x64xf32, #tpu.memory_space<vmem>>
    %dma_wait3A_68 = tpu.memref_squeeze %dma_wait3A_67 : memref<1x64xf32, #tpu.memory_space<vmem>> -> memref<64xf32, #tpu.memory_space<vmem>>
    %dma_wait3A_69 = arith.constant 0 : i32
    %dma_wait3A_70 = tpu.memref_slice %arg4[%dma_wait3A_69] : memref<262144xf32, #tpu.memory_space<hbm>> -> memref<64xf32, #tpu.memory_space<hbm>>
    %dma_wait3A_71 = arith.constant 0 : i32
    %dma_wait3A_72 = tpu.memref_slice %arg4[%dma_wait3A_71] : memref<262144xf32, #tpu.memory_space<hbm>> -> memref<64xf32, #tpu.memory_space<hbm>>
    %dma_wait3A_73 = arith.constant 0 : i32
    %dma_wait3A_74 = tpu.memref_slice %arg9[%dma_wait3A_65, %dma_wait3A_73] : memref<2x2176xf32, #tpu.memory_space<vmem>> -> memref<1x64xf32, #tpu.memory_space<vmem>>
    %dma_wait3A_75 = tpu.memref_squeeze %dma_wait3A_74 : memref<1x64xf32, #tpu.memory_space<vmem>> -> memref<64xf32, #tpu.memory_space<vmem>>
    tpu.wait_dma2 semaphore(%arg14 : memref<!tpu.dma_semaphore, #tpu.memory_space<semaphore_mem>>) src(%dma_wait3A_75 : memref<64xf32, #tpu.memory_space<vmem>>) dst(%dma_wait3A_72 : memref<64xf32, #tpu.memory_space<hbm>>)
    return
  }
}

module attributes {stable_mosaic.version = 14 : i64} {
  func.func @_scan_body(%arg0: i32, %arg1: memref<1x32x64x128xf32, #tpu.memory_space<vmem>>, %arg2: memref<1x32x64x128xf32, #tpu.memory_space<vmem>>, %arg3: memref<1x32x64xf32, #tpu.memory_space<vmem>>, %arg4: memref<32x1xi32, #tpu.memory_space<vmem>>, %arg5: memref<2048x32xf32, #tpu.memory_space<vmem>>, %arg6: memref<32x1xf32, #tpu.memory_space<smem>>, %arg7: memref<32x64xf32, #tpu.memory_space<vmem>>, %arg8: memref<32x64xf32, #tpu.memory_space<vmem>>, %arg9: memref<2048x64xf32, #tpu.memory_space<vmem>>) attributes {dimension_semantics = [#tpu.dimension_semantics<arbitrary>], iteration_bounds = array<i64: 128>, scalar_prefetch = 0 : i64, scratch_operands = 3 : i64, tpu.core_type = #tpu.core_type<tc>, window_params = [{transform_indices = @transform_0, window_bounds = array<i64: 1, 32, 64, 128>}, {transform_indices = @transform_1, window_bounds = array<i64: 1, 32, 64, 128>}, {transform_indices = @transform_2, window_bounds = array<i64: 1, 32, 64>}, {pipeline_mode = #tpu.pipeline_mode<synchronous>, transform_indices = @transform_3, window_bounds = array<i64: 32, 1>}, {pipeline_mode = #tpu.pipeline_mode<synchronous>, transform_indices = @transform_4, window_bounds = array<i64: 2048, 32>}, {transform_indices = @transform_5, window_bounds = array<i64: 32, 1>}]} {
    %eq3A = arith.constant 0 : i32
    %eq3A_0 = arith.cmpi eq, %arg0, %eq3A : i32
    %convert_element_type3A = arith.extui %eq3A_0 : i1 to i32
    %cond3A = arith.constant 0 : i32
    %cond3A_1 = arith.cmpi ne, %convert_element_type3A, %cond3A : i32
    scf.if %cond3A_1 {
      %get3A = arith.constant 0 : index
      %get3A_11 = arith.constant 0 : index
      %get3A_12 = arith.constant 0 : index
      %get3A_13 = vector.load %arg3[%get3A, %get3A_11, %get3A_12] : memref<1x32x64xf32, #tpu.memory_space<vmem>>, vector<1x32x64xf32>
      %get3A_14 = vector.shape_cast %get3A_13 : vector<1x32x64xf32> to vector<32x64xf32>
      %swap3A = arith.constant 0 : index
      %swap3A_15 = arith.constant 0 : index
      %swap3A_16 = vector.load %arg7[%swap3A, %swap3A_15] : memref<32x64xf32, #tpu.memory_space<vmem>>, vector<32x64xf32>
      tpu.vector_store %arg7[%swap3A, %swap3A_15], %get3A_14 {strides = array<i32>} : memref<32x64xf32, #tpu.memory_space<vmem>>, vector<32x64xf32>,
      %swap3A_17 = arith.constant 0 : index
      %swap3A_18 = arith.constant 0 : index
      %swap3A_19 = vector.load %arg8[%swap3A_17, %swap3A_18] : memref<32x64xf32, #tpu.memory_space<vmem>>, vector<32x64xf32>
      tpu.vector_store %arg8[%swap3A_17, %swap3A_18], %get3A_14 {strides = array<i32>} : memref<32x64xf32, #tpu.memory_space<vmem>>, vector<32x64xf32>,
    } else {
    }
    %gt3A = arith.constant 0 : i32
    %gt3A_2 = arith.cmpi sgt, %arg0, %gt3A : i32
    %convert_element_type3A_3 = arith.extui %gt3A_2 : i1 to i32
    %cond3A_4 = arith.constant 0 : i32
    %cond3A_5 = arith.cmpi ne, %convert_element_type3A_3, %cond3A_4 : i32
    scf.if %cond3A_5 {
      %get3A = arith.constant 0 : index
      %get3A_11 = arith.constant 0 : index
      %get3A_12 = arith.constant 0 : index
      %get3A_13 = arith.constant 0 : index
      %get3A_14 = vector.load %arg1[%get3A, %get3A_11, %get3A_12, %get3A_13] : memref<1x32x64x128xf32, #tpu.memory_space<vmem>>, vector<1x1x64x128xf32>
      %get3A_15 = vector.shape_cast %get3A_14 : vector<1x1x64x128xf32> to vector<64x128xf32>
      %get3A_16 = arith.constant 0 : index
      %get3A_17 = arith.constant 0 : index
      %get3A_18 = arith.constant 0 : index
      %get3A_19 = arith.constant 0 : index
      %get3A_20 = vector.load %arg2[%get3A_16, %get3A_17, %get3A_18, %get3A_19] : memref<1x32x64x128xf32, #tpu.memory_space<vmem>>, vector<1x1x64x128xf32>
      %get3A_21 = vector.shape_cast %get3A_20 : vector<1x1x64x128xf32> to vector<64x128xf32>
      %dot_general3A = arith.constant dense<0.000000e+00> : vector<64x64xf32>
      %dot_general3A_22 = tpu.matmul %get3A_15, %get3A_21, %dot_general3A {dimension_numbers = #tpu.dot_dimension_numbers<[1], [1], [0], [0], [0, 0, 1, 0], [], []>, transpose_lhs_hint = false} : vector<64x128xf32>, vector<64x128xf32>, vector<64x64xf32> -> vector<64x64xf32>
      %swap3A = arith.constant 0 : index
      %swap3A_23 = arith.constant 0 : index
      %swap3A_24 = vector.load %arg9[%swap3A, %swap3A_23] : memref<2048x64xf32, #tpu.memory_space<vmem>>, vector<64x64xf32>
      tpu.vector_store %arg9[%swap3A, %swap3A_23], %dot_general3A_22 {strides = array<i32>} : memref<2048x64xf32, #tpu.memory_space<vmem>>, vector<64x64xf32>,
      %get3A_25 = arith.constant 0 : index
      %get3A_26 = arith.constant 1 : index
      %get3A_27 = arith.constant 0 : index
      %get3A_28 = arith.constant 0 : index
      %get3A_29 = vector.load %arg1[%get3A_25, %get3A_26, %get3A_27, %get3A_28] : memref<1x32x64x128xf32, #tpu.memory_space<vmem>>, vector<1x1x64x128xf32>
      %get3A_30 = vector.shape_cast %get3A_29 : vector<1x1x64x128xf32> to vector<64x128xf32>
      %get3A_31 = arith.constant 0 : index
      %get3A_32 = arith.constant 1 : index
      %get3A_33 = arith.constant 0 : index
      %get3A_34 = arith.constant 0 : index
      %get3A_35 = vector.load %arg2[%get3A_31, %get3A_32, %get3A_33, %get3A_34] : memref<1x32x64x128xf32, #tpu.memory_space<vmem>>, vector<1x1x64x128xf32>
      %get3A_36 = vector.shape_cast %get3A_35 : vector<1x1x64x128xf32> to vector<64x128xf32>
      %dot_general3A_37 = arith.constant dense<0.000000e+00> : vector<64x64xf32>
      %dot_general3A_38 = tpu.matmul %get3A_30, %get3A_36, %dot_general3A_37 {dimension_numbers = #tpu.dot_dimension_numbers<[1], [1], [0], [0], [0, 0, 1, 0], [], []>, transpose_lhs_hint = false} : vector<64x128xf32>, vector<64x128xf32>, vector<64x64xf32> -> vector<64x64xf32>
      %swap3A_39 = arith.constant 64 : index
      %swap3A_40 = arith.constant 0 : index
      %swap3A_41 = vector.load %arg9[%swap3A_39, %swap3A_40] : memref<2048x64xf32, #tpu.memory_space<vmem>>, vector<64x64xf32>
      tpu.vector_store %arg9[%swap3A_39, %swap3A_40], %dot_general3A_38 {strides = array<i32>} : memref<2048x64xf32, #tpu.memory_space<vmem>>, vector<64x64xf32>,
      %get3A_42 = arith.constant 0 : index
      %get3A_43 = arith.constant 2 : index
      %get3A_44 = arith.constant 0 : index
      %get3A_45 = arith.constant 0 : index
      %get3A_46 = vector.load %arg1[%get3A_42, %get3A_43, %get3A_44, %get3A_45] : memref<1x32x64x128xf32, #tpu.memory_space<vmem>>, vector<1x1x64x128xf32>
      %get3A_47 = vector.shape_cast %get3A_46 : vector<1x1x64x128xf32> to vector<64x128xf32>
      %get3A_48 = arith.constant 0 : index
      %get3A_49 = arith.constant 2 : index
      %get3A_50 = arith.constant 0 : index
      %get3A_51 = arith.constant 0 : index
      %get3A_52 = vector.load %arg2[%get3A_48, %get3A_49, %get3A_50, %get3A_51] : memref<1x32x64x128xf32, #tpu.memory_space<vmem>>, vector<1x1x64x128xf32>
      %get3A_53 = vector.shape_cast %get3A_52 : vector<1x1x64x128xf32> to vector<64x128xf32>
      %dot_general3A_54 = arith.constant dense<0.000000e+00> : vector<64x64xf32>
      %dot_general3A_55 = tpu.matmul %get3A_47, %get3A_53, %dot_general3A_54 {dimension_numbers = #tpu.dot_dimension_numbers<[1], [1], [0], [0], [0, 0, 1, 0], [], []>, transpose_lhs_hint = false} : vector<64x128xf32>, vector<64x128xf32>, vector<64x64xf32> -> vector<64x64xf32>
      %swap3A_56 = arith.constant 128 : index
      %swap3A_57 = arith.constant 0 : index
      %swap3A_58 = vector.load %arg9[%swap3A_56, %swap3A_57] : memref<2048x64xf32, #tpu.memory_space<vmem>>, vector<64x64xf32>
      tpu.vector_store %arg9[%swap3A_56, %swap3A_57], %dot_general3A_55 {strides = array<i32>} : memref<2048x64xf32, #tpu.memory_space<vmem>>, vector<64x64xf32>,
      %get3A_59 = arith.constant 0 : index
      %get3A_60 = arith.constant 3 : index
      %get3A_61 = arith.constant 0 : index
      %get3A_62 = arith.constant 0 : index
      %get3A_63 = vector.load %arg1[%get3A_59, %get3A_60, %get3A_61, %get3A_62] : memref<1x32x64x128xf32, #tpu.memory_space<vmem>>, vector<1x1x64x128xf32>
      %get3A_64 = vector.shape_cast %get3A_63 : vector<1x1x64x128xf32> to vector<64x128xf32>
      %get3A_65 = arith.constant 0 : index
      %get3A_66 = arith.constant 3 : index
      %get3A_67 = arith.constant 0 : index
      %get3A_68 = arith.constant 0 : index
      %get3A_69 = vector.load %arg2[%get3A_65, %get3A_66, %get3A_67, %get3A_68] : memref<1x32x64x128xf32, #tpu.memory_space<vmem>>, vector<1x1x64x128xf32>
      %get3A_70 = vector.shape_cast %get3A_69 : vector<1x1x64x128xf32> to vector<64x128xf32>
      %dot_general3A_71 = arith.constant dense<0.000000e+00> : vector<64x64xf32>
      %dot_general3A_72 = tpu.matmul %get3A_64, %get3A_70, %dot_general3A_71 {dimension_numbers = #tpu.dot_dimension_numbers<[1], [1], [0], [0], [0, 0, 1, 0], [], []>, transpose_lhs_hint = false} : vector<64x128xf32>, vector<64x128xf32>, vector<64x64xf32> -> vector<64x64xf32>
      %swap3A_73 = arith.constant 192 : index
      %swap3A_74 = arith.constant 0 : index
      %swap3A_75 = vector.load %arg9[%swap3A_73, %swap3A_74] : memref<2048x64xf32, #tpu.memory_space<vmem>>, vector<64x64xf32>
      tpu.vector_store %arg9[%swap3A_73, %swap3A_74], %dot_general3A_72 {strides = array<i32>} : memref<2048x64xf32, #tpu.memory_space<vmem>>, vector<64x64xf32>,
      %get3A_76 = arith.constant 0 : index
      %get3A_77 = arith.constant 4 : index
      %get3A_78 = arith.constant 0 : index
      %get3A_79 = arith.constant 0 : index
      %get3A_80 = vector.load %arg1[%get3A_76, %get3A_77, %get3A_78, %get3A_79] : memref<1x32x64x128xf32, #tpu.memory_space<vmem>>, vector<1x1x64x128xf32>
      %get3A_81 = vector.shape_cast %get3A_80 : vector<1x1x64x128xf32> to vector<64x128xf32>
      %get3A_82 = arith.constant 0 : index
      %get3A_83 = arith.constant 4 : index
      %get3A_84 = arith.constant 0 : index
      %get3A_85 = arith.constant 0 : index
      %get3A_86 = vector.load %arg2[%get3A_82, %get3A_83, %get3A_84, %get3A_85] : memref<1x32x64x128xf32, #tpu.memory_space<vmem>>, vector<1x1x64x128xf32>
      %get3A_87 = vector.shape_cast %get3A_86 : vector<1x1x64x128xf32> to vector<64x128xf32>
      %dot_general3A_88 = arith.constant dense<0.000000e+00> : vector<64x64xf32>
      %dot_general3A_89 = tpu.matmul %get3A_81, %get3A_87, %dot_general3A_88 {dimension_numbers = #tpu.dot_dimension_numbers<[1], [1], [0], [0], [0, 0, 1, 0], [], []>, transpose_lhs_hint = false} : vector<64x128xf32>, vector<64x128xf32>, vector<64x64xf32> -> vector<64x64xf32>
      %swap3A_90 = arith.constant 256 : index
      %swap3A_91 = arith.constant 0 : index
      %swap3A_92 = vector.load %arg9[%swap3A_90, %swap3A_91] : memref<2048x64xf32, #tpu.memory_space<vmem>>, vector<64x64xf32>
      tpu.vector_store %arg9[%swap3A_90, %swap3A_91], %dot_general3A_89 {strides = array<i32>} : memref<2048x64xf32, #tpu.memory_space<vmem>>, vector<64x64xf32>,
      %get3A_93 = arith.constant 0 : index
      %get3A_94 = arith.constant 5 : index
      %get3A_95 = arith.constant 0 : index
      %get3A_96 = arith.constant 0 : index
      %get3A_97 = vector.load %arg1[%get3A_93, %get3A_94, %get3A_95, %get3A_96] : memref<1x32x64x128xf32, #tpu.memory_space<vmem>>, vector<1x1x64x128xf32>
      %get3A_98 = vector.shape_cast %get3A_97 : vector<1x1x64x128xf32> to vector<64x128xf32>
      %get3A_99 = arith.constant 0 : index
      %get3A_100 = arith.constant 5 : index
      %get3A_101 = arith.constant 0 : index
      %get3A_102 = arith.constant 0 : index
      %get3A_103 = vector.load %arg2[%get3A_99, %get3A_100, %get3A_101, %get3A_102] : memref<1x32x64x128xf32, #tpu.memory_space<vmem>>, vector<1x1x64x128xf32>
      %get3A_104 = vector.shape_cast %get3A_103 : vector<1x1x64x128xf32> to vector<64x128xf32>
      %dot_general3A_105 = arith.constant dense<0.000000e+00> : vector<64x64xf32>
      %dot_general3A_106 = tpu.matmul %get3A_98, %get3A_104, %dot_general3A_105 {dimension_numbers = #tpu.dot_dimension_numbers<[1], [1], [0], [0], [0, 0, 1, 0], [], []>, transpose_lhs_hint = false} : vector<64x128xf32>, vector<64x128xf32>, vector<64x64xf32> -> vector<64x64xf32>
      %swap3A_107 = arith.constant 320 : index
      %swap3A_108 = arith.constant 0 : index
      %swap3A_109 = vector.load %arg9[%swap3A_107, %swap3A_108] : memref<2048x64xf32, #tpu.memory_space<vmem>>, vector<64x64xf32>
      tpu.vector_store %arg9[%swap3A_107, %swap3A_108], %dot_general3A_106 {strides = array<i32>} : memref<2048x64xf32, #tpu.memory_space<vmem>>, vector<64x64xf32>,
      %get3A_110 = arith.constant 0 : index
      %get3A_111 = arith.constant 6 : index
      %get3A_112 = arith.constant 0 : index
      %get3A_113 = arith.constant 0 : index
      %get3A_114 = vector.load %arg1[%get3A_110, %get3A_111, %get3A_112, %get3A_113] : memref<1x32x64x128xf32, #tpu.memory_space<vmem>>, vector<1x1x64x128xf32>
      %get3A_115 = vector.shape_cast %get3A_114 : vector<1x1x64x128xf32> to vector<64x128xf32>
      %get3A_116 = arith.constant 0 : index
      %get3A_117 = arith.constant 6 : index
      %get3A_118 = arith.constant 0 : index
      %get3A_119 = arith.constant 0 : index
      %get3A_120 = vector.load %arg2[%get3A_116, %get3A_117, %get3A_118, %get3A_119] : memref<1x32x64x128xf32, #tpu.memory_space<vmem>>, vector<1x1x64x128xf32>
      %get3A_121 = vector.shape_cast %get3A_120 : vector<1x1x64x128xf32> to vector<64x128xf32>
      %dot_general3A_122 = arith.constant dense<0.000000e+00> : vector<64x64xf32>
      %dot_general3A_123 = tpu.matmul %get3A_115, %get3A_121, %dot_general3A_122 {dimension_numbers = #tpu.dot_dimension_numbers<[1], [1], [0], [0], [0, 0, 1, 0], [], []>, transpose_lhs_hint = false} : vector<64x128xf32>, vector<64x128xf32>, vector<64x64xf32> -> vector<64x64xf32>
      %swap3A_124 = arith.constant 384 : index
      %swap3A_125 = arith.constant 0 : index
      %swap3A_126 = vector.load %arg9[%swap3A_124, %swap3A_125] : memref<2048x64xf32, #tpu.memory_space<vmem>>, vector<64x64xf32>
      tpu.vector_store %arg9[%swap3A_124, %swap3A_125], %dot_general3A_123 {strides = array<i32>} : memref<2048x64xf32, #tpu.memory_space<vmem>>, vector<64x64xf32>,
      %get3A_127 = arith.constant 0 : index
      %get3A_128 = arith.constant 7 : index
      %get3A_129 = arith.constant 0 : index
      %get3A_130 = arith.constant 0 : index
      %get3A_131 = vector.load %arg1[%get3A_127, %get3A_128, %get3A_129, %get3A_130] : memref<1x32x64x128xf32, #tpu.memory_space<vmem>>, vector<1x1x64x128xf32>
      %get3A_132 = vector.shape_cast %get3A_131 : vector<1x1x64x128xf32> to vector<64x128xf32>
      %get3A_133 = arith.constant 0 : index
      %get3A_134 = arith.constant 7 : index
      %get3A_135 = arith.constant 0 : index
      %get3A_136 = arith.constant 0 : index
      %get3A_137 = vector.load %arg2[%get3A_133, %get3A_134, %get3A_135, %get3A_136] : memref<1x32x64x128xf32, #tpu.memory_space<vmem>>, vector<1x1x64x128xf32>
      %get3A_138 = vector.shape_cast %get3A_137 : vector<1x1x64x128xf32> to vector<64x128xf32>
      %dot_general3A_139 = arith.constant dense<0.000000e+00> : vector<64x64xf32>
      %dot_general3A_140 = tpu.matmul %get3A_132, %get3A_138, %dot_general3A_139 {dimension_numbers = #tpu.dot_dimension_numbers<[1], [1], [0], [0], [0, 0, 1, 0], [], []>, transpose_lhs_hint = false} : vector<64x128xf32>, vector<64x128xf32>, vector<64x64xf32> -> vector<64x64xf32>
      %swap3A_141 = arith.constant 448 : index
      %swap3A_142 = arith.constant 0 : index
      %swap3A_143 = vector.load %arg9[%swap3A_141, %swap3A_142] : memref<2048x64xf32, #tpu.memory_space<vmem>>, vector<64x64xf32>
      tpu.vector_store %arg9[%swap3A_141, %swap3A_142], %dot_general3A_140 {strides = array<i32>} : memref<2048x64xf32, #tpu.memory_space<vmem>>, vector<64x64xf32>,
      %get3A_144 = arith.constant 0 : index
      %get3A_145 = arith.constant 8 : index
      %get3A_146 = arith.constant 0 : index
      %get3A_147 = arith.constant 0 : index
      %get3A_148 = vector.load %arg1[%get3A_144, %get3A_145, %get3A_146, %get3A_147] : memref<1x32x64x128xf32, #tpu.memory_space<vmem>>, vector<1x1x64x128xf32>
      %get3A_149 = vector.shape_cast %get3A_148 : vector<1x1x64x128xf32> to vector<64x128xf32>
      %get3A_150 = arith.constant 0 : index
      %get3A_151 = arith.constant 8 : index
      %get3A_152 = arith.constant 0 : index
      %get3A_153 = arith.constant 0 : index
      %get3A_154 = vector.load %arg2[%get3A_150, %get3A_151, %get3A_152, %get3A_153] : memref<1x32x64x128xf32, #tpu.memory_space<vmem>>, vector<1x1x64x128xf32>
      %get3A_155 = vector.shape_cast %get3A_154 : vector<1x1x64x128xf32> to vector<64x128xf32>
      %dot_general3A_156 = arith.constant dense<0.000000e+00> : vector<64x64xf32>
      %dot_general3A_157 = tpu.matmul %get3A_149, %get3A_155, %dot_general3A_156 {dimension_numbers = #tpu.dot_dimension_numbers<[1], [1], [0], [0], [0, 0, 1, 0], [], []>, transpose_lhs_hint = false} : vector<64x128xf32>, vector<64x128xf32>, vector<64x64xf32> -> vector<64x64xf32>
      %swap3A_158 = arith.constant 512 : index
      %swap3A_159 = arith.constant 0 : index
      %swap3A_160 = vector.load %arg9[%swap3A_158, %swap3A_159] : memref<2048x64xf32, #tpu.memory_space<vmem>>, vector<64x64xf32>
      tpu.vector_store %arg9[%swap3A_158, %swap3A_159], %dot_general3A_157 {strides = array<i32>} : memref<2048x64xf32, #tpu.memory_space<vmem>>, vector<64x64xf32>,
      %get3A_161 = arith.constant 0 : index
      %get3A_162 = arith.constant 9 : index
      %get3A_163 = arith.constant 0 : index
      %get3A_164 = arith.constant 0 : index
      %get3A_165 = vector.load %arg1[%get3A_161, %get3A_162, %get3A_163, %get3A_164] : memref<1x32x64x128xf32, #tpu.memory_space<vmem>>, vector<1x1x64x128xf32>
      %get3A_166 = vector.shape_cast %get3A_165 : vector<1x1x64x128xf32> to vector<64x128xf32>
      %get3A_167 = arith.constant 0 : index
      %get3A_168 = arith.constant 9 : index
      %get3A_169 = arith.constant 0 : index
      %get3A_170 = arith.constant 0 : index
      %get3A_171 = vector.load %arg2[%get3A_167, %get3A_168, %get3A_169, %get3A_170] : memref<1x32x64x128xf32, #tpu.memory_space<vmem>>, vector<1x1x64x128xf32>
      %get3A_172 = vector.shape_cast %get3A_171 : vector<1x1x64x128xf32> to vector<64x128xf32>
      %dot_general3A_173 = arith.constant dense<0.000000e+00> : vector<64x64xf32>
      %dot_general3A_174 = tpu.matmul %get3A_166, %get3A_172, %dot_general3A_173 {dimension_numbers = #tpu.dot_dimension_numbers<[1], [1], [0], [0], [0, 0, 1, 0], [], []>, transpose_lhs_hint = false} : vector<64x128xf32>, vector<64x128xf32>, vector<64x64xf32> -> vector<64x64xf32>
      %swap3A_175 = arith.constant 576 : index
      %swap3A_176 = arith.constant 0 : index
      %swap3A_177 = vector.load %arg9[%swap3A_175, %swap3A_176] : memref<2048x64xf32, #tpu.memory_space<vmem>>, vector<64x64xf32>
      tpu.vector_store %arg9[%swap3A_175, %swap3A_176], %dot_general3A_174 {strides = array<i32>} : memref<2048x64xf32, #tpu.memory_space<vmem>>, vector<64x64xf32>,
      %get3A_178 = arith.constant 0 : index
      %get3A_179 = arith.constant 10 : index
      %get3A_180 = arith.constant 0 : index
      %get3A_181 = arith.constant 0 : index
      %get3A_182 = vector.load %arg1[%get3A_178, %get3A_179, %get3A_180, %get3A_181] : memref<1x32x64x128xf32, #tpu.memory_space<vmem>>, vector<1x1x64x128xf32>
      %get3A_183 = vector.shape_cast %get3A_182 : vector<1x1x64x128xf32> to vector<64x128xf32>
      %get3A_184 = arith.constant 0 : index
      %get3A_185 = arith.constant 10 : index
      %get3A_186 = arith.constant 0 : index
      %get3A_187 = arith.constant 0 : index
      %get3A_188 = vector.load %arg2[%get3A_184, %get3A_185, %get3A_186, %get3A_187] : memref<1x32x64x128xf32, #tpu.memory_space<vmem>>, vector<1x1x64x128xf32>
      %get3A_189 = vector.shape_cast %get3A_188 : vector<1x1x64x128xf32> to vector<64x128xf32>
      %dot_general3A_190 = arith.constant dense<0.000000e+00> : vector<64x64xf32>
      %dot_general3A_191 = tpu.matmul %get3A_183, %get3A_189, %dot_general3A_190 {dimension_numbers = #tpu.dot_dimension_numbers<[1], [1], [0], [0], [0, 0, 1, 0], [], []>, transpose_lhs_hint = false} : vector<64x128xf32>, vector<64x128xf32>, vector<64x64xf32> -> vector<64x64xf32>
      %swap3A_192 = arith.constant 640 : index
      %swap3A_193 = arith.constant 0 : index
      %swap3A_194 = vector.load %arg9[%swap3A_192, %swap3A_193] : memref<2048x64xf32, #tpu.memory_space<vmem>>, vector<64x64xf32>
      tpu.vector_store %arg9[%swap3A_192, %swap3A_193], %dot_general3A_191 {strides = array<i32>} : memref<2048x64xf32, #tpu.memory_space<vmem>>, vector<64x64xf32>,
      %get3A_195 = arith.constant 0 : index
      %get3A_196 = arith.constant 11 : index
      %get3A_197 = arith.constant 0 : index
      %get3A_198 = arith.constant 0 : index
      %get3A_199 = vector.load %arg1[%get3A_195, %get3A_196, %get3A_197, %get3A_198] : memref<1x32x64x128xf32, #tpu.memory_space<vmem>>, vector<1x1x64x128xf32>
      %get3A_200 = vector.shape_cast %get3A_199 : vector<1x1x64x128xf32> to vector<64x128xf32>
      %get3A_201 = arith.constant 0 : index
      %get3A_202 = arith.constant 11 : index
      %get3A_203 = arith.constant 0 : index
      %get3A_204 = arith.constant 0 : index
      %get3A_205 = vector.load %arg2[%get3A_201, %get3A_202, %get3A_203, %get3A_204] : memref<1x32x64x128xf32, #tpu.memory_space<vmem>>, vector<1x1x64x128xf32>
      %get3A_206 = vector.shape_cast %get3A_205 : vector<1x1x64x128xf32> to vector<64x128xf32>
      %dot_general3A_207 = arith.constant dense<0.000000e+00> : vector<64x64xf32>
      %dot_general3A_208 = tpu.matmul %get3A_200, %get3A_206, %dot_general3A_207 {dimension_numbers = #tpu.dot_dimension_numbers<[1], [1], [0], [0], [0, 0, 1, 0], [], []>, transpose_lhs_hint = false} : vector<64x128xf32>, vector<64x128xf32>, vector<64x64xf32> -> vector<64x64xf32>
      %swap3A_209 = arith.constant 704 : index
      %swap3A_210 = arith.constant 0 : index
      %swap3A_211 = vector.load %arg9[%swap3A_209, %swap3A_210] : memref<2048x64xf32, #tpu.memory_space<vmem>>, vector<64x64xf32>
      tpu.vector_store %arg9[%swap3A_209, %swap3A_210], %dot_general3A_208 {strides = array<i32>} : memref<2048x64xf32, #tpu.memory_space<vmem>>, vector<64x64xf32>,
      %get3A_212 = arith.constant 0 : index
      %get3A_213 = arith.constant 12 : index
      %get3A_214 = arith.constant 0 : index
      %get3A_215 = arith.constant 0 : index
      %get3A_216 = vector.load %arg1[%get3A_212, %get3A_213, %get3A_214, %get3A_215] : memref<1x32x64x128xf32, #tpu.memory_space<vmem>>, vector<1x1x64x128xf32>
      %get3A_217 = vector.shape_cast %get3A_216 : vector<1x1x64x128xf32> to vector<64x128xf32>
      %get3A_218 = arith.constant 0 : index
      %get3A_219 = arith.constant 12 : index
      %get3A_220 = arith.constant 0 : index
      %get3A_221 = arith.constant 0 : index
      %get3A_222 = vector.load %arg2[%get3A_218, %get3A_219, %get3A_220, %get3A_221] : memref<1x32x64x128xf32, #tpu.memory_space<vmem>>, vector<1x1x64x128xf32>
      %get3A_223 = vector.shape_cast %get3A_222 : vector<1x1x64x128xf32> to vector<64x128xf32>
      %dot_general3A_224 = arith.constant dense<0.000000e+00> : vector<64x64xf32>
      %dot_general3A_225 = tpu.matmul %get3A_217, %get3A_223, %dot_general3A_224 {dimension_numbers = #tpu.dot_dimension_numbers<[1], [1], [0], [0], [0, 0, 1, 0], [], []>, transpose_lhs_hint = false} : vector<64x128xf32>, vector<64x128xf32>, vector<64x64xf32> -> vector<64x64xf32>
      %swap3A_226 = arith.constant 768 : index
      %swap3A_227 = arith.constant 0 : index
      %swap3A_228 = vector.load %arg9[%swap3A_226, %swap3A_227] : memref<2048x64xf32, #tpu.memory_space<vmem>>, vector<64x64xf32>
      tpu.vector_store %arg9[%swap3A_226, %swap3A_227], %dot_general3A_225 {strides = array<i32>} : memref<2048x64xf32, #tpu.memory_space<vmem>>, vector<64x64xf32>,
      %get3A_229 = arith.constant 0 : index
      %get3A_230 = arith.constant 13 : index
      %get3A_231 = arith.constant 0 : index
      %get3A_232 = arith.constant 0 : index
      %get3A_233 = vector.load %arg1[%get3A_229, %get3A_230, %get3A_231, %get3A_232] : memref<1x32x64x128xf32, #tpu.memory_space<vmem>>, vector<1x1x64x128xf32>
      %get3A_234 = vector.shape_cast %get3A_233 : vector<1x1x64x128xf32> to vector<64x128xf32>
      %get3A_235 = arith.constant 0 : index
      %get3A_236 = arith.constant 13 : index
      %get3A_237 = arith.constant 0 : index
      %get3A_238 = arith.constant 0 : index
      %get3A_239 = vector.load %arg2[%get3A_235, %get3A_236, %get3A_237, %get3A_238] : memref<1x32x64x128xf32, #tpu.memory_space<vmem>>, vector<1x1x64x128xf32>
      %get3A_240 = vector.shape_cast %get3A_239 : vector<1x1x64x128xf32> to vector<64x128xf32>
      %dot_general3A_241 = arith.constant dense<0.000000e+00> : vector<64x64xf32>
      %dot_general3A_242 = tpu.matmul %get3A_234, %get3A_240, %dot_general3A_241 {dimension_numbers = #tpu.dot_dimension_numbers<[1], [1], [0], [0], [0, 0, 1, 0], [], []>, transpose_lhs_hint = false} : vector<64x128xf32>, vector<64x128xf32>, vector<64x64xf32> -> vector<64x64xf32>
      %swap3A_243 = arith.constant 832 : index
      %swap3A_244 = arith.constant 0 : index
      %swap3A_245 = vector.load %arg9[%swap3A_243, %swap3A_244] : memref<2048x64xf32, #tpu.memory_space<vmem>>, vector<64x64xf32>
      tpu.vector_store %arg9[%swap3A_243, %swap3A_244], %dot_general3A_242 {strides = array<i32>} : memref<2048x64xf32, #tpu.memory_space<vmem>>, vector<64x64xf32>,
      %get3A_246 = arith.constant 0 : index
      %get3A_247 = arith.constant 14 : index
      %get3A_248 = arith.constant 0 : index
      %get3A_249 = arith.constant 0 : index
      %get3A_250 = vector.load %arg1[%get3A_246, %get3A_247, %get3A_248, %get3A_249] : memref<1x32x64x128xf32, #tpu.memory_space<vmem>>, vector<1x1x64x128xf32>
      %get3A_251 = vector.shape_cast %get3A_250 : vector<1x1x64x128xf32> to vector<64x128xf32>
      %get3A_252 = arith.constant 0 : index
      %get3A_253 = arith.constant 14 : index
      %get3A_254 = arith.constant 0 : index
      %get3A_255 = arith.constant 0 : index
      %get3A_256 = vector.load %arg2[%get3A_252, %get3A_253, %get3A_254, %get3A_255] : memref<1x32x64x128xf32, #tpu.memory_space<vmem>>, vector<1x1x64x128xf32>
      %get3A_257 = vector.shape_cast %get3A_256 : vector<1x1x64x128xf32> to vector<64x128xf32>
      %dot_general3A_258 = arith.constant dense<0.000000e+00> : vector<64x64xf32>
      %dot_general3A_259 = tpu.matmul %get3A_251, %get3A_257, %dot_general3A_258 {dimension_numbers = #tpu.dot_dimension_numbers<[1], [1], [0], [0], [0, 0, 1, 0], [], []>, transpose_lhs_hint = false} : vector<64x128xf32>, vector<64x128xf32>, vector<64x64xf32> -> vector<64x64xf32>
      %swap3A_260 = arith.constant 896 : index
      %swap3A_261 = arith.constant 0 : index
      %swap3A_262 = vector.load %arg9[%swap3A_260, %swap3A_261] : memref<2048x64xf32, #tpu.memory_space<vmem>>, vector<64x64xf32>
      tpu.vector_store %arg9[%swap3A_260, %swap3A_261], %dot_general3A_259 {strides = array<i32>} : memref<2048x64xf32, #tpu.memory_space<vmem>>, vector<64x64xf32>,
      %get3A_263 = arith.constant 0 : index
      %get3A_264 = arith.constant 15 : index
      %get3A_265 = arith.constant 0 : index
      %get3A_266 = arith.constant 0 : index
      %get3A_267 = vector.load %arg1[%get3A_263, %get3A_264, %get3A_265, %get3A_266] : memref<1x32x64x128xf32, #tpu.memory_space<vmem>>, vector<1x1x64x128xf32>
      %get3A_268 = vector.shape_cast %get3A_267 : vector<1x1x64x128xf32> to vector<64x128xf32>
      %get3A_269 = arith.constant 0 : index
      %get3A_270 = arith.constant 15 : index
      %get3A_271 = arith.constant 0 : index
      %get3A_272 = arith.constant 0 : index
      %get3A_273 = vector.load %arg2[%get3A_269, %get3A_270, %get3A_271, %get3A_272] : memref<1x32x64x128xf32, #tpu.memory_space<vmem>>, vector<1x1x64x128xf32>
      %get3A_274 = vector.shape_cast %get3A_273 : vector<1x1x64x128xf32> to vector<64x128xf32>
      %dot_general3A_275 = arith.constant dense<0.000000e+00> : vector<64x64xf32>
      %dot_general3A_276 = tpu.matmul %get3A_268, %get3A_274, %dot_general3A_275 {dimension_numbers = #tpu.dot_dimension_numbers<[1], [1], [0], [0], [0, 0, 1, 0], [], []>, transpose_lhs_hint = false} : vector<64x128xf32>, vector<64x128xf32>, vector<64x64xf32> -> vector<64x64xf32>
      %swap3A_277 = arith.constant 960 : index
      %swap3A_278 = arith.constant 0 : index
      %swap3A_279 = vector.load %arg9[%swap3A_277, %swap3A_278] : memref<2048x64xf32, #tpu.memory_space<vmem>>, vector<64x64xf32>
      tpu.vector_store %arg9[%swap3A_277, %swap3A_278], %dot_general3A_276 {strides = array<i32>} : memref<2048x64xf32, #tpu.memory_space<vmem>>, vector<64x64xf32>,
      %get3A_280 = arith.constant 0 : index
      %get3A_281 = arith.constant 16 : index
      %get3A_282 = arith.constant 0 : index
      %get3A_283 = arith.constant 0 : index
      %get3A_284 = vector.load %arg1[%get3A_280, %get3A_281, %get3A_282, %get3A_283] : memref<1x32x64x128xf32, #tpu.memory_space<vmem>>, vector<1x1x64x128xf32>
      %get3A_285 = vector.shape_cast %get3A_284 : vector<1x1x64x128xf32> to vector<64x128xf32>
      %get3A_286 = arith.constant 0 : index
      %get3A_287 = arith.constant 16 : index
      %get3A_288 = arith.constant 0 : index
      %get3A_289 = arith.constant 0 : index
      %get3A_290 = vector.load %arg2[%get3A_286, %get3A_287, %get3A_288, %get3A_289] : memref<1x32x64x128xf32, #tpu.memory_space<vmem>>, vector<1x1x64x128xf32>
      %get3A_291 = vector.shape_cast %get3A_290 : vector<1x1x64x128xf32> to vector<64x128xf32>
      %dot_general3A_292 = arith.constant dense<0.000000e+00> : vector<64x64xf32>
      %dot_general3A_293 = tpu.matmul %get3A_285, %get3A_291, %dot_general3A_292 {dimension_numbers = #tpu.dot_dimension_numbers<[1], [1], [0], [0], [0, 0, 1, 0], [], []>, transpose_lhs_hint = false} : vector<64x128xf32>, vector<64x128xf32>, vector<64x64xf32> -> vector<64x64xf32>
      %swap3A_294 = arith.constant 1024 : index
      %swap3A_295 = arith.constant 0 : index
      %swap3A_296 = vector.load %arg9[%swap3A_294, %swap3A_295] : memref<2048x64xf32, #tpu.memory_space<vmem>>, vector<64x64xf32>
      tpu.vector_store %arg9[%swap3A_294, %swap3A_295], %dot_general3A_293 {strides = array<i32>} : memref<2048x64xf32, #tpu.memory_space<vmem>>, vector<64x64xf32>,
      %get3A_297 = arith.constant 0 : index
      %get3A_298 = arith.constant 17 : index
      %get3A_299 = arith.constant 0 : index
      %get3A_300 = arith.constant 0 : index
      %get3A_301 = vector.load %arg1[%get3A_297, %get3A_298, %get3A_299, %get3A_300] : memref<1x32x64x128xf32, #tpu.memory_space<vmem>>, vector<1x1x64x128xf32>
      %get3A_302 = vector.shape_cast %get3A_301 : vector<1x1x64x128xf32> to vector<64x128xf32>
      %get3A_303 = arith.constant 0 : index
      %get3A_304 = arith.constant 17 : index
      %get3A_305 = arith.constant 0 : index
      %get3A_306 = arith.constant 0 : index
      %get3A_307 = vector.load %arg2[%get3A_303, %get3A_304, %get3A_305, %get3A_306] : memref<1x32x64x128xf32, #tpu.memory_space<vmem>>, vector<1x1x64x128xf32>
      %get3A_308 = vector.shape_cast %get3A_307 : vector<1x1x64x128xf32> to vector<64x128xf32>
      %dot_general3A_309 = arith.constant dense<0.000000e+00> : vector<64x64xf32>
      %dot_general3A_310 = tpu.matmul %get3A_302, %get3A_308, %dot_general3A_309 {dimension_numbers = #tpu.dot_dimension_numbers<[1], [1], [0], [0], [0, 0, 1, 0], [], []>, transpose_lhs_hint = false} : vector<64x128xf32>, vector<64x128xf32>, vector<64x64xf32> -> vector<64x64xf32>
      %swap3A_311 = arith.constant 1088 : index
      %swap3A_312 = arith.constant 0 : index
      %swap3A_313 = vector.load %arg9[%swap3A_311, %swap3A_312] : memref<2048x64xf32, #tpu.memory_space<vmem>>, vector<64x64xf32>
      tpu.vector_store %arg9[%swap3A_311, %swap3A_312], %dot_general3A_310 {strides = array<i32>} : memref<2048x64xf32, #tpu.memory_space<vmem>>, vector<64x64xf32>,
      %get3A_314 = arith.constant 0 : index
      %get3A_315 = arith.constant 18 : index
      %get3A_316 = arith.constant 0 : index
      %get3A_317 = arith.constant 0 : index
      %get3A_318 = vector.load %arg1[%get3A_314, %get3A_315, %get3A_316, %get3A_317] : memref<1x32x64x128xf32, #tpu.memory_space<vmem>>, vector<1x1x64x128xf32>
      %get3A_319 = vector.shape_cast %get3A_318 : vector<1x1x64x128xf32> to vector<64x128xf32>
      %get3A_320 = arith.constant 0 : index
      %get3A_321 = arith.constant 18 : index
      %get3A_322 = arith.constant 0 : index
      %get3A_323 = arith.constant 0 : index
      %get3A_324 = vector.load %arg2[%get3A_320, %get3A_321, %get3A_322, %get3A_323] : memref<1x32x64x128xf32, #tpu.memory_space<vmem>>, vector<1x1x64x128xf32>
      %get3A_325 = vector.shape_cast %get3A_324 : vector<1x1x64x128xf32> to vector<64x128xf32>
      %dot_general3A_326 = arith.constant dense<0.000000e+00> : vector<64x64xf32>
      %dot_general3A_327 = tpu.matmul %get3A_319, %get3A_325, %dot_general3A_326 {dimension_numbers = #tpu.dot_dimension_numbers<[1], [1], [0], [0], [0, 0, 1, 0], [], []>, transpose_lhs_hint = false} : vector<64x128xf32>, vector<64x128xf32>, vector<64x64xf32> -> vector<64x64xf32>
      %swap3A_328 = arith.constant 1152 : index
      %swap3A_329 = arith.constant 0 : index
      %swap3A_330 = vector.load %arg9[%swap3A_328, %swap3A_329] : memref<2048x64xf32, #tpu.memory_space<vmem>>, vector<64x64xf32>
      tpu.vector_store %arg9[%swap3A_328, %swap3A_329], %dot_general3A_327 {strides = array<i32>} : memref<2048x64xf32, #tpu.memory_space<vmem>>, vector<64x64xf32>,
      %get3A_331 = arith.constant 0 : index
      %get3A_332 = arith.constant 19 : index
      %get3A_333 = arith.constant 0 : index
      %get3A_334 = arith.constant 0 : index
      %get3A_335 = vector.load %arg1[%get3A_331, %get3A_332, %get3A_333, %get3A_334] : memref<1x32x64x128xf32, #tpu.memory_space<vmem>>, vector<1x1x64x128xf32>
      %get3A_336 = vector.shape_cast %get3A_335 : vector<1x1x64x128xf32> to vector<64x128xf32>
      %get3A_337 = arith.constant 0 : index
      %get3A_338 = arith.constant 19 : index
      %get3A_339 = arith.constant 0 : index
      %get3A_340 = arith.constant 0 : index
      %get3A_341 = vector.load %arg2[%get3A_337, %get3A_338, %get3A_339, %get3A_340] : memref<1x32x64x128xf32, #tpu.memory_space<vmem>>, vector<1x1x64x128xf32>
      %get3A_342 = vector.shape_cast %get3A_341 : vector<1x1x64x128xf32> to vector<64x128xf32>
      %dot_general3A_343 = arith.constant dense<0.000000e+00> : vector<64x64xf32>
      %dot_general3A_344 = tpu.matmul %get3A_336, %get3A_342, %dot_general3A_343 {dimension_numbers = #tpu.dot_dimension_numbers<[1], [1], [0], [0], [0, 0, 1, 0], [], []>, transpose_lhs_hint = false} : vector<64x128xf32>, vector<64x128xf32>, vector<64x64xf32> -> vector<64x64xf32>
      %swap3A_345 = arith.constant 1216 : index
      %swap3A_346 = arith.constant 0 : index
      %swap3A_347 = vector.load %arg9[%swap3A_345, %swap3A_346] : memref<2048x64xf32, #tpu.memory_space<vmem>>, vector<64x64xf32>
      tpu.vector_store %arg9[%swap3A_345, %swap3A_346], %dot_general3A_344 {strides = array<i32>} : memref<2048x64xf32, #tpu.memory_space<vmem>>, vector<64x64xf32>,
      %get3A_348 = arith.constant 0 : index
      %get3A_349 = arith.constant 20 : index
      %get3A_350 = arith.constant 0 : index
      %get3A_351 = arith.constant 0 : index
      %get3A_352 = vector.load %arg1[%get3A_348, %get3A_349, %get3A_350, %get3A_351] : memref<1x32x64x128xf32, #tpu.memory_space<vmem>>, vector<1x1x64x128xf32>
      %get3A_353 = vector.shape_cast %get3A_352 : vector<1x1x64x128xf32> to vector<64x128xf32>
      %get3A_354 = arith.constant 0 : index
      %get3A_355 = arith.constant 20 : index
      %get3A_356 = arith.constant 0 : index
      %get3A_357 = arith.constant 0 : index
      %get3A_358 = vector.load %arg2[%get3A_354, %get3A_355, %get3A_356, %get3A_357] : memref<1x32x64x128xf32, #tpu.memory_space<vmem>>, vector<1x1x64x128xf32>
      %get3A_359 = vector.shape_cast %get3A_358 : vector<1x1x64x128xf32> to vector<64x128xf32>
      %dot_general3A_360 = arith.constant dense<0.000000e+00> : vector<64x64xf32>
      %dot_general3A_361 = tpu.matmul %get3A_353, %get3A_359, %dot_general3A_360 {dimension_numbers = #tpu.dot_dimension_numbers<[1], [1], [0], [0], [0, 0, 1, 0], [], []>, transpose_lhs_hint = false} : vector<64x128xf32>, vector<64x128xf32>, vector<64x64xf32> -> vector<64x64xf32>
      %swap3A_362 = arith.constant 1280 : index
      %swap3A_363 = arith.constant 0 : index
      %swap3A_364 = vector.load %arg9[%swap3A_362, %swap3A_363] : memref<2048x64xf32, #tpu.memory_space<vmem>>, vector<64x64xf32>
      tpu.vector_store %arg9[%swap3A_362, %swap3A_363], %dot_general3A_361 {strides = array<i32>} : memref<2048x64xf32, #tpu.memory_space<vmem>>, vector<64x64xf32>,
      %get3A_365 = arith.constant 0 : index
      %get3A_366 = arith.constant 21 : index
      %get3A_367 = arith.constant 0 : index
      %get3A_368 = arith.constant 0 : index
      %get3A_369 = vector.load %arg1[%get3A_365, %get3A_366, %get3A_367, %get3A_368] : memref<1x32x64x128xf32, #tpu.memory_space<vmem>>, vector<1x1x64x128xf32>
      %get3A_370 = vector.shape_cast %get3A_369 : vector<1x1x64x128xf32> to vector<64x128xf32>
      %get3A_371 = arith.constant 0 : index
      %get3A_372 = arith.constant 21 : index
      %get3A_373 = arith.constant 0 : index
      %get3A_374 = arith.constant 0 : index
      %get3A_375 = vector.load %arg2[%get3A_371, %get3A_372, %get3A_373, %get3A_374] : memref<1x32x64x128xf32, #tpu.memory_space<vmem>>, vector<1x1x64x128xf32>
      %get3A_376 = vector.shape_cast %get3A_375 : vector<1x1x64x128xf32> to vector<64x128xf32>
      %dot_general3A_377 = arith.constant dense<0.000000e+00> : vector<64x64xf32>
      %dot_general3A_378 = tpu.matmul %get3A_370, %get3A_376, %dot_general3A_377 {dimension_numbers = #tpu.dot_dimension_numbers<[1], [1], [0], [0], [0, 0, 1, 0], [], []>, transpose_lhs_hint = false} : vector<64x128xf32>, vector<64x128xf32>, vector<64x64xf32> -> vector<64x64xf32>
      %swap3A_379 = arith.constant 1344 : index
      %swap3A_380 = arith.constant 0 : index
      %swap3A_381 = vector.load %arg9[%swap3A_379, %swap3A_380] : memref<2048x64xf32, #tpu.memory_space<vmem>>, vector<64x64xf32>
      tpu.vector_store %arg9[%swap3A_379, %swap3A_380], %dot_general3A_378 {strides = array<i32>} : memref<2048x64xf32, #tpu.memory_space<vmem>>, vector<64x64xf32>,
      %get3A_382 = arith.constant 0 : index
      %get3A_383 = arith.constant 22 : index
      %get3A_384 = arith.constant 0 : index
      %get3A_385 = arith.constant 0 : index
      %get3A_386 = vector.load %arg1[%get3A_382, %get3A_383, %get3A_384, %get3A_385] : memref<1x32x64x128xf32, #tpu.memory_space<vmem>>, vector<1x1x64x128xf32>
      %get3A_387 = vector.shape_cast %get3A_386 : vector<1x1x64x128xf32> to vector<64x128xf32>
      %get3A_388 = arith.constant 0 : index
      %get3A_389 = arith.constant 22 : index
      %get3A_390 = arith.constant 0 : index
      %get3A_391 = arith.constant 0 : index
      %get3A_392 = vector.load %arg2[%get3A_388, %get3A_389, %get3A_390, %get3A_391] : memref<1x32x64x128xf32, #tpu.memory_space<vmem>>, vector<1x1x64x128xf32>
      %get3A_393 = vector.shape_cast %get3A_392 : vector<1x1x64x128xf32> to vector<64x128xf32>
      %dot_general3A_394 = arith.constant dense<0.000000e+00> : vector<64x64xf32>
      %dot_general3A_395 = tpu.matmul %get3A_387, %get3A_393, %dot_general3A_394 {dimension_numbers = #tpu.dot_dimension_numbers<[1], [1], [0], [0], [0, 0, 1, 0], [], []>, transpose_lhs_hint = false} : vector<64x128xf32>, vector<64x128xf32>, vector<64x64xf32> -> vector<64x64xf32>
      %swap3A_396 = arith.constant 1408 : index
      %swap3A_397 = arith.constant 0 : index
      %swap3A_398 = vector.load %arg9[%swap3A_396, %swap3A_397] : memref<2048x64xf32, #tpu.memory_space<vmem>>, vector<64x64xf32>
      tpu.vector_store %arg9[%swap3A_396, %swap3A_397], %dot_general3A_395 {strides = array<i32>} : memref<2048x64xf32, #tpu.memory_space<vmem>>, vector<64x64xf32>,
      %get3A_399 = arith.constant 0 : index
      %get3A_400 = arith.constant 23 : index
      %get3A_401 = arith.constant 0 : index
      %get3A_402 = arith.constant 0 : index
      %get3A_403 = vector.load %arg1[%get3A_399, %get3A_400, %get3A_401, %get3A_402] : memref<1x32x64x128xf32, #tpu.memory_space<vmem>>, vector<1x1x64x128xf32>
      %get3A_404 = vector.shape_cast %get3A_403 : vector<1x1x64x128xf32> to vector<64x128xf32>
      %get3A_405 = arith.constant 0 : index
      %get3A_406 = arith.constant 23 : index
      %get3A_407 = arith.constant 0 : index
      %get3A_408 = arith.constant 0 : index
      %get3A_409 = vector.load %arg2[%get3A_405, %get3A_406, %get3A_407, %get3A_408] : memref<1x32x64x128xf32, #tpu.memory_space<vmem>>, vector<1x1x64x128xf32>
      %get3A_410 = vector.shape_cast %get3A_409 : vector<1x1x64x128xf32> to vector<64x128xf32>
      %dot_general3A_411 = arith.constant dense<0.000000e+00> : vector<64x64xf32>
      %dot_general3A_412 = tpu.matmul %get3A_404, %get3A_410, %dot_general3A_411 {dimension_numbers = #tpu.dot_dimension_numbers<[1], [1], [0], [0], [0, 0, 1, 0], [], []>, transpose_lhs_hint = false} : vector<64x128xf32>, vector<64x128xf32>, vector<64x64xf32> -> vector<64x64xf32>
      %swap3A_413 = arith.constant 1472 : index
      %swap3A_414 = arith.constant 0 : index
      %swap3A_415 = vector.load %arg9[%swap3A_413, %swap3A_414] : memref<2048x64xf32, #tpu.memory_space<vmem>>, vector<64x64xf32>
      tpu.vector_store %arg9[%swap3A_413, %swap3A_414], %dot_general3A_412 {strides = array<i32>} : memref<2048x64xf32, #tpu.memory_space<vmem>>, vector<64x64xf32>,
      %get3A_416 = arith.constant 0 : index
      %get3A_417 = arith.constant 24 : index
      %get3A_418 = arith.constant 0 : index
      %get3A_419 = arith.constant 0 : index
      %get3A_420 = vector.load %arg1[%get3A_416, %get3A_417, %get3A_418, %get3A_419] : memref<1x32x64x128xf32, #tpu.memory_space<vmem>>, vector<1x1x64x128xf32>
      %get3A_421 = vector.shape_cast %get3A_420 : vector<1x1x64x128xf32> to vector<64x128xf32>
      %get3A_422 = arith.constant 0 : index
      %get3A_423 = arith.constant 24 : index
      %get3A_424 = arith.constant 0 : index
      %get3A_425 = arith.constant 0 : index
      %get3A_426 = vector.load %arg2[%get3A_422, %get3A_423, %get3A_424, %get3A_425] : memref<1x32x64x128xf32, #tpu.memory_space<vmem>>, vector<1x1x64x128xf32>
      %get3A_427 = vector.shape_cast %get3A_426 : vector<1x1x64x128xf32> to vector<64x128xf32>
      %dot_general3A_428 = arith.constant dense<0.000000e+00> : vector<64x64xf32>
      %dot_general3A_429 = tpu.matmul %get3A_421, %get3A_427, %dot_general3A_428 {dimension_numbers = #tpu.dot_dimension_numbers<[1], [1], [0], [0], [0, 0, 1, 0], [], []>, transpose_lhs_hint = false} : vector<64x128xf32>, vector<64x128xf32>, vector<64x64xf32> -> vector<64x64xf32>
      %swap3A_430 = arith.constant 1536 : index
      %swap3A_431 = arith.constant 0 : index
      %swap3A_432 = vector.load %arg9[%swap3A_430, %swap3A_431] : memref<2048x64xf32, #tpu.memory_space<vmem>>, vector<64x64xf32>
      tpu.vector_store %arg9[%swap3A_430, %swap3A_431], %dot_general3A_429 {strides = array<i32>} : memref<2048x64xf32, #tpu.memory_space<vmem>>, vector<64x64xf32>,
      %get3A_433 = arith.constant 0 : index
      %get3A_434 = arith.constant 25 : index
      %get3A_435 = arith.constant 0 : index
      %get3A_436 = arith.constant 0 : index
      %get3A_437 = vector.load %arg1[%get3A_433, %get3A_434, %get3A_435, %get3A_436] : memref<1x32x64x128xf32, #tpu.memory_space<vmem>>, vector<1x1x64x128xf32>
      %get3A_438 = vector.shape_cast %get3A_437 : vector<1x1x64x128xf32> to vector<64x128xf32>
      %get3A_439 = arith.constant 0 : index
      %get3A_440 = arith.constant 25 : index
      %get3A_441 = arith.constant 0 : index
      %get3A_442 = arith.constant 0 : index
      %get3A_443 = vector.load %arg2[%get3A_439, %get3A_440, %get3A_441, %get3A_442] : memref<1x32x64x128xf32, #tpu.memory_space<vmem>>, vector<1x1x64x128xf32>
      %get3A_444 = vector.shape_cast %get3A_443 : vector<1x1x64x128xf32> to vector<64x128xf32>
      %dot_general3A_445 = arith.constant dense<0.000000e+00> : vector<64x64xf32>
      %dot_general3A_446 = tpu.matmul %get3A_438, %get3A_444, %dot_general3A_445 {dimension_numbers = #tpu.dot_dimension_numbers<[1], [1], [0], [0], [0, 0, 1, 0], [], []>, transpose_lhs_hint = false} : vector<64x128xf32>, vector<64x128xf32>, vector<64x64xf32> -> vector<64x64xf32>
      %swap3A_447 = arith.constant 1600 : index
      %swap3A_448 = arith.constant 0 : index
      %swap3A_449 = vector.load %arg9[%swap3A_447, %swap3A_448] : memref<2048x64xf32, #tpu.memory_space<vmem>>, vector<64x64xf32>
      tpu.vector_store %arg9[%swap3A_447, %swap3A_448], %dot_general3A_446 {strides = array<i32>} : memref<2048x64xf32, #tpu.memory_space<vmem>>, vector<64x64xf32>,
      %get3A_450 = arith.constant 0 : index
      %get3A_451 = arith.constant 26 : index
      %get3A_452 = arith.constant 0 : index
      %get3A_453 = arith.constant 0 : index
      %get3A_454 = vector.load %arg1[%get3A_450, %get3A_451, %get3A_452, %get3A_453] : memref<1x32x64x128xf32, #tpu.memory_space<vmem>>, vector<1x1x64x128xf32>
      %get3A_455 = vector.shape_cast %get3A_454 : vector<1x1x64x128xf32> to vector<64x128xf32>
      %get3A_456 = arith.constant 0 : index
      %get3A_457 = arith.constant 26 : index
      %get3A_458 = arith.constant 0 : index
      %get3A_459 = arith.constant 0 : index
      %get3A_460 = vector.load %arg2[%get3A_456, %get3A_457, %get3A_458, %get3A_459] : memref<1x32x64x128xf32, #tpu.memory_space<vmem>>, vector<1x1x64x128xf32>
      %get3A_461 = vector.shape_cast %get3A_460 : vector<1x1x64x128xf32> to vector<64x128xf32>
      %dot_general3A_462 = arith.constant dense<0.000000e+00> : vector<64x64xf32>
      %dot_general3A_463 = tpu.matmul %get3A_455, %get3A_461, %dot_general3A_462 {dimension_numbers = #tpu.dot_dimension_numbers<[1], [1], [0], [0], [0, 0, 1, 0], [], []>, transpose_lhs_hint = false} : vector<64x128xf32>, vector<64x128xf32>, vector<64x64xf32> -> vector<64x64xf32>
      %swap3A_464 = arith.constant 1664 : index
      %swap3A_465 = arith.constant 0 : index
      %swap3A_466 = vector.load %arg9[%swap3A_464, %swap3A_465] : memref<2048x64xf32, #tpu.memory_space<vmem>>, vector<64x64xf32>
      tpu.vector_store %arg9[%swap3A_464, %swap3A_465], %dot_general3A_463 {strides = array<i32>} : memref<2048x64xf32, #tpu.memory_space<vmem>>, vector<64x64xf32>,
      %get3A_467 = arith.constant 0 : index
      %get3A_468 = arith.constant 27 : index
      %get3A_469 = arith.constant 0 : index
      %get3A_470 = arith.constant 0 : index
      %get3A_471 = vector.load %arg1[%get3A_467, %get3A_468, %get3A_469, %get3A_470] : memref<1x32x64x128xf32, #tpu.memory_space<vmem>>, vector<1x1x64x128xf32>
      %get3A_472 = vector.shape_cast %get3A_471 : vector<1x1x64x128xf32> to vector<64x128xf32>
      %get3A_473 = arith.constant 0 : index
      %get3A_474 = arith.constant 27 : index
      %get3A_475 = arith.constant 0 : index
      %get3A_476 = arith.constant 0 : index
      %get3A_477 = vector.load %arg2[%get3A_473, %get3A_474, %get3A_475, %get3A_476] : memref<1x32x64x128xf32, #tpu.memory_space<vmem>>, vector<1x1x64x128xf32>
      %get3A_478 = vector.shape_cast %get3A_477 : vector<1x1x64x128xf32> to vector<64x128xf32>
      %dot_general3A_479 = arith.constant dense<0.000000e+00> : vector<64x64xf32>
      %dot_general3A_480 = tpu.matmul %get3A_472, %get3A_478, %dot_general3A_479 {dimension_numbers = #tpu.dot_dimension_numbers<[1], [1], [0], [0], [0, 0, 1, 0], [], []>, transpose_lhs_hint = false} : vector<64x128xf32>, vector<64x128xf32>, vector<64x64xf32> -> vector<64x64xf32>
      %swap3A_481 = arith.constant 1728 : index
      %swap3A_482 = arith.constant 0 : index
      %swap3A_483 = vector.load %arg9[%swap3A_481, %swap3A_482] : memref<2048x64xf32, #tpu.memory_space<vmem>>, vector<64x64xf32>
      tpu.vector_store %arg9[%swap3A_481, %swap3A_482], %dot_general3A_480 {strides = array<i32>} : memref<2048x64xf32, #tpu.memory_space<vmem>>, vector<64x64xf32>,
      %get3A_484 = arith.constant 0 : index
      %get3A_485 = arith.constant 28 : index
      %get3A_486 = arith.constant 0 : index
      %get3A_487 = arith.constant 0 : index
      %get3A_488 = vector.load %arg1[%get3A_484, %get3A_485, %get3A_486, %get3A_487] : memref<1x32x64x128xf32, #tpu.memory_space<vmem>>, vector<1x1x64x128xf32>
      %get3A_489 = vector.shape_cast %get3A_488 : vector<1x1x64x128xf32> to vector<64x128xf32>
      %get3A_490 = arith.constant 0 : index
      %get3A_491 = arith.constant 28 : index
      %get3A_492 = arith.constant 0 : index
      %get3A_493 = arith.constant 0 : index
      %get3A_494 = vector.load %arg2[%get3A_490, %get3A_491, %get3A_492, %get3A_493] : memref<1x32x64x128xf32, #tpu.memory_space<vmem>>, vector<1x1x64x128xf32>
      %get3A_495 = vector.shape_cast %get3A_494 : vector<1x1x64x128xf32> to vector<64x128xf32>
      %dot_general3A_496 = arith.constant dense<0.000000e+00> : vector<64x64xf32>
      %dot_general3A_497 = tpu.matmul %get3A_489, %get3A_495, %dot_general3A_496 {dimension_numbers = #tpu.dot_dimension_numbers<[1], [1], [0], [0], [0, 0, 1, 0], [], []>, transpose_lhs_hint = false} : vector<64x128xf32>, vector<64x128xf32>, vector<64x64xf32> -> vector<64x64xf32>
      %swap3A_498 = arith.constant 1792 : index
      %swap3A_499 = arith.constant 0 : index
      %swap3A_500 = vector.load %arg9[%swap3A_498, %swap3A_499] : memref<2048x64xf32, #tpu.memory_space<vmem>>, vector<64x64xf32>
      tpu.vector_store %arg9[%swap3A_498, %swap3A_499], %dot_general3A_497 {strides = array<i32>} : memref<2048x64xf32, #tpu.memory_space<vmem>>, vector<64x64xf32>,
      %get3A_501 = arith.constant 0 : index
      %get3A_502 = arith.constant 29 : index
      %get3A_503 = arith.constant 0 : index
      %get3A_504 = arith.constant 0 : index
      %get3A_505 = vector.load %arg1[%get3A_501, %get3A_502, %get3A_503, %get3A_504] : memref<1x32x64x128xf32, #tpu.memory_space<vmem>>, vector<1x1x64x128xf32>
      %get3A_506 = vector.shape_cast %get3A_505 : vector<1x1x64x128xf32> to vector<64x128xf32>
      %get3A_507 = arith.constant 0 : index
      %get3A_508 = arith.constant 29 : index
      %get3A_509 = arith.constant 0 : index
      %get3A_510 = arith.constant 0 : index
      %get3A_511 = vector.load %arg2[%get3A_507, %get3A_508, %get3A_509, %get3A_510] : memref<1x32x64x128xf32, #tpu.memory_space<vmem>>, vector<1x1x64x128xf32>
      %get3A_512 = vector.shape_cast %get3A_511 : vector<1x1x64x128xf32> to vector<64x128xf32>
      %dot_general3A_513 = arith.constant dense<0.000000e+00> : vector<64x64xf32>
      %dot_general3A_514 = tpu.matmul %get3A_506, %get3A_512, %dot_general3A_513 {dimension_numbers = #tpu.dot_dimension_numbers<[1], [1], [0], [0], [0, 0, 1, 0], [], []>, transpose_lhs_hint = false} : vector<64x128xf32>, vector<64x128xf32>, vector<64x64xf32> -> vector<64x64xf32>
      %swap3A_515 = arith.constant 1856 : index
      %swap3A_516 = arith.constant 0 : index
      %swap3A_517 = vector.load %arg9[%swap3A_515, %swap3A_516] : memref<2048x64xf32, #tpu.memory_space<vmem>>, vector<64x64xf32>
      tpu.vector_store %arg9[%swap3A_515, %swap3A_516], %dot_general3A_514 {strides = array<i32>} : memref<2048x64xf32, #tpu.memory_space<vmem>>, vector<64x64xf32>,
      %get3A_518 = arith.constant 0 : index
      %get3A_519 = arith.constant 30 : index
      %get3A_520 = arith.constant 0 : index
      %get3A_521 = arith.constant 0 : index
      %get3A_522 = vector.load %arg1[%get3A_518, %get3A_519, %get3A_520, %get3A_521] : memref<1x32x64x128xf32, #tpu.memory_space<vmem>>, vector<1x1x64x128xf32>
      %get3A_523 = vector.shape_cast %get3A_522 : vector<1x1x64x128xf32> to vector<64x128xf32>
      %get3A_524 = arith.constant 0 : index
      %get3A_525 = arith.constant 30 : index
      %get3A_526 = arith.constant 0 : index
      %get3A_527 = arith.constant 0 : index
      %get3A_528 = vector.load %arg2[%get3A_524, %get3A_525, %get3A_526, %get3A_527] : memref<1x32x64x128xf32, #tpu.memory_space<vmem>>, vector<1x1x64x128xf32>
      %get3A_529 = vector.shape_cast %get3A_528 : vector<1x1x64x128xf32> to vector<64x128xf32>
      %dot_general3A_530 = arith.constant dense<0.000000e+00> : vector<64x64xf32>
      %dot_general3A_531 = tpu.matmul %get3A_523, %get3A_529, %dot_general3A_530 {dimension_numbers = #tpu.dot_dimension_numbers<[1], [1], [0], [0], [0, 0, 1, 0], [], []>, transpose_lhs_hint = false} : vector<64x128xf32>, vector<64x128xf32>, vector<64x64xf32> -> vector<64x64xf32>
      %swap3A_532 = arith.constant 1920 : index
      %swap3A_533 = arith.constant 0 : index
      %swap3A_534 = vector.load %arg9[%swap3A_532, %swap3A_533] : memref<2048x64xf32, #tpu.memory_space<vmem>>, vector<64x64xf32>
      tpu.vector_store %arg9[%swap3A_532, %swap3A_533], %dot_general3A_531 {strides = array<i32>} : memref<2048x64xf32, #tpu.memory_space<vmem>>, vector<64x64xf32>,
      %get3A_535 = arith.constant 0 : index
      %get3A_536 = arith.constant 31 : index
      %get3A_537 = arith.constant 0 : index
      %get3A_538 = arith.constant 0 : index
      %get3A_539 = vector.load %arg1[%get3A_535, %get3A_536, %get3A_537, %get3A_538] : memref<1x32x64x128xf32, #tpu.memory_space<vmem>>, vector<1x1x64x128xf32>
      %get3A_540 = vector.shape_cast %get3A_539 : vector<1x1x64x128xf32> to vector<64x128xf32>
      %get3A_541 = arith.constant 0 : index
      %get3A_542 = arith.constant 31 : index
      %get3A_543 = arith.constant 0 : index
      %get3A_544 = arith.constant 0 : index
      %get3A_545 = vector.load %arg2[%get3A_541, %get3A_542, %get3A_543, %get3A_544] : memref<1x32x64x128xf32, #tpu.memory_space<vmem>>, vector<1x1x64x128xf32>
      %get3A_546 = vector.shape_cast %get3A_545 : vector<1x1x64x128xf32> to vector<64x128xf32>
      %dot_general3A_547 = arith.constant dense<0.000000e+00> : vector<64x64xf32>
      %dot_general3A_548 = tpu.matmul %get3A_540, %get3A_546, %dot_general3A_547 {dimension_numbers = #tpu.dot_dimension_numbers<[1], [1], [0], [0], [0, 0, 1, 0], [], []>, transpose_lhs_hint = false} : vector<64x128xf32>, vector<64x128xf32>, vector<64x64xf32> -> vector<64x64xf32>
      %swap3A_549 = arith.constant 1984 : index
      %swap3A_550 = arith.constant 0 : index
      %swap3A_551 = vector.load %arg9[%swap3A_549, %swap3A_550] : memref<2048x64xf32, #tpu.memory_space<vmem>>, vector<64x64xf32>
      tpu.vector_store %arg9[%swap3A_549, %swap3A_550], %dot_general3A_548 {strides = array<i32>} : memref<2048x64xf32, #tpu.memory_space<vmem>>, vector<64x64xf32>,
      %get3A_552 = arith.constant 0 : index
      %get3A_553 = arith.constant 0 : index
      %get3A_554 = vector.load %arg5[%get3A_552, %get3A_553] : memref<2048x32xf32, #tpu.memory_space<vmem>>, vector<2048x32xf32>
      %get3A_555 = arith.constant 0 : index
      %get3A_556 = arith.constant 0 : index
      %get3A_557 = vector.load %arg7[%get3A_555, %get3A_556] : memref<32x64xf32, #tpu.memory_space<vmem>>, vector<32x64xf32>
      %reduce_max3A = arith.constant dense<0xFF800000> : vector<32xf32>
      %reduce_max3A_558 = vector.multi_reduction <maximumf>, %get3A_557, %reduce_max3A [1] : vector<32x64xf32> to vector<32xf32>
      %broadcast_in_dim3A = vector.shape_cast %reduce_max3A_558 : vector<32xf32> to vector<32x1xf32>
      %sub3A = vector.broadcast %broadcast_in_dim3A : vector<32x1xf32> to vector<32x64xf32>
      %sub3A_559 = arith.subf %get3A_557, %sub3A : vector<32x64xf32>
      %transpose3A = tpu.transpose %sub3A_559, [1, 0] : vector<32x64xf32> -> vector<64x32xf32>
      %reshape3A = vector.shape_cast %transpose3A : vector<64x32xf32> to vector<1x64x32xf32>
      %broadcast_in_dim3A_560 = vector.shape_cast %reshape3A : vector<1x64x32xf32> to vector<1x64x32xf32>
      %broadcast_in_dim3A_561 = vector.broadcast %broadcast_in_dim3A_560 : vector<1x64x32xf32> to vector<32x64x32xf32>
      %reshape3A_562 = vector.shape_cast %broadcast_in_dim3A_561 : vector<32x64x32xf32> to vector<2048x32xf32>
      %mul3A = arith.mulf %reshape3A_562, %get3A_554 : vector<2048x32xf32>
      %reduce_sum3A = arith.constant dense<0.000000e+00> : vector<2048xf32>
      %reduce_sum3A_563 = vector.multi_reduction <add>, %mul3A, %reduce_sum3A [1] : vector<2048x32xf32> to vector<2048xf32>
      %broadcast_in_dim3A_564 = vector.shape_cast %reduce_sum3A_563 : vector<2048xf32> to vector<2048x1xf32>
      %get3A_565 = arith.constant 0 : index
      %get3A_566 = arith.constant 0 : index
      %get3A_567 = vector.load %arg9[%get3A_565, %get3A_566] : memref<2048x64xf32, #tpu.memory_space<vmem>>, vector<2048x64xf32>
      %add3A = vector.broadcast %broadcast_in_dim3A_564 : vector<2048x1xf32> to vector<2048x64xf32>
      %add3A_568 = arith.addf %get3A_567, %add3A : vector<2048x64xf32>
      %reshape3A_569 = vector.shape_cast %add3A_568 : vector<2048x64xf32> to vector<32x64x64xf32>
      %reduce_max3A_570 = arith.constant dense<0xFF800000> : vector<32x64xf32>
      %reduce_max3A_571 = vector.multi_reduction <maximumf>, %reshape3A_569, %reduce_max3A_570 [1] : vector<32x64x64xf32> to vector<32x64xf32>
      %dot_general3A_572 = arith.constant dense<0.000000e+00> : vector<2048x64xf32>
      %dot_general3A_573 = tpu.matmul %get3A_554, %reduce_max3A_571, %dot_general3A_572 {dimension_numbers = #tpu.dot_dimension_numbers<[1], [0], [0], [1], [0, 0, 1, 1], [], []>, precision = #tpu.contract_precision<fp32>, transpose_lhs_hint = false} : vector<2048x32xf32>, vector<32x64xf32>, vector<2048x64xf32> -> vector<2048x64xf32>
      %sub3A_574 = arith.subf %add3A_568, %dot_general3A_573 : vector<2048x64xf32>
      %exp3A = math.exp %sub3A_574 : vector<2048x64xf32>
      %dot_general3A_575 = arith.constant dense<0.000000e+00> : vector<32x64xf32>
      %dot_general3A_576 = tpu.matmul %get3A_554, %exp3A, %dot_general3A_575 {dimension_numbers = #tpu.dot_dimension_numbers<[0], [0], [1], [1], [0, 1, 1, 1], [], []>, precision = #tpu.contract_precision<fp32>, transpose_lhs_hint = false} : vector<2048x32xf32>, vector<2048x64xf32>, vector<32x64xf32> -> vector<32x64xf32>
      %get3A_577 = arith.constant 0 : index
      %get3A_578 = arith.constant 0 : index
      %get3A_579 = arith.constant 0 : index
      %get3A_580 = vector.load %arg3[%get3A_577, %get3A_578, %get3A_579] : memref<1x32x64xf32, #tpu.memory_space<vmem>>, vector<1x32x64xf32>
      %get3A_581 = vector.shape_cast %get3A_580 : vector<1x32x64xf32> to vector<32x64xf32>
      %add3A_582 = vector.broadcast %broadcast_in_dim3A : vector<32x1xf32> to vector<32x64xf32>
      %add3A_583 = arith.addf %get3A_581, %add3A_582 : vector<32x64xf32>
      %add3A_584 = arith.addf %add3A_583, %reduce_max3A_571 : vector<32x64xf32>
      %log3A = math.log %dot_general3A_576 : vector<32x64xf32>
      %add3A_585 = arith.addf %add3A_584, %log3A : vector<32x64xf32>
      %swap3A_586 = arith.constant 0 : index
      %swap3A_587 = arith.constant 0 : index
      %swap3A_588 = vector.load %arg7[%swap3A_586, %swap3A_587] : memref<32x64xf32, #tpu.memory_space<vmem>>, vector<32x64xf32>
      tpu.vector_store %arg7[%swap3A_586, %swap3A_587], %add3A_585 {strides = array<i32>} : memref<32x64xf32, #tpu.memory_space<vmem>>, vector<32x64xf32>,
      %get3A_589 = arith.constant 0 : index
      %get3A_590 = arith.constant 0 : index
      %get3A_591 = vector.load %arg4[%get3A_589, %get3A_590] : memref<32x1xi32, #tpu.memory_space<vmem>>, vector<32x1xi32>
      %sub3A_592 = arith.constant 1 : i32
      %sub3A_593 = vector.broadcast %sub3A_592 : i32 to vector<32x1xi32>
      %sub3A_594 = arith.subi %get3A_591, %sub3A_593 : vector<32x1xi32>
      %eq3A_595 = vector.broadcast %arg0 : i32 to vector<32x1xi32>
      %eq3A_596 = arith.cmpi eq, %sub3A_594, %eq3A_595 : vector<32x1xi32>
      %get3A_597 = arith.constant 0 : index
      %get3A_598 = arith.constant 0 : index
      %get3A_599 = vector.load %arg8[%get3A_597, %get3A_598] : memref<32x64xf32, #tpu.memory_space<vmem>>, vector<32x64xf32>
      %broadcast_in_dim3A_600 = vector.shape_cast %eq3A_596 : vector<32x1xi1> to vector<32x1xi1>
      %broadcast_in_dim3A_601 = vector.broadcast %broadcast_in_dim3A_600 : vector<32x1xi1> to vector<32x64xi1>
      %select_n3A = arith.select %broadcast_in_dim3A_601, %add3A_585, %get3A_599 : vector<32x64xi1>, vector<32x64xf32>
      %swap3A_602 = arith.constant 0 : index
      %swap3A_603 = arith.constant 0 : index
      %swap3A_604 = vector.load %arg8[%swap3A_602, %swap3A_603] : memref<32x64xf32, #tpu.memory_space<vmem>>, vector<32x64xf32>
      tpu.vector_store %arg8[%swap3A_602, %swap3A_603], %select_n3A {strides = array<i32>} : memref<32x64xf32, #tpu.memory_space<vmem>>, vector<32x64xf32>,
    } else {
    }
    %eq3A_6 = arith.constant 127 : i32
    %eq3A_7 = arith.cmpi eq, %arg0, %eq3A_6 : i32
    %convert_element_type3A_8 = arith.extui %eq3A_7 : i1 to i32
    %cond3A_9 = arith.constant 0 : i32
    %cond3A_10 = arith.cmpi ne, %convert_element_type3A_8, %cond3A_9 : i32
    scf.if %cond3A_10 {
      %get3A = arith.constant 0 : index
      %get3A_11 = arith.constant 0 : index
      %get3A_12 = vector.load %arg8[%get3A, %get3A_11] : memref<32x64xf32, #tpu.memory_space<vmem>>, vector<32x64xf32>
      %reduce_max3A = arith.constant dense<0xFF800000> : vector<32xf32>
      %reduce_max3A_13 = vector.multi_reduction <maximumf>, %get3A_12, %reduce_max3A [1] : vector<32x64xf32> to vector<32xf32>
      %broadcast_in_dim3A = vector.shape_cast %reduce_max3A_13 : vector<32xf32> to vector<32x1xf32>
      %sub3A = vector.broadcast %broadcast_in_dim3A : vector<32x1xf32> to vector<32x64xf32>
      %sub3A_14 = arith.subf %get3A_12, %sub3A : vector<32x64xf32>
      %exp3A = math.exp %sub3A_14 : vector<32x64xf32>
      %reduce_sum3A = arith.constant dense<0.000000e+00> : vector<32xf32>
      %reduce_sum3A_15 = vector.multi_reduction <add>, %exp3A, %reduce_sum3A [1] : vector<32x64xf32> to vector<32xf32>
      %broadcast_in_dim3A_16 = vector.shape_cast %reduce_sum3A_15 : vector<32xf32> to vector<32x1xf32>
      %log3A = math.log %broadcast_in_dim3A_16 : vector<32x1xf32>
      %add3A = arith.addf %broadcast_in_dim3A, %log3A : vector<32x1xf32>
      %slice3A = vector.extract_strided_slice %add3A {offsets = [0, 0], sizes = [1, 1], strides = [1, 1]} : vector<32x1xf32> to vector<1x1xf32>
      %squeeze3A = vector.extract %slice3A[0, 0] : f32 from vector<1x1xf32>
      %swap3A = arith.constant 0 : index
      %swap3A_17 = arith.constant 0 : index
      %swap3A_18 = memref.load %arg6[%swap3A, %swap3A_17] : memref<32x1xf32, #tpu.memory_space<smem>>
      memref.store %squeeze3A, %arg6[%swap3A, %swap3A_17] : memref<32x1xf32, #tpu.memory_space<smem>>
      %slice3A_19 = vector.extract_strided_slice %add3A {offsets = [1, 0], sizes = [1, 1], strides = [1, 1]} : vector<32x1xf32> to vector<1x1xf32>
      %squeeze3A_20 = vector.extract %slice3A_19[0, 0] : f32 from vector<1x1xf32>
      %swap3A_21 = arith.constant 1 : index
      %swap3A_22 = arith.constant 0 : index
      %swap3A_23 = memref.load %arg6[%swap3A_21, %swap3A_22] : memref<32x1xf32, #tpu.memory_space<smem>>
      memref.store %squeeze3A_20, %arg6[%swap3A_21, %swap3A_22] : memref<32x1xf32, #tpu.memory_space<smem>>
      %slice3A_24 = vector.extract_strided_slice %add3A {offsets = [2, 0], sizes = [1, 1], strides = [1, 1]} : vector<32x1xf32> to vector<1x1xf32>
      %squeeze3A_25 = vector.extract %slice3A_24[0, 0] : f32 from vector<1x1xf32>
      %swap3A_26 = arith.constant 2 : index
      %swap3A_27 = arith.constant 0 : index
      %swap3A_28 = memref.load %arg6[%swap3A_26, %swap3A_27] : memref<32x1xf32, #tpu.memory_space<smem>>
      memref.store %squeeze3A_25, %arg6[%swap3A_26, %swap3A_27] : memref<32x1xf32, #tpu.memory_space<smem>>
      %slice3A_29 = vector.extract_strided_slice %add3A {offsets = [3, 0], sizes = [1, 1], strides = [1, 1]} : vector<32x1xf32> to vector<1x1xf32>
      %squeeze3A_30 = vector.extract %slice3A_29[0, 0] : f32 from vector<1x1xf32>
      %swap3A_31 = arith.constant 3 : index
      %swap3A_32 = arith.constant 0 : index
      %swap3A_33 = memref.load %arg6[%swap3A_31, %swap3A_32] : memref<32x1xf32, #tpu.memory_space<smem>>
      memref.store %squeeze3A_30, %arg6[%swap3A_31, %swap3A_32] : memref<32x1xf32, #tpu.memory_space<smem>>
      %slice3A_34 = vector.extract_strided_slice %add3A {offsets = [4, 0], sizes = [1, 1], strides = [1, 1]} : vector<32x1xf32> to vector<1x1xf32>
      %squeeze3A_35 = vector.extract %slice3A_34[0, 0] : f32 from vector<1x1xf32>
      %swap3A_36 = arith.constant 4 : index
      %swap3A_37 = arith.constant 0 : index
      %swap3A_38 = memref.load %arg6[%swap3A_36, %swap3A_37] : memref<32x1xf32, #tpu.memory_space<smem>>
      memref.store %squeeze3A_35, %arg6[%swap3A_36, %swap3A_37] : memref<32x1xf32, #tpu.memory_space<smem>>
      %slice3A_39 = vector.extract_strided_slice %add3A {offsets = [5, 0], sizes = [1, 1], strides = [1, 1]} : vector<32x1xf32> to vector<1x1xf32>
      %squeeze3A_40 = vector.extract %slice3A_39[0, 0] : f32 from vector<1x1xf32>
      %swap3A_41 = arith.constant 5 : index
      %swap3A_42 = arith.constant 0 : index
      %swap3A_43 = memref.load %arg6[%swap3A_41, %swap3A_42] : memref<32x1xf32, #tpu.memory_space<smem>>
      memref.store %squeeze3A_40, %arg6[%swap3A_41, %swap3A_42] : memref<32x1xf32, #tpu.memory_space<smem>>
      %slice3A_44 = vector.extract_strided_slice %add3A {offsets = [6, 0], sizes = [1, 1], strides = [1, 1]} : vector<32x1xf32> to vector<1x1xf32>
      %squeeze3A_45 = vector.extract %slice3A_44[0, 0] : f32 from vector<1x1xf32>
      %swap3A_46 = arith.constant 6 : index
      %swap3A_47 = arith.constant 0 : index
      %swap3A_48 = memref.load %arg6[%swap3A_46, %swap3A_47] : memref<32x1xf32, #tpu.memory_space<smem>>
      memref.store %squeeze3A_45, %arg6[%swap3A_46, %swap3A_47] : memref<32x1xf32, #tpu.memory_space<smem>>
      %slice3A_49 = vector.extract_strided_slice %add3A {offsets = [7, 0], sizes = [1, 1], strides = [1, 1]} : vector<32x1xf32> to vector<1x1xf32>
      %squeeze3A_50 = vector.extract %slice3A_49[0, 0] : f32 from vector<1x1xf32>
      %swap3A_51 = arith.constant 7 : index
      %swap3A_52 = arith.constant 0 : index
      %swap3A_53 = memref.load %arg6[%swap3A_51, %swap3A_52] : memref<32x1xf32, #tpu.memory_space<smem>>
      memref.store %squeeze3A_50, %arg6[%swap3A_51, %swap3A_52] : memref<32x1xf32, #tpu.memory_space<smem>>
      %slice3A_54 = vector.extract_strided_slice %add3A {offsets = [8, 0], sizes = [1, 1], strides = [1, 1]} : vector<32x1xf32> to vector<1x1xf32>
      %squeeze3A_55 = vector.extract %slice3A_54[0, 0] : f32 from vector<1x1xf32>
      %swap3A_56 = arith.constant 8 : index
      %swap3A_57 = arith.constant 0 : index
      %swap3A_58 = memref.load %arg6[%swap3A_56, %swap3A_57] : memref<32x1xf32, #tpu.memory_space<smem>>
      memref.store %squeeze3A_55, %arg6[%swap3A_56, %swap3A_57] : memref<32x1xf32, #tpu.memory_space<smem>>
      %slice3A_59 = vector.extract_strided_slice %add3A {offsets = [9, 0], sizes = [1, 1], strides = [1, 1]} : vector<32x1xf32> to vector<1x1xf32>
      %squeeze3A_60 = vector.extract %slice3A_59[0, 0] : f32 from vector<1x1xf32>
      %swap3A_61 = arith.constant 9 : index
      %swap3A_62 = arith.constant 0 : index
      %swap3A_63 = memref.load %arg6[%swap3A_61, %swap3A_62] : memref<32x1xf32, #tpu.memory_space<smem>>
      memref.store %squeeze3A_60, %arg6[%swap3A_61, %swap3A_62] : memref<32x1xf32, #tpu.memory_space<smem>>
      %slice3A_64 = vector.extract_strided_slice %add3A {offsets = [10, 0], sizes = [1, 1], strides = [1, 1]} : vector<32x1xf32> to vector<1x1xf32>
      %squeeze3A_65 = vector.extract %slice3A_64[0, 0] : f32 from vector<1x1xf32>
      %swap3A_66 = arith.constant 10 : index
      %swap3A_67 = arith.constant 0 : index
      %swap3A_68 = memref.load %arg6[%swap3A_66, %swap3A_67] : memref<32x1xf32, #tpu.memory_space<smem>>
      memref.store %squeeze3A_65, %arg6[%swap3A_66, %swap3A_67] : memref<32x1xf32, #tpu.memory_space<smem>>
      %slice3A_69 = vector.extract_strided_slice %add3A {offsets = [11, 0], sizes = [1, 1], strides = [1, 1]} : vector<32x1xf32> to vector<1x1xf32>
      %squeeze3A_70 = vector.extract %slice3A_69[0, 0] : f32 from vector<1x1xf32>
      %swap3A_71 = arith.constant 11 : index
      %swap3A_72 = arith.constant 0 : index
      %swap3A_73 = memref.load %arg6[%swap3A_71, %swap3A_72] : memref<32x1xf32, #tpu.memory_space<smem>>
      memref.store %squeeze3A_70, %arg6[%swap3A_71, %swap3A_72] : memref<32x1xf32, #tpu.memory_space<smem>>
      %slice3A_74 = vector.extract_strided_slice %add3A {offsets = [12, 0], sizes = [1, 1], strides = [1, 1]} : vector<32x1xf32> to vector<1x1xf32>
      %squeeze3A_75 = vector.extract %slice3A_74[0, 0] : f32 from vector<1x1xf32>
      %swap3A_76 = arith.constant 12 : index
      %swap3A_77 = arith.constant 0 : index
      %swap3A_78 = memref.load %arg6[%swap3A_76, %swap3A_77] : memref<32x1xf32, #tpu.memory_space<smem>>
      memref.store %squeeze3A_75, %arg6[%swap3A_76, %swap3A_77] : memref<32x1xf32, #tpu.memory_space<smem>>
      %slice3A_79 = vector.extract_strided_slice %add3A {offsets = [13, 0], sizes = [1, 1], strides = [1, 1]} : vector<32x1xf32> to vector<1x1xf32>
      %squeeze3A_80 = vector.extract %slice3A_79[0, 0] : f32 from vector<1x1xf32>
      %swap3A_81 = arith.constant 13 : index
      %swap3A_82 = arith.constant 0 : index
      %swap3A_83 = memref.load %arg6[%swap3A_81, %swap3A_82] : memref<32x1xf32, #tpu.memory_space<smem>>
      memref.store %squeeze3A_80, %arg6[%swap3A_81, %swap3A_82] : memref<32x1xf32, #tpu.memory_space<smem>>
      %slice3A_84 = vector.extract_strided_slice %add3A {offsets = [14, 0], sizes = [1, 1], strides = [1, 1]} : vector<32x1xf32> to vector<1x1xf32>
      %squeeze3A_85 = vector.extract %slice3A_84[0, 0] : f32 from vector<1x1xf32>
      %swap3A_86 = arith.constant 14 : index
      %swap3A_87 = arith.constant 0 : index
      %swap3A_88 = memref.load %arg6[%swap3A_86, %swap3A_87] : memref<32x1xf32, #tpu.memory_space<smem>>
      memref.store %squeeze3A_85, %arg6[%swap3A_86, %swap3A_87] : memref<32x1xf32, #tpu.memory_space<smem>>
      %slice3A_89 = vector.extract_strided_slice %add3A {offsets = [15, 0], sizes = [1, 1], strides = [1, 1]} : vector<32x1xf32> to vector<1x1xf32>
      %squeeze3A_90 = vector.extract %slice3A_89[0, 0] : f32 from vector<1x1xf32>
      %swap3A_91 = arith.constant 15 : index
      %swap3A_92 = arith.constant 0 : index
      %swap3A_93 = memref.load %arg6[%swap3A_91, %swap3A_92] : memref<32x1xf32, #tpu.memory_space<smem>>
      memref.store %squeeze3A_90, %arg6[%swap3A_91, %swap3A_92] : memref<32x1xf32, #tpu.memory_space<smem>>
      %slice3A_94 = vector.extract_strided_slice %add3A {offsets = [16, 0], sizes = [1, 1], strides = [1, 1]} : vector<32x1xf32> to vector<1x1xf32>
      %squeeze3A_95 = vector.extract %slice3A_94[0, 0] : f32 from vector<1x1xf32>
      %swap3A_96 = arith.constant 16 : index
      %swap3A_97 = arith.constant 0 : index
      %swap3A_98 = memref.load %arg6[%swap3A_96, %swap3A_97] : memref<32x1xf32, #tpu.memory_space<smem>>
      memref.store %squeeze3A_95, %arg6[%swap3A_96, %swap3A_97] : memref<32x1xf32, #tpu.memory_space<smem>>
      %slice3A_99 = vector.extract_strided_slice %add3A {offsets = [17, 0], sizes = [1, 1], strides = [1, 1]} : vector<32x1xf32> to vector<1x1xf32>
      %squeeze3A_100 = vector.extract %slice3A_99[0, 0] : f32 from vector<1x1xf32>
      %swap3A_101 = arith.constant 17 : index
      %swap3A_102 = arith.constant 0 : index
      %swap3A_103 = memref.load %arg6[%swap3A_101, %swap3A_102] : memref<32x1xf32, #tpu.memory_space<smem>>
      memref.store %squeeze3A_100, %arg6[%swap3A_101, %swap3A_102] : memref<32x1xf32, #tpu.memory_space<smem>>
      %slice3A_104 = vector.extract_strided_slice %add3A {offsets = [18, 0], sizes = [1, 1], strides = [1, 1]} : vector<32x1xf32> to vector<1x1xf32>
      %squeeze3A_105 = vector.extract %slice3A_104[0, 0] : f32 from vector<1x1xf32>
      %swap3A_106 = arith.constant 18 : index
      %swap3A_107 = arith.constant 0 : index
      %swap3A_108 = memref.load %arg6[%swap3A_106, %swap3A_107] : memref<32x1xf32, #tpu.memory_space<smem>>
      memref.store %squeeze3A_105, %arg6[%swap3A_106, %swap3A_107] : memref<32x1xf32, #tpu.memory_space<smem>>
      %slice3A_109 = vector.extract_strided_slice %add3A {offsets = [19, 0], sizes = [1, 1], strides = [1, 1]} : vector<32x1xf32> to vector<1x1xf32>
      %squeeze3A_110 = vector.extract %slice3A_109[0, 0] : f32 from vector<1x1xf32>
      %swap3A_111 = arith.constant 19 : index
      %swap3A_112 = arith.constant 0 : index
      %swap3A_113 = memref.load %arg6[%swap3A_111, %swap3A_112] : memref<32x1xf32, #tpu.memory_space<smem>>
      memref.store %squeeze3A_110, %arg6[%swap3A_111, %swap3A_112] : memref<32x1xf32, #tpu.memory_space<smem>>
      %slice3A_114 = vector.extract_strided_slice %add3A {offsets = [20, 0], sizes = [1, 1], strides = [1, 1]} : vector<32x1xf32> to vector<1x1xf32>
      %squeeze3A_115 = vector.extract %slice3A_114[0, 0] : f32 from vector<1x1xf32>
      %swap3A_116 = arith.constant 20 : index
      %swap3A_117 = arith.constant 0 : index
      %swap3A_118 = memref.load %arg6[%swap3A_116, %swap3A_117] : memref<32x1xf32, #tpu.memory_space<smem>>
      memref.store %squeeze3A_115, %arg6[%swap3A_116, %swap3A_117] : memref<32x1xf32, #tpu.memory_space<smem>>
      %slice3A_119 = vector.extract_strided_slice %add3A {offsets = [21, 0], sizes = [1, 1], strides = [1, 1]} : vector<32x1xf32> to vector<1x1xf32>
      %squeeze3A_120 = vector.extract %slice3A_119[0, 0] : f32 from vector<1x1xf32>
      %swap3A_121 = arith.constant 21 : index
      %swap3A_122 = arith.constant 0 : index
      %swap3A_123 = memref.load %arg6[%swap3A_121, %swap3A_122] : memref<32x1xf32, #tpu.memory_space<smem>>
      memref.store %squeeze3A_120, %arg6[%swap3A_121, %swap3A_122] : memref<32x1xf32, #tpu.memory_space<smem>>
      %slice3A_124 = vector.extract_strided_slice %add3A {offsets = [22, 0], sizes = [1, 1], strides = [1, 1]} : vector<32x1xf32> to vector<1x1xf32>
      %squeeze3A_125 = vector.extract %slice3A_124[0, 0] : f32 from vector<1x1xf32>
      %swap3A_126 = arith.constant 22 : index
      %swap3A_127 = arith.constant 0 : index
      %swap3A_128 = memref.load %arg6[%swap3A_126, %swap3A_127] : memref<32x1xf32, #tpu.memory_space<smem>>
      memref.store %squeeze3A_125, %arg6[%swap3A_126, %swap3A_127] : memref<32x1xf32, #tpu.memory_space<smem>>
      %slice3A_129 = vector.extract_strided_slice %add3A {offsets = [23, 0], sizes = [1, 1], strides = [1, 1]} : vector<32x1xf32> to vector<1x1xf32>
      %squeeze3A_130 = vector.extract %slice3A_129[0, 0] : f32 from vector<1x1xf32>
      %swap3A_131 = arith.constant 23 : index
      %swap3A_132 = arith.constant 0 : index
      %swap3A_133 = memref.load %arg6[%swap3A_131, %swap3A_132] : memref<32x1xf32, #tpu.memory_space<smem>>
      memref.store %squeeze3A_130, %arg6[%swap3A_131, %swap3A_132] : memref<32x1xf32, #tpu.memory_space<smem>>
      %slice3A_134 = vector.extract_strided_slice %add3A {offsets = [24, 0], sizes = [1, 1], strides = [1, 1]} : vector<32x1xf32> to vector<1x1xf32>
      %squeeze3A_135 = vector.extract %slice3A_134[0, 0] : f32 from vector<1x1xf32>
      %swap3A_136 = arith.constant 24 : index
      %swap3A_137 = arith.constant 0 : index
      %swap3A_138 = memref.load %arg6[%swap3A_136, %swap3A_137] : memref<32x1xf32, #tpu.memory_space<smem>>
      memref.store %squeeze3A_135, %arg6[%swap3A_136, %swap3A_137] : memref<32x1xf32, #tpu.memory_space<smem>>
      %slice3A_139 = vector.extract_strided_slice %add3A {offsets = [25, 0], sizes = [1, 1], strides = [1, 1]} : vector<32x1xf32> to vector<1x1xf32>
      %squeeze3A_140 = vector.extract %slice3A_139[0, 0] : f32 from vector<1x1xf32>
      %swap3A_141 = arith.constant 25 : index
      %swap3A_142 = arith.constant 0 : index
      %swap3A_143 = memref.load %arg6[%swap3A_141, %swap3A_142] : memref<32x1xf32, #tpu.memory_space<smem>>
      memref.store %squeeze3A_140, %arg6[%swap3A_141, %swap3A_142] : memref<32x1xf32, #tpu.memory_space<smem>>
      %slice3A_144 = vector.extract_strided_slice %add3A {offsets = [26, 0], sizes = [1, 1], strides = [1, 1]} : vector<32x1xf32> to vector<1x1xf32>
      %squeeze3A_145 = vector.extract %slice3A_144[0, 0] : f32 from vector<1x1xf32>
      %swap3A_146 = arith.constant 26 : index
      %swap3A_147 = arith.constant 0 : index
      %swap3A_148 = memref.load %arg6[%swap3A_146, %swap3A_147] : memref<32x1xf32, #tpu.memory_space<smem>>
      memref.store %squeeze3A_145, %arg6[%swap3A_146, %swap3A_147] : memref<32x1xf32, #tpu.memory_space<smem>>
      %slice3A_149 = vector.extract_strided_slice %add3A {offsets = [27, 0], sizes = [1, 1], strides = [1, 1]} : vector<32x1xf32> to vector<1x1xf32>
      %squeeze3A_150 = vector.extract %slice3A_149[0, 0] : f32 from vector<1x1xf32>
      %swap3A_151 = arith.constant 27 : index
      %swap3A_152 = arith.constant 0 : index
      %swap3A_153 = memref.load %arg6[%swap3A_151, %swap3A_152] : memref<32x1xf32, #tpu.memory_space<smem>>
      memref.store %squeeze3A_150, %arg6[%swap3A_151, %swap3A_152] : memref<32x1xf32, #tpu.memory_space<smem>>
      %slice3A_154 = vector.extract_strided_slice %add3A {offsets = [28, 0], sizes = [1, 1], strides = [1, 1]} : vector<32x1xf32> to vector<1x1xf32>
      %squeeze3A_155 = vector.extract %slice3A_154[0, 0] : f32 from vector<1x1xf32>
      %swap3A_156 = arith.constant 28 : index
      %swap3A_157 = arith.constant 0 : index
      %swap3A_158 = memref.load %arg6[%swap3A_156, %swap3A_157] : memref<32x1xf32, #tpu.memory_space<smem>>
      memref.store %squeeze3A_155, %arg6[%swap3A_156, %swap3A_157] : memref<32x1xf32, #tpu.memory_space<smem>>
      %slice3A_159 = vector.extract_strided_slice %add3A {offsets = [29, 0], sizes = [1, 1], strides = [1, 1]} : vector<32x1xf32> to vector<1x1xf32>
      %squeeze3A_160 = vector.extract %slice3A_159[0, 0] : f32 from vector<1x1xf32>
      %swap3A_161 = arith.constant 29 : index
      %swap3A_162 = arith.constant 0 : index
      %swap3A_163 = memref.load %arg6[%swap3A_161, %swap3A_162] : memref<32x1xf32, #tpu.memory_space<smem>>
      memref.store %squeeze3A_160, %arg6[%swap3A_161, %swap3A_162] : memref<32x1xf32, #tpu.memory_space<smem>>
      %slice3A_164 = vector.extract_strided_slice %add3A {offsets = [30, 0], sizes = [1, 1], strides = [1, 1]} : vector<32x1xf32> to vector<1x1xf32>
      %squeeze3A_165 = vector.extract %slice3A_164[0, 0] : f32 from vector<1x1xf32>
      %swap3A_166 = arith.constant 30 : index
      %swap3A_167 = arith.constant 0 : index
      %swap3A_168 = memref.load %arg6[%swap3A_166, %swap3A_167] : memref<32x1xf32, #tpu.memory_space<smem>>
      memref.store %squeeze3A_165, %arg6[%swap3A_166, %swap3A_167] : memref<32x1xf32, #tpu.memory_space<smem>>
      %slice3A_169 = vector.extract_strided_slice %add3A {offsets = [31, 0], sizes = [1, 1], strides = [1, 1]} : vector<32x1xf32> to vector<1x1xf32>
      %squeeze3A_170 = vector.extract %slice3A_169[0, 0] : f32 from vector<1x1xf32>
      %swap3A_171 = arith.constant 31 : index
      %swap3A_172 = arith.constant 0 : index
      %swap3A_173 = memref.load %arg6[%swap3A_171, %swap3A_172] : memref<32x1xf32, #tpu.memory_space<smem>>
      memref.store %squeeze3A_170, %arg6[%swap3A_171, %swap3A_172] : memref<32x1xf32, #tpu.memory_space<smem>>
    } else {
    }
    return
  }
  func.func @transform_0(%arg0: i32) -> (i32, i32, i32, i32) {
    %sub3A = arith.constant 1 : i32
    %sub3A_0 = arith.subi %arg0, %sub3A : i32
    %max3A = arith.constant 0 : i32
    %max3A_1 = arith.maxsi %sub3A_0, %max3A : i32
    %c0_i32 = arith.constant 0 : i32
    %c0_i32_2 = arith.constant 0 : i32
    %c0_i32_3 = arith.constant 0 : i32
    %c0_i32_4 = arith.constant 0 : i32
    return %max3A_1, %c0_i32, %c0_i32_2, %c0_i32_3 : i32, i32, i32, i32
  }
  func.func @transform_1(%arg0: i32) -> (i32, i32, i32, i32) {
    %c0_i32 = arith.constant 0 : i32
    %c0_i32_0 = arith.constant 0 : i32
    %c0_i32_1 = arith.constant 0 : i32
    %c0_i32_2 = arith.constant 0 : i32
    return %arg0, %c0_i32, %c0_i32_0, %c0_i32_1 : i32, i32, i32, i32
  }
  func.func @transform_2(%arg0: i32) -> (i32, i32, i32) {
    %c0_i32 = arith.constant 0 : i32
    %c0_i32_0 = arith.constant 0 : i32
    %c0_i32_1 = arith.constant 0 : i32
    return %arg0, %c0_i32, %c0_i32_0 : i32, i32, i32
  }
  func.func @transform_3(%arg0: i32) -> (i32, i32) {
    %c0_i32 = arith.constant 0 : i32
    %c0_i32_0 = arith.constant 0 : i32
    %c0_i32_1 = arith.constant 0 : i32
    return %c0_i32, %c0_i32_0 : i32, i32
  }
  func.func @transform_4(%arg0: i32) -> (i32, i32) {
    %c0_i32 = arith.constant 0 : i32
    %c0_i32_0 = arith.constant 0 : i32
    %c0_i32_1 = arith.constant 0 : i32
    return %c0_i32, %c0_i32_0 : i32, i32
  }
  func.func @transform_5(%arg0: i32) -> (i32, i32) {
    %c0_i32 = arith.constant 0 : i32
    %c0_i32_0 = arith.constant 0 : i32
    %c0_i32_1 = arith.constant 0 : i32
    return %c0_i32, %c0_i32_0 : i32, i32
  }
}

</mosaic_0001>

<sc_bundles>
// kernel: kernel.4.cloned.1.call-start
scs
__scs_entry_jumppad:
0x0: {  	(pc) =	sbr.rel $0x88, $3  }
0x1: {  	(tag) =	ssettag $0x0;
	lr =	simm.s32 $0x1  }
0x2: {  	[smem:$0x3F9E] =	sst lr;
	_ =	strace $0xD0000000  }
0x3: {  	_ = 	snop  }
0x4: {  	_ = 	snop  }
0x5: {  	_ = 	snop  }
0x6: {  	_ = 	snop  }
0x7: {  	_ = 	snop  }
__scs_overlays_trampoline_lowered:
0x8: {  	[smem:$0x3FAD] =	sst s0  }
0x9: {  	[smem:$0x3FAE] =	sst s1  }
0xa: {  	[smem:$0x3FAF] =	sst s2  }
0xb: {  	[smem:$0x3FB0] =	sst s3  }
0xc: {  	[smem:$0x3FB1] =	sst s4  }
0xd: {  	[smem:$0x3FB2] =	sst s5  }
0xe: {  	[smem:$0x3FB3] =	sst s6  }
0xf: {  	[smem:$0x3FB4] =	sst s7  }
0x10: {  	[smem:$0x3FB5] =	sst s8  }
0x11: {  	[smem:$0x3FB6] =	sst s9;
	s0 =	simm.s32 @!p0 $0x0  }
0x12: {  	s1 =	sld [smem:$0x3F9C];
	s0 =	simm.s32 @p0 $0x1  }
0x13: {  	[smem:$0x3FB7] =	sst s0;
	s0 =	simm.s32 @!p1 $0x0  }
0x14: {  	s2 =	sld [smem:$0x3F9B];
	s0 =	simm.s32 @p1 $0x1  }
0x15: {  	[smem:$0x3FB8] =	sst s0;
	s0 =	simm.s32 @!p2 $0x0  }
0x16: {  	s3 =	sld [smem:$0x3FDB];
	s0 =	simm.s32 @p2 $0x1  }
0x17: {  	s4 =	simm.s32 $0x1BF5;
	[smem:$0x3FBA] =	sst s0  }
0x18: {  	s0 =	sld [smem:$0x3F9D];
	_ =	swait.ge [sflag:s4], $0x0  }
0x19: {  	s7 =	sld [smem:$0x3F9E]  }
0x1a: {  	s8 =	sadd.s32 $0xFFFFE003, lr  }
0x1b: {  	s9 =	sadd.s32 $0xFFFFFEF7, lr;
	s5 =	simm.s32 $0xFFFFFFFF;
	p2 =	slt.u32 s8, $0xFFFFF086  }
0x1c: {  	p1 =	slt.u32 s9, $0xF7A;
	s5 =	simm.s32 @!p2 $0x0  }
0x1d: {  	s5 =	simm.s32 @p1 $0x1;
	p0 =	seq.s32 s7, s2  }
0x1e: {  	s7 =	smul.u32 @!p0 $0xF7A, s2;
	p2 =	seq.s32 @!p0 s5, $0x0  }
0x1f: {  	s9 =	smul.u32 $0xF7A, s1;
	s8 =	simm.s32 @!p0 $0x1BF5;
	p2 =	por !p2, p0  }
0x20: {  	[sflag:s8] =	ssyncset.s32 @!p0 $0xFFFFF086;
	s6 =	sadd.s32 @!p0 s3, s7;
	s7 =	simm.s32 @!p0 $0x108  }
0x21: {  	s3 =	sadd.s32 s3, s9;
	s6 =	sadd.s32 @!p0 $0x88, s6;
	s7 =	simm.s32 @p2 $0x1082  }
0x22: {  	[simem:s7], [sflag:s8] =	dma.local @!p0 [hbm:s6], $0xF7A  }
0x23: {  	s9 =	sor.u32 $0xD0000000, s2;
	s6 =	simm.s32 $0x108;
	_ =	swait.ge @!p0 [sflag:s8], $0x0  }
0x24: {  	s3 =	sadd.s32 $0x88, s3;
	s6 =	simm.s32 @!p1 $0x1082;
	[sflag:s4] =	ssyncset.s32 $0xFFFFF086  }
0x25: {  	[simem:s6], [sflag:s4] =	dma.local [hbm:s3], $0xF7A  }
0x26: {  	[smem:$0x3F9E] =	sst s1;
	(tag) =	ssettag s2;
	_ =	strace s9  }
0x27: {  	s1 =	sld [smem:$0x3FAE]  }
0x28: {  	s2 =	sld [smem:$0x3FAF]  }
0x29: {  	s4 =	sld [smem:$0x3FB1]  }
0x2a: {  	p0 =	seq.s32 s5, $0x0;
	s5 =	sld [smem:$0x3FB2]  }
0x2b: {  	s6 =	sld [smem:$0x3FB3]  }
0x2c: {  	s7 =	sld [smem:$0x3FB4]  }
0x2d: {  	s3 =	simm.s32 $0x108;
	s8 =	sld [smem:$0x3FB5]  }
0x2e: {  	s3 =	simm.s32 @!p0 $0x1082;
	s9 =	sld [smem:$0x3FB6]  }
0x2f: {  	lr =	sadd.s32 s0, s3;
	s0 =	sld [smem:$0x3FAD]  }
0x30: {  	s3 =	sld [smem:$0x3FB0]  }
0x31: {  	[smem:$0x3FB9] =	sst s10  }
0x32: {  	s10 =	sld [smem:$0x3FB7];
	_ =	sdelay $0x3  }
0x33: {  	p0 =	seq.s32 s10, $0x1;
	s10 =	sld [smem:$0x3FB9];
	_ =	sdelay $0x3  }
0x34: {  	[smem:$0x3FB9] =	sst s10  }
0x35: {  	s10 =	sld [smem:$0x3FB8];
	_ =	sdelay $0x3  }
0x36: {  	p1 =	seq.s32 s10, $0x1;
	s10 =	sld [smem:$0x3FB9];
	_ =	sdelay $0x3  }
0x37: {  	[smem:$0x3FB9] =	sst s10  }
0x38: {  	s10 =	sld [smem:$0x3FBA]  }
0x39: {  	_ = 	snop;
	(pc) =	sbr.ind lr, $3  }
0x3a: {  	_ = 	snop  }
0x3b: {  	_ = 	snop  }
0x3c: {  	p2 =	seq.s32 s10, $0x1;
	s10 =	sld [smem:$0x3FB9]  }
0x3d: {  	_ =	shalt  }
0x3e: {  	_ =	shalt  }
0x3f: {  	_ =	shalt  }
0x40: {  	_ =	shalt  }
0x41: {  	_ =	shalt  }
0x42: {  	_ =	shalt  }
0x43: {  	_ =	shalt  }
0x44: {  	_ =	shalt  }
0x45: {  	_ =	shalt  }
0x46: {  	_ =	shalt  }
0x47: {  	_ =	shalt  }
0x48: {  	_ =	shalt  }
0x49: {  	_ =	shalt  }
0x4a: {  	_ =	shalt  }
0x4b: {  	_ =	shalt  }
0x4c: {  	_ =	shalt  }
0x4d: {  	_ =	shalt  }
0x4e: {  	_ =	shalt  }
0x4f: {  	_ =	shalt  }
0x50: {  	_ =	shalt  }
0x51: {  	_ =	shalt  }
0x52: {  	_ =	shalt  }
0x53: {  	_ =	shalt  }
0x54: {  	_ =	shalt  }
0x55: {  	_ =	shalt  }
0x56: {  	_ =	shalt  }
0x57: {  	_ =	shalt  }
0x58: {  	_ =	shalt  }
0x59: {  	_ =	shalt  }
0x5a: {  	_ =	shalt  }
0x5b: {  	_ =	shalt  }
0x5c: {  	_ =	shalt  }
0x5d: {  	_ =	shalt  }
0x5e: {  	_ =	shalt  }
0x5f: {  	_ =	shalt  }
0x60: {  	_ =	shalt  }
0x61: {  	_ =	shalt  }
0x62: {  	_ =	shalt  }
0x63: {  	_ =	shalt  }
0x64: {  	_ =	shalt  }
0x65: {  	_ =	shalt  }
0x66: {  	_ =	shalt  }
0x67: {  	_ =	shalt  }
0x68: {  	_ =	shalt  }
0x69: {  	_ =	shalt  }
0x6a: {  	_ =	shalt  }
0x6b: {  	_ =	shalt  }
0x6c: {  	_ =	shalt  }
0x6d: {  	_ =	shalt  }
0x6e: {  	_ =	shalt  }
0x6f: {  	_ =	shalt  }
0x70: {  	_ =	shalt  }
0x71: {  	_ =	shalt  }
0x72: {  	_ =	shalt  }
0x73: {  	_ =	shalt  }
0x74: {  	_ =	shalt  }
0x75: {  	_ =	shalt  }
0x76: {  	_ =	shalt  }
0x77: {  	_ =	shalt  }
0x78: {  	_ =	shalt  }
0x79: {  	_ =	shalt  }
0x7a: {  	_ =	shalt  }
0x7b: {  	_ =	shalt  }
0x7c: {  	_ =	shalt  }
0x7d: {  	_ =	shalt  }
0x7e: {  	_ =	shalt  }
0x7f: {  	_ =	shalt  }
0x80: {  	_ =	shalt  }
0x81: {  	_ =	shalt  }
0x82: {  	_ =	shalt  }
0x83: {  	_ =	shalt  }
0x84: {  	_ =	shalt  }
0x85: {  	_ =	shalt  }
0x86: {  	_ =	shalt  }
0x87: {  	_ =	shalt  }
.Lfunc_end0:
.L_simem_size_0:
called_computation.1_lowered:
.L_overlay_start_0:
0x88: {  	s2 =	sld [smem:$0x3FD9]  }
0x89: {  	s3 =	sld [smem:$0x3FFE];
	_ =	sdelay $0x1  }
0x8a: {  	s1 =	srdreg.scid  }
0x8b: {  	s0 =	sand.u32 $0x1, s1  }
0x8c: {  	s17 =	sshll.u32 s0, $0xA;
	s2 =	sadd.s32 s3, s2  }
0x8d: {  	s2 =	sadd.s32 s2, s17  }
0x8e: {  	[smem:$0x3FC5] =	sst s2  }
0x8f: {  	_ = 	snop  }
0x90: {  	s2 =	sld [smem:$0x3FC9];
	(tm) =	ssettm $0x1  }
0x91: {  	s18 =	sld [smem:$0x3FFB];
	_ =	sdelay $0x3  }
0x92: {  	_ =	strace s18  }
0x93: {  	s3 =	sld [smem:$0x3FFC];
	_ =	sdelay $0x3  }
0x94: {  	_ =	strace s3  }
0x95: {  	s3 =	sld [smem:$0x3FFD];
	_ =	sdelay $0x3  }
0x96: {  	_ =	strace s3  }
0x97: {  	_ =	strace $0x8FFFFFFF  }
0x98: {  	s19 =	sld [smem:$0x3FDB];
	_ =	sdelay $0x1  }
0x99: {  	s4 =	simm.s32 $_scs_section_size  }
0x9a: {  	s5 =	simm.s32 $_size__tile_overlayer_lowered;
	s6 =	simm.s32 $_tile_overlayer_lowered  }
0x9b: {  	s22 =	simm.s32 $0x1BFF;
	s21 =	sshll.u32 s6, $0x1;
	s3 =	sadd.s32 s4, s19  }
0x9c: {  	s7 =	simm.s32 $0x0;
	s20 =	sshll.u32 s5, $0x1;
	s5 =	sadd.s32 s21, s3  }
0x9d: {  	[timem:s7], [sflag:s22] =	dma.local [hbm:s5], s20  }
0x9e: {  	_ =	swait.ge [sflag:s22], s20  }
0x9f: {  	s4 =	ssub.s32 $0x0, s20;
	[sflag:s22] =	ssyncset.done $0x0  }
0xa0: {  	[sflag:s22] =	ssyncadd.s32 s4;
	_ =	sdelay $0x1  }
0xa1: {  	s23 =	simm.s32 $0x1B8B  }
0xa2: {  	_ =	swait.ge [sflag:s23], $0x1  }
0xa3: {  	[sflag:s23] =	ssyncset.done $0x0  }
0xa4: {  	s25 =	simm.s32 $0x1B8E;
	s24 =	sld [smem:$0x3FFE];
	[sflag:s23] =	ssyncadd.s32 $0xFFFFFFFF  }
0xa5: {  	s26 =	simm.s32 $execute0_lowered;
	[smem:$0x3FD2] =	sst s25  }
0xa6: {  	s5 =	sshll.u32 s26, $0x1;
	_ =	strace $0x80000049;
	[dreg:$0x1] =	wrdreg $0xFFFFFFFF  }
0xa7: {  	s28 =	simm.s32 $_size_execute0_lowered;
	s3 =	sadd.s32 s3, s5;
	[dreg:$0x0] =	wrdreg $0x0  }
0xa8: {  	s5 =	sshll.u32 s28, $0x1;
	[dreg:$0x2] =	wrdreg s3  }
0xa9: {  	[dreg:$0x3] =	wrdreg s5  }
0xaa: {  	[dreg:$0x4] =	wrdreg $0xC0  }
0xab: {  	_ =	task [dreg:s7], $0x5FFFF  }
0xac: {  	[dreg:$0x1] =	wrdreg $0xFFFFFFFF  }
0xad: {  	[dreg:$0x0] =	wrdreg $0x60  }
0xae: {  	[dreg:$0x2] =	wrdreg s24  }
0xaf: {  	[dreg:$0x3] =	wrdreg s2  }
0xb0: {  	[dreg:$0x4] =	wrdreg $0x9  }
0xb1: {  	_ =	task.clear_ibuf [dreg:s7], $0x5FFFF;
	_ =	strace $0x90000049  }
0xb2: {  	s29 =	simm.s32 $0x9;
	_ =	strace $0x8000004B  }
0xb3: {  	_ =	swait.ge [sflag:s29], $0x1  }
0xb4: {  	[sflag:s29] =	ssyncadd.s32 $0xFFFFFFFF  }
0xb5: {  	_ =	strace $0x9000004B  }
0xb6: {  	_ =	sfence  }
0xb7: {  	s30 =	sld [smem:$0x0];
	_ =	sdelay $0x2  }
0xb8: {  	s31 =	sshll.u32 s1, $0xD;
	s1 =	sshrl.u32 s1, $0x2  }
0xb9: {  	s3 =	sand.u32 $0x4000, s31;
	s1 =	sadd.s32 s1, s30  }
0xba: {  	s0 =	sor.u32 s3, s0;
	s1 =	sshll.u32 s1, $0x11  }
0xbb: {  	s0 =	sor.u32 s1, s0  }
0xbc: {  	s0 =	sadd.s32 $0x8F2B, s0  }
0xbd: {  	[sflag:s0] =	ssyncadd.remote.s32 $0x1  }
0xbe: {  	_ =	sfence.sel $0xFFFF  }
0xbf: {  	[dreg:$0x0] =	wrdreg $0xFFFFFFFF;
	(pc) =	sbr.abs _section_cstart, $3  }
0xc0: {  	[dreg:$0x1] =	wrdreg $0xFFFFFFFF  }
0xc1: {  	_ =	task.clear_ibuf [dreg:s7], $0x2FFFF;
	_ =	strace $0x9FFFFFFF  }
0xc2: {  	(tm) =	ssettm $0x7FFFFFFF  }
0xc3: {  	_ =	shalt  }
tec
execute0_lowered:
.L_overlay_start_1:
0x0: {  	(tag) =	ssettag $0x1  }
0x1: {  	s0 =	rddreg [dreg:$0x0];
	s1 =	srdreg.scid  }
0x2: {  	s2 =	stileid.u32;
	s3 =	simm.s32 $0x0;
	s1 =	sand.u32 $0x1, s1  }
0x3: {  	s2 =	sshll.u32 s2, $0x1;
	[smem:$0x7FF] =	sst s3;
	s4 =	sadd.s32 $0x100C00, s0  }
0x4: {  	s10 =	sadd.s32 $0x108C00, s0;
	_ =	strace $0x8000004A;
	[dreg:$0x3] =	wrdreg s4  }
0x5: {  	s2 =	sor.u32 s1, s2;
	s1 =	ssub.s32 $0x2, s1;
	[dreg:$0x4] =	wrdreg s10  }
0x6: {  	s9 =	sshll.u32 s2, $0xF;
	s12 =	sshll.u32 s2, $0x7;
	s2 =	smul.u32 $0xFFFFF001, s2  }
0x7: {  	s11 =	sshrl.u32 s1, $0x1;
	[dreg:$0x5] =	wrdreg s12  }
0x8: {  	s3 =	sadd.s32 s9, s0;
	s0 =	sadd.s32 $0xD00, s0;
	[dreg:$0x7] =	wrdreg s2  }
0x9: {  	s1 =	ssub.s32 s1, s11;
	s13 =	sadd.s32 $0xC00, s3;
	[dreg:$0x8] =	wrdreg s0  }
0xa: {  	s14 =	smax.u32 s1, $0x1;
	[dreg:$0x6] =	wrdreg s13  }
0xb: {  	s15 =	sadd.s32 $0xC10, s3;
	[dreg:$0x9] =	wrdreg s14  }
0xc: {  	s16 =	sadd.s32 $0xC20, s3;
	[dreg:$0xa] =	wrdreg s15  }
0xd: {  	s17 =	sadd.s32 $0xC30, s3;
	[dreg:$0xb] =	wrdreg s16  }
0xe: {  	s18 =	sadd.s32 $0xC40, s3;
	[dreg:$0xc] =	wrdreg s17  }
0xf: {  	s19 =	sadd.s32 $0xC50, s3;
	[dreg:$0xd] =	wrdreg s18  }
0x10: {  	s20 =	sadd.s32 $0xC60, s3;
	[dreg:$0xe] =	wrdreg s19  }
0x11: {  	s21 =	sadd.s32 $0xC70, s3;
	[dreg:$0xf] =	wrdreg s20  }
0x12: {  	s22 =	sadd.s32 $0xC80, s3;
	[dreg:$0x10] =	wrdreg s21  }
0x13: {  	s23 =	sadd.s32 $0xC90, s3;
	[dreg:$0x11] =	wrdreg s22  }
0x14: {  	s24 =	sadd.s32 $0xCA0, s3;
	[dreg:$0x12] =	wrdreg s23  }
0x15: {  	s25 =	sadd.s32 $0xCB0, s3;
	[dreg:$0x13] =	wrdreg s24  }
0x16: {  	s26 =	sadd.s32 $0xCC0, s3;
	[dreg:$0x14] =	wrdreg s25  }
0x17: {  	v0 =	vlaneseq.u32;
	s28 =	sadd.s32 $0xCD0, s3;
	[dreg:$0x15] =	wrdreg s26  }
0x18: {  	v4 =	vmul.u32 $0xFFFFFFFF, v0;
	s30 =	sadd.s32 $0xCE0, s3;
	[dreg:$0x16] =	wrdreg s28  }
0x19: {  	v1 =	vimm.s32 $0x0;
	v2 =	vimm.s32 $0x80;
	s31 =	sadd.s32 $0xCF0, s3;
	[dreg:$0x17] =	wrdreg s30  }
0x1a: {  	s29 =	simm.s32 $0x1800;
	v3 =	vimm.s32 $0x1;
	v5 =	vor.u32 $0x80000000, v0;
	v4 =	vadd.s32 $0xF, v4;
	s2 =	simm.s32 $0x0;
	[dreg:$0x18] =	wrdreg s31  }
.LBB2_1:
0x1b: {  	[dreg:$0x19] =	wrdreg s2  }
0x1c: {  	s1 =	rddreg [dreg:$0x6]  }
0x1d: {  	s0 =	simm.s32 $0x0;
	s30 =	rddreg [dreg:$0xa]  }
0x1e: {  	[tilespmem:s0], [sflag:$0x1] =	stream.linear.gather [hbm4b:s1+s0], $0x80, $0x38;
	[tilespmem:$0x7B00] =	vst v63  }
0x1f: {  	s31 =	simm.s32 $0x100;
	s2 =	rddreg [dreg:$0xb]  }
0x20: {  	[tilespmem:s31], [sflag:$0x1] =	stream.linear.gather [hbm4b:s30+s0], $0x80, $0x38;
	[tilespmem:$0x7B00] =	vst v63  }
0x21: {  	s3 =	simm.s32 $0x200;
	s4 =	rddreg [dreg:$0xc]  }
0x22: {  	[tilespmem:s3], [sflag:$0x1] =	stream.linear.gather [hbm4b:s2+s0], $0x80, $0x38;
	[tilespmem:$0x7B00] =	vst v63  }
0x23: {  	s5 =	simm.s32 $0x300;
	s6 =	rddreg [dreg:$0xd]  }
0x24: {  	[tilespmem:s5], [sflag:$0x1] =	stream.linear.gather [hbm4b:s4+s0], $0x80, $0x38;
	[tilespmem:$0x7B00] =	vst v63  }
0x25: {  	s7 =	simm.s32 $0x400;
	s8 =	rddreg [dreg:$0xe]  }
0x26: {  	[tilespmem:s7], [sflag:$0x1] =	stream.linear.gather [hbm4b:s6+s0], $0x80, $0x38;
	[tilespmem:$0x7B00] =	vst v63  }
0x27: {  	s9 =	simm.s32 $0x500;
	s10 =	rddreg [dreg:$0xf]  }
0x28: {  	[tilespmem:s9], [sflag:$0x1] =	stream.linear.gather [hbm4b:s8+s0], $0x80, $0x38;
	[tilespmem:$0x7B00] =	vst v63  }
0x29: {  	s11 =	simm.s32 $0x600;
	s12 =	rddreg [dreg:$0x10]  }
0x2a: {  	[tilespmem:s11], [sflag:$0x1] =	stream.linear.gather [hbm4b:s10+s0], $0x80, $0x38;
	[tilespmem:$0x7B00] =	vst v63  }
0x2b: {  	s13 =	simm.s32 $0x700;
	s14 =	rddreg [dreg:$0x11]  }
0x2c: {  	[tilespmem:s13], [sflag:$0x1] =	stream.linear.gather [hbm4b:s12+s0], $0x80, $0x38;
	[tilespmem:$0x7B00] =	vst v63  }
0x2d: {  	s15 =	simm.s32 $0x800;
	s16 =	rddreg [dreg:$0x12]  }
0x2e: {  	[tilespmem:s15], [sflag:$0x1] =	stream.linear.gather [hbm4b:s14+s0], $0x80, $0x38;
	[tilespmem:$0x7B00] =	vst v63  }
0x2f: {  	s17 =	simm.s32 $0x900;
	s18 =	rddreg [dreg:$0x13]  }
0x30: {  	[tilespmem:s17], [sflag:$0x1] =	stream.linear.gather [hbm4b:s16+s0], $0x80, $0x38;
	[tilespmem:$0x7B00] =	vst v63  }
0x31: {  	s19 =	simm.s32 $0xA00;
	s20 =	rddreg [dreg:$0x14]  }
0x32: {  	[tilespmem:s19], [sflag:$0x1] =	stream.linear.gather [hbm4b:s18+s0], $0x80, $0x38;
	[tilespmem:$0x7B00] =	vst v63  }
0x33: {  	s21 =	simm.s32 $0xB00;
	s22 =	rddreg [dreg:$0x15]  }
0x34: {  	[tilespmem:s21], [sflag:$0x1] =	stream.linear.gather [hbm4b:s20+s0], $0x80, $0x38;
	[tilespmem:$0x7B00] =	vst v63  }
0x35: {  	s23 =	simm.s32 $0xC00;
	s24 =	rddreg [dreg:$0x16]  }
0x36: {  	[tilespmem:s23], [sflag:$0x1] =	stream.linear.gather [hbm4b:s22+s0], $0x80, $0x38;
	[tilespmem:$0x7B00] =	vst v63  }
0x37: {  	s25 =	simm.s32 $0xD00;
	s26 =	rddreg [dreg:$0x17]  }
0x38: {  	[tilespmem:s25], [sflag:$0x1] =	stream.linear.gather [hbm4b:s24+s0], $0x80, $0x38;
	[tilespmem:$0x7B00] =	vst v63  }
0x39: {  	s28 =	simm.s32 $0xE00;
	s30 =	rddreg [dreg:$0x18]  }
0x3a: {  	[tilespmem:s28], [sflag:$0x1] =	stream.linear.gather [hbm4b:s26+s0], $0x80, $0x38;
	[tilespmem:$0x7B00] =	vst v63  }
0x3b: {  	s31 =	simm.s32 $0xF00;
	s2 =	simm.s32 $0x0;
	s6 =	simm.s32 $0x0  }
0x3c: {  	[tilespmem:s31], [sflag:$0x1] =	stream.linear.gather [hbm4b:s30+s0], $0x80, $0x38;
	[tilespmem:$0x7B00] =	vst v63  }
.LBB2_2:
0x3d: {  	p0 =	slt.u32 s2, $0x2  }
0x3e: {  	s0 =	simm.s32 @!p0 $0x3  }
0x3f: {  	_ =	swait.ge @!p0 [sflag:s0], $0x2000  }
0x40: {  	[sflag:s0] =	ssyncset.done @!p0 $0x0  }
0x41: {  	[sflag:s0] =	ssyncadd.s32 @!p0 $0xFFFFE000  }
0x42: {  	_ =	swait.ge @!p0 [sflag:s0], $0x40  }
0x43: {  	[sflag:s0] =	ssyncset.done @!p0 $0x0  }
0x44: {  	s1 =	simm.s32 $0x1;
	[sflag:s0] =	ssyncadd.s32 @!p0 $0xFFFFFFC0  }
0x45: {  	_ =	swait.ge [sflag:s1], $0x800  }
0x46: {  	s10 =	sshll.u32 s6, $0x7;
	p0 =	seq.s32 s2, $0x7F;
	s28 =	rddreg [dreg:$0x5]  }
0x47: {  	[dreg:$0x1b] =	wrdreg s2;
	[sflag:s1] =	ssyncset.done $0x0;
	s0 =	sadd.s32 s28, s2  }
0x48: {  	s3 =	rddreg [dreg:$0x8];
	[sflag:s1] =	ssyncadd.s32 $0xFFFFF800;
	s1 =	sshll.u32 @!p0 s0, $0x8  }
0x49: {  	s2 =	sxor.u32 @!p0 $0x80, s10;
	s1 =	sadd.s32 @!p0 s1, s3;
	s3 =	simm.s32 @!p0 $0x0  }
0x4a: {  	[tilespmem:s2], [sflag:$0x1] =	stream.linear.gather @!p0 [hbm4b:s1+s3], $0x80, $0x38;
	[tilespmem:$0x7B00] =	vst v63  }
0x4b: {  	s5 =	sadd.s32 @!p0 $0x100, s2;
	s4 =	sadd.s32 @!p0 $0x10, s1  }
0x4c: {  	[tilespmem:s5], [sflag:$0x1] =	stream.linear.gather @!p0 [hbm4b:s4+s3], $0x80, $0x38;
	[tilespmem:$0x7B00] =	vst v63  }
0x4d: {  	s4 =	sadd.s32 @!p0 $0x20, s1;
	s5 =	sadd.s32 @!p0 $0x200, s2  }
0x4e: {  	[tilespmem:s5], [sflag:$0x1] =	stream.linear.gather @!p0 [hbm4b:s4+s3], $0x80, $0x38;
	[tilespmem:$0x7B00] =	vst v63  }
0x4f: {  	s4 =	sadd.s32 @!p0 $0x30, s1;
	s5 =	sadd.s32 @!p0 $0x300, s2  }
0x50: {  	[tilespmem:s5], [sflag:$0x1] =	stream.linear.gather @!p0 [hbm4b:s4+s3], $0x80, $0x38;
	[tilespmem:$0x7B00] =	vst v63  }
0x51: {  	s4 =	sadd.s32 @!p0 $0x40, s1;
	s5 =	sadd.s32 @!p0 $0x400, s2  }
0x52: {  	[tilespmem:s5], [sflag:$0x1] =	stream.linear.gather @!p0 [hbm4b:s4+s3], $0x80, $0x38;
	[tilespmem:$0x7B00] =	vst v63  }
0x53: {  	s4 =	sadd.s32 @!p0 $0x50, s1;
	s5 =	sadd.s32 @!p0 $0x500, s2  }
0x54: {  	[tilespmem:s5], [sflag:$0x1] =	stream.linear.gather @!p0 [hbm4b:s4+s3], $0x80, $0x38;
	[tilespmem:$0x7B00] =	vst v63  }
0x55: {  	s4 =	sadd.s32 @!p0 $0x60, s1;
	s5 =	sadd.s32 @!p0 $0x600, s2  }
0x56: {  	[tilespmem:s5], [sflag:$0x1] =	stream.linear.gather @!p0 [hbm4b:s4+s3], $0x80, $0x38;
	[tilespmem:$0x7B00] =	vst v63  }
0x57: {  	s4 =	sadd.s32 @!p0 $0x70, s1;
	s5 =	sadd.s32 @!p0 $0x700, s2  }
0x58: {  	[tilespmem:s5], [sflag:$0x1] =	stream.linear.gather @!p0 [hbm4b:s4+s3], $0x80, $0x38;
	[tilespmem:$0x7B00] =	vst v63  }
0x59: {  	s4 =	sadd.s32 @!p0 $0x80, s1;
	s5 =	sadd.s32 @!p0 $0x800, s2  }
0x5a: {  	[tilespmem:s5], [sflag:$0x1] =	stream.linear.gather @!p0 [hbm4b:s4+s3], $0x80, $0x38;
	[tilespmem:$0x7B00] =	vst v63  }
0x5b: {  	s4 =	sadd.s32 @!p0 $0x90, s1;
	s5 =	sadd.s32 @!p0 $0x900, s2  }
0x5c: {  	[tilespmem:s5], [sflag:$0x1] =	stream.linear.gather @!p0 [hbm4b:s4+s3], $0x80, $0x38;
	[tilespmem:$0x7B00] =	vst v63  }
0x5d: {  	s4 =	sadd.s32 @!p0 $0xA0, s1;
	s5 =	sadd.s32 @!p0 $0xA00, s2  }
0x5e: {  	[tilespmem:s5], [sflag:$0x1] =	stream.linear.gather @!p0 [hbm4b:s4+s3], $0x80, $0x38;
	[tilespmem:$0x7B00] =	vst v63  }
0x5f: {  	s4 =	sadd.s32 @!p0 $0xB0, s1;
	s5 =	sadd.s32 @!p0 $0xB00, s2  }
0x60: {  	[tilespmem:s5], [sflag:$0x1] =	stream.linear.gather @!p0 [hbm4b:s4+s3], $0x80, $0x38;
	[tilespmem:$0x7B00] =	vst v63  }
0x61: {  	s4 =	sadd.s32 @!p0 $0xC0, s1;
	s5 =	sadd.s32 @!p0 $0xC00, s2  }
0x62: {  	[tilespmem:s5], [sflag:$0x1] =	stream.linear.gather @!p0 [hbm4b:s4+s3], $0x80, $0x38;
	[tilespmem:$0x7B00] =	vst v63  }
0x63: {  	s4 =	sadd.s32 @!p0 $0xD0, s1;
	s5 =	sadd.s32 @!p0 $0xD00, s2  }
0x64: {  	[tilespmem:s5], [sflag:$0x1] =	stream.linear.gather @!p0 [hbm4b:s4+s3], $0x80, $0x38;
	[tilespmem:$0x7B00] =	vst v63  }
0x65: {  	s4 =	sadd.s32 @!p0 $0xE0, s1;
	s5 =	sadd.s32 @!p0 $0xE00, s2  }
0x66: {  	[tilespmem:s5], [sflag:$0x1] =	stream.linear.gather @!p0 [hbm4b:s4+s3], $0x80, $0x38;
	[tilespmem:$0x7B00] =	vst v63  }
0x67: {  	s30 =	sshll.u32 s6, $0x9;
	s1 =	sadd.s32 @!p0 $0xF0, s1;
	s2 =	sadd.s32 @!p0 $0xF00, s2  }
0x68: {  	[tilespmem:s2], [sflag:$0x1] =	stream.linear.gather @!p0 [hbm4b:s1+s3], $0x80, $0x38;
	[tilespmem:$0x7B00] =	vst v63  }
0x69: {  	s1 =	sshra.s32 s30, $0x2  }
0x6a: {  	s12 =	sor.u32 $0x40, s1  }
0x6b: {  	v6 =	vld [tilespmem:s12+$0xFFFFFFC0];
	_ =	sdelay $0x4  }
0x6c: {  	v7 =	vshra.s32 v6, $0x1F  }
0x6d: {  	v7 =	vand.u32 $0x7FFFFFFF, v7  }
0x6e: {  	s13 =	simm.s32 $0x1040;
	v6 =	vxor.u32 v6, v7  }
0x6f: {  	[tilespmem:s13+$0xFFFFFFC0] =	vst v6  }
0x70: {  	v6 =	vld [tilespmem:s12+$0xFFFFFFD0];
	_ =	sdelay $0x4  }
0x71: {  	v7 =	vshra.s32 v6, $0x1F  }
0x72: {  	v7 =	vand.u32 $0x7FFFFFFF, v7  }
0x73: {  	v6 =	vxor.u32 v6, v7  }
0x74: {  	[tilespmem:s13+$0xFFFFFFD0] =	vst v6  }
0x75: {  	v6 =	vld [tilespmem:s12+$0xFFFFFFE0];
	_ =	sdelay $0x4  }
0x76: {  	v7 =	vshra.s32 v6, $0x1F  }
0x77: {  	v7 =	vand.u32 $0x7FFFFFFF, v7  }
0x78: {  	v6 =	vxor.u32 v6, v7  }
0x79: {  	[tilespmem:s13+$0xFFFFFFE0] =	vst v6  }
0x7a: {  	v6 =	vld [tilespmem:s12+$0xFFFFFFF0];
	_ =	sdelay $0x4  }
0x7b: {  	v7 =	vshra.s32 v6, $0x1F  }
0x7c: {  	v7 =	vand.u32 $0x7FFFFFFF, v7  }
0x7d: {  	v6 =	vxor.u32 v6, v7  }
0x7e: {  	[tilespmem:s13+$0xFFFFFFF0] =	vst v6  }
0x7f: {  	v6 =	vld [tilespmem:s12+$0x0];
	_ =	sdelay $0x4  }
0x80: {  	v7 =	vshra.s32 v6, $0x1F  }
0x81: {  	v7 =	vand.u32 $0x7FFFFFFF, v7  }
0x82: {  	v6 =	vxor.u32 v6, v7  }
0x83: {  	[tilespmem:s13+$0x0] =	vst v6  }
0x84: {  	v6 =	vld [tilespmem:s12+$0x10];
	_ =	sdelay $0x4  }
0x85: {  	v7 =	vshra.s32 v6, $0x1F  }
0x86: {  	v7 =	vand.u32 $0x7FFFFFFF, v7  }
0x87: {  	v6 =	vxor.u32 v6, v7  }
0x88: {  	[tilespmem:s13+$0x10] =	vst v6  }
0x89: {  	v6 =	vld [tilespmem:s12+$0x20];
	_ =	sdelay $0x4  }
0x8a: {  	v7 =	vshra.s32 v6, $0x1F  }
0x8b: {  	v7 =	vand.u32 $0x7FFFFFFF, v7  }
0x8c: {  	v6 =	vxor.u32 v6, v7  }
0x8d: {  	[tilespmem:s13+$0x20] =	vst v6  }
0x8e: {  	v6 =	vld [tilespmem:s12+$0x30];
	_ =	sdelay $0x4  }
0x8f: {  	v7 =	vshra.s32 v6, $0x1F  }
0x90: {  	s31 =	rddreg [dreg:$0x7];
	s0 =	sshll.u32 s0, $0x5;
	v7 =	vand.u32 $0x7FFFFFFF, v7  }
0x91: {  	s0 =	sadd.s32 s31, s0;
	v6 =	vxor.u32 v6, v7  }
0x92: {  	[dreg:$0x1c] =	wrdreg s0;
	s1 =	simm.s32 $0x0;
	s14 =	sadd.s32 $0x100, s12;
	[tilespmem:s13+$0x30] =	vst v6  }
.LBB2_3:
0x93: {  	v6 =	vld [tilespmem:s14+$0xFFFFFFC0];
	s1 =	sadd.s32 $0x8, s1  }
0x94: {  	p0 =	slt.u32 s1, $0x78;
	_ =	sdelay $0x3  }
0x95: {  	v7 =	vshra.s32 v6, $0x1F  }
0x96: {  	v7 =	vand.u32 $0x7FFFFFFF, v7  }
0x97: {  	s13 =	sadd.s32 $0x80, s13;
	v6 =	vxor.u32 v6, v7  }
0x98: {  	[tilespmem:s13+$0xFFFFFFC0] =	vst v6  }
0x99: {  	v6 =	vld [tilespmem:s14+$0xFFFFFFD0];
	_ =	sdelay $0x4  }
0x9a: {  	v7 =	vshra.s32 v6, $0x1F  }
0x9b: {  	v7 =	vand.u32 $0x7FFFFFFF, v7  }
0x9c: {  	v6 =	vxor.u32 v6, v7  }
0x9d: {  	[tilespmem:s13+$0xFFFFFFD0] =	vst v6  }
0x9e: {  	v6 =	vld [tilespmem:s14+$0xFFFFFFE0];
	_ =	sdelay $0x4  }
0x9f: {  	v7 =	vshra.s32 v6, $0x1F  }
0xa0: {  	v7 =	vand.u32 $0x7FFFFFFF, v7  }
0xa1: {  	v6 =	vxor.u32 v6, v7  }
0xa2: {  	[tilespmem:s13+$0xFFFFFFE0] =	vst v6  }
0xa3: {  	v6 =	vld [tilespmem:s14+$0xFFFFFFF0];
	_ =	sdelay $0x4  }
0xa4: {  	v7 =	vshra.s32 v6, $0x1F  }
0xa5: {  	v7 =	vand.u32 $0x7FFFFFFF, v7  }
0xa6: {  	v6 =	vxor.u32 v6, v7  }
0xa7: {  	[tilespmem:s13+$0xFFFFFFF0] =	vst v6  }
0xa8: {  	v6 =	vld [tilespmem:s14+$0x0];
	_ =	sdelay $0x4  }
0xa9: {  	v7 =	vshra.s32 v6, $0x1F  }
0xaa: {  	v7 =	vand.u32 $0x7FFFFFFF, v7  }
0xab: {  	v6 =	vxor.u32 v6, v7  }
0xac: {  	[tilespmem:s13+$0x0] =	vst v6  }
0xad: {  	v6 =	vld [tilespmem:s14+$0x10];
	_ =	sdelay $0x4  }
0xae: {  	v7 =	vshra.s32 v6, $0x1F  }
0xaf: {  	v7 =	vand.u32 $0x7FFFFFFF, v7  }
0xb0: {  	v6 =	vxor.u32 v6, v7  }
0xb1: {  	[tilespmem:s13+$0x10] =	vst v6  }
0xb2: {  	v6 =	vld [tilespmem:s14+$0x20];
	_ =	sdelay $0x4  }
0xb3: {  	v7 =	vshra.s32 v6, $0x1F  }
0xb4: {  	v7 =	vand.u32 $0x7FFFFFFF, v7  }
0xb5: {  	v6 =	vxor.u32 v6, v7  }
0xb6: {  	[tilespmem:s13+$0x20] =	vst v6  }
0xb7: {  	v6 =	vld [tilespmem:s14+$0x30];
	_ =	sdelay $0x3  }
.Ltmp0:
0xb8: {  	(pc) =	sbr.rel @p0 .LBB2_3-.Ltmp0, $4  }
0xb9: {  	v7 =	vshra.s32 v6, $0x1F  }
0xba: {  	v7 =	vand.u32 $0x7FFFFFFF, v7  }
0xbb: {  	v6 =	vxor.u32 v6, v7  }
0xbc: {  	s14 =	sadd.s32 $0x100, s14;
	[tilespmem:s13+$0x30] =	vst v6  }
0xbd: {  	[tilespmem:$0x1800] =	vst v1  }
0xbe: {  	[tilespmem:$0x1810] =	vst v1  }
0xbf: {  	[tilespmem:$0x1820] =	vst v1  }
0xc0: {  	[tilespmem:$0x1830] =	vst v1  }
0xc1: {  	[tilespmem:$0x1840] =	vst v1  }
0xc2: {  	[tilespmem:$0x1850] =	vst v1  }
0xc3: {  	[tilespmem:$0x1860] =	vst v1  }
0xc4: {  	[tilespmem:$0x1870] =	vst v1  }
0xc5: {  	[tilespmem:$0x1880] =	vst v1  }
0xc6: {  	[tilespmem:$0x1890] =	vst v1  }
0xc7: {  	[tilespmem:$0x18A0] =	vst v1  }
0xc8: {  	[tilespmem:$0x18B0] =	vst v1  }
0xc9: {  	[tilespmem:$0x18C0] =	vst v1  }
0xca: {  	[tilespmem:$0x18D0] =	vst v1  }
0xcb: {  	[tilespmem:$0x18E0] =	vst v1  }
0xcc: {  	[tilespmem:$0x18F0] =	vst v1;
	s0 =	simm.s32 $0xFFFFFFF8;
	s1 =	simm.s32 $0x1040  }
.LBB2_5:
0xcd: {  	v6 =	vld [tilespmem:s1+$0xFFFFFFC0];
	_ =	sdelay $0x4  }
0xce: {  	v7 =	vshrl.u32 v6, $0x18;
	vm0 =	vlt.s32 v6, $0x0  }
0xcf: {  	v6 =	vand.u32 $0x7F, v7;
	v7 =	vsel vm0, $0x0, v2  }
0xd0: {  	v6 =	vor.u32 v6, v7;
	_ =	sdelay $0x4  }
0xd1: {  	[tilespmem:v6+s29+$0x0] =	vst.idx.add.s32.msk $0xffff, v3  }
0xd2: {  	v6 =	vld [tilespmem:s1+$0xFFFFFFD0];
	_ =	sdelay $0x4  }
0xd3: {  	v7 =	vshrl.u32 v6, $0x18;
	vm9 =	vlt.s32 v6, $0x0  }
0xd4: {  	v6 =	vand.u32 $0x7F, v7;
	v7 =	vsel vm9, $0x0, v2  }
0xd5: {  	v6 =	vor.u32 v6, v7;
	_ =	sdelay $0x4  }
0xd6: {  	[tilespmem:v6+s29+$0x0] =	vst.idx.add.s32.msk $0xffff, v3  }
0xd7: {  	v6 =	vld [tilespmem:s1+$0xFFFFFFE0];
	_ =	sdelay $0x4  }
0xd8: {  	v7 =	vshrl.u32 v6, $0x18;
	vm10 =	vlt.s32 v6, $0x0  }
0xd9: {  	v6 =	vand.u32 $0x7F, v7;
	v7 =	vsel vm10, $0x0, v2  }
0xda: {  	v6 =	vor.u32 v6, v7;
	_ =	sdelay $0x4  }
0xdb: {  	[tilespmem:v6+s29+$0x0] =	vst.idx.add.s32.msk $0xffff, v3  }
0xdc: {  	v6 =	vld [tilespmem:s1+$0xFFFFFFF0];
	_ =	sdelay $0x4  }
0xdd: {  	v7 =	vshrl.u32 v6, $0x18;
	vm11 =	vlt.s32 v6, $0x0  }
0xde: {  	v6 =	vand.u32 $0x7F, v7;
	v7 =	vsel vm11, $0x0, v2  }
0xdf: {  	v6 =	vor.u32 v6, v7;
	_ =	sdelay $0x4  }
0xe0: {  	[tilespmem:v6+s29+$0x0] =	vst.idx.add.s32.msk $0xffff, v3  }
0xe1: {  	v6 =	vld [tilespmem:s1+$0x0];
	_ =	sdelay $0x4  }
0xe2: {  	v7 =	vshrl.u32 v6, $0x18;
	vm12 =	vlt.s32 v6, $0x0  }
0xe3: {  	v6 =	vand.u32 $0x7F, v7;
	v7 =	vsel vm12, $0x0, v2  }
0xe4: {  	v6 =	vor.u32 v6, v7;
	_ =	sdelay $0x4  }
0xe5: {  	[tilespmem:v6+s29+$0x0] =	vst.idx.add.s32.msk $0xffff, v3  }
0xe6: {  	v6 =	vld [tilespmem:s1+$0x10];
	_ =	sdelay $0x4  }
0xe7: {  	v7 =	vshrl.u32 v6, $0x18;
	vm13 =	vlt.s32 v6, $0x0  }
0xe8: {  	v6 =	vand.u32 $0x7F, v7;
	v7 =	vsel vm13, $0x0, v2  }
0xe9: {  	v6 =	vor.u32 v6, v7;
	_ =	sdelay $0x4  }
0xea: {  	[tilespmem:v6+s29+$0x0] =	vst.idx.add.s32.msk $0xffff, v3  }
0xeb: {  	v6 =	vld [tilespmem:s1+$0x20];
	_ =	sdelay $0x4  }
0xec: {  	v7 =	vshrl.u32 v6, $0x18;
	vm14 =	vlt.s32 v6, $0x0  }
0xed: {  	v6 =	vand.u32 $0x7F, v7;
	v7 =	vsel vm14, $0x0, v2  }
0xee: {  	v6 =	vor.u32 v6, v7;
	_ =	sdelay $0x4  }
0xef: {  	[tilespmem:v6+s29+$0x0] =	vst.idx.add.s32.msk $0xffff, v3  }
0xf0: {  	v6 =	vld [tilespmem:s1+$0x30];
	_ =	sdelay $0x4  }
0xf1: {  	v7 =	vshrl.u32 v6, $0x18;
	vm15 =	vlt.s32 v6, $0x0  }
0xf2: {  	s0 =	sadd.s32 $0x8, s0;
	v6 =	vand.u32 $0x7F, v7;
	v7 =	vsel vm15, $0x0, v2  }
0xf3: {  	p1 =	slt.u32 s0, $0x78;
	v6 =	vor.u32 v6, v7  }
.Ltmp1:
0xf4: {  	_ = 	snop;
	(pc) =	sbr.rel @p1 .LBB2_5-.Ltmp1, $3  }
0xf5: {  	_ =	sdelay $0x1  }
0xf6: {  	s13 =	simm.s32 $0x0  }
0xf7: {  	p0 =	por $0x0, $0x0;
	s2 =	simm.s32 $0x18F0;
	s1 =	sadd.s32 $0x80, s1;
	[tilespmem:v6+s29+$0x0] =	vst.idx.add.s32.msk $0xffff, v3  }
0xf8: {  	v6 =	vld [tilespmem:s2+$0x0];
	_ =	sdelay $0x2  }
0xf9: {  	s0 =	simm.s32 $0x18E0  }
0xfa: {  	v7 =	vld [tilespmem:s0+$0x0]  }
0xfb: {  	v8 =	vperm.xlane v6, v4;
	_ =	sdelay $0x1  }
0xfc: {  	(xrf0) =	vadd.scan.msk.s32 $0xffff, v8;
	_ =	sdelay $0x1  }
0xfd: {  	v11 =	vperm.xlane v7, v4;
	_ =	sdelay $0x1  }
0xfe: {  	(xrf0) =	vadd.scan.msk.s32 $0xffff, v11;
	_ =	sdelay $0x1  }
0xff: {  	v6, _, _ =	vpop (xrf0)  }
0x100: {  	(v2sf) =	vpush v6, $0xF  }
0x101: {  	[dreg:$0x1a] =	wrdreg s6;
	s6 =	simm.s32 $0x18D0  }
0x102: {  	v7 =	vld [tilespmem:s6+$0x0];
	v9 =	vadd.s32 s13, v6  }
0x103: {  	v6, _, _ =	vpop (xrf0);
	vm1 =	vgt.s32 v9, $0x3F  }
0x104: {  	(v2sf) =	vpush v6, $0xF;
	v10 =	vnsel vm1, $0x80000063, v5  }
0x105: {  	(xrf0) =	vmin.scan.msk.u32 $0xffff, v10;
	_ =	sdelay $0x1  }
0x106: {  	v13 =	vperm.xlane v7, v4;
	_ =	sdelay $0x1  }
0x107: {  	(xrf0) =	vadd.scan.msk.s32 $0xffff, v13;
	_ =	sdelay $0x1  }
0x108: {  	v7, _, _ =	vpop (xrf0)  }
0x109: {  	(v2sf) =	vpush v7, $0xF  }
0x10a: {  	s7 =	simm.s32 $0x18C0  }
0x10b: {  	v7 =	vld [tilespmem:s7+$0x0]  }
0x10c: {  	v10, _, _ =	vpop (xrf0);
	s8 =	spop (v2sf)  }
0x10d: {  	(v2sf) =	vpush v10, $0xF;
	s0 =	sadd.s32 $0x0, s8  }
0x10e: {  	v12 =	vadd.s32 s0, v6  }
0x10f: {  	vm2 =	vgt.s32 v12, $0x3F  }
0x110: {  	v7 =	vperm.xlane v7, v4;
	s1 =	spop (v2sf);
	v6 =	vnsel vm2, $0x80000063, v5  }
0x111: {  	s1 =	sadd.s32 s0, s1;
	(xrf0) =	vmin.scan.msk.u32 $0xffff, v6  }
0x112: {  	v14 =	vadd.s32 s1, v10;
	(xrf0) =	vadd.scan.msk.s32 $0xffff, v7  }
0x113: {  	vm0 =	vgt.s32 v14, $0x3F  }
0x114: {  	v10 =	vnsel vm0, $0x80000063, v5;
	_ =	sdelay $0x1  }
0x115: {  	s9 =	simm.s32 $0x18B0  }
0x116: {  	v6 =	vld [tilespmem:s9+$0x0];
	(xrf0) =	vmin.scan.msk.u32 $0xffff, v10;
	v10, _, _ =	vpop (xrf0)  }
0x117: {  	s11 =	spop (v2sf);
	(v2sf) =	vpush v10, $0xF;
	v10, _, _ =	vpop (xrf0)  }
0x118: {  	s14 =	sxor.u32 $0x80000000, s11;
	(v2sf) =	vpush v10, $0xF  }
0x119: {  	v15 =	vmov s14  }
0x11a: {  	vm1 =	vmmov vm1  }
0x11b: {  	v9 =	vxor.u32 $0x80000000, v9;
	vm1 =	vmmov vm1;
	v6 =	vperm.xlane v6, v4;
	s3 =	spop (v2sf)  }
0x11c: {  	v9 =	vnsel vm1, $0xC0000000, v9;
	s1 =	sadd.s32 s1, s3;
	vm1 =	veq.s32 v15, v0;
	v15, _, _ =	vpop (xrf0)  }
0x11d: {  	(xrf0) =	vadd.scan.msk.s32 $0xffff, v6;
	v10 =	vadd.s32 s1, v10;
	(v2sf) =	vpush v15, $0xF  }
0x11e: {  	(xrf0) =	vmin.scan.msk.u32 $0xffff, v9;
	v8 =	vnsel vm1, $0x0, v8;
	vm1 =	vgt.s32 v10, $0x3F  }
0x11f: {  	(xrf0) =	vadd.scan.msk.s32 $0xffff, v8;
	v8 =	vnsel vm1, $0x80000063, v5  }
0x120: {  	(xrf0) =	vmin.scan.msk.u32 $0xffff, v8  }
0x121: {  	s23 =	simm.s32 $0x18A0  }
0x122: {  	v15 =	vld [tilespmem:s23+$0x0]  }
0x123: {  	v8, _, _ =	vpop (xrf0)  }
0x124: {  	(v2sf) =	vpush v8, $0xF;
	v9, _, _ =	vpop (xrf0)  }
0x125: {  	(v2sf) =	vpush v9, $0xF;
	v9, _, _ =	vpop (xrf0)  }
0x126: {  	(v2sf) =	vpush v9, $0xF;
	v9, _, _ =	vpop (xrf0);
	s4 =	spop (v2sf)  }
0x127: {  	s24 =	simm.s32 $0x1890;
	vm2 =	vmmov vm2;
	(v2sf) =	vpush v9, $0xF;
	v9 =	vperm.xlane v15, v4;
	s20 =	sxor.u32 $0x80000000, s4;
	s25 =	spop (v2sf)  }
0x128: {  	v16 =	vld [tilespmem:s24+$0x0];
	v12 =	vxor.u32 $0x80000000, v12;
	vm2 =	vmmov vm2;
	v15 =	vmov s20;
	s3 =	sadd.s32 s1, s25  }
0x129: {  	v17 =	vnsel vm2, $0xC0000000, v12;
	(xrf0) =	vadd.scan.msk.s32 $0xffff, v9;
	vm2 =	veq.s32 v15, v0;
	v12 =	vadd.s32 s3, v8  }
0x12a: {  	(xrf0) =	vmin.scan.msk.u32 $0xffff, v17;
	v8 =	vnsel vm2, $0x0, v11;
	vm2 =	vgt.s32 v12, $0x3F  }
0x12b: {  	vm0 =	vmmov vm0;
	(xrf0) =	vadd.scan.msk.s32 $0xffff, v8;
	v11 =	vnsel vm2, $0x80000063, v5  }
0x12c: {  	vm0 =	vmmov vm0;
	s5 =	spop (v2sf);
	(xrf0) =	vmin.scan.msk.u32 $0xffff, v11;
	v11 =	vxor.u32 $0x80000000, v14  }
0x12d: {  	v8 =	vperm.xlane v16, v4;
	s19 =	sxor.u32 $0x80000000, s5;
	v11 =	vnsel vm0, $0xC0000000, v11  }
0x12e: {  	v14 =	vmov s19  }
0x12f: {  	(xrf0) =	vadd.scan.msk.s32 $0xffff, v8;
	vm0 =	veq.s32 v14, v0  }
0x130: {  	v13 =	vnsel vm0, $0x0, v13;
	(xrf0) =	vmin.scan.msk.u32 $0xffff, v11;
	v11, _, _ =	vpop (xrf0)  }
0x131: {  	(v2sf) =	vpush v11, $0xF  }
0x132: {  	s1 =	simm.s32 $0x1880  }
0x133: {  	v15 =	vld [tilespmem:s1+$0x0];
	(xrf0) =	vadd.scan.msk.s32 $0xffff, v13;
	v13, _, _ =	vpop (xrf0)  }
0x134: {  	s26 =	spop (v2sf);
	v14, _, _ =	vpop (xrf0);
	(v2sf) =	vpush v13, $0xF  }
0x135: {  	s25 =	sadd.s32 s3, s26;
	(v2sf) =	vpush v14, $0xF  }
0x136: {  	s18 =	simm.s32 $0x800000BF;
	s17 =	simm.s32 $0x800000AF;
	v13 =	vadd.s32 s25, v11;
	v11, _, _ =	vpop (xrf0)  }
0x137: {  	s16 =	simm.s32 $0x8000009F;
	s15 =	simm.s32 $0x8000008F;
	(v2sf) =	vpush v11, $0xF;
	v14, _, _ =	vpop (xrf0)  }
0x138: {  	p2 =	por !p0, !p0;
	p1 =	slt.s32 s14, $0x63;
	s28 =	spop (v2sf);
	v11 =	vperm.xlane v15, v4;
	(v2sf) =	vpush v14, $0xF;
	v15, _, _ =	vpop (xrf0)  }
0x139: {  	s2 =	ssub.s32 $0x800000FF, s11;
	p2 =	por !p1, !p2;
	s30 =	spop (v2sf);
	vm0 =	vgt.s32 v13, $0x3F;
	(v2sf) =	vpush v15, $0xF  }
0x13a: {  	s14 =	simm.s32 $0x0;
	p2 =	por !p2, !p2;
	s22 =	ssub.s32 $0x800000EF, s4;
	v16 =	vnsel vm0, $0x80000063, v5  }
0x13b: {  	s14 =	smov.u32 @p2 s2;
	s21 =	ssub.s32 $0x800000DF, s5;
	s0 =	sxor.u32 $0x80000000, s28;
	(xrf0) =	vmin.scan.msk.u32 $0xffff, v16  }
0x13c: {  	vm1 =	vmmov vm1;
	s3 =	ssub.s32 s0, s30;
	s31 =	spop (v2sf);
	s0 =	simm.s32 $0x8000007F  }
0x13d: {  	vm1 =	vmmov vm1;
	vm2 =	vmmov vm2;
	s13 =	smov.u32 @p2 s3;
	s24 =	sxor.u32 $0x80000000, s31;
	s23 =	ssub.s32 $0x800000CF, s31;
	(xrf0) =	vadd.scan.msk.s32 $0xffff, v11;
	v15, _, _ =	vpop (xrf0)  }
.LBB2_7:
0x13e: {  	p2 =	sne.s32 s0, $0x8000000F  }
0x13f: {  	v18 =	vxor.u32 $0x80000000, v10;
	v17 =	vmov s24;
	(v2sf) =	vpush v15, $0xF;
	v10 =	vmovc v12;
	v12 =	vmovc v13;
	s2 =	smov.u32 s18;
	s18 =	smov.u32 s17;
	s1 =	sadd.s32 $0xFFFFFFF0, s1  }
0x140: {  	s17 =	smov.u32 s16;
	s16 =	smov.u32 s15;
	s3 =	spop (v2sf);
	v13 =	vnsel vm1, $0xC0000000, v18;
	vm3 =	veq.s32 v17, v0;
	vm1 =	vmmov vm2  }
0x141: {  	s15 =	smov.u32 s0;
	p0 =	por p0, p1;
	v15 =	vld [tilespmem:s1+$0x0];
	s25 =	sadd.s32 s25, s3;
	v16, _, _ =	vpop (xrf0);
	v17 =	vnsel vm3, $0x0, v7;
	(xrf0) =	vmin.scan.msk.u32 $0xffff, v13;
	v7 =	vmov v6;
	v6 =	vmov v9  }
0x142: {  	p1 =	slt.s32 s20, $0x63;
	p3 =	por !p0, !p0;
	v9 =	vmovc v8;
	v8 =	vmov v11;
	v13 =	vadd.s32 s25, v14;
	(v2sf) =	vpush v16, $0xF;
	(xrf0) =	vadd.scan.msk.s32 $0xffff, v17  }
0x143: {  	vm2 =	vmmov vm0;
	p3 =	por !p1, !p3;
	s3 =	spop (v2sf);
	vm0 =	vgt.s32 v13, $0x3F  }
.Ltmp2:
0x144: {  	v14, _, _ =	vpop (xrf0);
	v11 =	vnsel vm0, $0x80000063, v5;
	s3 =	sxor.u32 $0x80000000, s3;
	s4 =	spop (v2sf);
	(pc) =	sbr.rel @p2 .LBB2_7-.Ltmp2, $4  }
0x145: {  	s20 =	smov.u32 s19;
	p3 =	por !p3, !p3;
	(v2sf) =	vpush v14, $0xF;
	(xrf0) =	vmin.scan.msk.u32 $0xffff, v11;
	s3 =	ssub.s32 s3, s4  }
0x146: {  	s19 =	smov.u32 s24;
	s14 =	smov.u32 @p3 s22;
	v11 =	vperm.xlane v15, v4;
	s13 =	smov.u32 @p3 s3  }
0x147: {  	s22 =	smov.u32 s21;
	s21 =	smov.u32 s23;
	s3 =	spop (v2sf);
	v15, _, _ =	vpop (xrf0)  }
0x148: {  	s0 =	sadd.s32 $0xFFFFFFF0, s0;
	(xrf0) =	vadd.scan.msk.s32 $0xffff, v11;
	s24 =	sxor.u32 $0x80000000, s3;
	s23 =	ssub.s32 s2, s3;
	(v2sf) =	vpush v15, $0xF;
	v15, _, _ =	vpop (xrf0)  }
0x149: {  	_ =	sdelay $0x6  }
0x14a: {  	s0 =	spop (v2sf);
	v16 =	vmov s24  }
0x14b: {  	s2 =	spop (v2sf);
	vm6 =	veq.s32 v16, v0  }
0x14c: {  	v10 =	vxor.u32 $0x80000000, v10;
	s3 =	sadd.s32 s25, s0;
	v7 =	vnsel vm6, $0x0, v7;
	s30 =	spop (v2sf)  }
0x14d: {  	v10 =	vnsel vm1, $0xC0000000, v10;
	v14 =	vadd.s32 s3, v14;
	s1 =	spop (v2sf)  }
0x14e: {  	vm2 =	vmmov vm2;
	v60, _, _ =	vpop (xrf0);
	(xrf0) =	vmin.scan.msk.u32 $0xffff, v10;
	vm7 =	vgt.s32 v14, $0x3F;
	s0 =	sxor.u32 $0x80000000, s1;
	s4 =	spop (v2sf)  }
0x14f: {  	v12 =	vxor.u32 $0x80000000, v12;
	(xrf0) =	vadd.scan.msk.s32 $0xffff, v7;
	v61 =	vnsel vm7, $0x80000063, v5;
	v7, _, _ =	vpop (xrf0);
	v17 =	vmov s0;
	s3 =	sadd.s32 s3, s4  }
0x150: {  	v62 =	vnsel vm2, $0xC0000000, v12;
	(xrf0) =	vmin.scan.msk.u32 $0xffff, v61;
	vm8 =	veq.s32 v17, v0;
	v63 =	vadd.s32 s3, v7  }
0x151: {  	(xrf0) =	vmin.scan.msk.u32 $0xffff, v62;
	v6 =	vnsel vm8, $0x0, v6;
	vm9 =	vgt.s32 v63, $0x3F  }
0x152: {  	(v2sf) =	vpush v15, $0xF;
	(xrf0) =	vadd.scan.msk.s32 $0xffff, v6;
	v6 =	vnsel vm9, $0x80000063, v5  }
0x153: {  	(v2sf) =	vpush v60, $0xF  }
0x154: {  	(xrf0) =	vmin.scan.msk.u32 $0xffff, v6  }
0x155: {  	(v2sf) =	vpush v7, $0xF;
	v6, _, _ =	vpop (xrf0)  }
0x156: {  	v7, _, _ =	vpop (xrf0);
	(v2sf) =	vpush v6, $0xF  }
0x157: {  	(v2sf) =	vpush v7, $0xF;
	v6, _, _ =	vpop (xrf0)  }
0x158: {  	(v2sf) =	vpush v6, $0xF;
	v6, _, _ =	vpop (xrf0)  }
0x159: {  	(v2sf) =	vpush v6, $0xF;
	v6, _, _ =	vpop (xrf0)  }
0x15a: {  	(v2sf) =	vpush v6, $0xF;
	v6, _, _ =	vpop (xrf0)  }
0x15b: {  	(v2sf) =	vpush v6, $0xF;
	_ =	sdelay $0x4  }
0x15c: {  	s31 =	spop (v2sf)  }
0x15d: {  	s11 =	spop (v2sf)  }
0x15e: {  	s9 =	spop (v2sf)  }
0x15f: {  	vm0 =	vmmov vm0;
	s5 =	sxor.u32 $0x80000000, s9  }
0x160: {  	vm0 =	vmmov vm0;
	v7 =	vmov s5;
	s8 =	spop (v2sf);
	v6 =	vxor.u32 $0x80000000, v13  }
0x161: {  	vm10 =	veq.s32 v7, v0;
	v6 =	vnsel vm0, $0xC0000000, v6;
	s26 =	spop (v2sf)  }
0x162: {  	v7 =	vnsel vm10, $0x0, v9;
	(xrf0) =	vmin.scan.msk.u32 $0xffff, v6;
	s7 =	spop (v2sf)  }
0x163: {  	(xrf0) =	vadd.scan.msk.s32 $0xffff, v7;
	s8 =	spop (v2sf)  }
0x164: {  	vm11 =	vmmov vm7;
	s4 =	sxor.u32 $0x80000000, s8;
	s28 =	spop (v2sf)  }
0x165: {  	vm0 =	vmmov vm11;
	v6 =	vxor.u32 $0x80000000, v14;
	v7 =	vmov s4;
	s3 =	spop (v2sf)  }
0x166: {  	v6 =	vnsel vm0, $0xC0000000, v6;
	vm12 =	veq.s32 v7, v0;
	s6 =	spop (v2sf)  }
0x167: {  	vm13 =	vmmov vm9;
	(xrf0) =	vmin.scan.msk.u32 $0xffff, v6;
	v6 =	vnsel vm12, $0x0, v8;
	s25 =	sxor.u32 $0x80000000, s6  }
0x168: {  	vm14 =	vmmov vm13;
	v7, _, _ =	vpop (xrf0);
	(xrf0) =	vadd.scan.msk.s32 $0xffff, v6;
	v6 =	vxor.u32 $0x80000000, v63;
	v8 =	vmov s25  }
0x169: {  	(v2sf) =	vpush v7, $0xF;
	v7, _, _ =	vpop (xrf0);
	v6 =	vnsel vm14, $0xC0000000, v6;
	vm15 =	veq.s32 v8, v0  }
0x16a: {  	(v2sf) =	vpush v7, $0xF;
	v7 =	vnsel vm15, $0x0, v11;
	(xrf0) =	vmin.scan.msk.u32 $0xffff, v6  }
0x16b: {  	p0 =	por p0, p1;
	p3 =	slt.s32 s20, $0x63;
	p4 =	slt.s32 s19, $0x63;
	(xrf0) =	vadd.scan.msk.s32 $0xffff, v7  }
0x16c: {  	p6 =	slt.s32 s24, $0x63;
	p2 =	por !p0, !p0;
	p0 =	por p0, p3  }
0x16d: {  	p2 =	por !p3, !p2;
	p5 =	por !p0, !p0;
	p0 =	por p0, p4  }
0x16e: {  	s2 =	sxor.u32 $0x80000000, s2;
	p2 =	por !p2, !p2;
	p3 =	por !p0, !p0;
	v6, _, _ =	vpop (xrf0)  }
0x16f: {  	p0 =	por p0, p6;
	s14 =	smov.u32 @p2 s22;
	s2 =	ssub.s32 s2, s30;
	(v2sf) =	vpush v6, $0xF;
	v6, _, _ =	vpop (xrf0)  }
0x170: {  	p3 =	por !p6, !p3;
	s13 =	smov.u32 @p2 s2;
	p2 =	por !p4, !p5;
	(v2sf) =	vpush v6, $0xF;
	v6, _, _ =	vpop (xrf0)  }
0x171: {  	p5 =	por !p0, !p0;
	p2 =	por !p2, !p2;
	s1 =	ssub.s32 s18, s1;
	(v2sf) =	vpush v6, $0xF;
	v6, _, _ =	vpop (xrf0)  }
0x172: {  	s14 =	smov.u32 @p2 s21;
	p4 =	slt.s32 s0, $0x63;
	s20 =	sxor.u32 $0x80000000, s31;
	(v2sf) =	vpush v6, $0xF  }
0x173: {  	p6 =	por !p4, !p5;
	p0 =	por p0, p4;
	s2 =	ssub.s32 s20, s11  }
0x174: {  	[tilespmem:$0x1800] =	vst v1;
	s13 =	smov.u32 @p2 s2;
	p2 =	por !p3, !p3;
	p3 =	slt.s32 s5, $0x63  }
0x175: {  	[tilespmem:$0x1810] =	vst v1;
	p4 =	por !p0, !p0;
	p1 =	por p0, p3;
	s21 =	sxor.u32 $0x80000000, s26  }
0x176: {  	[tilespmem:$0x1820] =	vst v1;
	s14 =	smov.u32 @p2 s23;
	p0 =	por !p1, !p1;
	s2 =	ssub.s32 s21, s7  }
0x177: {  	[tilespmem:$0x1830] =	vst v1;
	s13 =	smov.u32 @p2 s2;
	s2 =	ssub.s32 s17, s9;
	p2 =	por !p6, !p6  }
0x178: {  	[tilespmem:$0x1840] =	vst v1;
	s22 =	sxor.u32 $0x80000000, s28;
	s14 =	smov.u32 @p2 s1;
	p5 =	slt.s32 s4, $0x63  }
0x179: {  	[tilespmem:$0x1850] =	vst v1;
	s0 =	ssub.s32 s22, s3;
	s3 =	ssub.s32 s16, s8;
	p0 =	por !p5, !p0  }
0x17a: {  	[tilespmem:$0x1860] =	vst v1;
	p1 =	por p1, p5;
	s13 =	smov.u32 @p2 s0;
	p2 =	por !p3, !p4  }
0x17b: {  	[tilespmem:$0x1870] =	vst v1;
	s1 =	ssub.s32 s15, s6;
	p0 =	por !p0, !p0;
	p1 =	por !p1, !p1  }
0x17c: {  	[tilespmem:$0x1880] =	vst v1;
	p2 =	por !p2, !p2;
	p6 =	slt.s32 s25, $0x63;
	s23 =	spop (v2sf)  }
0x17d: {  	[tilespmem:$0x1890] =	vst v1;
	s14 =	smov.u32 @p2 s2;
	p1 =	por !p6, !p1;
	s24 =	spop (v2sf)  }
0x17e: {  	[tilespmem:$0x18A0] =	vst v1;
	s14 =	smov.u32 @p0 s3;
	s0 =	sxor.u32 $0x80000000, s23;
	s26 =	spop (v2sf)  }
0x17f: {  	[tilespmem:$0x18B0] =	vst v1;
	p1 =	por !p1, !p1;
	s0 =	ssub.s32 s0, s24;
	s28 =	spop (v2sf)  }
0x180: {  	[tilespmem:$0x18C0] =	vst v1;
	s13 =	smov.u32 @p2 s0;
	s0 =	sxor.u32 $0x80000000, s26;
	s30 =	spop (v2sf)  }
0x181: {  	[tilespmem:$0x18D0] =	vst v1;
	s0 =	ssub.s32 s0, s28;
	s2 =	sxor.u32 $0x80000000, s30;
	s31 =	spop (v2sf)  }
0x182: {  	[tilespmem:$0x18E0] =	vst v1;
	s14 =	smov.u32 @p1 s1;
	s13 =	smov.u32 @p0 s0;
	s0 =	ssub.s32 s2, s31  }
0x183: {  	[tilespmem:$0x18F0] =	vst v1;
	s1 =	simm.s32 $0x1040;
	v6 =	vmov s14;
	s13 =	smov.u32 @p1 s0;
	s0 =	simm.s32 $0xFFFFFFF8  }
.LBB2_9:
0x184: {  	v7 =	vld [tilespmem:s1+$0xFFFFFFC0];
	_ =	sdelay $0x4  }
0x185: {  	v8 =	vshrl.u32 v7, $0x18  }
0x186: {  	v8 =	vxor.u32 v6, v8  }
0x187: {  	v7 =	vshrl.u32 v7, $0x10;
	vm0 =	veq.s32 v8, $0x80  }
0x188: {  	v7 =	vand.u32 $0xFF, v7;
	_ =	sdelay $0x4  }
0x189: {  	[tilespmem:v7+s29+$0x0] =	vst.idx.add.s32.msk vm0, v3  }
0x18a: {  	v7 =	vld [tilespmem:s1+$0xFFFFFFD0];
	_ =	sdelay $0x4  }
0x18b: {  	v8 =	vshrl.u32 v7, $0x18  }
0x18c: {  	v8 =	vxor.u32 v6, v8  }
0x18d: {  	v7 =	vshrl.u32 v7, $0x10;
	vm9 =	veq.s32 v8, $0x80  }
0x18e: {  	v7 =	vand.u32 $0xFF, v7;
	_ =	sdelay $0x4  }
0x18f: {  	[tilespmem:v7+s29+$0x0] =	vst.idx.add.s32.msk vm9, v3  }
0x190: {  	v7 =	vld [tilespmem:s1+$0xFFFFFFE0];
	_ =	sdelay $0x4  }
0x191: {  	v8 =	vshrl.u32 v7, $0x18  }
0x192: {  	v8 =	vxor.u32 v6, v8  }
0x193: {  	v7 =	vshrl.u32 v7, $0x10;
	vm10 =	veq.s32 v8, $0x80  }
0x194: {  	v7 =	vand.u32 $0xFF, v7;
	_ =	sdelay $0x4  }
0x195: {  	[tilespmem:v7+s29+$0x0] =	vst.idx.add.s32.msk vm10, v3  }
0x196: {  	v7 =	vld [tilespmem:s1+$0xFFFFFFF0];
	_ =	sdelay $0x4  }
0x197: {  	v8 =	vshrl.u32 v7, $0x18  }
0x198: {  	v8 =	vxor.u32 v6, v8  }
0x199: {  	v7 =	vshrl.u32 v7, $0x10;
	vm11 =	veq.s32 v8, $0x80  }
0x19a: {  	v7 =	vand.u32 $0xFF, v7;
	_ =	sdelay $0x4  }
0x19b: {  	[tilespmem:v7+s29+$0x0] =	vst.idx.add.s32.msk vm11, v3  }
0x19c: {  	v7 =	vld [tilespmem:s1+$0x0];
	_ =	sdelay $0x4  }
0x19d: {  	v8 =	vshrl.u32 v7, $0x18  }
0x19e: {  	v8 =	vxor.u32 v6, v8  }
0x19f: {  	v7 =	vshrl.u32 v7, $0x10;
	vm12 =	veq.s32 v8, $0x80  }
0x1a0: {  	v7 =	vand.u32 $0xFF, v7;
	_ =	sdelay $0x4  }
0x1a1: {  	[tilespmem:v7+s29+$0x0] =	vst.idx.add.s32.msk vm12, v3  }
0x1a2: {  	v7 =	vld [tilespmem:s1+$0x10];
	_ =	sdelay $0x4  }
0x1a3: {  	v8 =	vshrl.u32 v7, $0x18  }
0x1a4: {  	v8 =	vxor.u32 v6, v8  }
0x1a5: {  	v7 =	vshrl.u32 v7, $0x10;
	vm13 =	veq.s32 v8, $0x80  }
0x1a6: {  	v7 =	vand.u32 $0xFF, v7;
	_ =	sdelay $0x4  }
0x1a7: {  	[tilespmem:v7+s29+$0x0] =	vst.idx.add.s32.msk vm13, v3  }
0x1a8: {  	v7 =	vld [tilespmem:s1+$0x20];
	_ =	sdelay $0x4  }
0x1a9: {  	v8 =	vshrl.u32 v7, $0x18  }
0x1aa: {  	v8 =	vxor.u32 v6, v8  }
0x1ab: {  	v7 =	vshrl.u32 v7, $0x10;
	vm14 =	veq.s32 v8, $0x80  }
0x1ac: {  	v7 =	vand.u32 $0xFF, v7;
	_ =	sdelay $0x4  }
0x1ad: {  	[tilespmem:v7+s29+$0x0] =	vst.idx.add.s32.msk vm14, v3  }
0x1ae: {  	v7 =	vld [tilespmem:s1+$0x30];
	_ =	sdelay $0x4  }
0x1af: {  	v8 =	vshrl.u32 v7, $0x18  }
0x1b0: {  	v8 =	vxor.u32 v6, v8  }
0x1b1: {  	s0 =	sadd.s32 $0x8, s0;
	v7 =	vshrl.u32 v7, $0x10;
	vm15 =	veq.s32 v8, $0x80  }
0x1b2: {  	p0 =	slt.u32 s0, $0x78;
	v7 =	vand.u32 $0xFF, v7  }
.Ltmp3:
0x1b3: {  	_ = 	snop;
	(pc) =	sbr.rel @p0 .LBB2_9-.Ltmp3, $2  }
0x1b4: {  	_ =	sdelay $0x2  }
0x1b5: {  	s1 =	sadd.s32 $0x80, s1;
	[tilespmem:v7+s29+$0x0] =	vst.idx.add.s32.msk vm15, v3  }
0x1b6: {  	s0 =	simm.s32 $0x18F0  }
0x1b7: {  	v7 =	vld [tilespmem:s0+$0x0];
	_ =	sdelay $0x2  }
0x1b8: {  	s16 =	simm.s32 $0x18E0  }
0x1b9: {  	v8 =	vld [tilespmem:s16+$0x0]  }
0x1ba: {  	v10 =	vperm.xlane v7, v4;
	_ =	sdelay $0x1  }
0x1bb: {  	(xrf0) =	vadd.scan.msk.s32 $0xffff, v10;
	_ =	sdelay $0x1  }
0x1bc: {  	v13 =	vperm.xlane v8, v4;
	_ =	sdelay $0x1  }
0x1bd: {  	(xrf0) =	vadd.scan.msk.s32 $0xffff, v13;
	_ =	sdelay $0x1  }
0x1be: {  	v8, _, _ =	vpop (xrf0)  }
0x1bf: {  	(v2sf) =	vpush v8, $0xF  }
0x1c0: {  	s17 =	simm.s32 $0x18D0;
	s18 =	ssub.s32 $0x40, s13;
	s14 =	simm.s32 $0x0  }
0x1c1: {  	v9 =	vld [tilespmem:s17+$0x0];
	v7 =	vmov s18;
	v11 =	vadd.s32 s14, v8  }
0x1c2: {  	v8, _, _ =	vpop (xrf0);
	vm1 =	vlt.s32 v11, v7  }
0x1c3: {  	(v2sf) =	vpush v8, $0xF;
	v12 =	vsel vm1, $0x80000063, v5  }
0x1c4: {  	(xrf0) =	vmin.scan.msk.u32 $0xffff, v12;
	_ =	sdelay $0x1  }
0x1c5: {  	v15 =	vperm.xlane v9, v4;
	_ =	sdelay $0x1  }
0x1c6: {  	(xrf0) =	vadd.scan.msk.s32 $0xffff, v15;
	_ =	sdelay $0x1  }
0x1c7: {  	v9, _, _ =	vpop (xrf0)  }
0x1c8: {  	(v2sf) =	vpush v9, $0xF  }
0x1c9: {  	s19 =	simm.s32 $0x18C0  }
0x1ca: {  	v9 =	vld [tilespmem:s19+$0x0]  }
0x1cb: {  	v12, _, _ =	vpop (xrf0);
	s20 =	spop (v2sf)  }
0x1cc: {  	(v2sf) =	vpush v12, $0xF;
	s0 =	sadd.s32 $0x0, s20  }
0x1cd: {  	v14 =	vadd.s32 s0, v8  }
0x1ce: {  	vm2 =	vlt.s32 v14, v7  }
0x1cf: {  	v9 =	vperm.xlane v9, v4;
	s1 =	spop (v2sf);
	v8 =	vsel vm2, $0x80000063, v5  }
0x1d0: {  	s1 =	sadd.s32 s0, s1;
	(xrf0) =	vmin.scan.msk.u32 $0xffff, v8  }
0x1d1: {  	v16 =	vadd.s32 s1, v12;
	(xrf0) =	vadd.scan.msk.s32 $0xffff, v9  }
0x1d2: {  	vm0 =	vlt.s32 v16, v7  }
0x1d3: {  	v12 =	vsel vm0, $0x80000063, v5;
	_ =	sdelay $0x1  }
0x1d4: {  	s21 =	simm.s32 $0x18B0  }
0x1d5: {  	v8 =	vld [tilespmem:s21+$0x0];
	(xrf0) =	vmin.scan.msk.u32 $0xffff, v12;
	v12, _, _ =	vpop (xrf0)  }
0x1d6: {  	s22 =	spop (v2sf);
	(v2sf) =	vpush v12, $0xF;
	v12, _, _ =	vpop (xrf0)  }
0x1d7: {  	s2 =	sxor.u32 $0x80000000, s22;
	(v2sf) =	vpush v12, $0xF  }
0x1d8: {  	v17 =	vmov s2  }
0x1d9: {  	vm1 =	vmmov vm1  }
0x1da: {  	v11 =	vxor.u32 $0x80000000, v11;
	vm1 =	vmmov vm1;
	v8 =	vperm.xlane v8, v4;
	s3 =	spop (v2sf)  }
0x1db: {  	v11 =	vsel vm1, $0xC0000000, v11;
	s1 =	sadd.s32 s1, s3;
	vm1 =	veq.s32 v17, v0;
	v17, _, _ =	vpop (xrf0)  }
0x1dc: {  	(xrf0) =	vadd.scan.msk.s32 $0xffff, v8;
	v12 =	vadd.s32 s1, v12;
	(v2sf) =	vpush v17, $0xF  }
0x1dd: {  	(xrf0) =	vmin.scan.msk.u32 $0xffff, v11;
	v10 =	vnsel vm1, $0x0, v10;
	vm1 =	vlt.s32 v12, v7  }
0x1de: {  	(xrf0) =	vadd.scan.msk.s32 $0xffff, v10;
	v10 =	vsel vm1, $0x80000063, v5  }
0x1df: {  	(xrf0) =	vmin.scan.msk.u32 $0xffff, v10  }
0x1e0: {  	s23 =	simm.s32 $0x18A0  }
0x1e1: {  	v17 =	vld [tilespmem:s23+$0x0]  }
0x1e2: {  	v10, _, _ =	vpop (xrf0)  }
0x1e3: {  	(v2sf) =	vpush v10, $0xF;
	v11, _, _ =	vpop (xrf0)  }
0x1e4: {  	(v2sf) =	vpush v11, $0xF;
	v11, _, _ =	vpop (xrf0)  }
0x1e5: {  	(v2sf) =	vpush v11, $0xF;
	v11, _, _ =	vpop (xrf0);
	s4 =	spop (v2sf)  }
0x1e6: {  	s24 =	simm.s32 $0x1890;
	vm2 =	vmmov vm2;
	(v2sf) =	vpush v11, $0xF;
	v11 =	vperm.xlane v17, v4;
	s21 =	sxor.u32 $0x80000000, s4;
	s25 =	spop (v2sf)  }
0x1e7: {  	v18 =	vld [tilespmem:s24+$0x0];
	v14 =	vxor.u32 $0x80000000, v14;
	vm2 =	vmmov vm2;
	v17 =	vmov s21;
	s3 =	sadd.s32 s1, s25  }
0x1e8: {  	v19 =	vsel vm2, $0xC0000000, v14;
	(xrf0) =	vadd.scan.msk.s32 $0xffff, v11;
	vm2 =	veq.s32 v17, v0;
	v14 =	vadd.s32 s3, v10  }
0x1e9: {  	(xrf0) =	vmin.scan.msk.u32 $0xffff, v19;
	v10 =	vnsel vm2, $0x0, v13;
	vm2 =	vlt.s32 v14, v7  }
0x1ea: {  	vm0 =	vmmov vm0;
	(xrf0) =	vadd.scan.msk.s32 $0xffff, v10;
	v13 =	vsel vm2, $0x80000063, v5  }
0x1eb: {  	vm0 =	vmmov vm0;
	s5 =	spop (v2sf);
	(xrf0) =	vmin.scan.msk.u32 $0xffff, v13;
	v13 =	vxor.u32 $0x80000000, v16  }
0x1ec: {  	v10 =	vperm.xlane v18, v4;
	s20 =	sxor.u32 $0x80000000, s5;
	v13 =	vsel vm0, $0xC0000000, v13  }
0x1ed: {  	v16 =	vmov s20  }
0x1ee: {  	(xrf0) =	vadd.scan.msk.s32 $0xffff, v10;
	vm0 =	veq.s32 v16, v0  }
0x1ef: {  	v15 =	vnsel vm0, $0x0, v15;
	(xrf0) =	vmin.scan.msk.u32 $0xffff, v13;
	v13, _, _ =	vpop (xrf0)  }
0x1f0: {  	(v2sf) =	vpush v13, $0xF  }
0x1f1: {  	s1 =	simm.s32 $0x1880  }
0x1f2: {  	v17 =	vld [tilespmem:s1+$0x0];
	(xrf0) =	vadd.scan.msk.s32 $0xffff, v15;
	v15, _, _ =	vpop (xrf0)  }
0x1f3: {  	s26 =	spop (v2sf);
	v16, _, _ =	vpop (xrf0);
	(v2sf) =	vpush v15, $0xF  }
0x1f4: {  	s0 =	sadd.s32 s3, s26;
	(v2sf) =	vpush v16, $0xF  }
0x1f5: {  	p0 =	por $0x0, $0x0;
	s15 =	simm.s32 $0x0;
	[dreg:$0x1e] =	wrdreg s18;
	v15 =	vadd.s32 s0, v13;
	v13, _, _ =	vpop (xrf0)  }
0x1f6: {  	s17 =	simm.s32 $0x8000009F;
	s16 =	simm.s32 $0x8000008F;
	p2 =	por !p0, !p0;
	(v2sf) =	vpush v13, $0xF;
	v16, _, _ =	vpop (xrf0)  }
0x1f7: {  	s18 =	simm.s32 $0x800000AF;
	p1 =	slt.s32 s2, $0x63;
	s28 =	spop (v2sf);
	v13 =	vperm.xlane v17, v4;
	(v2sf) =	vpush v16, $0xF;
	v17, _, _ =	vpop (xrf0)  }
0x1f8: {  	s19 =	simm.s32 $0x800000BF;
	p2 =	por !p1, !p2;
	s30 =	spop (v2sf);
	vm0 =	vlt.s32 v15, v7;
	(v2sf) =	vpush v17, $0xF  }
0x1f9: {  	s6 =	ssub.s32 $0x800000FF, s22;
	p2 =	por !p2, !p2;
	s23 =	ssub.s32 $0x800000EF, s4;
	v18 =	vsel vm0, $0x80000063, v5  }
0x1fa: {  	s15 =	smov.u32 @p2 s6;
	s22 =	ssub.s32 $0x800000DF, s5;
	s2 =	sxor.u32 $0x80000000, s28;
	(xrf0) =	vmin.scan.msk.u32 $0xffff, v18  }
0x1fb: {  	vm1 =	vmmov vm1;
	s3 =	ssub.s32 s2, s30;
	s31 =	spop (v2sf);
	s2 =	simm.s32 $0x8000007F  }
0x1fc: {  	vm1 =	vmmov vm1;
	vm2 =	vmmov vm2;
	s14 =	smov.u32 @p2 s3;
	s25 =	sxor.u32 $0x80000000, s31;
	s24 =	ssub.s32 $0x800000CF, s31;
	(xrf0) =	vadd.scan.msk.s32 $0xffff, v13;
	v17, _, _ =	vpop (xrf0)  }
.LBB2_11:
0x1fd: {  	p2 =	sne.s32 s2, $0x8000000F  }
0x1fe: {  	v20 =	vxor.u32 $0x80000000, v12;
	v19 =	vmov s25;
	(v2sf) =	vpush v17, $0xF;
	v12 =	vmovc v14;
	v14 =	vmovc v15;
	s3 =	smov.u32 s19;
	s19 =	smov.u32 s18;
	s1 =	sadd.s32 $0xFFFFFFF0, s1  }
0x1ff: {  	s18 =	smov.u32 s17;
	s17 =	smov.u32 s16;
	s4 =	spop (v2sf);
	v15 =	vsel vm1, $0xC0000000, v20;
	vm3 =	veq.s32 v19, v0;
	vm1 =	vmmov vm2  }
0x200: {  	s16 =	smov.u32 s2;
	p0 =	por p0, p1;
	v17 =	vld [tilespmem:s1+$0x0];
	s0 =	sadd.s32 s0, s4;
	v18, _, _ =	vpop (xrf0);
	v19 =	vnsel vm3, $0x0, v9;
	(xrf0) =	vmin.scan.msk.u32 $0xffff, v15;
	v9 =	vmov v8;
	v8 =	vmov v11  }
0x201: {  	p1 =	slt.s32 s21, $0x63;
	p3 =	por !p0, !p0;
	v11 =	vmovc v10;
	v10 =	vmov v13;
	v15 =	vadd.s32 s0, v16;
	(v2sf) =	vpush v18, $0xF;
	(xrf0) =	vadd.scan.msk.s32 $0xffff, v19  }
0x202: {  	vm2 =	vmmov vm0;
	p3 =	por !p1, !p3;
	s4 =	spop (v2sf);
	vm0 =	vlt.s32 v15, v7  }
.Ltmp4:
0x203: {  	v16, _, _ =	vpop (xrf0);
	v13 =	vsel vm0, $0x80000063, v5;
	s4 =	sxor.u32 $0x80000000, s4;
	s5 =	spop (v2sf);
	(pc) =	sbr.rel @p2 .LBB2_11-.Ltmp4, $4  }
0x204: {  	s21 =	smov.u32 s20;
	p3 =	por !p3, !p3;
	(v2sf) =	vpush v16, $0xF;
	(xrf0) =	vmin.scan.msk.u32 $0xffff, v13;
	s4 =	ssub.s32 s4, s5  }
0x205: {  	s20 =	smov.u32 s25;
	s15 =	smov.u32 @p3 s23;
	v13 =	vperm.xlane v17, v4;
	s14 =	smov.u32 @p3 s4  }
0x206: {  	s23 =	smov.u32 s22;
	s22 =	smov.u32 s24;
	s4 =	spop (v2sf);
	v17, _, _ =	vpop (xrf0)  }
0x207: {  	s2 =	sadd.s32 $0xFFFFFFF0, s2;
	(xrf0) =	vadd.scan.msk.s32 $0xffff, v13;
	s25 =	sxor.u32 $0x80000000, s4;
	s24 =	ssub.s32 s3, s4;
	(v2sf) =	vpush v17, $0xF;
	v17, _, _ =	vpop (xrf0)  }
0x208: {  	_ =	sdelay $0x6  }
0x209: {  	s1 =	spop (v2sf)  }
0x20a: {  	s2 =	spop (v2sf)  }
0x20b: {  	s4 =	spop (v2sf)  }
0x20c: {  	v12 =	vxor.u32 $0x80000000, v12;
	v18 =	vmov s25;
	vm2 =	vmmov vm2;
	s3 =	sadd.s32 s0, s1;
	s1 =	spop (v2sf)  }
0x20d: {  	v12 =	vsel vm1, $0xC0000000, v12;
	vm6 =	veq.s32 v18, v0;
	v16 =	vadd.s32 s3, v16;
	v58, _, _ =	vpop (xrf0);
	s5 =	spop (v2sf)  }
0x20e: {  	v14 =	vxor.u32 $0x80000000, v14;
	v9 =	vnsel vm6, $0x0, v9;
	(xrf0) =	vmin.scan.msk.u32 $0xffff, v12;
	vm7 =	vlt.s32 v16, v7;
	v59, _, _ =	vpop (xrf0);
	s0 =	sxor.u32 $0x80000000, s1;
	s3 =	sadd.s32 s3, s5  }
0x20f: {  	(xrf0) =	vadd.scan.msk.s32 $0xffff, v9;
	v60 =	vsel vm7, $0x80000063, v5;
	v19 =	vmov s0;
	v62 =	vadd.s32 s3, v59  }
0x210: {  	v61 =	vsel vm2, $0xC0000000, v14;
	(xrf0) =	vmin.scan.msk.u32 $0xffff, v60;
	vm8 =	veq.s32 v19, v0;
	vm9 =	vlt.s32 v62, v7  }
0x211: {  	(v2sf) =	vpush v17, $0xF;
	(xrf0) =	vmin.scan.msk.u32 $0xffff, v61;
	v8 =	vnsel vm8, $0x0, v8;
	v7 =	vsel vm9, $0x80000063, v5  }
0x212: {  	(v2sf) =	vpush v58, $0xF;
	(xrf0) =	vadd.scan.msk.s32 $0xffff, v8  }
0x213: {  	(xrf0) =	vmin.scan.msk.u32 $0xffff, v7  }
0x214: {  	(v2sf) =	vpush v59, $0xF;
	v7, _, _ =	vpop (xrf0)  }
0x215: {  	v8, _, _ =	vpop (xrf0);
	(v2sf) =	vpush v7, $0xF  }
0x216: {  	(v2sf) =	vpush v8, $0xF;
	v7, _, _ =	vpop (xrf0)  }
0x217: {  	(v2sf) =	vpush v7, $0xF;
	v7, _, _ =	vpop (xrf0)  }
0x218: {  	(v2sf) =	vpush v7, $0xF;
	v7, _, _ =	vpop (xrf0)  }
0x219: {  	(v2sf) =	vpush v7, $0xF;
	v7, _, _ =	vpop (xrf0)  }
0x21a: {  	(v2sf) =	vpush v7, $0xF;
	_ =	sdelay $0x4  }
0x21b: {  	s7 =	spop (v2sf)  }
0x21c: {  	s11 =	spop (v2sf)  }
0x21d: {  	s3 =	spop (v2sf)  }
0x21e: {  	vm0 =	vmmov vm0;
	s6 =	sxor.u32 $0x80000000, s3  }
0x21f: {  	vm0 =	vmmov vm0;
	v8 =	vmov s6;
	s13 =	spop (v2sf);
	v7 =	vxor.u32 $0x80000000, v15  }
0x220: {  	vm10 =	veq.s32 v8, v0;
	v7 =	vsel vm0, $0xC0000000, v7;
	s26 =	spop (v2sf)  }
0x221: {  	v8 =	vnsel vm10, $0x0, v11;
	(xrf0) =	vmin.scan.msk.u32 $0xffff, v7;
	s13 =	spop (v2sf)  }
0x222: {  	(xrf0) =	vadd.scan.msk.s32 $0xffff, v8;
	s9 =	spop (v2sf)  }
0x223: {  	vm11 =	vmmov vm7;
	s5 =	sxor.u32 $0x80000000, s9;
	s31 =	spop (v2sf)  }
0x224: {  	vm0 =	vmmov vm11;
	v7 =	vxor.u32 $0x80000000, v16;
	v8 =	vmov s5;
	s28 =	spop (v2sf)  }
0x225: {  	v7 =	vsel vm0, $0xC0000000, v7;
	vm12 =	veq.s32 v8, v0;
	s8 =	spop (v2sf)  }
0x226: {  	vm13 =	vmmov vm9;
	(xrf0) =	vmin.scan.msk.u32 $0xffff, v7;
	v7 =	vnsel vm12, $0x0, v10;
	s30 =	sxor.u32 $0x80000000, s8  }
0x227: {  	vm14 =	vmmov vm13;
	v8, _, _ =	vpop (xrf0);
	(xrf0) =	vadd.scan.msk.s32 $0xffff, v7;
	v7 =	vxor.u32 $0x80000000, v62;
	v63 =	vmov s30  }
0x228: {  	(v2sf) =	vpush v8, $0xF;
	v8, _, _ =	vpop (xrf0);
	v7 =	vsel vm14, $0xC0000000, v7;
	vm15 =	veq.s32 v63, v0  }
0x229: {  	(v2sf) =	vpush v8, $0xF;
	v8 =	vnsel vm15, $0x0, v13;
	(xrf0) =	vmin.scan.msk.u32 $0xffff, v7  }
0x22a: {  	p0 =	por p0, p1;
	p3 =	slt.s32 s21, $0x63;
	p4 =	slt.s32 s20, $0x63;
	(xrf0) =	vadd.scan.msk.s32 $0xffff, v8  }
0x22b: {  	p6 =	slt.s32 s25, $0x63;
	p2 =	por !p0, !p0;
	p0 =	por p0, p3  }
0x22c: {  	p2 =	por !p3, !p2;
	p5 =	por !p0, !p0;
	p0 =	por p0, p4  }
0x22d: {  	s2 =	sxor.u32 $0x80000000, s2;
	p2 =	por !p2, !p2;
	p3 =	por !p0, !p0;
	v7, _, _ =	vpop (xrf0)  }
0x22e: {  	p0 =	por p0, p6;
	s15 =	smov.u32 @p2 s23;
	s2 =	ssub.s32 s2, s4;
	(v2sf) =	vpush v7, $0xF;
	v7, _, _ =	vpop (xrf0)  }
0x22f: {  	p3 =	por !p6, !p3;
	s14 =	smov.u32 @p2 s2;
	p2 =	por !p4, !p5;
	(v2sf) =	vpush v7, $0xF;
	v7, _, _ =	vpop (xrf0)  }
0x230: {  	p5 =	por !p0, !p0;
	p2 =	por !p2, !p2;
	s1 =	ssub.s32 s19, s1;
	(v2sf) =	vpush v7, $0xF;
	v7, _, _ =	vpop (xrf0)  }
0x231: {  	s15 =	smov.u32 @p2 s22;
	p4 =	slt.s32 s0, $0x63;
	s21 =	sxor.u32 $0x80000000, s7;
	(v2sf) =	vpush v7, $0xF  }
0x232: {  	p6 =	por !p4, !p5;
	p0 =	por p0, p4;
	s2 =	ssub.s32 s21, s11  }
0x233: {  	[tilespmem:$0x1800] =	vst v1;
	s14 =	smov.u32 @p2 s2;
	p2 =	por !p3, !p3;
	p3 =	slt.s32 s6, $0x63  }
0x234: {  	[tilespmem:$0x1810] =	vst v1;
	p4 =	por !p0, !p0;
	p1 =	por p0, p3;
	s22 =	sxor.u32 $0x80000000, s26  }
0x235: {  	[tilespmem:$0x1820] =	vst v1;
	s15 =	smov.u32 @p2 s24;
	p0 =	por !p1, !p1;
	s2 =	ssub.s32 s22, s13  }
0x236: {  	[tilespmem:$0x1830] =	vst v1;
	s14 =	smov.u32 @p2 s2;
	s2 =	ssub.s32 s18, s3;
	p2 =	por !p6, !p6  }
0x237: {  	[tilespmem:$0x1840] =	vst v1;
	s3 =	ssub.s32 s17, s9;
	s23 =	sxor.u32 $0x80000000, s31;
	p5 =	slt.s32 s5, $0x63  }
0x238: {  	[tilespmem:$0x1850] =	vst v1;
	s15 =	smov.u32 @p2 s1;
	s0 =	ssub.s32 s23, s28;
	p0 =	por !p5, !p0  }
0x239: {  	[tilespmem:$0x1860] =	vst v1;
	p1 =	por p1, p5;
	s14 =	smov.u32 @p2 s0;
	p2 =	por !p3, !p4  }
0x23a: {  	[tilespmem:$0x1870] =	vst v1;
	s1 =	ssub.s32 s16, s8;
	p0 =	por !p0, !p0;
	p1 =	por !p1, !p1  }
0x23b: {  	[tilespmem:$0x1880] =	vst v1;
	p2 =	por !p2, !p2;
	p6 =	slt.s32 s30, $0x63;
	s24 =	spop (v2sf)  }
0x23c: {  	[tilespmem:$0x1890] =	vst v1;
	s15 =	smov.u32 @p2 s2;
	p1 =	por !p6, !p1;
	s25 =	spop (v2sf)  }
0x23d: {  	[tilespmem:$0x18A0] =	vst v1;
	s15 =	smov.u32 @p0 s3;
	s0 =	sxor.u32 $0x80000000, s24;
	s26 =	spop (v2sf)  }
0x23e: {  	[tilespmem:$0x18B0] =	vst v1;
	p1 =	por !p1, !p1;
	s0 =	ssub.s32 s0, s25;
	s28 =	spop (v2sf)  }
0x23f: {  	[tilespmem:$0x18C0] =	vst v1;
	s14 =	smov.u32 @p2 s0;
	s0 =	sxor.u32 $0x80000000, s26;
	s30 =	spop (v2sf)  }
0x240: {  	[tilespmem:$0x18D0] =	vst v1;
	s0 =	ssub.s32 s0, s28;
	s2 =	sxor.u32 $0x80000000, s30;
	s31 =	spop (v2sf)  }
0x241: {  	[tilespmem:$0x18E0] =	vst v1;
	s15 =	smov.u32 @p1 s1;
	s14 =	smov.u32 @p0 s0;
	s0 =	ssub.s32 s2, s31  }
0x242: {  	[tilespmem:$0x18F0] =	vst v1;
	s1 =	simm.s32 $0x1040;
	v7 =	vmov s15;
	s14 =	smov.u32 @p1 s0;
	s0 =	simm.s32 $0xFFFFFFF8  }
.LBB2_13:
0x243: {  	v8 =	vld [tilespmem:s1+$0xFFFFFFC0];
	_ =	sdelay $0x4  }
0x244: {  	v9 =	vshrl.u32 v8, $0x18;
	v10 =	vshrl.u32 v8, $0x10  }
0x245: {  	v9 =	vxor.u32 v6, v9;
	v10 =	vand.u32 $0xFF, v10  }
0x246: {  	vm0 =	veq.s32 v9, $0x80;
	vm1 =	veq.s32 v10, v7  }
0x247: {  	v8 =	vshrl.u32 v8, $0x8;
	vm0 =	vmand vm0, vm1  }
0x248: {  	v8 =	vand.u32 $0xFF, v8;
	_ =	sdelay $0x4  }
0x249: {  	[tilespmem:v8+s29+$0x0] =	vst.idx.add.s32.msk vm0, v3  }
0x24a: {  	v8 =	vld [tilespmem:s1+$0xFFFFFFD0];
	_ =	sdelay $0x4  }
0x24b: {  	v50 =	vshrl.u32 v8, $0x18;
	v51 =	vshrl.u32 v8, $0x10  }
0x24c: {  	v9 =	vxor.u32 v6, v50;
	v10 =	vand.u32 $0xFF, v51  }
0x24d: {  	vm14 =	veq.s32 v9, $0x80;
	vm15 =	veq.s32 v10, v7  }
0x24e: {  	v8 =	vshrl.u32 v8, $0x8;
	vm0 =	vmand vm14, vm15  }
0x24f: {  	v8 =	vand.u32 $0xFF, v8;
	_ =	sdelay $0x4  }
0x250: {  	[tilespmem:v8+s29+$0x0] =	vst.idx.add.s32.msk vm0, v3  }
0x251: {  	v8 =	vld [tilespmem:s1+$0xFFFFFFE0];
	_ =	sdelay $0x4  }
0x252: {  	v52 =	vshrl.u32 v8, $0x18;
	v53 =	vshrl.u32 v8, $0x10  }
0x253: {  	v9 =	vxor.u32 v6, v52;
	v10 =	vand.u32 $0xFF, v53  }
0x254: {  	vm4 =	veq.s32 v9, $0x80;
	vm5 =	veq.s32 v10, v7  }
0x255: {  	v8 =	vshrl.u32 v8, $0x8;
	vm0 =	vmand vm4, vm5  }
0x256: {  	v8 =	vand.u32 $0xFF, v8;
	_ =	sdelay $0x4  }
0x257: {  	[tilespmem:v8+s29+$0x0] =	vst.idx.add.s32.msk vm0, v3  }
0x258: {  	v8 =	vld [tilespmem:s1+$0xFFFFFFF0];
	_ =	sdelay $0x4  }
0x259: {  	v54 =	vshrl.u32 v8, $0x18;
	v55 =	vshrl.u32 v8, $0x10  }
0x25a: {  	v9 =	vxor.u32 v6, v54;
	v10 =	vand.u32 $0xFF, v55  }
0x25b: {  	vm6 =	veq.s32 v9, $0x80;
	vm7 =	veq.s32 v10, v7  }
0x25c: {  	v8 =	vshrl.u32 v8, $0x8;
	vm0 =	vmand vm6, vm7  }
0x25d: {  	v8 =	vand.u32 $0xFF, v8;
	_ =	sdelay $0x4  }
0x25e: {  	[tilespmem:v8+s29+$0x0] =	vst.idx.add.s32.msk vm0, v3  }
0x25f: {  	v8 =	vld [tilespmem:s1+$0x0];
	_ =	sdelay $0x4  }
0x260: {  	v56 =	vshrl.u32 v8, $0x18;
	v57 =	vshrl.u32 v8, $0x10  }
0x261: {  	v9 =	vxor.u32 v6, v56;
	v10 =	vand.u32 $0xFF, v57  }
0x262: {  	vm8 =	veq.s32 v9, $0x80;
	vm9 =	veq.s32 v10, v7  }
0x263: {  	v8 =	vshrl.u32 v8, $0x8;
	vm0 =	vmand vm8, vm9  }
0x264: {  	v8 =	vand.u32 $0xFF, v8;
	_ =	sdelay $0x4  }
0x265: {  	[tilespmem:v8+s29+$0x0] =	vst.idx.add.s32.msk vm0, v3  }
0x266: {  	v8 =	vld [tilespmem:s1+$0x10];
	_ =	sdelay $0x4  }
0x267: {  	v58 =	vshrl.u32 v8, $0x18;
	v59 =	vshrl.u32 v8, $0x10  }
0x268: {  	v9 =	vxor.u32 v6, v58;
	v10 =	vand.u32 $0xFF, v59  }
0x269: {  	vm10 =	veq.s32 v9, $0x80;
	vm11 =	veq.s32 v10, v7  }
0x26a: {  	v8 =	vshrl.u32 v8, $0x8;
	vm0 =	vmand vm10, vm11  }
0x26b: {  	v8 =	vand.u32 $0xFF, v8;
	_ =	sdelay $0x4  }
0x26c: {  	[tilespmem:v8+s29+$0x0] =	vst.idx.add.s32.msk vm0, v3  }
0x26d: {  	v8 =	vld [tilespmem:s1+$0x20];
	_ =	sdelay $0x4  }
0x26e: {  	v60 =	vshrl.u32 v8, $0x18;
	v61 =	vshrl.u32 v8, $0x10  }
0x26f: {  	v9 =	vxor.u32 v6, v60;
	v10 =	vand.u32 $0xFF, v61  }
0x270: {  	vm12 =	veq.s32 v9, $0x80;
	vm13 =	veq.s32 v10, v7  }
0x271: {  	v8 =	vshrl.u32 v8, $0x8;
	vm0 =	vmand vm12, vm13  }
0x272: {  	v8 =	vand.u32 $0xFF, v8;
	_ =	sdelay $0x4  }
0x273: {  	[tilespmem:v8+s29+$0x0] =	vst.idx.add.s32.msk vm0, v3  }
0x274: {  	v8 =	vld [tilespmem:s1+$0x30];
	_ =	sdelay $0x4  }
0x275: {  	v62 =	vshrl.u32 v8, $0x18;
	v63 =	vshrl.u32 v8, $0x10  }
0x276: {  	v9 =	vxor.u32 v6, v62;
	v10 =	vand.u32 $0xFF, v63  }
0x277: {  	vm14 =	veq.s32 v9, $0x80;
	vm15 =	veq.s32 v10, v7  }
0x278: {  	s0 =	sadd.s32 $0x8, s0;
	v8 =	vshrl.u32 v8, $0x8;
	vm0 =	vmand vm14, vm15  }
0x279: {  	p0 =	slt.u32 s0, $0x78;
	v8 =	vand.u32 $0xFF, v8  }
.Ltmp5:
0x27a: {  	_ = 	snop;
	(pc) =	sbr.rel @p0 .LBB2_13-.Ltmp5, $2  }
0x27b: {  	_ =	sdelay $0x2  }
0x27c: {  	s1 =	sadd.s32 $0x80, s1;
	[tilespmem:v8+s29+$0x0] =	vst.idx.add.s32.msk vm0, v3  }
0x27d: {  	s0 =	simm.s32 $0x18F0  }
0x27e: {  	v8 =	vld [tilespmem:s0+$0x0];
	_ =	sdelay $0x2  }
0x27f: {  	s16 =	simm.s32 $0x18E0  }
0x280: {  	v9 =	vld [tilespmem:s16+$0x0]  }
0x281: {  	v11 =	vperm.xlane v8, v4;
	_ =	sdelay $0x1  }
0x282: {  	(xrf0) =	vadd.scan.msk.s32 $0xffff, v11;
	_ =	sdelay $0x1  }
0x283: {  	v14 =	vperm.xlane v9, v4;
	_ =	sdelay $0x1  }
0x284: {  	(xrf0) =	vadd.scan.msk.s32 $0xffff, v14;
	_ =	sdelay $0x1  }
0x285: {  	v9, _, _ =	vpop (xrf0)  }
0x286: {  	s18 =	rddreg [dreg:$0x1e];
	(v2sf) =	vpush v9, $0xF  }
0x287: {  	s17 =	simm.s32 $0x18D0;
	s0 =	ssub.s32 s18, s14;
	s14 =	simm.s32 $0x0  }
0x288: {  	v10 =	vld [tilespmem:s17+$0x0];
	v8 =	vmov s0;
	v12 =	vadd.s32 s14, v9  }
0x289: {  	v9, _, _ =	vpop (xrf0);
	vm1 =	vlt.s32 v12, v8  }
0x28a: {  	(v2sf) =	vpush v9, $0xF;
	v13 =	vsel vm1, $0x80000063, v5  }
0x28b: {  	(xrf0) =	vmin.scan.msk.u32 $0xffff, v13;
	_ =	sdelay $0x1  }
0x28c: {  	v16 =	vperm.xlane v10, v4;
	_ =	sdelay $0x1  }
0x28d: {  	(xrf0) =	vadd.scan.msk.s32 $0xffff, v16;
	_ =	sdelay $0x1  }
0x28e: {  	v10, _, _ =	vpop (xrf0)  }
0x28f: {  	(v2sf) =	vpush v10, $0xF  }
0x290: {  	s19 =	simm.s32 $0x18C0  }
0x291: {  	v10 =	vld [tilespmem:s19+$0x0]  }
0x292: {  	v13, _, _ =	vpop (xrf0);
	s20 =	spop (v2sf)  }
0x293: {  	[dreg:$0x1d] =	wrdreg s0;
	(v2sf) =	vpush v13, $0xF;
	s0 =	sadd.s32 $0x0, s20  }
0x294: {  	v15 =	vadd.s32 s0, v9  }
0x295: {  	vm2 =	vlt.s32 v15, v8  }
0x296: {  	v10 =	vperm.xlane v10, v4;
	s1 =	spop (v2sf);
	v9 =	vsel vm2, $0x80000063, v5  }
0x297: {  	s1 =	sadd.s32 s0, s1;
	(xrf0) =	vmin.scan.msk.u32 $0xffff, v9  }
0x298: {  	v17 =	vadd.s32 s1, v13;
	(xrf0) =	vadd.scan.msk.s32 $0xffff, v10  }
0x299: {  	vm0 =	vlt.s32 v17, v8  }
0x29a: {  	v13 =	vsel vm0, $0x80000063, v5;
	_ =	sdelay $0x1  }
0x29b: {  	s21 =	simm.s32 $0x18B0  }
0x29c: {  	v9 =	vld [tilespmem:s21+$0x0];
	(xrf0) =	vmin.scan.msk.u32 $0xffff, v13;
	v13, _, _ =	vpop (xrf0)  }
0x29d: {  	s22 =	spop (v2sf);
	(v2sf) =	vpush v13, $0xF;
	v13, _, _ =	vpop (xrf0)  }
0x29e: {  	s2 =	sxor.u32 $0x80000000, s22;
	(v2sf) =	vpush v13, $0xF  }
0x29f: {  	v18 =	vmov s2  }
0x2a0: {  	vm1 =	vmmov vm1  }
0x2a1: {  	v12 =	vxor.u32 $0x80000000, v12;
	vm1 =	vmmov vm1;
	v9 =	vperm.xlane v9, v4;
	s3 =	spop (v2sf)  }
0x2a2: {  	v12 =	vsel vm1, $0xC0000000, v12;
	s1 =	sadd.s32 s1, s3;
	vm1 =	veq.s32 v18, v0;
	v18, _, _ =	vpop (xrf0)  }
0x2a3: {  	(xrf0) =	vadd.scan.msk.s32 $0xffff, v9;
	v13 =	vadd.s32 s1, v13;
	(v2sf) =	vpush v18, $0xF  }
0x2a4: {  	(xrf0) =	vmin.scan.msk.u32 $0xffff, v12;
	v11 =	vnsel vm1, $0x0, v11;
	vm1 =	vlt.s32 v13, v8  }
0x2a5: {  	(xrf0) =	vadd.scan.msk.s32 $0xffff, v11;
	v11 =	vsel vm1, $0x80000063, v5  }
0x2a6: {  	(xrf0) =	vmin.scan.msk.u32 $0xffff, v11  }
0x2a7: {  	s23 =	simm.s32 $0x18A0  }
0x2a8: {  	v18 =	vld [tilespmem:s23+$0x0]  }
0x2a9: {  	v11, _, _ =	vpop (xrf0)  }
0x2aa: {  	(v2sf) =	vpush v11, $0xF;
	v12, _, _ =	vpop (xrf0)  }
0x2ab: {  	(v2sf) =	vpush v12, $0xF;
	v12, _, _ =	vpop (xrf0)  }
0x2ac: {  	(v2sf) =	vpush v12, $0xF;
	v12, _, _ =	vpop (xrf0);
	s4 =	spop (v2sf)  }
0x2ad: {  	s24 =	simm.s32 $0x1890;
	vm2 =	vmmov vm2;
	(v2sf) =	vpush v12, $0xF;
	v12 =	vperm.xlane v18, v4;
	s21 =	sxor.u32 $0x80000000, s4;
	s25 =	spop (v2sf)  }
0x2ae: {  	v19 =	vld [tilespmem:s24+$0x0];
	v15 =	vxor.u32 $0x80000000, v15;
	vm2 =	vmmov vm2;
	v18 =	vmov s21;
	s3 =	sadd.s32 s1, s25  }
0x2af: {  	v20 =	vsel vm2, $0xC0000000, v15;
	(xrf0) =	vadd.scan.msk.s32 $0xffff, v12;
	vm2 =	veq.s32 v18, v0;
	v15 =	vadd.s32 s3, v11  }
0x2b0: {  	(xrf0) =	vmin.scan.msk.u32 $0xffff, v20;
	v11 =	vnsel vm2, $0x0, v14;
	vm2 =	vlt.s32 v15, v8  }
0x2b1: {  	vm0 =	vmmov vm0;
	(xrf0) =	vadd.scan.msk.s32 $0xffff, v11;
	v14 =	vsel vm2, $0x80000063, v5  }
0x2b2: {  	vm0 =	vmmov vm0;
	s5 =	spop (v2sf);
	(xrf0) =	vmin.scan.msk.u32 $0xffff, v14;
	v14 =	vxor.u32 $0x80000000, v17  }
0x2b3: {  	v11 =	vperm.xlane v19, v4;
	s20 =	sxor.u32 $0x80000000, s5;
	v14 =	vsel vm0, $0xC0000000, v14  }
0x2b4: {  	v17 =	vmov s20  }
0x2b5: {  	(xrf0) =	vadd.scan.msk.s32 $0xffff, v11;
	vm0 =	veq.s32 v17, v0  }
0x2b6: {  	v16 =	vnsel vm0, $0x0, v16;
	(xrf0) =	vmin.scan.msk.u32 $0xffff, v14;
	v14, _, _ =	vpop (xrf0)  }
0x2b7: {  	(v2sf) =	vpush v14, $0xF  }
0x2b8: {  	s1 =	simm.s32 $0x1880  }
0x2b9: {  	v18 =	vld [tilespmem:s1+$0x0];
	(xrf0) =	vadd.scan.msk.s32 $0xffff, v16;
	v16, _, _ =	vpop (xrf0)  }
0x2ba: {  	s26 =	spop (v2sf);
	v17, _, _ =	vpop (xrf0);
	(v2sf) =	vpush v16, $0xF  }
0x2bb: {  	s0 =	sadd.s32 s3, s26;
	(v2sf) =	vpush v17, $0xF  }
0x2bc: {  	p0 =	por $0x0, $0x0;
	s18 =	simm.s32 $0x800000AF;
	v16 =	vadd.s32 s0, v14;
	v14, _, _ =	vpop (xrf0)  }
0x2bd: {  	s15 =	simm.s32 $0x0;
	s17 =	simm.s32 $0x8000009F;
	s16 =	simm.s32 $0x8000008F;
	(v2sf) =	vpush v14, $0xF;
	v17, _, _ =	vpop (xrf0)  }
0x2be: {  	p2 =	por !p0, !p0;
	p1 =	slt.s32 s2, $0x63;
	s28 =	spop (v2sf);
	v14 =	vperm.xlane v18, v4;
	(v2sf) =	vpush v17, $0xF;
	v18, _, _ =	vpop (xrf0)  }
0x2bf: {  	s19 =	simm.s32 $0x800000BF;
	p2 =	por !p1, !p2;
	s30 =	spop (v2sf);
	vm0 =	vlt.s32 v16, v8;
	(v2sf) =	vpush v18, $0xF  }
0x2c0: {  	s6 =	ssub.s32 $0x800000FF, s22;
	p2 =	por !p2, !p2;
	s23 =	ssub.s32 $0x800000EF, s4;
	v19 =	vsel vm0, $0x80000063, v5  }
0x2c1: {  	s15 =	smov.u32 @p2 s6;
	s22 =	ssub.s32 $0x800000DF, s5;
	s2 =	sxor.u32 $0x80000000, s28;
	(xrf0) =	vmin.scan.msk.u32 $0xffff, v19  }
0x2c2: {  	vm1 =	vmmov vm1;
	s3 =	ssub.s32 s2, s30;
	s31 =	spop (v2sf);
	s2 =	simm.s32 $0x8000007F  }
0x2c3: {  	vm1 =	vmmov vm1;
	vm2 =	vmmov vm2;
	s14 =	smov.u32 @p2 s3;
	s25 =	sxor.u32 $0x80000000, s31;
	s24 =	ssub.s32 $0x800000CF, s31;
	(xrf0) =	vadd.scan.msk.s32 $0xffff, v14;
	v18, _, _ =	vpop (xrf0)  }
.LBB2_15:
0x2c4: {  	p2 =	sne.s32 s2, $0x8000000F  }
0x2c5: {  	v21 =	vxor.u32 $0x80000000, v13;
	v20 =	vmov s25;
	(v2sf) =	vpush v18, $0xF;
	v13 =	vmovc v15;
	v15 =	vmovc v16;
	s3 =	smov.u32 s19;
	s19 =	smov.u32 s18;
	s1 =	sadd.s32 $0xFFFFFFF0, s1  }
0x2c6: {  	s18 =	smov.u32 s17;
	s17 =	smov.u32 s16;
	s4 =	spop (v2sf);
	v16 =	vsel vm1, $0xC0000000, v21;
	vm3 =	veq.s32 v20, v0;
	vm1 =	vmmov vm2  }
0x2c7: {  	s16 =	smov.u32 s2;
	p0 =	por p0, p1;
	v18 =	vld [tilespmem:s1+$0x0];
	s0 =	sadd.s32 s0, s4;
	v19, _, _ =	vpop (xrf0);
	v20 =	vnsel vm3, $0x0, v10;
	(xrf0) =	vmin.scan.msk.u32 $0xffff, v16;
	v10 =	vmov v9;
	v9 =	vmov v12  }
0x2c8: {  	p1 =	slt.s32 s21, $0x63;
	p3 =	por !p0, !p0;
	v12 =	vmovc v11;
	v11 =	vmov v14;
	v16 =	vadd.s32 s0, v17;
	(v2sf) =	vpush v19, $0xF;
	(xrf0) =	vadd.scan.msk.s32 $0xffff, v20  }
0x2c9: {  	vm2 =	vmmov vm0;
	p3 =	por !p1, !p3;
	s4 =	spop (v2sf);
	vm0 =	vlt.s32 v16, v8  }
.Ltmp6:
0x2ca: {  	v17, _, _ =	vpop (xrf0);
	v14 =	vsel vm0, $0x80000063, v5;
	s4 =	sxor.u32 $0x80000000, s4;
	s5 =	spop (v2sf);
	(pc) =	sbr.rel @p2 .LBB2_15-.Ltmp6, $4  }
0x2cb: {  	s21 =	smov.u32 s20;
	p3 =	por !p3, !p3;
	(v2sf) =	vpush v17, $0xF;
	(xrf0) =	vmin.scan.msk.u32 $0xffff, v14;
	s4 =	ssub.s32 s4, s5  }
0x2cc: {  	s20 =	smov.u32 s25;
	s15 =	smov.u32 @p3 s23;
	v14 =	vperm.xlane v18, v4;
	s14 =	smov.u32 @p3 s4  }
0x2cd: {  	s23 =	smov.u32 s22;
	s22 =	smov.u32 s24;
	s4 =	spop (v2sf);
	v18, _, _ =	vpop (xrf0)  }
0x2ce: {  	s2 =	sadd.s32 $0xFFFFFFF0, s2;
	(xrf0) =	vadd.scan.msk.s32 $0xffff, v14;
	s25 =	sxor.u32 $0x80000000, s4;
	s24 =	ssub.s32 s3, s4;
	(v2sf) =	vpush v18, $0xF;
	v18, _, _ =	vpop (xrf0)  }
0x2cf: {  	_ =	sdelay $0x6  }
0x2d0: {  	s1 =	spop (v2sf);
	v19 =	vmov s25  }
0x2d1: {  	s2 =	spop (v2sf);
	vm6 =	veq.s32 v19, v0  }
0x2d2: {  	v13 =	vxor.u32 $0x80000000, v13;
	v10 =	vnsel vm6, $0x0, v10;
	s30 =	spop (v2sf)  }
0x2d3: {  	s3 =	sadd.s32 s0, s1;
	v13 =	vsel vm1, $0xC0000000, v13;
	s1 =	spop (v2sf)  }
0x2d4: {  	v17 =	vadd.s32 s3, v17;
	v60, _, _ =	vpop (xrf0);
	(xrf0) =	vmin.scan.msk.u32 $0xffff, v13;
	s4 =	spop (v2sf)  }
0x2d5: {  	vm2 =	vmmov vm2;
	v15 =	vxor.u32 $0x80000000, v15;
	vm7 =	vlt.s32 v17, v8;
	(xrf0) =	vadd.scan.msk.s32 $0xffff, v10;
	v10, _, _ =	vpop (xrf0);
	s0 =	sxor.u32 $0x80000000, s1;
	s3 =	sadd.s32 s3, s4  }
0x2d6: {  	v61 =	vsel vm7, $0x80000063, v5;
	v20 =	vmov s0;
	v63 =	vadd.s32 s3, v10  }
0x2d7: {  	v62 =	vsel vm2, $0xC0000000, v15;
	(xrf0) =	vmin.scan.msk.u32 $0xffff, v61;
	vm8 =	veq.s32 v20, v0;
	vm9 =	vlt.s32 v63, v8  }
0x2d8: {  	(v2sf) =	vpush v18, $0xF;
	(xrf0) =	vmin.scan.msk.u32 $0xffff, v62;
	v9 =	vnsel vm8, $0x0, v9;
	v8 =	vsel vm9, $0x80000063, v5  }
0x2d9: {  	(v2sf) =	vpush v60, $0xF;
	(xrf0) =	vadd.scan.msk.s32 $0xffff, v9  }
0x2da: {  	(xrf0) =	vmin.scan.msk.u32 $0xffff, v8  }
0x2db: {  	(v2sf) =	vpush v10, $0xF;
	v8, _, _ =	vpop (xrf0)  }
0x2dc: {  	v9, _, _ =	vpop (xrf0);
	(v2sf) =	vpush v8, $0xF  }
0x2dd: {  	(v2sf) =	vpush v9, $0xF;
	v8, _, _ =	vpop (xrf0)  }
0x2de: {  	(v2sf) =	vpush v8, $0xF;
	v8, _, _ =	vpop (xrf0)  }
0x2df: {  	(v2sf) =	vpush v8, $0xF;
	v8, _, _ =	vpop (xrf0)  }
0x2e0: {  	(v2sf) =	vpush v8, $0xF;
	v8, _, _ =	vpop (xrf0)  }
0x2e1: {  	(v2sf) =	vpush v8, $0xF;
	_ =	sdelay $0x4  }
0x2e2: {  	s7 =	spop (v2sf)  }
0x2e3: {  	s11 =	spop (v2sf)  }
0x2e4: {  	s3 =	spop (v2sf)  }
0x2e5: {  	vm0 =	vmmov vm0;
	s6 =	sxor.u32 $0x80000000, s3  }
0x2e6: {  	vm0 =	vmmov vm0;
	v9 =	vmov s6;
	s13 =	spop (v2sf);
	v8 =	vxor.u32 $0x80000000, v16  }
0x2e7: {  	vm10 =	veq.s32 v9, v0;
	v8 =	vsel vm0, $0xC0000000, v8;
	s26 =	spop (v2sf)  }
0x2e8: {  	v9 =	vnsel vm10, $0x0, v12;
	(xrf0) =	vmin.scan.msk.u32 $0xffff, v8;
	s13 =	spop (v2sf)  }
0x2e9: {  	(xrf0) =	vadd.scan.msk.s32 $0xffff, v9;
	s9 =	spop (v2sf)  }
0x2ea: {  	vm11 =	vmmov vm7;
	s5 =	sxor.u32 $0x80000000, s9;
	s31 =	spop (v2sf)  }
0x2eb: {  	vm0 =	vmmov vm11;
	v8 =	vxor.u32 $0x80000000, v17;
	v9 =	vmov s5;
	s28 =	spop (v2sf)  }
0x2ec: {  	v8 =	vsel vm0, $0xC0000000, v8;
	vm12 =	veq.s32 v9, v0;
	s8 =	spop (v2sf)  }
0x2ed: {  	vm13 =	vmmov vm9;
	(xrf0) =	vmin.scan.msk.u32 $0xffff, v8;
	v8 =	vnsel vm12, $0x0, v11;
	s4 =	sxor.u32 $0x80000000, s8  }
0x2ee: {  	vm14 =	vmmov vm13;
	v9, _, _ =	vpop (xrf0);
	(xrf0) =	vadd.scan.msk.s32 $0xffff, v8;
	v8 =	vxor.u32 $0x80000000, v63;
	v10 =	vmov s4  }
0x2ef: {  	(v2sf) =	vpush v9, $0xF;
	v9, _, _ =	vpop (xrf0);
	v8 =	vsel vm14, $0xC0000000, v8;
	vm15 =	veq.s32 v10, v0  }
0x2f0: {  	(v2sf) =	vpush v9, $0xF;
	v9 =	vnsel vm15, $0x0, v14;
	(xrf0) =	vmin.scan.msk.u32 $0xffff, v8  }
0x2f1: {  	p0 =	por p0, p1;
	p3 =	slt.s32 s21, $0x63;
	p4 =	slt.s32 s20, $0x63;
	(xrf0) =	vadd.scan.msk.s32 $0xffff, v9  }
0x2f2: {  	p6 =	slt.s32 s25, $0x63;
	p2 =	por !p0, !p0;
	p0 =	por p0, p3  }
0x2f3: {  	p2 =	por !p3, !p2;
	p5 =	por !p0, !p0;
	p0 =	por p0, p4  }
0x2f4: {  	s2 =	sxor.u32 $0x80000000, s2;
	p2 =	por !p2, !p2;
	p3 =	por !p0, !p0;
	v8, _, _ =	vpop (xrf0)  }
0x2f5: {  	p0 =	por p0, p6;
	s15 =	smov.u32 @p2 s23;
	s2 =	ssub.s32 s2, s30;
	(v2sf) =	vpush v8, $0xF;
	v8, _, _ =	vpop (xrf0)  }
0x2f6: {  	p3 =	por !p6, !p3;
	s14 =	smov.u32 @p2 s2;
	p2 =	por !p4, !p5;
	(v2sf) =	vpush v8, $0xF;
	v8, _, _ =	vpop (xrf0)  }
0x2f7: {  	p5 =	por !p0, !p0;
	p2 =	por !p2, !p2;
	s1 =	ssub.s32 s19, s1;
	(v2sf) =	vpush v8, $0xF;
	v8, _, _ =	vpop (xrf0)  }
0x2f8: {  	s15 =	smov.u32 @p2 s22;
	p4 =	slt.s32 s0, $0x63;
	s21 =	sxor.u32 $0x80000000, s7;
	(v2sf) =	vpush v8, $0xF  }
0x2f9: {  	p6 =	por !p4, !p5;
	p0 =	por p0, p4;
	s2 =	ssub.s32 s21, s11  }
0x2fa: {  	[tilespmem:$0x1800] =	vst v1;
	s14 =	smov.u32 @p2 s2;
	p2 =	por !p3, !p3;
	p3 =	slt.s32 s6, $0x63  }
0x2fb: {  	[tilespmem:$0x1810] =	vst v1;
	p4 =	por !p0, !p0;
	p1 =	por p0, p3;
	s22 =	sxor.u32 $0x80000000, s26  }
0x2fc: {  	[tilespmem:$0x1820] =	vst v1;
	s15 =	smov.u32 @p2 s24;
	p0 =	por !p1, !p1;
	s2 =	ssub.s32 s22, s13  }
0x2fd: {  	[tilespmem:$0x1830] =	vst v1;
	s14 =	smov.u32 @p2 s2;
	s2 =	ssub.s32 s18, s3;
	p2 =	por !p6, !p6  }
0x2fe: {  	[tilespmem:$0x1840] =	vst v1;
	s3 =	ssub.s32 s17, s9;
	s23 =	sxor.u32 $0x80000000, s31;
	p5 =	slt.s32 s5, $0x63  }
0x2ff: {  	[tilespmem:$0x1850] =	vst v1;
	s15 =	smov.u32 @p2 s1;
	s0 =	ssub.s32 s23, s28;
	p0 =	por !p5, !p0  }
0x300: {  	[tilespmem:$0x1860] =	vst v1;
	p1 =	por p1, p5;
	s14 =	smov.u32 @p2 s0;
	p2 =	por !p3, !p4  }
0x301: {  	[tilespmem:$0x1870] =	vst v1;
	s1 =	ssub.s32 s16, s8;
	p0 =	por !p0, !p0;
	p1 =	por !p1, !p1  }
0x302: {  	[tilespmem:$0x1880] =	vst v1;
	p2 =	por !p2, !p2;
	p6 =	slt.s32 s4, $0x63;
	s24 =	spop (v2sf)  }
0x303: {  	[tilespmem:$0x1890] =	vst v1;
	s15 =	smov.u32 @p2 s2;
	p1 =	por !p6, !p1;
	s25 =	spop (v2sf)  }
0x304: {  	[tilespmem:$0x18A0] =	vst v1;
	s15 =	smov.u32 @p0 s3;
	s0 =	sxor.u32 $0x80000000, s24;
	s26 =	spop (v2sf)  }
0x305: {  	[tilespmem:$0x18B0] =	vst v1;
	p1 =	por !p1, !p1;
	s0 =	ssub.s32 s0, s25;
	s28 =	spop (v2sf)  }
0x306: {  	[tilespmem:$0x18C0] =	vst v1;
	s14 =	smov.u32 @p2 s0;
	s0 =	sxor.u32 $0x80000000, s26;
	s30 =	spop (v2sf)  }
0x307: {  	[tilespmem:$0x18D0] =	vst v1;
	s0 =	ssub.s32 s0, s28;
	s2 =	sxor.u32 $0x80000000, s30;
	s31 =	spop (v2sf)  }
0x308: {  	[tilespmem:$0x18E0] =	vst v1;
	s15 =	smov.u32 @p1 s1;
	s14 =	smov.u32 @p0 s0;
	s0 =	ssub.s32 s2, s31  }
0x309: {  	[tilespmem:$0x18F0] =	vst v1;
	s1 =	simm.s32 $0xFFFFFFF8;
	v8 =	vmov s15;
	s15 =	simm.s32 $0x1040;
	s14 =	smov.u32 @p1 s0  }
.LBB2_17:
0x30a: {  	v9 =	vld [tilespmem:s15+$0xFFFFFFC0];
	_ =	sdelay $0x4  }
0x30b: {  	v10 =	vshrl.u32 v9, $0x18;
	v11 =	vshrl.u32 v9, $0x10  }
0x30c: {  	v12 =	vshrl.u32 v9, $0x8;
	v10 =	vxor.u32 v6, v10;
	v11 =	vand.u32 $0xFF, v11  }
0x30d: {  	vm0 =	veq.s32 v10, $0x80;
	vm1 =	veq.s32 v11, v7;
	v10 =	vand.u32 $0xFF, v12  }
0x30e: {  	vm0 =	vmand vm0, vm1;
	vm6 =	veq.s32 v10, v8  }
0x30f: {  	vm0 =	vmand vm6, vm0  }
0x310: {  	v9 =	vand.u32 $0xFF, v9;
	_ =	sdelay $0x4  }
0x311: {  	[tilespmem:v9+s29+$0x0] =	vst.idx.add.s32.msk vm0, v3  }
0x312: {  	v9 =	vld [tilespmem:s15+$0xFFFFFFD0];
	_ =	sdelay $0x4  }
0x313: {  	v10 =	vshrl.u32 v9, $0x18;
	v11 =	vshrl.u32 v9, $0x10  }
0x314: {  	v57 =	vshrl.u32 v9, $0x8;
	v10 =	vxor.u32 v6, v10;
	v11 =	vand.u32 $0xFF, v11  }
0x315: {  	vm7 =	veq.s32 v10, $0x80;
	vm8 =	veq.s32 v11, v7;
	v10 =	vand.u32 $0xFF, v57  }
0x316: {  	vm0 =	vmand vm7, vm8;
	vm9 =	veq.s32 v10, v8  }
0x317: {  	vm0 =	vmand vm9, vm0  }
0x318: {  	v9 =	vand.u32 $0xFF, v9;
	_ =	sdelay $0x4  }
0x319: {  	[tilespmem:v9+s29+$0x0] =	vst.idx.add.s32.msk vm0, v3  }
0x31a: {  	v9 =	vld [tilespmem:s15+$0xFFFFFFE0];
	_ =	sdelay $0x4  }
0x31b: {  	v10 =	vshrl.u32 v9, $0x18;
	v11 =	vshrl.u32 v9, $0x10  }
0x31c: {  	v58 =	vshrl.u32 v9, $0x8;
	v10 =	vxor.u32 v6, v10;
	v11 =	vand.u32 $0xFF, v11  }
0x31d: {  	vm10 =	veq.s32 v10, $0x80;
	vm11 =	veq.s32 v11, v7;
	v10 =	vand.u32 $0xFF, v58  }
0x31e: {  	vm0 =	vmand vm10, vm11;
	vm12 =	veq.s32 v10, v8  }
0x31f: {  	vm0 =	vmand vm12, vm0  }
0x320: {  	v9 =	vand.u32 $0xFF, v9;
	_ =	sdelay $0x4  }
0x321: {  	[tilespmem:v9+s29+$0x0] =	vst.idx.add.s32.msk vm0, v3  }
0x322: {  	v9 =	vld [tilespmem:s15+$0xFFFFFFF0];
	_ =	sdelay $0x4  }
0x323: {  	v10 =	vshrl.u32 v9, $0x18;
	v11 =	vshrl.u32 v9, $0x10  }
0x324: {  	v59 =	vshrl.u32 v9, $0x8;
	v10 =	vxor.u32 v6, v10;
	v11 =	vand.u32 $0xFF, v11  }
0x325: {  	vm13 =	veq.s32 v10, $0x80;
	vm14 =	veq.s32 v11, v7;
	v10 =	vand.u32 $0xFF, v59  }
0x326: {  	vm0 =	vmand vm13, vm14;
	vm15 =	veq.s32 v10, v8  }
0x327: {  	vm0 =	vmand vm15, vm0  }
0x328: {  	v9 =	vand.u32 $0xFF, v9;
	_ =	sdelay $0x4  }
0x329: {  	[tilespmem:v9+s29+$0x0] =	vst.idx.add.s32.msk vm0, v3  }
0x32a: {  	v9 =	vld [tilespmem:s15+$0x0];
	_ =	sdelay $0x4  }
0x32b: {  	v10 =	vshrl.u32 v9, $0x18;
	v11 =	vshrl.u32 v9, $0x10  }
0x32c: {  	v60 =	vshrl.u32 v9, $0x8;
	v10 =	vxor.u32 v6, v10;
	v11 =	vand.u32 $0xFF, v11  }
0x32d: {  	vm4 =	veq.s32 v10, $0x80;
	vm5 =	veq.s32 v11, v7;
	v10 =	vand.u32 $0xFF, v60  }
0x32e: {  	vm0 =	vmand vm4, vm5;
	vm6 =	veq.s32 v10, v8  }
0x32f: {  	vm0 =	vmand vm6, vm0  }
0x330: {  	v9 =	vand.u32 $0xFF, v9;
	_ =	sdelay $0x4  }
0x331: {  	[tilespmem:v9+s29+$0x0] =	vst.idx.add.s32.msk vm0, v3  }
0x332: {  	v9 =	vld [tilespmem:s15+$0x10];
	_ =	sdelay $0x4  }
0x333: {  	v10 =	vshrl.u32 v9, $0x18;
	v11 =	vshrl.u32 v9, $0x10  }
0x334: {  	v61 =	vshrl.u32 v9, $0x8;
	v10 =	vxor.u32 v6, v10;
	v11 =	vand.u32 $0xFF, v11  }
0x335: {  	vm7 =	veq.s32 v10, $0x80;
	vm8 =	veq.s32 v11, v7;
	v10 =	vand.u32 $0xFF, v61  }
0x336: {  	vm0 =	vmand vm7, vm8;
	vm9 =	veq.s32 v10, v8  }
0x337: {  	vm0 =	vmand vm9, vm0  }
0x338: {  	v9 =	vand.u32 $0xFF, v9;
	_ =	sdelay $0x4  }
0x339: {  	[tilespmem:v9+s29+$0x0] =	vst.idx.add.s32.msk vm0, v3  }
0x33a: {  	v9 =	vld [tilespmem:s15+$0x20];
	_ =	sdelay $0x4  }
0x33b: {  	v10 =	vshrl.u32 v9, $0x18;
	v11 =	vshrl.u32 v9, $0x10  }
0x33c: {  	v62 =	vshrl.u32 v9, $0x8;
	v10 =	vxor.u32 v6, v10;
	v11 =	vand.u32 $0xFF, v11  }
0x33d: {  	vm10 =	veq.s32 v10, $0x80;
	vm11 =	veq.s32 v11, v7;
	v10 =	vand.u32 $0xFF, v62  }
0x33e: {  	vm0 =	vmand vm10, vm11;
	vm12 =	veq.s32 v10, v8  }
0x33f: {  	vm0 =	vmand vm12, vm0  }
0x340: {  	v9 =	vand.u32 $0xFF, v9;
	_ =	sdelay $0x4  }
0x341: {  	[tilespmem:v9+s29+$0x0] =	vst.idx.add.s32.msk vm0, v3  }
0x342: {  	v9 =	vld [tilespmem:s15+$0x30];
	_ =	sdelay $0x4  }
0x343: {  	v10 =	vshrl.u32 v9, $0x18;
	v11 =	vshrl.u32 v9, $0x10  }
0x344: {  	v63 =	vshrl.u32 v9, $0x8;
	v10 =	vxor.u32 v6, v10;
	v11 =	vand.u32 $0xFF, v11  }
0x345: {  	vm13 =	veq.s32 v10, $0x80;
	vm14 =	veq.s32 v11, v7;
	v10 =	vand.u32 $0xFF, v63  }
0x346: {  	vm0 =	vmand vm13, vm14;
	vm15 =	veq.s32 v10, v8  }
0x347: {  	s1 =	sadd.s32 $0x8, s1;
	vm0 =	vmand vm15, vm0  }
0x348: {  	p0 =	slt.u32 s1, $0x78;
	v9 =	vand.u32 $0xFF, v9  }
.Ltmp7:
0x349: {  	_ = 	snop;
	(pc) =	sbr.rel @p0 .LBB2_17-.Ltmp7, $2  }
0x34a: {  	_ =	sdelay $0x2  }
0x34b: {  	s15 =	sadd.s32 $0x80, s15;
	[tilespmem:v9+s29+$0x0] =	vst.idx.add.s32.msk vm0, v3  }
0x34c: {  	s0 =	simm.s32 $0x18F0  }
0x34d: {  	v9 =	vld [tilespmem:s0+$0x0]  }
0x34e: {  	s23 =	simm.s32 $0x18E0  }
0x34f: {  	v10 =	vld [tilespmem:s23+$0x0];
	_ =	sdelay $0x2  }
0x350: {  	v9 =	vperm.xlane v9, v4;
	_ =	sdelay $0x1  }
0x351: {  	(xrf0) =	vadd.scan.msk.s32 $0xffff, v9;
	v9 =	vperm.xlane v10, v4;
	_ =	sdelay $0x1  }
0x352: {  	(xrf0) =	vadd.scan.msk.s32 $0xffff, v9;
	_ =	sdelay $0x3  }
0x353: {  	s24 =	simm.s32 $0x18D0  }
0x354: {  	v9 =	vld [tilespmem:s24+$0x0];
	v10, _, _ =	vpop (xrf0)  }
0x355: {  	(v2sf) =	vpush v10, $0xF;
	v12, _, _ =	vpop (xrf0)  }
0x356: {  	(v2sf) =	vpush v12, $0xF  }
0x357: {  	s25 =	rddreg [dreg:$0x1d]  }
0x358: {  	s13 =	simm.s32 $0x0;
	s0 =	ssub.s32 s25, s14  }
0x359: {  	v11 =	vperm.xlane v9, v4;
	v9 =	vmov s0;
	v10 =	vadd.s32 s13, v10  }
0x35a: {  	vm0 =	vlt.s32 v10, v9  }
0x35b: {  	(xrf0) =	vadd.scan.msk.s32 $0xffff, v11;
	v10 =	vsel vm0, $0x80000063, v5  }
0x35c: {  	(xrf0) =	vmin.scan.msk.u32 $0xffff, v10;
	_ =	sdelay $0x1  }
0x35d: {  	s26 =	simm.s32 $0x18C0  }
0x35e: {  	v11 =	vld [tilespmem:s26+$0x0];
	_ =	sdelay $0x1  }
0x35f: {  	v10, _, _ =	vpop (xrf0)  }
0x360: {  	s28 =	simm.s32 $0x18B0;
	(v2sf) =	vpush v10, $0xF;
	v13, _, _ =	vpop (xrf0)  }
0x361: {  	v58 =	vld [tilespmem:s28+$0x0];
	(v2sf) =	vpush v13, $0xF  }
0x362: {  	v11 =	vperm.xlane v11, v4;
	s30 =	spop (v2sf)  }
0x363: {  	s0 =	sadd.s32 $0x0, s30;
	s1 =	spop (v2sf)  }
0x364: {  	(xrf0) =	vadd.scan.msk.s32 $0xffff, v11;
	v12 =	vadd.s32 s0, v12;
	s1 =	sadd.s32 s0, s1  }
0x365: {  	vm13 =	vlt.s32 v12, v9;
	v10 =	vadd.s32 s1, v10  }
0x366: {  	v59 =	vperm.xlane v58, v4;
	v11 =	vsel vm13, $0x80000063, v5;
	vm14 =	vlt.s32 v10, v9  }
0x367: {  	(xrf0) =	vmin.scan.msk.u32 $0xffff, v11;
	v11 =	vsel vm14, $0x80000063, v5  }
0x368: {  	s31 =	simm.s32 $0x18A0;
	(xrf0) =	vadd.scan.msk.s32 $0xffff, v59  }
0x369: {  	v10 =	vld [tilespmem:s31+$0x0];
	(xrf0) =	vmin.scan.msk.u32 $0xffff, v11  }
0x36a: {  	v11, _, _ =	vpop (xrf0)  }
0x36b: {  	(v2sf) =	vpush v11, $0xF;
	_ =	sdelay $0x1  }
0x36c: {  	v60, _, _ =	vpop (xrf0)  }
0x36d: {  	v61 =	vperm.xlane v10, v4;
	(v2sf) =	vpush v60, $0xF;
	v10, _, _ =	vpop (xrf0)  }
0x36e: {  	s2 =	spop (v2sf);
	(v2sf) =	vpush v10, $0xF;
	v62, _, _ =	vpop (xrf0)  }
0x36f: {  	s4 =	spop (v2sf);
	(v2sf) =	vpush v62, $0xF  }
0x370: {  	s17 =	simm.s32 $0x800000EF  }
0x371: {  	s16 =	simm.s32 $0x800000CF;
	s15 =	simm.s32 $0x800000BF;
	s2 =	sadd.s32 s1, s2  }
0x372: {  	s3 =	simm.s32 $0x1890;
	s5 =	simm.s32 $0x8000008F;
	v11 =	vadd.s32 s2, v11  }
0x373: {  	s14 =	simm.s32 $0x8000009F;
	s0 =	simm.s32 $0x800000DF;
	vm15 =	vlt.s32 v11, v9;
	(xrf0) =	vadd.scan.msk.s32 $0xffff, v61  }
0x374: {  	p0 =	por $0x0, $0x0;
	s6 =	sxor.u32 $0x80000000, s4;
	s4 =	ssub.s32 $0x800000FF, s4;
	v11 =	vld [tilespmem:s3+$0x0];
	v63 =	vsel vm15, $0x80000063, v5  }
0x375: {  	s1 =	simm.s32 $0x800000AF;
	p1 =	slt.s32 s6, $0x63;
	s4 =	smov.u32 @p0 s13;
	(xrf0) =	vmin.scan.msk.u32 $0xffff, v63  }
.LBB2_19:
0x376: {  	p2 =	sne.s32 s5, $0x8000000F;
	s13 =	smov.u32 @p1 s4;
	p0 =	por p0, p1  }
0x377: {  	s6 =	smov.u32 s16;
	s16 =	smov.u32 s15;
	s15 =	smov.u32 s1  }
0x378: {  	s1 =	smov.u32 s14;
	s14 =	smov.u32 s5;
	s5 =	sadd.s32 $0xFFFFFFF0, s5  }
0x379: {  	v11 =	vperm.xlane v11, v4;
	v12, _, _ =	vpop (xrf0);
	s4 =	spop (v2sf)  }
.Ltmp8:
0x37a: {  	(v2sf) =	vpush v12, $0xF;
	s2 =	sadd.s32 s2, s4;
	(pc) =	sbr.rel @p2 .LBB2_19-.Ltmp8, $4  }
0x37b: {  	s3 =	sadd.s32 $0xFFFFFFF0, s3;
	(xrf0) =	vadd.scan.msk.s32 $0xffff, v11;
	v13 =	vadd.s32 s2, v10;
	v10 =	vmov v12  }
0x37c: {  	v11 =	vld [tilespmem:s3+$0x0];
	vm0 =	vlt.s32 v13, v9;
	v12, _, _ =	vpop (xrf0);
	s4 =	spop (v2sf)  }
0x37d: {  	v13 =	vsel vm0, $0x80000063, v5;
	(v2sf) =	vpush v12, $0xF;
	s7 =	sxor.u32 $0x80000000, s4;
	s4 =	ssub.s32 s17, s4;
	s17 =	smov.u32 s0  }
0x37e: {  	s0 =	smov.u32 s6;
	(xrf0) =	vmin.scan.msk.u32 $0xffff, v13;
	p1 =	slt.s32 s7, $0x63;
	s4 =	smov.u32 @p0 s13  }
0x37f: {  	_ =	sdelay $0x1  }
0x380: {  	v12, _, _ =	vpop (xrf0)  }
0x381: {  	(v2sf) =	vpush v12, $0xF;
	_ =	sdelay $0x7  }
0x382: {  	v11 =	vperm.xlane v11, v4  }
0x383: {  	s3 =	spop (v2sf)  }
0x384: {  	s2 =	sadd.s32 s2, s3;
	(xrf0) =	vadd.scan.msk.s32 $0xffff, v11  }
0x385: {  	s11 =	spop (v2sf);
	v10 =	vadd.s32 s2, v10  }
0x386: {  	vm0 =	vlt.s32 v10, v9;
	s5 =	spop (v2sf)  }
0x387: {  	v10 =	vsel vm0, $0x80000063, v5;
	s2 =	sadd.s32 s2, s5  }
0x388: {  	(xrf0) =	vmin.scan.msk.u32 $0xffff, v10;
	v57 =	vadd.s32 s2, v12;
	s18 =	spop (v2sf)  }
0x389: {  	v58, _, _ =	vpop (xrf0);
	vm6 =	vlt.s32 v57, v9;
	s6 =	spop (v2sf)  }
0x38a: {  	v59, _, _ =	vpop (xrf0);
	v60 =	vsel vm6, $0x80000063, v5;
	s2 =	sadd.s32 s2, s6  }
0x38b: {  	(xrf0) =	vmin.scan.msk.u32 $0xffff, v60;
	v13 =	vadd.s32 s2, v59  }
0x38c: {  	(v2sf) =	vpush v58, $0xF;
	vm7 =	vlt.s32 v13, v9  }
0x38d: {  	v9 =	vsel vm7, $0x80000063, v5  }
0x38e: {  	(v2sf) =	vpush v59, $0xF;
	v61, _, _ =	vpop (xrf0);
	(xrf0) =	vmin.scan.msk.u32 $0xffff, v9  }
0x38f: {  	(v2sf) =	vpush v61, $0xF;
	_ =	sdelay $0x1  }
0x390: {  	v62, _, _ =	vpop (xrf0)  }
0x391: {  	(v2sf) =	vpush v62, $0xF;
	_ =	sdelay $0x1  }
0x392: {  	v63, _, _ =	vpop (xrf0)  }
0x393: {  	s13 =	smov.u32 @p1 s4;
	(v2sf) =	vpush v63, $0xF  }
0x394: {  	p0 =	por p0, p1;
	s19 =	sxor.u32 $0x80000000, s11;
	s3 =	ssub.s32 s17, s11  }
0x395: {  	p1 =	slt.s32 s19, $0x63;
	s3 =	smov.u32 @p0 s13  }
0x396: {  	s13 =	smov.u32 @p1 s3  }
0x397: {  	p0 =	por p0, p1;
	s20 =	sxor.u32 $0x80000000, s18;
	s0 =	ssub.s32 s0, s18  }
0x398: {  	p1 =	slt.s32 s20, $0x63;
	s0 =	smov.u32 @p0 s13  }
0x399: {  	s13 =	smov.u32 @p1 s0;
	s21 =	spop (v2sf)  }
0x39a: {  	p0 =	por p0, p1;
	s22 =	sxor.u32 $0x80000000, s21;
	s2 =	ssub.s32 s16, s21  }
0x39b: {  	p1 =	slt.s32 s22, $0x63;
	s2 =	smov.u32 @p0 s13;
	s23 =	spop (v2sf)  }
0x39c: {  	s13 =	smov.u32 @p1 s2;
	s0 =	spop (v2sf)  }
0x39d: {  	p0 =	por p0, p1;
	s24 =	sxor.u32 $0x80000000, s0;
	s0 =	ssub.s32 s15, s0  }
0x39e: {  	p1 =	slt.s32 s24, $0x63;
	s0 =	smov.u32 @p0 s13  }
0x39f: {  	s13 =	smov.u32 @p1 s0;
	s25 =	spop (v2sf)  }
0x3a0: {  	p0 =	por p0, p1;
	s26 =	sxor.u32 $0x80000000, s25;
	s0 =	ssub.s32 s1, s25  }
0x3a1: {  	p1 =	slt.s32 s26, $0x63;
	s0 =	smov.u32 @p0 s13  }
0x3a2: {  	s13 =	smov.u32 @p1 s0;
	s28 =	spop (v2sf)  }
0x3a3: {  	p0 =	por p0, p1;
	s30 =	sxor.u32 $0x80000000, s28;
	s0 =	ssub.s32 s14, s28  }
0x3a4: {  	v7 =	vshll.u32 v7, $0x10;
	v8 =	vshll.u32 v8, $0x8;
	s31 =	simm.s32 $0x1040;
	p1 =	slt.s32 s30, $0x63;
	s0 =	smov.u32 @p0 s13  }
0x3a5: {  	v7 =	vor.u32 v7, v8;
	v8 =	vld [tilespmem:s31+$0xFFFFFFC0];
	s13 =	smov.u32 @p1 s0  }
0x3a6: {  	v7 =	vor.u32 s13, v7  }
0x3a7: {  	v6 =	vshll.u32 v6, $0x18;
	s2 =	simm.s32 $0x0;
	s13 =	simm.s32 $0x0;
	v7 =	vbroadcast v7, $0x0  }
0x3a8: {  	v6 =	vxor.u32 $0x80000000, v6;
	s0 =	sand.u32 $0xFFFFFF00, s2;
	s3 =	sand.u32 $0x7F, s13  }
0x3a9: {  	s0 =	sor.u32 s0, s3;
	v6 =	vor.u32 v6, v7  }
0x3aa: {  	v7 =	vor.u32 s13, v0;
	s0 =	sor.u32 s10, s0;
	vm8 =	vgt.s32 v8, v6  }
0x3ab: {  	[tilespmem:s0+$0x2A00] =	vst.msk vm8, v7;
	v7 =	vsel vm8, $0x1, v1  }
0x3ac: {  	v8 =	vld [tilespmem:s12+$0xFFFFFFC0];
	(xrf0) =	vadd.scan.msk.s32 $0xffff, v7;
	_ =	sdelay $0x4  }
0x3ad: {  	[tilespmem:s0+$0x1900] =	vst.msk vm8, v8  }
0x3ae: {  	v7 =	vld [tilespmem:s31+$0xFFFFFFD0];
	v8, _, _ =	vpop (xrf0)  }
0x3af: {  	(v2sf) =	vpush v8, $0xF;
	_ =	sdelay $0x3  }
0x3b0: {  	vm9 =	vgt.s32 v7, v6  }
0x3b1: {  	v7 =	vsel vm9, $0x1, v1  }
0x3b2: {  	(xrf0) =	vadd.scan.msk.s32 $0xffff, v7;
	_ =	sdelay $0x5  }
0x3b3: {  	v7, _, _ =	vpop (xrf0)  }
0x3b4: {  	(v2sf) =	vpush v7, $0xF;
	_ =	sdelay $0x1  }
0x3b5: {  	s4 =	spop (v2sf)  }
0x3b6: {  	s0 =	sadd.s32 $0x0, s4  }
0x3b7: {  	s5 =	sshll.u32 s0, $0x1  }
0x3b8: {  	s6 =	sand.u32 $0x7F, s0;
	s1 =	sand.u32 $0xFFFFFF00, s5  }
0x3b9: {  	s7 =	simm.s32 $0x10;
	s1 =	sor.u32 s1, s6  }
0x3ba: {  	v7 =	vor.u32 s7, v0;
	s1 =	sor.u32 s10, s1  }
0x3bb: {  	[tilespmem:s1+$0x2A00] =	vst.msk vm9, v7  }
0x3bc: {  	v7 =	vld [tilespmem:s12+$0xFFFFFFD0];
	_ =	sdelay $0x4  }
0x3bd: {  	[tilespmem:s1+$0x1900] =	vst.msk vm9, v7  }
0x3be: {  	v7 =	vld [tilespmem:s31+$0xFFFFFFE0];
	s8 =	spop (v2sf)  }
0x3bf: {  	s0 =	sadd.s32 s0, s8  }
0x3c0: {  	s1 =	sshll.u32 s0, $0x1  }
0x3c1: {  	s9 =	sand.u32 $0x7F, s0;
	s1 =	sand.u32 $0xFFFFFF00, s1  }
0x3c2: {  	s11 =	simm.s32 $0x20;
	s1 =	sor.u32 s1, s9  }
0x3c3: {  	vm10 =	vgt.s32 v7, v6;
	v7 =	vor.u32 s11, v0;
	s1 =	sor.u32 s10, s1  }
0x3c4: {  	[tilespmem:s1+$0x2A00] =	vst.msk vm10, v7;
	v7 =	vsel vm10, $0x1, v1  }
0x3c5: {  	v8 =	vld [tilespmem:s12+$0xFFFFFFE0];
	(xrf0) =	vadd.scan.msk.s32 $0xffff, v7;
	_ =	sdelay $0x4  }
0x3c6: {  	[tilespmem:s1+$0x1900] =	vst.msk vm10, v8  }
0x3c7: {  	v7 =	vld [tilespmem:s31+$0xFFFFFFF0];
	v8, _, _ =	vpop (xrf0)  }
0x3c8: {  	(v2sf) =	vpush v8, $0xF;
	_ =	sdelay $0x3  }
0x3c9: {  	vm11 =	vgt.s32 v7, v6  }
0x3ca: {  	v7 =	vsel vm11, $0x1, v1  }
0x3cb: {  	(xrf0) =	vadd.scan.msk.s32 $0xffff, v7;
	_ =	sdelay $0x5  }
0x3cc: {  	v7, _, _ =	vpop (xrf0)  }
0x3cd: {  	(v2sf) =	vpush v7, $0xF;
	_ =	sdelay $0x1  }
0x3ce: {  	s15 =	spop (v2sf)  }
0x3cf: {  	s0 =	sadd.s32 s0, s15  }
0x3d0: {  	s1 =	sshll.u32 s0, $0x1  }
0x3d1: {  	s16 =	sand.u32 $0x7F, s0;
	s1 =	sand.u32 $0xFFFFFF00, s1  }
0x3d2: {  	s17 =	simm.s32 $0x30;
	s1 =	sor.u32 s1, s16  }
0x3d3: {  	v7 =	vor.u32 s17, v0;
	s1 =	sor.u32 s10, s1  }
0x3d4: {  	[tilespmem:s1+$0x2A00] =	vst.msk vm11, v7  }
0x3d5: {  	v7 =	vld [tilespmem:s12+$0xFFFFFFF0];
	_ =	sdelay $0x4  }
0x3d6: {  	[tilespmem:s1+$0x1900] =	vst.msk vm11, v7  }
0x3d7: {  	v7 =	vld [tilespmem:s31+$0x0];
	s18 =	spop (v2sf)  }
0x3d8: {  	s0 =	sadd.s32 s0, s18  }
0x3d9: {  	s1 =	sshll.u32 s0, $0x1  }
0x3da: {  	s19 =	sand.u32 $0x7F, s0;
	s1 =	sand.u32 $0xFFFFFF00, s1  }
0x3db: {  	s20 =	simm.s32 $0x40;
	s1 =	sor.u32 s1, s19  }
0x3dc: {  	vm12 =	vgt.s32 v7, v6;
	v7 =	vor.u32 s20, v0;
	s1 =	sor.u32 s10, s1  }
0x3dd: {  	[tilespmem:s1+$0x2A00] =	vst.msk vm12, v7;
	v7 =	vsel vm12, $0x1, v1  }
0x3de: {  	v8 =	vld [tilespmem:s12+$0x0];
	(xrf0) =	vadd.scan.msk.s32 $0xffff, v7;
	_ =	sdelay $0x4  }
0x3df: {  	[tilespmem:s1+$0x1900] =	vst.msk vm12, v8  }
0x3e0: {  	v7 =	vld [tilespmem:s31+$0x10];
	v8, _, _ =	vpop (xrf0)  }
0x3e1: {  	(v2sf) =	vpush v8, $0xF;
	_ =	sdelay $0x3  }
0x3e2: {  	vm13 =	vgt.s32 v7, v6  }
0x3e3: {  	v7 =	vsel vm13, $0x1, v1  }
0x3e4: {  	(xrf0) =	vadd.scan.msk.s32 $0xffff, v7;
	_ =	sdelay $0x5  }
0x3e5: {  	v7, _, _ =	vpop (xrf0)  }
0x3e6: {  	(v2sf) =	vpush v7, $0xF;
	_ =	sdelay $0x1  }
0x3e7: {  	s21 =	spop (v2sf)  }
0x3e8: {  	s0 =	sadd.s32 s0, s21  }
0x3e9: {  	s1 =	sshll.u32 s0, $0x1  }
0x3ea: {  	s22 =	sand.u32 $0x7F, s0;
	s1 =	sand.u32 $0xFFFFFF00, s1  }
0x3eb: {  	s23 =	simm.s32 $0x50;
	s1 =	sor.u32 s1, s22  }
0x3ec: {  	v7 =	vor.u32 s23, v0;
	s1 =	sor.u32 s10, s1  }
0x3ed: {  	[tilespmem:s1+$0x2A00] =	vst.msk vm13, v7  }
0x3ee: {  	v7 =	vld [tilespmem:s12+$0x10];
	_ =	sdelay $0x4  }
0x3ef: {  	[tilespmem:s1+$0x1900] =	vst.msk vm13, v7  }
0x3f0: {  	v7 =	vld [tilespmem:s31+$0x20];
	s24 =	spop (v2sf)  }
0x3f1: {  	s0 =	sadd.s32 s0, s24  }
0x3f2: {  	s1 =	sshll.u32 s0, $0x1  }
0x3f3: {  	s25 =	sand.u32 $0x7F, s0;
	s1 =	sand.u32 $0xFFFFFF00, s1  }
0x3f4: {  	s26 =	simm.s32 $0x60;
	s1 =	sor.u32 s1, s25  }
0x3f5: {  	vm14 =	vgt.s32 v7, v6;
	v7 =	vor.u32 s26, v0;
	s1 =	sor.u32 s10, s1  }
0x3f6: {  	[tilespmem:s1+$0x2A00] =	vst.msk vm14, v7;
	v7 =	vsel vm14, $0x1, v1  }
0x3f7: {  	v8 =	vld [tilespmem:s12+$0x20];
	(xrf0) =	vadd.scan.msk.s32 $0xffff, v7;
	_ =	sdelay $0x4  }
0x3f8: {  	[tilespmem:s1+$0x1900] =	vst.msk vm14, v8  }
0x3f9: {  	v7 =	vld [tilespmem:s31+$0x30];
	v8, _, _ =	vpop (xrf0)  }
0x3fa: {  	(v2sf) =	vpush v8, $0xF;
	_ =	sdelay $0x3  }
0x3fb: {  	vm15 =	vgt.s32 v7, v6  }
0x3fc: {  	v7 =	vsel vm15, $0x1, v1  }
0x3fd: {  	(xrf0) =	vadd.scan.msk.s32 $0xffff, v7;
	_ =	sdelay $0x5  }
0x3fe: {  	v7, _, _ =	vpop (xrf0)  }
0x3ff: {  	(v2sf) =	vpush v7, $0xF;
	_ =	sdelay $0x1  }
0x400: {  	s28 =	spop (v2sf)  }
0x401: {  	s0 =	sadd.s32 s0, s28  }
0x402: {  	s1 =	sshll.u32 s0, $0x1  }
0x403: {  	s30 =	sand.u32 $0x7F, s0;
	s1 =	sand.u32 $0xFFFFFF00, s1  }
0x404: {  	s31 =	simm.s32 $0x70;
	s1 =	sor.u32 s1, s30  }
0x405: {  	v7 =	vor.u32 s31, v0;
	s1 =	sor.u32 s10, s1  }
0x406: {  	[tilespmem:s1+$0x2A00] =	vst.msk vm15, v7  }
0x407: {  	v7 =	vld [tilespmem:s12+$0x30];
	_ =	sdelay $0x4  }
0x408: {  	s14 =	simm.s32 $0x10C0;
	[tilespmem:s1+$0x1900] =	vst.msk vm15, v7  }
0x409: {  	s15 =	simm.s32 $0x8;
	s12 =	sadd.s32 $0x100, s12;
	v7 =	vld [tilespmem:s14+$0xFFFFFFC0];
	s1 =	spop (v2sf)  }
.LBB2_21:
0x40a: {  	s15 =	sadd.s32 $0x8, s15;
	s0 =	sadd.s32 s0, s1;
	s13 =	sadd.s32 $0x80, s13  }
0x40b: {  	p0 =	slt.u32 s15, $0x78;
	s1 =	sshll.u32 s0, $0x1  }
0x40c: {  	s2 =	sand.u32 $0x7F, s0;
	s1 =	sand.u32 $0xFFFFFF00, s1  }
0x40d: {  	s1 =	sor.u32 s1, s2  }
0x40e: {  	vm0 =	vgt.s32 v7, v6;
	v7 =	vor.u32 s13, v0;
	s1 =	sor.u32 s10, s1  }
0x40f: {  	[tilespmem:s1+$0x2A00] =	vst.msk vm0, v7;
	v7 =	vsel vm0, $0x1, v1  }
0x410: {  	v8 =	vld [tilespmem:s12+$0xFFFFFFC0];
	(xrf0) =	vadd.scan.msk.s32 $0xffff, v7;
	_ =	sdelay $0x4  }
0x411: {  	[tilespmem:s1+$0x1900] =	vst.msk vm0, v8  }
0x412: {  	v7 =	vld [tilespmem:s14+$0xFFFFFFD0];
	v8, _, _ =	vpop (xrf0)  }
0x413: {  	(v2sf) =	vpush v8, $0xF;
	_ =	sdelay $0x3  }
0x414: {  	vm0 =	vgt.s32 v7, v6  }
0x415: {  	v7 =	vsel vm0, $0x1, v1  }
0x416: {  	(xrf0) =	vadd.scan.msk.s32 $0xffff, v7;
	_ =	sdelay $0x5  }
0x417: {  	v7, _, _ =	vpop (xrf0)  }
0x418: {  	(v2sf) =	vpush v7, $0xF;
	_ =	sdelay $0x1  }
0x419: {  	s1 =	spop (v2sf)  }
0x41a: {  	s0 =	sadd.s32 s0, s1  }
0x41b: {  	s1 =	sshll.u32 s0, $0x1  }
0x41c: {  	s2 =	sand.u32 $0x7F, s0;
	s1 =	sand.u32 $0xFFFFFF00, s1  }
0x41d: {  	s3 =	sadd.s32 $0x10, s13;
	s1 =	sor.u32 s1, s2  }
0x41e: {  	v7 =	vor.u32 s3, v0;
	s1 =	sor.u32 s10, s1  }
0x41f: {  	[tilespmem:s1+$0x2A00] =	vst.msk vm0, v7  }
0x420: {  	v7 =	vld [tilespmem:s12+$0xFFFFFFD0];
	_ =	sdelay $0x4  }
0x421: {  	[tilespmem:s1+$0x1900] =	vst.msk vm0, v7  }
0x422: {  	v7 =	vld [tilespmem:s14+$0xFFFFFFE0];
	s1 =	spop (v2sf)  }
0x423: {  	s0 =	sadd.s32 s0, s1  }
0x424: {  	s1 =	sshll.u32 s0, $0x1  }
0x425: {  	s2 =	sand.u32 $0x7F, s0;
	s1 =	sand.u32 $0xFFFFFF00, s1  }
0x426: {  	s3 =	sadd.s32 $0x20, s13;
	s1 =	sor.u32 s1, s2  }
0x427: {  	vm0 =	vgt.s32 v7, v6;
	v7 =	vor.u32 s3, v0;
	s1 =	sor.u32 s10, s1  }
0x428: {  	[tilespmem:s1+$0x2A00] =	vst.msk vm0, v7;
	v7 =	vsel vm0, $0x1, v1  }
0x429: {  	v8 =	vld [tilespmem:s12+$0xFFFFFFE0];
	(xrf0) =	vadd.scan.msk.s32 $0xffff, v7;
	_ =	sdelay $0x4  }
0x42a: {  	[tilespmem:s1+$0x1900] =	vst.msk vm0, v8  }
0x42b: {  	v7 =	vld [tilespmem:s14+$0xFFFFFFF0];
	v8, _, _ =	vpop (xrf0)  }
0x42c: {  	(v2sf) =	vpush v8, $0xF;
	_ =	sdelay $0x3  }
0x42d: {  	vm0 =	vgt.s32 v7, v6  }
0x42e: {  	v7 =	vsel vm0, $0x1, v1  }
0x42f: {  	(xrf0) =	vadd.scan.msk.s32 $0xffff, v7;
	_ =	sdelay $0x5  }
0x430: {  	v7, _, _ =	vpop (xrf0)  }
0x431: {  	(v2sf) =	vpush v7, $0xF;
	_ =	sdelay $0x1  }
0x432: {  	s1 =	spop (v2sf)  }
0x433: {  	s0 =	sadd.s32 s0, s1  }
0x434: {  	s1 =	sshll.u32 s0, $0x1  }
0x435: {  	s2 =	sand.u32 $0x7F, s0;
	s1 =	sand.u32 $0xFFFFFF00, s1  }
0x436: {  	s3 =	sadd.s32 $0x30, s13;
	s1 =	sor.u32 s1, s2  }
0x437: {  	v7 =	vor.u32 s3, v0;
	s1 =	sor.u32 s10, s1  }
0x438: {  	[tilespmem:s1+$0x2A00] =	vst.msk vm0, v7  }
0x439: {  	v7 =	vld [tilespmem:s12+$0xFFFFFFF0];
	_ =	sdelay $0x4  }
0x43a: {  	[tilespmem:s1+$0x1900] =	vst.msk vm0, v7  }
0x43b: {  	v7 =	vld [tilespmem:s14+$0x0];
	s1 =	spop (v2sf)  }
0x43c: {  	s0 =	sadd.s32 s0, s1  }
0x43d: {  	s1 =	sshll.u32 s0, $0x1  }
0x43e: {  	s2 =	sand.u32 $0x7F, s0;
	s1 =	sand.u32 $0xFFFFFF00, s1  }
0x43f: {  	s3 =	sadd.s32 $0x40, s13;
	s1 =	sor.u32 s1, s2  }
0x440: {  	vm0 =	vgt.s32 v7, v6;
	v7 =	vor.u32 s3, v0;
	s1 =	sor.u32 s10, s1  }
0x441: {  	[tilespmem:s1+$0x2A00] =	vst.msk vm0, v7;
	v7 =	vsel vm0, $0x1, v1  }
0x442: {  	v8 =	vld [tilespmem:s12+$0x0];
	(xrf0) =	vadd.scan.msk.s32 $0xffff, v7;
	_ =	sdelay $0x4  }
0x443: {  	[tilespmem:s1+$0x1900] =	vst.msk vm0, v8  }
0x444: {  	v7 =	vld [tilespmem:s14+$0x10];
	v8, _, _ =	vpop (xrf0)  }
0x445: {  	(v2sf) =	vpush v8, $0xF;
	_ =	sdelay $0x3  }
0x446: {  	vm0 =	vgt.s32 v7, v6  }
0x447: {  	v7 =	vsel vm0, $0x1, v1  }
0x448: {  	(xrf0) =	vadd.scan.msk.s32 $0xffff, v7;
	_ =	sdelay $0x5  }
0x449: {  	v7, _, _ =	vpop (xrf0)  }
0x44a: {  	(v2sf) =	vpush v7, $0xF;
	_ =	sdelay $0x1  }
0x44b: {  	s1 =	spop (v2sf)  }
0x44c: {  	s0 =	sadd.s32 s0, s1  }
0x44d: {  	s1 =	sshll.u32 s0, $0x1  }
0x44e: {  	s2 =	sand.u32 $0x7F, s0;
	s1 =	sand.u32 $0xFFFFFF00, s1  }
0x44f: {  	s3 =	sadd.s32 $0x50, s13;
	s1 =	sor.u32 s1, s2  }
0x450: {  	v7 =	vor.u32 s3, v0;
	s1 =	sor.u32 s10, s1  }
0x451: {  	[tilespmem:s1+$0x2A00] =	vst.msk vm0, v7  }
0x452: {  	v7 =	vld [tilespmem:s12+$0x10];
	_ =	sdelay $0x4  }
0x453: {  	[tilespmem:s1+$0x1900] =	vst.msk vm0, v7  }
0x454: {  	v7 =	vld [tilespmem:s14+$0x20];
	s1 =	spop (v2sf)  }
0x455: {  	s0 =	sadd.s32 s0, s1  }
0x456: {  	s1 =	sshll.u32 s0, $0x1  }
0x457: {  	s2 =	sand.u32 $0x7F, s0;
	s1 =	sand.u32 $0xFFFFFF00, s1  }
0x458: {  	s3 =	sadd.s32 $0x60, s13;
	s1 =	sor.u32 s1, s2  }
0x459: {  	vm0 =	vgt.s32 v7, v6;
	v7 =	vor.u32 s3, v0;
	s1 =	sor.u32 s10, s1  }
0x45a: {  	[tilespmem:s1+$0x2A00] =	vst.msk vm0, v7;
	v7 =	vsel vm0, $0x1, v1  }
0x45b: {  	v8 =	vld [tilespmem:s12+$0x20];
	(xrf0) =	vadd.scan.msk.s32 $0xffff, v7;
	_ =	sdelay $0x4  }
0x45c: {  	[tilespmem:s1+$0x1900] =	vst.msk vm0, v8  }
0x45d: {  	v7 =	vld [tilespmem:s14+$0x30];
	v8, _, _ =	vpop (xrf0)  }
0x45e: {  	(v2sf) =	vpush v8, $0xF;
	_ =	sdelay $0x3  }
0x45f: {  	vm0 =	vgt.s32 v7, v6  }
0x460: {  	v7 =	vsel vm0, $0x1, v1  }
0x461: {  	(xrf0) =	vadd.scan.msk.s32 $0xffff, v7;
	_ =	sdelay $0x5  }
0x462: {  	v7, _, _ =	vpop (xrf0)  }
0x463: {  	(v2sf) =	vpush v7, $0xF;
	_ =	sdelay $0x1  }
0x464: {  	s1 =	spop (v2sf)  }
0x465: {  	s0 =	sadd.s32 s0, s1  }
0x466: {  	s1 =	sshll.u32 s0, $0x1  }
0x467: {  	s2 =	sand.u32 $0x7F, s0;
	s1 =	sand.u32 $0xFFFFFF00, s1  }
0x468: {  	s3 =	sadd.s32 $0x70, s13;
	s1 =	sor.u32 s1, s2  }
0x469: {  	v7 =	vor.u32 s3, v0;
	s1 =	sor.u32 s10, s1  }
0x46a: {  	[tilespmem:s1+$0x2A00] =	vst.msk vm0, v7  }
0x46b: {  	v7 =	vld [tilespmem:s12+$0x30];
	_ =	sdelay $0x1  }
.Ltmp9:
0x46c: {  	(pc) =	sbr.rel @p0 .LBB2_21-.Ltmp9, $3  }
0x46d: {  	_ =	sdelay $0x1  }
0x46e: {  	s14 =	sadd.s32 $0x80, s14;
	[tilespmem:s1+$0x1900] =	vst.msk vm0, v7  }
0x46f: {  	s12 =	sadd.s32 $0x100, s12;
	v7 =	vld [tilespmem:s14+$0xFFFFFFC0];
	s1 =	spop (v2sf)  }
0x470: {  	s0 =	sadd.s32 s0, s1  }
0x471: {  	s1 =	sshll.u32 s0, $0x1  }
0x472: {  	s2 =	sand.u32 $0x7F, s0;
	s1 =	sand.u32 $0xFFFFFF00, s1  }
0x473: {  	s13 =	sadd.s32 $0x80, s13;
	s1 =	sor.u32 s1, s2  }
0x474: {  	vm0 =	vgt.s32 v7, v6;
	v7 =	vor.u32 s13, v0;
	s1 =	sor.u32 s10, s1  }
0x475: {  	[tilespmem:s1+$0x2A00] =	vst.msk vm0, v7;
	v7 =	vsel vm0, $0x1, v1  }
0x476: {  	v8 =	vld [tilespmem:s12+$0xFFFFFFC0];
	(xrf0) =	vadd.scan.msk.s32 $0xffff, v7;
	_ =	sdelay $0x4  }
0x477: {  	[tilespmem:s1+$0x1900] =	vst.msk vm0, v8  }
0x478: {  	v7 =	vld [tilespmem:s14+$0xFFFFFFD0];
	v8, _, _ =	vpop (xrf0)  }
0x479: {  	(v2sf) =	vpush v8, $0xF;
	_ =	sdelay $0x3  }
0x47a: {  	vm13 =	vgt.s32 v7, v6  }
0x47b: {  	v7 =	vsel vm13, $0x1, v1  }
0x47c: {  	(xrf0) =	vadd.scan.msk.s32 $0xffff, v7;
	_ =	sdelay $0x5  }
0x47d: {  	v7, _, _ =	vpop (xrf0)  }
0x47e: {  	(v2sf) =	vpush v7, $0xF;
	_ =	sdelay $0x1  }
0x47f: {  	s9 =	spop (v2sf)  }
0x480: {  	s0 =	sadd.s32 s0, s9  }
0x481: {  	s1 =	sshll.u32 s0, $0x1  }
0x482: {  	s11 =	sand.u32 $0x7F, s0;
	s1 =	sand.u32 $0xFFFFFF00, s1  }
0x483: {  	s3 =	sadd.s32 $0x10, s13;
	s1 =	sor.u32 s1, s11  }
0x484: {  	v7 =	vor.u32 s3, v0;
	s1 =	sor.u32 s10, s1  }
0x485: {  	[tilespmem:s1+$0x2A00] =	vst.msk vm13, v7  }
0x486: {  	v7 =	vld [tilespmem:s12+$0xFFFFFFD0];
	_ =	sdelay $0x4  }
0x487: {  	[tilespmem:s1+$0x1900] =	vst.msk vm13, v7  }
0x488: {  	v7 =	vld [tilespmem:s14+$0xFFFFFFE0];
	s15 =	spop (v2sf)  }
0x489: {  	s0 =	sadd.s32 s0, s15  }
0x48a: {  	s1 =	sshll.u32 s0, $0x1  }
0x48b: {  	s16 =	sand.u32 $0x7F, s0;
	s1 =	sand.u32 $0xFFFFFF00, s1  }
0x48c: {  	s17 =	sadd.s32 $0x20, s13;
	s1 =	sor.u32 s1, s16  }
0x48d: {  	vm14 =	vgt.s32 v7, v6;
	v7 =	vor.u32 s17, v0;
	s1 =	sor.u32 s10, s1  }
0x48e: {  	[tilespmem:s1+$0x2A00] =	vst.msk vm14, v7;
	v7 =	vsel vm14, $0x1, v1  }
0x48f: {  	v8 =	vld [tilespmem:s12+$0xFFFFFFE0];
	(xrf0) =	vadd.scan.msk.s32 $0xffff, v7;
	_ =	sdelay $0x4  }
0x490: {  	[tilespmem:s1+$0x1900] =	vst.msk vm14, v8  }
0x491: {  	v7 =	vld [tilespmem:s14+$0xFFFFFFF0];
	v8, _, _ =	vpop (xrf0)  }
0x492: {  	(v2sf) =	vpush v8, $0xF;
	_ =	sdelay $0x3  }
0x493: {  	vm15 =	vgt.s32 v7, v6  }
0x494: {  	v7 =	vsel vm15, $0x1, v1  }
0x495: {  	(xrf0) =	vadd.scan.msk.s32 $0xffff, v7;
	_ =	sdelay $0x5  }
0x496: {  	v7, _, _ =	vpop (xrf0)  }
0x497: {  	(v2sf) =	vpush v7, $0xF;
	_ =	sdelay $0x1  }
0x498: {  	s18 =	spop (v2sf)  }
0x499: {  	s0 =	sadd.s32 s0, s18  }
0x49a: {  	s1 =	sshll.u32 s0, $0x1  }
0x49b: {  	s19 =	sand.u32 $0x7F, s0;
	s1 =	sand.u32 $0xFFFFFF00, s1  }
0x49c: {  	s20 =	sadd.s32 $0x30, s13;
	s1 =	sor.u32 s1, s19  }
0x49d: {  	v7 =	vor.u32 s20, v0;
	s1 =	sor.u32 s10, s1  }
0x49e: {  	[tilespmem:s1+$0x2A00] =	vst.msk vm15, v7  }
0x49f: {  	v7 =	vld [tilespmem:s12+$0xFFFFFFF0];
	_ =	sdelay $0x4  }
0x4a0: {  	[tilespmem:s1+$0x1900] =	vst.msk vm15, v7  }
0x4a1: {  	v7 =	vld [tilespmem:s14+$0x0];
	s21 =	spop (v2sf)  }
0x4a2: {  	s0 =	sadd.s32 s0, s21  }
0x4a3: {  	s1 =	sshll.u32 s0, $0x1  }
0x4a4: {  	s22 =	sand.u32 $0x7F, s0;
	s1 =	sand.u32 $0xFFFFFF00, s1  }
0x4a5: {  	s23 =	sadd.s32 $0x40, s13;
	s1 =	sor.u32 s1, s22  }
0x4a6: {  	vm4 =	vgt.s32 v7, v6;
	v7 =	vor.u32 s23, v0;
	s1 =	sor.u32 s10, s1  }
0x4a7: {  	[tilespmem:s1+$0x2A00] =	vst.msk vm4, v7;
	v7 =	vsel vm4, $0x1, v1  }
0x4a8: {  	v8 =	vld [tilespmem:s12+$0x0];
	(xrf0) =	vadd.scan.msk.s32 $0xffff, v7;
	_ =	sdelay $0x4  }
0x4a9: {  	[tilespmem:s1+$0x1900] =	vst.msk vm4, v8  }
0x4aa: {  	v7 =	vld [tilespmem:s14+$0x10];
	v8, _, _ =	vpop (xrf0)  }
0x4ab: {  	(v2sf) =	vpush v8, $0xF;
	_ =	sdelay $0x3  }
0x4ac: {  	vm5 =	vgt.s32 v7, v6  }
0x4ad: {  	v7 =	vsel vm5, $0x1, v1  }
0x4ae: {  	(xrf0) =	vadd.scan.msk.s32 $0xffff, v7;
	_ =	sdelay $0x5  }
0x4af: {  	v7, _, _ =	vpop (xrf0)  }
0x4b0: {  	(v2sf) =	vpush v7, $0xF;
	_ =	sdelay $0x1  }
0x4b1: {  	s24 =	spop (v2sf)  }
0x4b2: {  	s0 =	sadd.s32 s0, s24  }
0x4b3: {  	s1 =	sshll.u32 s0, $0x1  }
0x4b4: {  	s25 =	sand.u32 $0x7F, s0;
	s1 =	sand.u32 $0xFFFFFF00, s1  }
0x4b5: {  	s26 =	sadd.s32 $0x50, s13;
	s1 =	sor.u32 s1, s25  }
0x4b6: {  	v7 =	vor.u32 s26, v0;
	s1 =	sor.u32 s10, s1  }
0x4b7: {  	[tilespmem:s1+$0x2A00] =	vst.msk vm5, v7  }
0x4b8: {  	v7 =	vld [tilespmem:s12+$0x10];
	_ =	sdelay $0x4  }
0x4b9: {  	[tilespmem:s1+$0x1900] =	vst.msk vm5, v7  }
0x4ba: {  	v7 =	vld [tilespmem:s14+$0x20];
	s28 =	spop (v2sf)  }
0x4bb: {  	s0 =	sadd.s32 s0, s28  }
0x4bc: {  	s1 =	sshll.u32 s0, $0x1  }
0x4bd: {  	s30 =	sand.u32 $0x7F, s0;
	s1 =	sand.u32 $0xFFFFFF00, s1  }
0x4be: {  	s31 =	sadd.s32 $0x60, s13;
	s1 =	sor.u32 s1, s30  }
0x4bf: {  	vm6 =	vgt.s32 v7, v6;
	v7 =	vor.u32 s31, v0;
	s1 =	sor.u32 s10, s1  }
0x4c0: {  	[tilespmem:s1+$0x2A00] =	vst.msk vm6, v7;
	v7 =	vsel vm6, $0x1, v1  }
0x4c1: {  	v8 =	vld [tilespmem:s12+$0x20];
	(xrf0) =	vadd.scan.msk.s32 $0xffff, v7;
	_ =	sdelay $0x4  }
0x4c2: {  	[tilespmem:s1+$0x1900] =	vst.msk vm6, v8  }
0x4c3: {  	v7 =	vld [tilespmem:s14+$0x30];
	v8, _, _ =	vpop (xrf0)  }
0x4c4: {  	(v2sf) =	vpush v8, $0xF;
	_ =	sdelay $0x3  }
0x4c5: {  	vm7 =	vgt.s32 v7, v6  }
0x4c6: {  	v7 =	vsel vm7, $0x1, v1  }
0x4c7: {  	(xrf0) =	vadd.scan.msk.s32 $0xffff, v7;
	_ =	sdelay $0x5  }
0x4c8: {  	v7, _, _ =	vpop (xrf0)  }
0x4c9: {  	(v2sf) =	vpush v7, $0xF;
	_ =	sdelay $0x1  }
0x4ca: {  	s3 =	spop (v2sf)  }
0x4cb: {  	s0 =	sadd.s32 s0, s3  }
0x4cc: {  	s1 =	sshll.u32 s0, $0x1  }
0x4cd: {  	s4 =	sand.u32 $0x7F, s0;
	s1 =	sand.u32 $0xFFFFFF00, s1  }
0x4ce: {  	s5 =	sadd.s32 $0x70, s13;
	s1 =	sor.u32 s1, s4  }
0x4cf: {  	v7 =	vor.u32 s5, v0;
	s1 =	sor.u32 s10, s1  }
0x4d0: {  	[tilespmem:s1+$0x2A00] =	vst.msk vm7, v7  }
0x4d1: {  	v7 =	vld [tilespmem:s12+$0x30];
	_ =	sdelay $0x4  }
0x4d2: {  	s6 =	simm.s32 $0x1040;
	[tilespmem:s1+$0x1900] =	vst.msk vm7, v7  }
0x4d3: {  	s7 =	spop (v2sf);
	v7 =	vld [tilespmem:s6+$0xFFFFFFC0]  }
0x4d4: {  	s0 =	sadd.s32 s0, s7  }
0x4d5: {  	s2 =	sshll.u32 s0, $0x1  }
0x4d6: {  	s8 =	sand.u32 $0x7F, s0;
	s2 =	sand.u32 $0xFFFFFF00, s2  }
0x4d7: {  	v8 =	vshra.s32 v6, $0x1F;
	s4 =	simm.s32 $0x0;
	s2 =	sor.u32 s2, s8  }
0x4d8: {  	v8 =	vand.u32 $0x7FFFFFFF, v8;
	v9 =	vor.u32 s4, v0;
	vm8 =	veq.s32 v7, v6;
	s2 =	sor.u32 s10, s2  }
0x4d9: {  	v7 =	vxor.u32 v6, v8;
	[tilespmem:s2+$0x2A00] =	vst.msk vm8, v9;
	v8 =	vsel vm8, $0x1, v1  }
0x4da: {  	[tilespmem:s2+$0x1900] =	vst.msk vm8, v7;
	(xrf0) =	vadd.scan.msk.s32 $0xffff, v8  }
0x4db: {  	v8 =	vld [tilespmem:s6+$0xFFFFFFD0];
	_ =	sdelay $0x4  }
0x4dc: {  	vm9 =	veq.s32 v8, v6;
	v8, _, _ =	vpop (xrf0)  }
0x4dd: {  	v9 =	vsel vm9, $0x1, v1;
	(v2sf) =	vpush v8, $0xF  }
0x4de: {  	(xrf0) =	vadd.scan.msk.s32 $0xffff, v9;
	_ =	sdelay $0x5  }
0x4df: {  	v8, _, _ =	vpop (xrf0)  }
0x4e0: {  	(v2sf) =	vpush v8, $0xF;
	_ =	sdelay $0x6  }
0x4e1: {  	s9 =	spop (v2sf)  }
0x4e2: {  	s0 =	sadd.s32 s0, s9  }
0x4e3: {  	s2 =	sshll.u32 s0, $0x1  }
0x4e4: {  	s11 =	sand.u32 $0x7F, s0;
	s2 =	sand.u32 $0xFFFFFF00, s2  }
0x4e5: {  	s12 =	simm.s32 $0x10;
	s2 =	sor.u32 s2, s11  }
0x4e6: {  	v8 =	vor.u32 s12, v0;
	s2 =	sor.u32 s10, s2  }
0x4e7: {  	[tilespmem:s2+$0x2A00] =	vst.msk vm9, v8  }
0x4e8: {  	[tilespmem:s2+$0x1900] =	vst.msk vm9, v7  }
0x4e9: {  	v8 =	vld [tilespmem:s6+$0xFFFFFFE0];
	s13 =	spop (v2sf)  }
0x4ea: {  	s0 =	sadd.s32 s0, s13  }
0x4eb: {  	s2 =	sshll.u32 s0, $0x1  }
0x4ec: {  	s14 =	sand.u32 $0x7F, s0;
	s2 =	sand.u32 $0xFFFFFF00, s2  }
0x4ed: {  	s15 =	simm.s32 $0x20;
	s2 =	sor.u32 s2, s14  }
0x4ee: {  	vm10 =	veq.s32 v8, v6;
	v8 =	vor.u32 s15, v0;
	s2 =	sor.u32 s10, s2  }
0x4ef: {  	[tilespmem:s2+$0x2A00] =	vst.msk vm10, v8;
	v8 =	vsel vm10, $0x1, v1  }
0x4f0: {  	[tilespmem:s2+$0x1900] =	vst.msk vm10, v7;
	(xrf0) =	vadd.scan.msk.s32 $0xffff, v8  }
0x4f1: {  	v8 =	vld [tilespmem:s6+$0xFFFFFFF0];
	_ =	sdelay $0x4  }
0x4f2: {  	vm11 =	veq.s32 v8, v6;
	v8, _, _ =	vpop (xrf0)  }
0x4f3: {  	v9 =	vsel vm11, $0x1, v1;
	(v2sf) =	vpush v8, $0xF  }
0x4f4: {  	(xrf0) =	vadd.scan.msk.s32 $0xffff, v9;
	_ =	sdelay $0x5  }
0x4f5: {  	v8, _, _ =	vpop (xrf0)  }
0x4f6: {  	(v2sf) =	vpush v8, $0xF;
	_ =	sdelay $0x6  }
0x4f7: {  	s16 =	spop (v2sf)  }
0x4f8: {  	s0 =	sadd.s32 s0, s16  }
0x4f9: {  	s2 =	sshll.u32 s0, $0x1  }
0x4fa: {  	s17 =	sand.u32 $0x7F, s0;
	s2 =	sand.u32 $0xFFFFFF00, s2  }
0x4fb: {  	s18 =	simm.s32 $0x30;
	s2 =	sor.u32 s2, s17  }
0x4fc: {  	v8 =	vor.u32 s18, v0;
	s2 =	sor.u32 s10, s2  }
0x4fd: {  	[tilespmem:s2+$0x2A00] =	vst.msk vm11, v8  }
0x4fe: {  	[tilespmem:s2+$0x1900] =	vst.msk vm11, v7  }
0x4ff: {  	v8 =	vld [tilespmem:s6+$0x0];
	s19 =	spop (v2sf)  }
0x500: {  	s0 =	sadd.s32 s0, s19  }
0x501: {  	s2 =	sshll.u32 s0, $0x1  }
0x502: {  	s20 =	sand.u32 $0x7F, s0;
	s2 =	sand.u32 $0xFFFFFF00, s2  }
0x503: {  	s21 =	simm.s32 $0x40;
	s2 =	sor.u32 s2, s20  }
0x504: {  	vm12 =	veq.s32 v8, v6;
	v8 =	vor.u32 s21, v0;
	s2 =	sor.u32 s10, s2  }
0x505: {  	[tilespmem:s2+$0x2A00] =	vst.msk vm12, v8;
	v8 =	vsel vm12, $0x1, v1  }
0x506: {  	[tilespmem:s2+$0x1900] =	vst.msk vm12, v7;
	(xrf0) =	vadd.scan.msk.s32 $0xffff, v8  }
0x507: {  	v8 =	vld [tilespmem:s6+$0x10];
	_ =	sdelay $0x4  }
0x508: {  	vm13 =	veq.s32 v8, v6;
	v8, _, _ =	vpop (xrf0)  }
0x509: {  	v9 =	vsel vm13, $0x1, v1;
	(v2sf) =	vpush v8, $0xF  }
0x50a: {  	(xrf0) =	vadd.scan.msk.s32 $0xffff, v9;
	_ =	sdelay $0x5  }
0x50b: {  	v8, _, _ =	vpop (xrf0)  }
0x50c: {  	(v2sf) =	vpush v8, $0xF;
	_ =	sdelay $0x6  }
0x50d: {  	s22 =	spop (v2sf)  }
0x50e: {  	s0 =	sadd.s32 s0, s22  }
0x50f: {  	s2 =	sshll.u32 s0, $0x1  }
0x510: {  	s23 =	sand.u32 $0x7F, s0;
	s2 =	sand.u32 $0xFFFFFF00, s2  }
0x511: {  	s24 =	simm.s32 $0x50;
	s2 =	sor.u32 s2, s23  }
0x512: {  	v8 =	vor.u32 s24, v0;
	s2 =	sor.u32 s10, s2  }
0x513: {  	[tilespmem:s2+$0x2A00] =	vst.msk vm13, v8  }
0x514: {  	[tilespmem:s2+$0x1900] =	vst.msk vm13, v7  }
0x515: {  	v8 =	vld [tilespmem:s6+$0x20];
	s25 =	spop (v2sf)  }
0x516: {  	s0 =	sadd.s32 s0, s25  }
0x517: {  	s2 =	sshll.u32 s0, $0x1  }
0x518: {  	s26 =	sand.u32 $0x7F, s0;
	s2 =	sand.u32 $0xFFFFFF00, s2  }
0x519: {  	s28 =	simm.s32 $0x60;
	s2 =	sor.u32 s2, s26  }
0x51a: {  	vm14 =	veq.s32 v8, v6;
	v8 =	vor.u32 s28, v0;
	s2 =	sor.u32 s10, s2  }
0x51b: {  	[tilespmem:s2+$0x2A00] =	vst.msk vm14, v8;
	v8 =	vsel vm14, $0x1, v1  }
0x51c: {  	[tilespmem:s2+$0x1900] =	vst.msk vm14, v7;
	(xrf0) =	vadd.scan.msk.s32 $0xffff, v8  }
0x51d: {  	v8 =	vld [tilespmem:s6+$0x30];
	_ =	sdelay $0x4  }
0x51e: {  	vm15 =	veq.s32 v8, v6;
	v8, _, _ =	vpop (xrf0)  }
0x51f: {  	v9 =	vsel vm15, $0x1, v1;
	(v2sf) =	vpush v8, $0xF  }
0x520: {  	(xrf0) =	vadd.scan.msk.s32 $0xffff, v9;
	_ =	sdelay $0x5  }
0x521: {  	v8, _, _ =	vpop (xrf0)  }
0x522: {  	(v2sf) =	vpush v8, $0xF;
	_ =	sdelay $0x6  }
0x523: {  	s30 =	spop (v2sf)  }
0x524: {  	s0 =	sadd.s32 s0, s30  }
0x525: {  	s1 =	sshll.u32 s0, $0x1  }
0x526: {  	s31 =	sand.u32 $0x7F, s0;
	s1 =	sand.u32 $0xFFFFFF00, s1  }
0x527: {  	s13 =	simm.s32 $0x70;
	s1 =	sor.u32 s1, s31  }
0x528: {  	v8 =	vor.u32 s13, v0;
	s1 =	sor.u32 s10, s1  }
0x529: {  	[tilespmem:s1+$0x2A00] =	vst.msk vm15, v8  }
0x52a: {  	s12 =	simm.s32 $0x10C0;
	[tilespmem:s1+$0x1900] =	vst.msk vm15, v7  }
0x52b: {  	s14 =	simm.s32 $0x8;
	s6 =	rddreg [dreg:$0x1a];
	v8 =	vld [tilespmem:s12+$0xFFFFFFC0];
	s1 =	spop (v2sf)  }
.LBB2_23:
0x52c: {  	s14 =	sadd.s32 $0x8, s14;
	s0 =	sadd.s32 s0, s1;
	s13 =	sadd.s32 $0x80, s13  }
0x52d: {  	p0 =	slt.u32 s14, $0x78;
	s1 =	sshll.u32 s0, $0x1  }
0x52e: {  	s2 =	sand.u32 $0x7F, s0;
	s1 =	sand.u32 $0xFFFFFF00, s1  }
0x52f: {  	s3 =	sadd.s32 $0xFFFFFF90, s13;
	s1 =	sor.u32 s1, s2  }
0x530: {  	vm0 =	veq.s32 v8, v6;
	v8 =	vor.u32 s3, v0;
	s1 =	sor.u32 s10, s1  }
0x531: {  	[tilespmem:s1+$0x2A00] =	vst.msk vm0, v8;
	v8 =	vsel vm0, $0x1, v1  }
0x532: {  	[tilespmem:s1+$0x1900] =	vst.msk vm0, v7;
	(xrf0) =	vadd.scan.msk.s32 $0xffff, v8  }
0x533: {  	v8 =	vld [tilespmem:s12+$0xFFFFFFD0];
	_ =	sdelay $0x4  }
0x534: {  	vm0 =	veq.s32 v8, v6;
	v8, _, _ =	vpop (xrf0)  }
0x535: {  	v9 =	vsel vm0, $0x1, v1;
	(v2sf) =	vpush v8, $0xF  }
0x536: {  	(xrf0) =	vadd.scan.msk.s32 $0xffff, v9;
	_ =	sdelay $0x5  }
0x537: {  	v8, _, _ =	vpop (xrf0)  }
0x538: {  	(v2sf) =	vpush v8, $0xF;
	_ =	sdelay $0x6  }
0x539: {  	s1 =	spop (v2sf)  }
0x53a: {  	s0 =	sadd.s32 s0, s1  }
0x53b: {  	s1 =	sshll.u32 s0, $0x1  }
0x53c: {  	s2 =	sand.u32 $0x7F, s0;
	s1 =	sand.u32 $0xFFFFFF00, s1  }
0x53d: {  	s3 =	sadd.s32 $0xFFFFFFA0, s13;
	s1 =	sor.u32 s1, s2  }
0x53e: {  	v8 =	vor.u32 s3, v0;
	s1 =	sor.u32 s10, s1  }
0x53f: {  	[tilespmem:s1+$0x2A00] =	vst.msk vm0, v8  }
0x540: {  	[tilespmem:s1+$0x1900] =	vst.msk vm0, v7  }
0x541: {  	v8 =	vld [tilespmem:s12+$0xFFFFFFE0];
	s1 =	spop (v2sf)  }
0x542: {  	s0 =	sadd.s32 s0, s1  }
0x543: {  	s1 =	sshll.u32 s0, $0x1  }
0x544: {  	s2 =	sand.u32 $0x7F, s0;
	s1 =	sand.u32 $0xFFFFFF00, s1  }
0x545: {  	s3 =	sadd.s32 $0xFFFFFFB0, s13;
	s1 =	sor.u32 s1, s2  }
0x546: {  	vm0 =	veq.s32 v8, v6;
	v8 =	vor.u32 s3, v0;
	s1 =	sor.u32 s10, s1  }
0x547: {  	[tilespmem:s1+$0x2A00] =	vst.msk vm0, v8;
	v8 =	vsel vm0, $0x1, v1  }
0x548: {  	[tilespmem:s1+$0x1900] =	vst.msk vm0, v7;
	(xrf0) =	vadd.scan.msk.s32 $0xffff, v8  }
0x549: {  	v8 =	vld [tilespmem:s12+$0xFFFFFFF0];
	_ =	sdelay $0x4  }
0x54a: {  	vm0 =	veq.s32 v8, v6;
	v8, _, _ =	vpop (xrf0)  }
0x54b: {  	v9 =	vsel vm0, $0x1, v1;
	(v2sf) =	vpush v8, $0xF  }
0x54c: {  	(xrf0) =	vadd.scan.msk.s32 $0xffff, v9;
	_ =	sdelay $0x5  }
0x54d: {  	v8, _, _ =	vpop (xrf0)  }
0x54e: {  	(v2sf) =	vpush v8, $0xF;
	_ =	sdelay $0x6  }
0x54f: {  	s1 =	spop (v2sf)  }
0x550: {  	s0 =	sadd.s32 s0, s1  }
0x551: {  	s1 =	sshll.u32 s0, $0x1  }
0x552: {  	s2 =	sand.u32 $0x7F, s0;
	s1 =	sand.u32 $0xFFFFFF00, s1  }
0x553: {  	s3 =	sadd.s32 $0xFFFFFFC0, s13;
	s1 =	sor.u32 s1, s2  }
0x554: {  	v8 =	vor.u32 s3, v0;
	s1 =	sor.u32 s10, s1  }
0x555: {  	[tilespmem:s1+$0x2A00] =	vst.msk vm0, v8  }
0x556: {  	[tilespmem:s1+$0x1900] =	vst.msk vm0, v7  }
0x557: {  	v8 =	vld [tilespmem:s12+$0x0];
	s1 =	spop (v2sf)  }
0x558: {  	s0 =	sadd.s32 s0, s1  }
0x559: {  	s1 =	sshll.u32 s0, $0x1  }
0x55a: {  	s2 =	sand.u32 $0x7F, s0;
	s1 =	sand.u32 $0xFFFFFF00, s1  }
0x55b: {  	s3 =	sadd.s32 $0xFFFFFFD0, s13;
	s1 =	sor.u32 s1, s2  }
0x55c: {  	vm0 =	veq.s32 v8, v6;
	v8 =	vor.u32 s3, v0;
	s1 =	sor.u32 s10, s1  }
0x55d: {  	[tilespmem:s1+$0x2A00] =	vst.msk vm0, v8;
	v8 =	vsel vm0, $0x1, v1  }
0x55e: {  	[tilespmem:s1+$0x1900] =	vst.msk vm0, v7;
	(xrf0) =	vadd.scan.msk.s32 $0xffff, v8  }
0x55f: {  	v8 =	vld [tilespmem:s12+$0x10];
	_ =	sdelay $0x4  }
0x560: {  	vm0 =	veq.s32 v8, v6;
	v8, _, _ =	vpop (xrf0)  }
0x561: {  	v9 =	vsel vm0, $0x1, v1;
	(v2sf) =	vpush v8, $0xF  }
0x562: {  	(xrf0) =	vadd.scan.msk.s32 $0xffff, v9;
	_ =	sdelay $0x5  }
0x563: {  	v8, _, _ =	vpop (xrf0)  }
0x564: {  	(v2sf) =	vpush v8, $0xF;
	_ =	sdelay $0x6  }
0x565: {  	s1 =	spop (v2sf)  }
0x566: {  	s0 =	sadd.s32 s0, s1  }
0x567: {  	s1 =	sshll.u32 s0, $0x1  }
0x568: {  	s2 =	sand.u32 $0x7F, s0;
	s1 =	sand.u32 $0xFFFFFF00, s1  }
0x569: {  	s3 =	sadd.s32 $0xFFFFFFE0, s13;
	s1 =	sor.u32 s1, s2  }
0x56a: {  	v8 =	vor.u32 s3, v0;
	s1 =	sor.u32 s10, s1  }
0x56b: {  	[tilespmem:s1+$0x2A00] =	vst.msk vm0, v8  }
0x56c: {  	[tilespmem:s1+$0x1900] =	vst.msk vm0, v7  }
0x56d: {  	v8 =	vld [tilespmem:s12+$0x20];
	s1 =	spop (v2sf)  }
0x56e: {  	s0 =	sadd.s32 s0, s1  }
0x56f: {  	s1 =	sshll.u32 s0, $0x1  }
0x570: {  	s2 =	sand.u32 $0x7F, s0;
	s1 =	sand.u32 $0xFFFFFF00, s1  }
0x571: {  	s3 =	sadd.s32 $0xFFFFFFF0, s13;
	s1 =	sor.u32 s1, s2  }
0x572: {  	vm0 =	veq.s32 v8, v6;
	v8 =	vor.u32 s3, v0;
	s1 =	sor.u32 s10, s1  }
0x573: {  	[tilespmem:s1+$0x2A00] =	vst.msk vm0, v8;
	v8 =	vsel vm0, $0x1, v1  }
0x574: {  	[tilespmem:s1+$0x1900] =	vst.msk vm0, v7;
	(xrf0) =	vadd.scan.msk.s32 $0xffff, v8  }
0x575: {  	v8 =	vld [tilespmem:s12+$0x30];
	_ =	sdelay $0x4  }
0x576: {  	vm0 =	veq.s32 v8, v6;
	v8, _, _ =	vpop (xrf0)  }
0x577: {  	v9 =	vsel vm0, $0x1, v1;
	(v2sf) =	vpush v8, $0xF  }
0x578: {  	(xrf0) =	vadd.scan.msk.s32 $0xffff, v9;
	_ =	sdelay $0x5  }
0x579: {  	v8, _, _ =	vpop (xrf0)  }
0x57a: {  	(v2sf) =	vpush v8, $0xF;
	_ =	sdelay $0x6  }
0x57b: {  	s1 =	spop (v2sf)  }
0x57c: {  	s0 =	sadd.s32 s0, s1  }
0x57d: {  	s1 =	sshll.u32 s0, $0x1  }
0x57e: {  	s2 =	sand.u32 $0x7F, s0;
	s1 =	sand.u32 $0xFFFFFF00, s1  }
.Ltmp10:
0x57f: {  	s1 =	sor.u32 s1, s2;
	(pc) =	sbr.rel @p0 .LBB2_23-.Ltmp10, $4  }
0x580: {  	v8 =	vor.u32 s13, v0;
	s1 =	sor.u32 s10, s1  }
0x581: {  	[tilespmem:s1+$0x2A00] =	vst.msk vm0, v8  }
0x582: {  	s12 =	sadd.s32 $0x80, s12;
	[tilespmem:s1+$0x1900] =	vst.msk vm0, v7  }
0x583: {  	v8 =	vld [tilespmem:s12+$0xFFFFFFC0];
	s1 =	spop (v2sf)  }
0x584: {  	s0 =	sadd.s32 s0, s1  }
0x585: {  	s2 =	sshll.u32 s0, $0x1  }
0x586: {  	s20 =	sadd.s32 $0x80, s13;
	s3 =	sand.u32 $0x7F, s0;
	s2 =	sand.u32 $0xFFFFFF00, s2  }
0x587: {  	s4 =	sadd.s32 $0xFFFFFF90, s20;
	s2 =	sor.u32 s2, s3  }
0x588: {  	v41 =	vor.u32 s4, v0;
	vm0 =	veq.s32 v8, v6;
	s2 =	sor.u32 s10, s2  }
0x589: {  	[tilespmem:s2+$0x2A00] =	vst.msk vm0, v41;
	v42 =	vsel vm0, $0x1, v1  }
0x58a: {  	[tilespmem:s2+$0x1900] =	vst.msk vm0, v7;
	(xrf0) =	vadd.scan.msk.s32 $0xffff, v42  }
0x58b: {  	v43 =	vld [tilespmem:s12+$0xFFFFFFD0];
	_ =	sdelay $0x4  }
0x58c: {  	vm9 =	veq.s32 v43, v6;
	v44, _, _ =	vpop (xrf0)  }
0x58d: {  	v9 =	vsel vm9, $0x1, v1;
	(v2sf) =	vpush v44, $0xF  }
0x58e: {  	(xrf0) =	vadd.scan.msk.s32 $0xffff, v9;
	_ =	sdelay $0x5  }
0x58f: {  	v45, _, _ =	vpop (xrf0)  }
0x590: {  	(v2sf) =	vpush v45, $0xF;
	_ =	sdelay $0x6  }
0x591: {  	s21 =	spop (v2sf)  }
0x592: {  	s0 =	sadd.s32 s0, s21  }
0x593: {  	s2 =	sshll.u32 s0, $0x1  }
0x594: {  	s22 =	sand.u32 $0x7F, s0;
	s2 =	sand.u32 $0xFFFFFF00, s2  }
0x595: {  	s23 =	sadd.s32 $0xFFFFFFA0, s20;
	s2 =	sor.u32 s2, s22  }
0x596: {  	v46 =	vor.u32 s23, v0;
	s2 =	sor.u32 s10, s2  }
0x597: {  	[tilespmem:s2+$0x2A00] =	vst.msk vm9, v46  }
0x598: {  	[tilespmem:s2+$0x1900] =	vst.msk vm9, v7  }
0x599: {  	v8 =	vld [tilespmem:s12+$0xFFFFFFE0];
	s24 =	spop (v2sf)  }
0x59a: {  	s0 =	sadd.s32 s0, s24  }
0x59b: {  	s2 =	sshll.u32 s0, $0x1  }
0x59c: {  	s25 =	sand.u32 $0x7F, s0;
	s2 =	sand.u32 $0xFFFFFF00, s2  }
0x59d: {  	s26 =	sadd.s32 $0xFFFFFFB0, s20;
	s2 =	sor.u32 s2, s25  }
0x59e: {  	v47 =	vor.u32 s26, v0;
	vm10 =	veq.s32 v8, v6;
	s2 =	sor.u32 s10, s2  }
0x59f: {  	[tilespmem:s2+$0x2A00] =	vst.msk vm10, v47;
	v48 =	vsel vm10, $0x1, v1  }
0x5a0: {  	[tilespmem:s2+$0x1900] =	vst.msk vm10, v7;
	(xrf0) =	vadd.scan.msk.s32 $0xffff, v48  }
0x5a1: {  	v49 =	vld [tilespmem:s12+$0xFFFFFFF0];
	_ =	sdelay $0x4  }
0x5a2: {  	vm11 =	veq.s32 v49, v6;
	v50, _, _ =	vpop (xrf0)  }
0x5a3: {  	v51 =	vsel vm11, $0x1, v1;
	(v2sf) =	vpush v50, $0xF  }
0x5a4: {  	(xrf0) =	vadd.scan.msk.s32 $0xffff, v51;
	_ =	sdelay $0x5  }
0x5a5: {  	v52, _, _ =	vpop (xrf0)  }
0x5a6: {  	(v2sf) =	vpush v52, $0xF;
	_ =	sdelay $0x6  }
0x5a7: {  	s28 =	spop (v2sf)  }
0x5a8: {  	s0 =	sadd.s32 s0, s28  }
0x5a9: {  	s2 =	sshll.u32 s0, $0x1  }
0x5aa: {  	s30 =	sand.u32 $0x7F, s0;
	s2 =	sand.u32 $0xFFFFFF00, s2  }
0x5ab: {  	s31 =	sadd.s32 $0xFFFFFFC0, s20;
	s2 =	sor.u32 s2, s30  }
0x5ac: {  	v53 =	vor.u32 s31, v0;
	s2 =	sor.u32 s10, s2  }
0x5ad: {  	[tilespmem:s2+$0x2A00] =	vst.msk vm11, v53  }
0x5ae: {  	[tilespmem:s2+$0x1900] =	vst.msk vm11, v7  }
0x5af: {  	v8 =	vld [tilespmem:s12+$0x0];
	s3 =	spop (v2sf)  }
0x5b0: {  	s0 =	sadd.s32 s0, s3  }
0x5b1: {  	s2 =	sshll.u32 s0, $0x1  }
0x5b2: {  	s4 =	sand.u32 $0x7F, s0;
	s2 =	sand.u32 $0xFFFFFF00, s2  }
0x5b3: {  	s5 =	sadd.s32 $0xFFFFFFD0, s20;
	s2 =	sor.u32 s2, s4  }
0x5b4: {  	v54 =	vor.u32 s5, v0;
	vm12 =	veq.s32 v8, v6;
	s2 =	sor.u32 s10, s2  }
0x5b5: {  	[tilespmem:s2+$0x2A00] =	vst.msk vm12, v54;
	v55 =	vsel vm12, $0x1, v1  }
0x5b6: {  	[tilespmem:s2+$0x1900] =	vst.msk vm12, v7;
	(xrf0) =	vadd.scan.msk.s32 $0xffff, v55  }
0x5b7: {  	v56 =	vld [tilespmem:s12+$0x10];
	_ =	sdelay $0x4  }
0x5b8: {  	vm13 =	veq.s32 v56, v6;
	v57, _, _ =	vpop (xrf0)  }
0x5b9: {  	v58 =	vsel vm13, $0x1, v1;
	(v2sf) =	vpush v57, $0xF  }
0x5ba: {  	(xrf0) =	vadd.scan.msk.s32 $0xffff, v58;
	_ =	sdelay $0x5  }
0x5bb: {  	v59, _, _ =	vpop (xrf0)  }
0x5bc: {  	(v2sf) =	vpush v59, $0xF;
	_ =	sdelay $0x6  }
0x5bd: {  	s7 =	spop (v2sf)  }
0x5be: {  	s0 =	sadd.s32 s0, s7  }
0x5bf: {  	s2 =	sshll.u32 s0, $0x1  }
0x5c0: {  	s8 =	sand.u32 $0x7F, s0;
	s2 =	sand.u32 $0xFFFFFF00, s2  }
0x5c1: {  	s9 =	sadd.s32 $0xFFFFFFE0, s20;
	s2 =	sor.u32 s2, s8  }
0x5c2: {  	v60 =	vor.u32 s9, v0;
	s2 =	sor.u32 s10, s2  }
0x5c3: {  	[tilespmem:s2+$0x2A00] =	vst.msk vm13, v60  }
0x5c4: {  	[tilespmem:s2+$0x1900] =	vst.msk vm13, v7  }
0x5c5: {  	v8 =	vld [tilespmem:s12+$0x20];
	s11 =	spop (v2sf)  }
0x5c6: {  	s0 =	sadd.s32 s0, s11  }
0x5c7: {  	s2 =	sshll.u32 s0, $0x1  }
0x5c8: {  	s13 =	sand.u32 $0x7F, s0;
	s2 =	sand.u32 $0xFFFFFF00, s2  }
0x5c9: {  	s14 =	sadd.s32 $0xFFFFFFF0, s20;
	s2 =	sor.u32 s2, s13  }
0x5ca: {  	v61 =	vor.u32 s14, v0;
	vm14 =	veq.s32 v8, v6;
	s2 =	sor.u32 s10, s2  }
0x5cb: {  	[tilespmem:s2+$0x2A00] =	vst.msk vm14, v61  }
0x5cc: {  	v62 =	vsel vm14, $0x1, v1;
	[tilespmem:s2+$0x1900] =	vst.msk vm14, v7  }
0x5cd: {  	(xrf0) =	vadd.scan.msk.s32 $0xffff, v62;
	v63 =	vld [tilespmem:s12+$0x30];
	_ =	sdelay $0x4  }
0x5ce: {  	vm15 =	veq.s32 v63, v6  }
0x5cf: {  	v6, _, _ =	vpop (xrf0);
	v8 =	vsel vm15, $0x1, v1  }
0x5d0: {  	(v2sf) =	vpush v6, $0xF;
	(xrf0) =	vadd.scan.msk.s32 $0xffff, v8;
	_ =	sdelay $0x5  }
0x5d1: {  	v6, _, _ =	vpop (xrf0)  }
0x5d2: {  	(v2sf) =	vpush v6, $0xF;
	_ =	sdelay $0x7  }
0x5d3: {  	s15 =	spop (v2sf)  }
0x5d4: {  	s0 =	sadd.s32 s0, s15  }
0x5d5: {  	s2 =	sshll.u32 s0, $0x1  }
0x5d6: {  	s0 =	sand.u32 $0x7F, s0;
	s2 =	sand.u32 $0xFFFFFF00, s2  }
0x5d7: {  	s0 =	sor.u32 s2, s0  }
0x5d8: {  	s16 =	sshll.u32 s6, $0xD;
	s18 =	sadd.s32 $0x2A00, s10;
	v6 =	vor.u32 s20, v0;
	s0 =	sor.u32 s10, s0  }
0x5d9: {  	s19 =	rddreg [dreg:$0x1];
	s1 =	sand.u32 $0x3FFFE000, s16;
	s21 =	simm.s32 $0x2;
	[tilespmem:s0+$0x2A00] =	vst.msk vm15, v6  }
0x5da: {  	s20 =	simm.s32 $0x40;
	[tilespmem:s0+$0x1900] =	vst.msk vm15, v7;
	s0 =	sadd.s32 $0x3B00, s1;
	s17 =	spop (v2sf)  }
0x5db: {  	[tilespmem:s0], [sflag:$0x2] =	stream.indirect.gather [hbm4b:s19+s20], $0x80, s18, s20, $0xb8;
	[tilespmem:$0x7B00] =	vst v63  }
0x5dc: {  	_ =	swait.ge [sflag:s21], $0x2000  }
0x5dd: {  	s31 =	rddreg [dreg:$0x1b]  }
0x5de: {  	s25 =	simm.s32 $0x0;
	s22 =	rddreg [dreg:$0x1c];
	s2 =	sadd.s32 $0x1, s31  }
0x5df: {  	[sflag:s21] =	ssyncset.done $0x0;
	s24 =	rddreg [dreg:$0x4];
	p0 =	sne.s32 s2, $0x80  }
.Ltmp11:
0x5e0: {  	s28 =	rddreg [dreg:$0x3];
	s23 =	sshll.u32 s22, $0xA;
	(pc) =	sbr.rel @p0 .LBB2_2-.Ltmp11, $4  }
0x5e1: {  	[sflag:s21] =	ssyncadd.s32 $0xFFFFE000;
	s26 =	sshll.u32 s22, $0x3;
	s1 =	sadd.s32 s24, s23  }
0x5e2: {  	[hbm4b:s1+s25] =	stream.linear.scatter [tilespmem:s0], [sflag:$0x3], $0x2000, $0x38;
	[tilespmem:$0x7B00] =	vst v63  }
0x5e3: {  	s6 =	sxor.u32 $0x1, s6;
	s30 =	sadd.s32 $0x1900, s10;
	s0 =	sadd.s32 s28, s26  }
0x5e4: {  	[hbm4b:s0+s25] =	stream.linear.scatter [tilespmem:s30], [sflag:$0x3], $0x40, $0x38;
	[tilespmem:$0x7B00] =	vst v63  }
0x5e5: {  	s1 =	simm.s32 $0x3  }
0x5e6: {  	_ =	swait.ge [sflag:s1], $0x2000  }
0x5e7: {  	[sflag:s1] =	ssyncset.done $0x0  }
0x5e8: {  	[sflag:s1] =	ssyncadd.s32 $0xFFFFE000  }
0x5e9: {  	_ =	swait.ge [sflag:s1], $0x40  }
0x5ea: {  	[sflag:s1] =	ssyncset.done $0x0  }
0x5eb: {  	[sflag:s1] =	ssyncadd.s32 $0xFFFFFFC0  }
0x5ec: {  	_ =	swait.ge [sflag:s1], $0x2000  }
0x5ed: {  	[sflag:s1] =	ssyncset.done $0x0  }
0x5ee: {  	[sflag:s1] =	ssyncadd.s32 $0xFFFFE000  }
0x5ef: {  	_ =	swait.ge [sflag:s1], $0x40  }
0x5f0: {  	s2 =	rddreg [dreg:$0x19]  }
0x5f1: {  	s0 =	rddreg [dreg:$0x9];
	s2 =	sadd.s32 $0x1, s2  }
0x5f2: {  	p0 =	sne.s32 s2, s0  }
.Ltmp12:
0x5f3: {  	_ = 	snop;
	(pc) =	sbr.rel @p0 .LBB2_1-.Ltmp12, $3  }
0x5f4: {  	_ =	sdelay $0x1  }
0x5f5: {  	[sflag:s1] =	ssyncset.done $0x0  }
0x5f6: {  	[sflag:s1] =	ssyncadd.s32 $0xFFFFFFC0  }
0x5f7: {  	_ =	sfence.sel $0x180000  }
0x5f8: {  	[bflag:$0x0] =	sbarrier.arrive $0xFFFF  }
0x5f9: {  	_ =	strace $0x9000004A  }
0x5fa: {  	s0 =	stileid.u32;
	[bflag:$0x2] =	sbarrier.arrive $0xFFFF  }
0x5fb: {  	p0 =	sne.s32 s0, $0x0;
	s0 =	rddreg [dreg:$0x2]  }
0x5fc: {  	s0 =	sadd.s32 @!p0 $0x100000, s0  }
0x5fd: {  	[sflag:s0] =	ssyncadd.tile.s32 @!p0 $0x1;
	_ =	shalt  }
.Lfunc_end2:
_tile_overlayer_lowered:
.L_overlay_start_2:
0x5fe: {  	(tag) =	ssettag $0x2  }
0x5ff: {  	s0 =	rddreg [dreg:$0x0];
	s2 =	stileid.u32  }
0x600: {  	s1 =	rddreg [dreg:$0x1];
	p0 =	sne.s32 s2, $0x0  }
0x601: {  	s3 =	rddreg [dreg:$0x2];
	[bflag:$0x3] =	sbarrier.arrive $0xFFFF;
	s2 =	simm.s32 @!p0 $0x1C04  }
0x602: {  	[timem:s3], [sflag:s2] =	dma.local @!p0 [hbm:s0], s1  }
0x603: {  	s0 =	simm.s32 @!p0 $0x4  }
0x604: {  	_ =	swait.ge @!p0 [sflag:s0], s1  }
0x605: {  	s1 =	ssub.s32 @!p0 $0x0, s1;
	[sflag:s0] =	ssyncset.done @!p0 $0x0  }
0x606: {  	[sflag:s0] =	ssyncadd.s32 @!p0 s1  }
0x607: {  	[bflag:$0x3] =	sbarrier.arrive $0xFFFF  }
0x608: {  	_ =	shalt  }

// kernel: sparse-core-data-format-call.cloned.1.call-start
scs
called_computation_lowered:
.L_overlay_start_0:
0x0: {  	s2 =	sld [smem:$0x3FD9]  }
0x1: {  	s3 =	sld [smem:$0x3FFE];
	_ =	sdelay $0x1  }
0x2: {  	s1 =	srdreg.scid  }
0x3: {  	s0 =	sand.u32 $0x1, s1  }
0x4: {  	s18 =	sshll.u32 s0, $0xA;
	s2 =	sadd.s32 s3, s2  }
0x5: {  	s2 =	sadd.s32 s2, s18  }
0x6: {  	[smem:$0x3FC5] =	sst s2  }
0x7: {  	_ = 	snop  }
0x8: {  	s2 =	sld [smem:$0x3FC8];
	(tm) =	ssettm $0x1  }
0x9: {  	s19 =	sld [smem:$0x3FFB];
	_ =	sdelay $0x3  }
0xa: {  	_ =	strace s19  }
0xb: {  	s3 =	sld [smem:$0x3FFC];
	_ =	sdelay $0x3  }
0xc: {  	_ =	strace s3  }
0xd: {  	s3 =	sld [smem:$0x3FFD];
	_ =	sdelay $0x3  }
0xe: {  	_ =	strace s3  }
0xf: {  	_ =	strace $0x8FFFFFFF  }
0x10: {  	s20 =	sld [smem:$0x3FDB];
	_ =	sdelay $0x1  }
0x11: {  	s4 =	simm.s32 $_scs_section_size  }
0x12: {  	s5 =	simm.s32 $_size__tile_overlayer_lowered;
	s6 =	simm.s32 $_tile_overlayer_lowered  }
0x13: {  	s23 =	simm.s32 $0x1BFF;
	s22 =	sshll.u32 s6, $0x1;
	s3 =	sadd.s32 s4, s20  }
0x14: {  	s7 =	simm.s32 $0x0;
	s21 =	sshll.u32 s5, $0x1;
	s5 =	sadd.s32 s22, s3  }
0x15: {  	[timem:s7], [sflag:s23] =	dma.local [hbm:s5], s21  }
0x16: {  	_ =	swait.ge [sflag:s23], s21  }
0x17: {  	s4 =	ssub.s32 $0x0, s21;
	[sflag:s23] =	ssyncset.done $0x0  }
0x18: {  	[sflag:s23] =	ssyncadd.s32 s4;
	_ =	sdelay $0x1  }
0x19: {  	s24 =	simm.s32 $0x1B8B  }
0x1a: {  	_ =	swait.ge [sflag:s24], $0x1  }
0x1b: {  	[sflag:s24] =	ssyncset.done $0x0  }
0x1c: {  	s26 =	simm.s32 $0x1B8E;
	s25 =	sld [smem:$0x3FFE];
	[sflag:s24] =	ssyncadd.s32 $0xFFFFFFFF  }
0x1d: {  	s27 =	simm.s32 $execute0_lowered;
	[smem:$0x3FD2] =	sst s26  }
0x1e: {  	s5 =	sshll.u32 s27, $0x1;
	_ =	strace $0x80000046;
	[dreg:$0x1] =	wrdreg $0xFFFFFFFF  }
0x1f: {  	s28 =	simm.s32 $_size_execute0_lowered;
	s3 =	sadd.s32 s3, s5;
	[dreg:$0x0] =	wrdreg $0x0  }
0x20: {  	s5 =	sshll.u32 s28, $0x1;
	[dreg:$0x2] =	wrdreg s3  }
0x21: {  	[dreg:$0x3] =	wrdreg s5  }
0x22: {  	[dreg:$0x4] =	wrdreg $0xC0  }
0x23: {  	_ =	task [dreg:s7], $0x5FFFF  }
0x24: {  	[dreg:$0x1] =	wrdreg $0xFFFFFFFF  }
0x25: {  	[dreg:$0x0] =	wrdreg $0x60  }
0x26: {  	[dreg:$0x2] =	wrdreg s2  }
0x27: {  	[dreg:$0x3] =	wrdreg s25  }
0x28: {  	[dreg:$0x4] =	wrdreg $0x9  }
0x29: {  	_ =	task.clear_ibuf [dreg:s7], $0x5FFFF;
	_ =	strace $0x90000046  }
0x2a: {  	s29 =	simm.s32 $0x9;
	_ =	strace $0x80000048  }
0x2b: {  	_ =	swait.ge [sflag:s29], $0x1  }
0x2c: {  	[sflag:s29] =	ssyncadd.s32 $0xFFFFFFFF  }
0x2d: {  	_ =	strace $0x90000048  }
0x2e: {  	_ =	sfence  }
0x2f: {  	s30 =	sld [smem:$0x0];
	_ =	sdelay $0x2  }
0x30: {  	s31 =	sshll.u32 s1, $0xD;
	s1 =	sshrl.u32 s1, $0x2  }
0x31: {  	s3 =	sand.u32 $0x4000, s31;
	s1 =	sadd.s32 s1, s30  }
0x32: {  	s0 =	sor.u32 s3, s0;
	s1 =	sshll.u32 s1, $0x11  }
0x33: {  	s0 =	sor.u32 s1, s0  }
0x34: {  	s0 =	sadd.s32 $0x8F2B, s0  }
0x35: {  	[sflag:s0] =	ssyncadd.remote.s32 $0x1  }
0x36: {  	_ =	sfence.sel $0xFFFF  }
0x37: {  	[dreg:$0x0] =	wrdreg $0xFFFFFFFF;
	(pc) =	sbr.abs _section_cstart, $3  }
0x38: {  	[dreg:$0x1] =	wrdreg $0xFFFFFFFF  }
0x39: {  	_ =	task.clear_ibuf [dreg:s7], $0x2FFFF;
	_ =	strace $0x9FFFFFFF  }
0x3a: {  	(tm) =	ssettm $0x7FFFFFFF  }
0x3b: {  	_ =	shalt  }
tec
execute0_lowered:
.L_overlay_start_1:
0x0: {  	(tag) =	ssettag $0x1  }
0x1: {  	s2 =	rddreg [dreg:$0x0]  }
0x2: {  	s1 =	rddreg [dreg:$0x1]  }
0x3: {  	s0 =	rddreg [dreg:$0x2];
	_ =	strace $0x80000047;
	s4 =	srdreg.scid  }
.Ltmp0:
0x4: {  	s6 =	simm.s32 $0x2;
	p0 =	por $0x0, $0x0;
	(pc) =	sbr.rel .LBB1_1-.Ltmp0, $4  }
0x5: {  	s9 =	simm.s32 $0x0;
	s3 =	sadd.s32 $0xC00, s1;
	s5 =	sshll.u32 s4, $0x4  }
0x6: {  	s1 =	stileid.u32;
	s4 =	simm.s32 $0x1;
	s5 =	sand.u32 $0x10, s5  }
0x7: {  	s7 =	simm.s32 $0x0;
	[sflag:s4] =	ssyncpa.u1 $0x0;
	s5 =	sor.u32 s1, s5  }
0x8: {  	[sflag:s6] =	ssyncpa.u1 $0x0;
	s6 =	simm.s32 $0x0;
	s8 =	smov.u32 s5  }
.LBB1_7:
0x9: {  	s11 =	sadd.s32 $0x20, s8  }
0xa: {  	p1 =	slt.u32 s7, $0x2;
	s7 =	sadd.s32 $0x1, s7;
	p2 =	sgt.s32 s11, $0x1FF  }
0xb: {  	s11 =	smov.u32 @p2 s5;
	p2 =	sne.s32 s7, $0x12  }
.Ltmp1:
0xc: {  	_ = 	snop;
	(pc) =	sbr.rel @!p2 .LBB1_8-.Ltmp1, $4  }
0xd: {  	s10 =	simm.s32 @!p1 $0x2  }
0xe: {  	_ =	swait.ge @!p1 [sflag:s10], $0x4000  }
0xf: {  	s9 =	smov.u32 s8;
	[sflag:s10] =	ssyncset.done @!p1 $0x0  }
0x10: {  	p0 =	por !p0, !p0;
	s8 =	smov.u32 s11;
	[sflag:s10] =	ssyncadd.s32 @!p1 $0xFFFFC000  }
.LBB1_1:
0x11: {  	p1 =	sgt.u32 s7, $0xF  }
0x12: {  	s10 =	sxor.u32 @!p1 $0xFFFFFFFF, s7  }
0x13: {  	s11 =	sshll.u32 @!p1 s8, $0xB;
	s10 =	sshll.u32 @!p1 s10, $0xE  }
0x14: {  	s12 =	simm.s32 @!p1 $0x0;
	s11 =	sadd.s32 @!p1 s2, s11;
	s10 =	sand.u32 @!p1 $0x4000, s10  }
0x15: {  	[tilespmem:s10], [sflag:$0x1] =	stream.linear.gather @!p1 [hbm4b:s11+s12], $0x4000, $0x38;
	[tilespmem:$0x10000] =	vst v63  }
0x16: {  	p1 =	seq.s32 s7, $0x0  }
0x17: {  	p2 =	seq.s32 @!p1 s7, $0x11  }
0x18: {  	p1 =	por p1, p2  }
.Ltmp2:
0x19: {  	_ = 	snop;
	(pc) =	sbr.rel @p1 .LBB1_7-.Ltmp2, $1  }
0x1a: {  	_ =	sdelay $0x3  }
0x1b: {  	s10 =	simm.s32 $0x1;
	_ =	swait.ge [sflag:s4], $0x4000;
	s12 =	sshll.u32 s7, $0xE  }
0x1c: {  	s13 =	simm.s32 $0x0;
	s10 =	simm.s32 @!p0 $0x0;
	[sflag:s4] =	ssyncset.done $0x0  }
0x1d: {  	s12 =	sand.u32 $0x4000, s12;
	s11 =	sshll.u32 s10, $0xE;
	[sflag:s4] =	ssyncadd.s32 $0xFFFFC000  }
0x1e: {  	s12 =	sor.u32 $0x8000, s12;
	s10 =	sor.u32 $0x8040, s11;
	s11 =	sor.u32 $0x40, s11  }
.LBB1_3:
0x1f: {  	v0 =	vmov s11;
	_ =	sdelay $0x3  }
0x20: {  	s15 =	simm.s32 $0x0  }
0x21: {  	v6 =	vld.idx.msk [tilespmem:v0+s15+$0x30 ss:$0x1], $0xffff  }
0x22: {  	v7 =	vld.idx.msk [tilespmem:v0+s15+$0xFFFFFFC0 ss:$0x1], $0xffff  }
0x23: {  	v5 =	vld.idx.msk [tilespmem:v0+s15+$0xFFFFFFD0 ss:$0x1], $0xffff  }
0x24: {  	v4 =	vld.idx.msk [tilespmem:v0+s15+$0xFFFFFFE0 ss:$0x1], $0xffff  }
0x25: {  	v3 =	vld.idx.msk [tilespmem:v0+s15+$0xFFFFFFF0 ss:$0x1], $0xffff  }
0x26: {  	v1 =	vld.idx.msk [tilespmem:v0+s15+$0x0 ss:$0x1], $0xffff  }
0x27: {  	v2 =	vld.idx.msk [tilespmem:v0+s15+$0x10 ss:$0x1], $0xffff;
	[tilespmem:s10+$0x30] =	vst v6  }
0x28: {  	s14 =	simm.s32 $0x80;
	s16 =	simm.s32 $0x400;
	[tilespmem:s10+$0xFFFFFFC0] =	vst v7;
	v6 =	vld.idx.msk [tilespmem:v0+s15+$0x20 ss:$0x1], $0xffff;
	s15 =	smov.u32 s10  }
.LBB1_4:
0x29: {  	p1 =	sne.s32 s16, $0xE00;
	v7 =	vld.idx.msk [tilespmem:v0+s14+$0x30 ss:$0x1], $0xffff;
	[tilespmem:s15+$0xFFFFFFD0] =	vst v5  }
0x2a: {  	v8 =	vld.idx.msk [tilespmem:v0+s14+$0xFFFFFFC0 ss:$0x1], $0xffff;
	[tilespmem:s15+$0xFFFFFFE0] =	vst v4  }
0x2b: {  	v5 =	vld.idx.msk [tilespmem:v0+s14+$0xFFFFFFD0 ss:$0x1], $0xffff;
	[tilespmem:s15+$0xFFFFFFF0] =	vst v3  }
.Ltmp3:
0x2c: {  	v4 =	vld.idx.msk [tilespmem:v0+s14+$0xFFFFFFE0 ss:$0x1], $0xffff;
	[tilespmem:s15+$0x0] =	vst v1;
	(pc) =	sbr.rel @p1 .LBB1_4-.Ltmp3, $4  }
0x2d: {  	v3 =	vld.idx.msk [tilespmem:v0+s14+$0xFFFFFFF0 ss:$0x1], $0xffff;
	[tilespmem:s15+$0x10] =	vst v2  }
0x2e: {  	v1 =	vld.idx.msk [tilespmem:v0+s14+$0x0 ss:$0x1], $0xffff;
	[tilespmem:s15+$0x20] =	vst v6;
	s15 =	sadd.s32 $0x800, s15  }
0x2f: {  	v2 =	vld.idx.msk [tilespmem:v0+s14+$0x10 ss:$0x1], $0xffff;
	[tilespmem:s15+$0x30] =	vst v7  }
0x30: {  	[tilespmem:s15+$0xFFFFFFC0] =	vst v8;
	v6 =	vld.idx.msk [tilespmem:v0+s14+$0x20 ss:$0x1], $0xffff;
	s14 =	sshra.s32 s16, $0x2;
	s16 =	sadd.s32 $0x200, s16  }
0x31: {  	_ =	sdelay $0x2  }
0x32: {  	[tilespmem:s15+$0xFFFFFFD0] =	vst v5  }
0x33: {  	v56 =	vld.idx.msk [tilespmem:v0+s14+$0x30 ss:$0x1], $0xffff;
	[tilespmem:s15+$0xFFFFFFE0] =	vst v4  }
0x34: {  	v57 =	vld.idx.msk [tilespmem:v0+s14+$0xFFFFFFC0 ss:$0x1], $0xffff;
	[tilespmem:s15+$0xFFFFFFF0] =	vst v3  }
0x35: {  	v58 =	vld.idx.msk [tilespmem:v0+s14+$0xFFFFFFD0 ss:$0x1], $0xffff;
	[tilespmem:s15+$0x0] =	vst v1  }
0x36: {  	v59 =	vld.idx.msk [tilespmem:v0+s14+$0xFFFFFFE0 ss:$0x1], $0xffff;
	[tilespmem:s15+$0x10] =	vst v2  }
0x37: {  	v60 =	vld.idx.msk [tilespmem:v0+s14+$0xFFFFFFF0 ss:$0x1], $0xffff;
	s31 =	sadd.s32 $0x800, s15;
	[tilespmem:s15+$0x20] =	vst v6  }
0x38: {  	v61 =	vld.idx.msk [tilespmem:v0+s14+$0x0 ss:$0x1], $0xffff;
	[tilespmem:s31+$0x30] =	vst v56  }
0x39: {  	v62 =	vld.idx.msk [tilespmem:v0+s14+$0x10 ss:$0x1], $0xffff;
	s13 =	sadd.s32 $0x1, s13;
	[tilespmem:s31+$0xFFFFFFC0] =	vst v57  }
0x3a: {  	v63 =	vld.idx.msk [tilespmem:v0+s14+$0x20 ss:$0x1], $0xffff;
	p1 =	sne.s32 s13, $0x10;
	[tilespmem:s31+$0xFFFFFFD0] =	vst v58  }
.Ltmp4:
0x3b: {  	[tilespmem:s31+$0xFFFFFFE0] =	vst v59;
	(pc) =	sbr.rel @p1 .LBB1_3-.Ltmp4, $4  }
0x3c: {  	[tilespmem:s31+$0xFFFFFFF0] =	vst v60  }
0x3d: {  	[tilespmem:s31+$0x0] =	vst v61  }
0x3e: {  	[tilespmem:s31+$0x10] =	vst v62  }
0x3f: {  	s10 =	sadd.s32 $0x80, s10;
	s11 =	sadd.s32 $0x400, s11;
	[tilespmem:s31+$0x20] =	vst v63  }
.Ltmp5:
0x40: {  	(pc) =	sbr.rel .LBB1_7-.Ltmp5, $4  }
0x41: {  	_ = 	snop  }
0x42: {  	s9 =	sshll.u32 s9, $0xB  }
0x43: {  	s9 =	sadd.s32 s3, s9  }
0x44: {  	[hbm4b:s9+s6] =	stream.linear.scatter [tilespmem:s12], [sflag:$0x2], $0x4000, $0x38;
	[tilespmem:$0x10000] =	vst v63  }
.LBB1_8:
0x45: {  	_ =	sfence.sel $0x180000  }
0x46: {  	s2 =	simm.s32 $0x1;
	[bflag:$0x0] =	sbarrier.arrive $0xFFFF  }
0x47: {  	s31 =	simm.s32 $0x2;
	[sflag:s2] =	ssyncpa.u1 $0x1  }
0x48: {  	[sflag:s31] =	ssyncpa.u1 $0x1  }
0x49: {  	p0 =	sne.s32 s1, $0x0;
	_ =	strace $0x90000047  }
0x4a: {  	s0 =	sadd.s32 @!p0 $0x100000, s0;
	[bflag:$0x2] =	sbarrier.arrive $0xFFFF  }
0x4b: {  	[sflag:s0] =	ssyncadd.tile.s32 @!p0 $0x1;
	_ =	shalt  }
.Lfunc_end1:
_tile_overlayer_lowered:
.L_overlay_start_2:
0x4c: {  	(tag) =	ssettag $0x2  }
0x4d: {  	s0 =	rddreg [dreg:$0x0];
	s2 =	stileid.u32  }
0x4e: {  	s1 =	rddreg [dreg:$0x1];
	p0 =	sne.s32 s2, $0x0  }
0x4f: {  	s3 =	rddreg [dreg:$0x2];
	[bflag:$0x3] =	sbarrier.arrive $0xFFFF;
	s2 =	simm.s32 @!p0 $0x1C01  }
0x50: {  	[timem:s3], [sflag:s2] =	dma.local @!p0 [hbm:s0], s1  }
0x51: {  	s0 =	simm.s32 @!p0 $0x1  }
0x52: {  	_ =	swait.ge @!p0 [sflag:s0], s1  }
0x53: {  	s1 =	ssub.s32 @!p0 $0x0, s1;
	[sflag:s0] =	ssyncset.done @!p0 $0x0  }
0x54: {  	[sflag:s0] =	ssyncadd.s32 @!p0 s1  }
0x55: {  	[bflag:$0x3] =	sbarrier.arrive $0xFFFF  }
0x56: {  	_ =	shalt  }

</sc_bundles>
